<compile_context>
chip_gen: v7x
topology: tpu7x:2x2x1
jax: 0.10.2.dev20260603
libtpu: 0.0.44.dev20260713+nightly
codegen_flags: <defaults>
</compile_context>

<pallas_src>
import functools

import jax
import jax.numpy as jnp
from jax import lax
from jax.experimental import pallas as pl
from jax.experimental.pallas import tpu as pltpu
from jax.experimental.pallas import tpu_sc as plsc

B, S, D = 4, 4096, 1024
NC, NS = 2, 16
NW = NC * NS
S_PER_W = S // NW
C = 16
N_CHUNK = S_PER_W // C
NSTEP = N_CHUNK * B
NBUF = 5

_mesh = plsc.VectorSubcoreMesh(core_axis_name="c", subcore_axis_name="s")


@functools.partial(
    pl.kernel,
    out_type=jax.ShapeDtypeStruct((B, S, D), jnp.float32),
    mesh=_mesh,
    scratch_types=(
        [pltpu.VMEM((C, D), jnp.float32) for _ in range(2 + NBUF)]
        + [pltpu.SemaphoreType.DMA for _ in range(2 + 2 * NBUF)]
    ),
)
def _pe_add(x_hbm, pe_hbm, out_hbm, *refs):
    pebuf = refs[0:2]
    xbuf = refs[2:2 + NBUF]
    psem = refs[2 + NBUF:4 + NBUF]
    lsem = refs[4 + NBUF:4 + NBUF + NBUF]
    ssem = refs[4 + NBUF + NBUF:4 + NBUF + 2 * NBUF]

    wid = lax.axis_index("s") * NC + lax.axis_index("c")
    s0 = wid * S_PER_W

    def pe_load(cc):
        return pltpu.async_copy(
            pe_hbm.at[pl.ds(s0 + cc * C, C)], pebuf[cc % 2], psem[cc % 2])

    def x_load(t):
        cc, b = divmod(t, B)
        k = t % NBUF
        return pltpu.async_copy(
            x_hbm.at[b, pl.ds(s0 + cc * C, C)], xbuf[k], lsem[k])

    def x_store(t):
        cc, b = divmod(t, B)
        k = t % NBUF
        return pltpu.async_copy(
            xbuf[k], out_hbm.at[b, pl.ds(s0 + cc * C, C)], ssem[k])

    pe_h = {0: pe_load(0), 1: pe_load(1)}
    ld_h = {t: x_load(t) for t in range(NBUF - 2)}
    st_h = {}

    for t in range(NSTEP):
        cc, b = divmod(t, B)
        if b == 0:
            pe_h[cc].wait()
        u = t + NBUF - 2
        if u < NSTEP:
            if t - 2 >= 0:
                st_h[t - 2].wait()
            ld_h[u] = x_load(u)
        ld_h[t].wait()
        pb = pebuf[cc % 2]
        xb = xbuf[t % NBUF]

        def row_body(r, carry, pb=pb, xb=xb):
            @plsc.parallel_loop(0, D // 16, unroll=32)
            def _col(j):
                col = j * 16
                plsc.addupdate(xb.at[r, pl.ds(col, 16)], pb[r, pl.ds(col, 16)])

            return carry

        lax.fori_loop(0, C, row_body, 0)
        st_h[t] = x_store(t)
        if b == B - 1 and cc + 2 < N_CHUNK:
            pe_h[cc + 2] = pe_load(cc + 2)

    for t in range(NSTEP - NBUF, NSTEP):
        st_h[t].wait()


def kernel(x, pe_table):
    return _pe_add(x, pe_table)

# --- scband reference (transcript-rebuilt; emitter-appended) ---
"""Pipeline reference for scband-learned-positional-encoding-36017595744333 (READ-ONLY COPY).

The authoritative reference and input builder live on the scoring server;
editing this copy changes nothing except your own understanding.
"""

import jax, jax.numpy as jnp
import numpy as np

D_MODEL = 1024
MAX_LEN = 8192

def setup_inputs(seed: int = 0) -> dict:
    key = jax.random.key(seed)
    k1, k2 = jax.random.split(key)
    x = jax.random.normal(k1, (4, 4096, D_MODEL), dtype=jnp.float32)
    # learned positional embedding table (nn.Embed param), sized per init_kwargs
    pe_table = jax.random.normal(k2, (MAX_LEN, D_MODEL), dtype=jnp.float32) * 0.02
    return {"x": x, "pe_table": pe_table}

def reference(x, pe_table):
    # timestep is None path: x = x + pe(arange(seq_len))[None]
    seq_len = x.shape[1]
    pos = jnp.arange(seq_len)
    pe = jnp.take(pe_table, pos, axis=0)  # embedding lookup -> gather
    return x + pe[None]

if __name__ == "__main__":
    import jax
    _d = setup_inputs()
    print(jax.jit(kernel)(*tuple(_d.values())))

</pallas_src>

<mosaic_0001>
#map = affine_map<(d0, d1) -> (0, 0, 0)>
#map1 = affine_map<(d0, d1) -> (0, 0)>
module attributes {stable_mosaic.version = 14 : i64} {
  func.func @_pe_add(%arg0: i32, %arg1: i32, %arg2: memref<4x4096x1024xf32, #tpu.memory_space<hbm>>, %arg3: memref<8192x1024xf32, #tpu.memory_space<hbm>>, %arg4: memref<4x4096x1024xf32, #tpu.memory_space<hbm>>, %arg5: memref<16x1024xf32, #tpu.memory_space<vmem>>, %arg6: memref<16x1024xf32, #tpu.memory_space<vmem>>, %arg7: memref<16x1024xf32, #tpu.memory_space<vmem>>, %arg8: memref<16x1024xf32, #tpu.memory_space<vmem>>, %arg9: memref<16x1024xf32, #tpu.memory_space<vmem>>, %arg10: memref<16x1024xf32, #tpu.memory_space<vmem>>, %arg11: memref<16x1024xf32, #tpu.memory_space<vmem>>, %arg12: memref<!tpu.dma_semaphore, #tpu.memory_space<semaphore_mem>>, %arg13: memref<!tpu.dma_semaphore, #tpu.memory_space<semaphore_mem>>, %arg14: memref<!tpu.dma_semaphore, #tpu.memory_space<semaphore_mem>>, %arg15: memref<!tpu.dma_semaphore, #tpu.memory_space<semaphore_mem>>, %arg16: memref<!tpu.dma_semaphore, #tpu.memory_space<semaphore_mem>>, %arg17: memref<!tpu.dma_semaphore, #tpu.memory_space<semaphore_mem>>, %arg18: memref<!tpu.dma_semaphore, #tpu.memory_space<semaphore_mem>>, %arg19: memref<!tpu.dma_semaphore, #tpu.memory_space<semaphore_mem>>, %arg20: memref<!tpu.dma_semaphore, #tpu.memory_space<semaphore_mem>>, %arg21: memref<!tpu.dma_semaphore, #tpu.memory_space<semaphore_mem>>, %arg22: memref<!tpu.dma_semaphore, #tpu.memory_space<semaphore_mem>>, %arg23: memref<!tpu.dma_semaphore, #tpu.memory_space<semaphore_mem>>) attributes {dimension_semantics = [#tpu.dimension_semantics<core_parallel>, #tpu.dimension_semantics<subcore_parallel>], iteration_bounds = array<i64: 2, 16>, scalar_prefetch = 0 : i64, scratch_operands = 19 : i64, tpu.core_type = #tpu.core_type<sc_vector_subcore>, window_params = [{transform_indices = #map}, {transform_indices = #map1}, {transform_indices = #map}]} {
    %mul3A = arith.constant 2 : i32
    %mul3A_0 = arith.muli %arg1, %mul3A : i32
    %add3A = arith.addi %mul3A_0, %arg0 : i32
    %mul3A_1 = arith.constant 128 : i32
    %mul3A_2 = arith.muli %add3A, %mul3A_1 : i32
    %add3A_3 = arith.constant 0 : i32
    %add3A_4 = arith.addi %mul3A_2, %add3A_3 : i32
    %dma_start3A = arith.constant 0 : i32
    %dma_start3A_5 = tpu.memref_slice %arg3[%add3A_4, %dma_start3A] : memref<8192x1024xf32, #tpu.memory_space<hbm>> -> memref<16x1024xf32, #tpu.memory_space<hbm>>
    %dma_start3A_6 = arith.constant 0 : i32
    %dma_start3A_7 = tpu.memref_slice %arg3[%add3A_4, %dma_start3A_6] : memref<8192x1024xf32, #tpu.memory_space<hbm>> -> memref<16x1024xf32, #tpu.memory_space<hbm>>
    tpu.enqueue_dma source(%dma_start3A_7 : memref<16x1024xf32, #tpu.memory_space<hbm>>) target(%arg5 : memref<16x1024xf32, #tpu.memory_space<vmem>>) target_semaphore(%arg12 : memref<!tpu.dma_semaphore, #tpu.memory_space<semaphore_mem>>)
    %add3A_8 = arith.constant 16 : i32
    %add3A_9 = arith.addi %mul3A_2, %add3A_8 : i32
    %dma_start3A_10 = arith.constant 0 : i32
    %dma_start3A_11 = tpu.memref_slice %arg3[%add3A_9, %dma_start3A_10] : memref<8192x1024xf32, #tpu.memory_space<hbm>> -> memref<16x1024xf32, #tpu.memory_space<hbm>>
    %dma_start3A_12 = arith.constant 0 : i32
    %dma_start3A_13 = tpu.memref_slice %arg3[%add3A_9, %dma_start3A_12] : memref<8192x1024xf32, #tpu.memory_space<hbm>> -> memref<16x1024xf32, #tpu.memory_space<hbm>>
    tpu.enqueue_dma source(%dma_start3A_13 : memref<16x1024xf32, #tpu.memory_space<hbm>>) target(%arg6 : memref<16x1024xf32, #tpu.memory_space<vmem>>) target_semaphore(%arg13 : memref<!tpu.dma_semaphore, #tpu.memory_space<semaphore_mem>>)
    %add3A_14 = arith.constant 0 : i32
    %add3A_15 = arith.addi %mul3A_2, %add3A_14 : i32
    %dma_start3A_16 = arith.constant 0 : i32
    %dma_start3A_17 = arith.constant 0 : i32
    %dma_start3A_18 = tpu.memref_slice %arg2[%dma_start3A_16, %add3A_15, %dma_start3A_17] : memref<4x4096x1024xf32, #tpu.memory_space<hbm>> -> memref<1x16x1024xf32, #tpu.memory_space<hbm>>
    %dma_start3A_19 = tpu.memref_squeeze %dma_start3A_18 : memref<1x16x1024xf32, #tpu.memory_space<hbm>> -> memref<16x1024xf32, #tpu.memory_space<hbm>>
    %dma_start3A_20 = arith.constant 0 : i32
    %dma_start3A_21 = tpu.memref_slice %arg2[%dma_start3A_16, %add3A_15, %dma_start3A_20] : memref<4x4096x1024xf32, #tpu.memory_space<hbm>> -> memref<1x16x1024xf32, #tpu.memory_space<hbm>>
    %dma_start3A_22 = tpu.memref_squeeze %dma_start3A_21 : memref<1x16x1024xf32, #tpu.memory_space<hbm>> -> memref<16x1024xf32, #tpu.memory_space<hbm>>
    tpu.enqueue_dma source(%dma_start3A_22 : memref<16x1024xf32, #tpu.memory_space<hbm>>) target(%arg7 : memref<16x1024xf32, #tpu.memory_space<vmem>>) target_semaphore(%arg14 : memref<!tpu.dma_semaphore, #tpu.memory_space<semaphore_mem>>)
    %add3A_23 = arith.constant 0 : i32
    %add3A_24 = arith.addi %mul3A_2, %add3A_23 : i32
    %dma_start3A_25 = arith.constant 1 : i32
    %dma_start3A_26 = arith.constant 0 : i32
    %dma_start3A_27 = tpu.memref_slice %arg2[%dma_start3A_25, %add3A_24, %dma_start3A_26] : memref<4x4096x1024xf32, #tpu.memory_space<hbm>> -> memref<1x16x1024xf32, #tpu.memory_space<hbm>>
    %dma_start3A_28 = tpu.memref_squeeze %dma_start3A_27 : memref<1x16x1024xf32, #tpu.memory_space<hbm>> -> memref<16x1024xf32, #tpu.memory_space<hbm>>
    %dma_start3A_29 = arith.constant 0 : i32
    %dma_start3A_30 = tpu.memref_slice %arg2[%dma_start3A_25, %add3A_24, %dma_start3A_29] : memref<4x4096x1024xf32, #tpu.memory_space<hbm>> -> memref<1x16x1024xf32, #tpu.memory_space<hbm>>
    %dma_start3A_31 = tpu.memref_squeeze %dma_start3A_30 : memref<1x16x1024xf32, #tpu.memory_space<hbm>> -> memref<16x1024xf32, #tpu.memory_space<hbm>>
    tpu.enqueue_dma source(%dma_start3A_31 : memref<16x1024xf32, #tpu.memory_space<hbm>>) target(%arg8 : memref<16x1024xf32, #tpu.memory_space<vmem>>) target_semaphore(%arg15 : memref<!tpu.dma_semaphore, #tpu.memory_space<semaphore_mem>>)
    %add3A_32 = arith.constant 0 : i32
    %add3A_33 = arith.addi %mul3A_2, %add3A_32 : i32
    %dma_start3A_34 = arith.constant 2 : i32
    %dma_start3A_35 = arith.constant 0 : i32
    %dma_start3A_36 = tpu.memref_slice %arg2[%dma_start3A_34, %add3A_33, %dma_start3A_35] : memref<4x4096x1024xf32, #tpu.memory_space<hbm>> -> memref<1x16x1024xf32, #tpu.memory_space<hbm>>
    %dma_start3A_37 = tpu.memref_squeeze %dma_start3A_36 : memref<1x16x1024xf32, #tpu.memory_space<hbm>> -> memref<16x1024xf32, #tpu.memory_space<hbm>>
    %dma_start3A_38 = arith.constant 0 : i32
    %dma_start3A_39 = tpu.memref_slice %arg2[%dma_start3A_34, %add3A_33, %dma_start3A_38] : memref<4x4096x1024xf32, #tpu.memory_space<hbm>> -> memref<1x16x1024xf32, #tpu.memory_space<hbm>>
    %dma_start3A_40 = tpu.memref_squeeze %dma_start3A_39 : memref<1x16x1024xf32, #tpu.memory_space<hbm>> -> memref<16x1024xf32, #tpu.memory_space<hbm>>
    tpu.enqueue_dma source(%dma_start3A_40 : memref<16x1024xf32, #tpu.memory_space<hbm>>) target(%arg9 : memref<16x1024xf32, #tpu.memory_space<vmem>>) target_semaphore(%arg16 : memref<!tpu.dma_semaphore, #tpu.memory_space<semaphore_mem>>)
    %dma_wait3A = arith.constant 0 : i32
    %dma_wait3A_41 = tpu.memref_slice %arg3[%add3A_4, %dma_wait3A] : memref<8192x1024xf32, #tpu.memory_space<hbm>> -> memref<16x1024xf32, #tpu.memory_space<hbm>>
    %dma_wait3A_42 = arith.constant 0 : i32
    %dma_wait3A_43 = tpu.memref_slice %arg3[%add3A_4, %dma_wait3A_42] : memref<8192x1024xf32, #tpu.memory_space<hbm>> -> memref<16x1024xf32, #tpu.memory_space<hbm>>
    tpu.wait_dma2 semaphore(%arg12 : memref<!tpu.dma_semaphore, #tpu.memory_space<semaphore_mem>>) src(%dma_wait3A_43 : memref<16x1024xf32, #tpu.memory_space<hbm>>) dst(%arg5 : memref<16x1024xf32, #tpu.memory_space<vmem>>)
    %add3A_44 = arith.constant 0 : i32
    %add3A_45 = arith.addi %mul3A_2, %add3A_44 : i32
    %dma_start3A_46 = arith.constant 3 : i32
    %dma_start3A_47 = arith.constant 0 : i32
    %dma_start3A_48 = tpu.memref_slice %arg2[%dma_start3A_46, %add3A_45, %dma_start3A_47] : memref<4x4096x1024xf32, #tpu.memory_space<hbm>> -> memref<1x16x1024xf32, #tpu.memory_space<hbm>>
    %dma_start3A_49 = tpu.memref_squeeze %dma_start3A_48 : memref<1x16x1024xf32, #tpu.memory_space<hbm>> -> memref<16x1024xf32, #tpu.memory_space<hbm>>
    %dma_start3A_50 = arith.constant 0 : i32
    %dma_start3A_51 = tpu.memref_slice %arg2[%dma_start3A_46, %add3A_45, %dma_start3A_50] : memref<4x4096x1024xf32, #tpu.memory_space<hbm>> -> memref<1x16x1024xf32, #tpu.memory_space<hbm>>
    %dma_start3A_52 = tpu.memref_squeeze %dma_start3A_51 : memref<1x16x1024xf32, #tpu.memory_space<hbm>> -> memref<16x1024xf32, #tpu.memory_space<hbm>>
    tpu.enqueue_dma source(%dma_start3A_52 : memref<16x1024xf32, #tpu.memory_space<hbm>>) target(%arg10 : memref<16x1024xf32, #tpu.memory_space<vmem>>) target_semaphore(%arg17 : memref<!tpu.dma_semaphore, #tpu.memory_space<semaphore_mem>>)
    %dma_wait3A_53 = arith.constant 0 : i32
    %dma_wait3A_54 = arith.constant 0 : i32
    %dma_wait3A_55 = tpu.memref_slice %arg2[%dma_wait3A_53, %add3A_15, %dma_wait3A_54] : memref<4x4096x1024xf32, #tpu.memory_space<hbm>> -> memref<1x16x1024xf32, #tpu.memory_space<hbm>>
    %dma_wait3A_56 = tpu.memref_squeeze %dma_wait3A_55 : memref<1x16x1024xf32, #tpu.memory_space<hbm>> -> memref<16x1024xf32, #tpu.memory_space<hbm>>
    %dma_wait3A_57 = arith.constant 0 : i32
    %dma_wait3A_58 = tpu.memref_slice %arg2[%dma_wait3A_53, %add3A_15, %dma_wait3A_57] : memref<4x4096x1024xf32, #tpu.memory_space<hbm>> -> memref<1x16x1024xf32, #tpu.memory_space<hbm>>
    %dma_wait3A_59 = tpu.memref_squeeze %dma_wait3A_58 : memref<1x16x1024xf32, #tpu.memory_space<hbm>> -> memref<16x1024xf32, #tpu.memory_space<hbm>>
    tpu.wait_dma2 semaphore(%arg14 : memref<!tpu.dma_semaphore, #tpu.memory_space<semaphore_mem>>) src(%dma_wait3A_59 : memref<16x1024xf32, #tpu.memory_space<hbm>>) dst(%arg7 : memref<16x1024xf32, #tpu.memory_space<vmem>>)
    %scan3A = arith.constant 0 : i32
    %scan3A_60 = arith.constant 0 : i32
    %scan3A_61 = arith.constant 16 : i32
    %scan3A_62 = arith.addi %scan3A_60, %scan3A_61 : i32
    %scan3A_63 = arith.constant 1 : i32
    scf.for %scan3A_1296 = %scan3A_60 to %scan3A_62 step %scan3A_63  : i32 {
      %parallel_loop3A = arith.constant 0 : i32
      %parallel_loop3A_1297 = arith.constant 64 : i32
      %parallel_loop3A_1298 = arith.constant 1 : i32
      scf.for %parallel_loop3A_1299 = %parallel_loop3A to %parallel_loop3A_1297 step %parallel_loop3A_1298  : i32 {
        %parallel_loop3A_1300 = arith.constant 16 : i32
        %parallel_loop3A_1301 = arith.muli %parallel_loop3A_1299, %parallel_loop3A_1300 : i32
        %parallel_loop3A_1302 = arith.index_cast %scan3A_1296 : i32 to index
        %parallel_loop3A_1303 = arith.index_cast %parallel_loop3A_1301 : i32 to index
        %parallel_loop3A_1304 = tpu.vector_load %arg5[%parallel_loop3A_1302, %parallel_loop3A_1303] {strides = array<i32>} : memref<16x1024xf32, #tpu.memory_space<vmem>>, vector<1x16xf32>,
        %parallel_loop3A_1305 = vector.shape_cast %parallel_loop3A_1304 : vector<1x16xf32> to vector<16xf32>
        %parallel_loop3A_1306 = arith.index_cast %scan3A_1296 : i32 to index
        %parallel_loop3A_1307 = arith.index_cast %parallel_loop3A_1301 : i32 to index
        %parallel_loop3A_1308 = tpu.vector_load %arg7[%parallel_loop3A_1306, %parallel_loop3A_1307] {strides = array<i32>} : memref<16x1024xf32, #tpu.memory_space<vmem>>, vector<1x16xf32>,
        %parallel_loop3A_1309 = vector.shape_cast %parallel_loop3A_1308 : vector<1x16xf32> to vector<16xf32>
        %parallel_loop3A_1310 = vector.shape_cast %parallel_loop3A_1305 : vector<16xf32> to vector<1x16xf32>
        tpu.vector_store %arg7[%parallel_loop3A_1306, %parallel_loop3A_1307], %parallel_loop3A_1310 {add = true, strides = array<i32>} : memref<16x1024xf32, #tpu.memory_space<vmem>>, vector<1x16xf32>,
      } {sc.loop_unroll_factor = 32 : i64, sc.parallel_access}
    }
    %scan3A_64 = arith.constant 16 : i32
    %add3A_65 = arith.constant 0 : i32
    %add3A_66 = arith.addi %mul3A_2, %add3A_65 : i32
    %dma_start3A_67 = arith.constant 0 : i32
    %dma_start3A_68 = arith.constant 0 : i32
    %dma_start3A_69 = tpu.memref_slice %arg4[%dma_start3A_67, %add3A_66, %dma_start3A_68] : memref<4x4096x1024xf32, #tpu.memory_space<hbm>> -> memref<1x16x1024xf32, #tpu.memory_space<hbm>>
    %dma_start3A_70 = tpu.memref_squeeze %dma_start3A_69 : memref<1x16x1024xf32, #tpu.memory_space<hbm>> -> memref<16x1024xf32, #tpu.memory_space<hbm>>
    %dma_start3A_71 = arith.constant 0 : i32
    %dma_start3A_72 = tpu.memref_slice %arg4[%dma_start3A_67, %add3A_66, %dma_start3A_71] : memref<4x4096x1024xf32, #tpu.memory_space<hbm>> -> memref<1x16x1024xf32, #tpu.memory_space<hbm>>
    %dma_start3A_73 = tpu.memref_squeeze %dma_start3A_72 : memref<1x16x1024xf32, #tpu.memory_space<hbm>> -> memref<16x1024xf32, #tpu.memory_space<hbm>>
    tpu.enqueue_dma source(%arg7 : memref<16x1024xf32, #tpu.memory_space<vmem>>) target(%dma_start3A_73 : memref<16x1024xf32, #tpu.memory_space<hbm>>) target_semaphore(%arg19 : memref<!tpu.dma_semaphore, #tpu.memory_space<semaphore_mem>>)
    %add3A_74 = arith.constant 16 : i32
    %add3A_75 = arith.addi %mul3A_2, %add3A_74 : i32
    %dma_start3A_76 = arith.constant 0 : i32
    %dma_start3A_77 = arith.constant 0 : i32
    %dma_start3A_78 = tpu.memref_slice %arg2[%dma_start3A_76, %add3A_75, %dma_start3A_77] : memref<4x4096x1024xf32, #tpu.memory_space<hbm>> -> memref<1x16x1024xf32, #tpu.memory_space<hbm>>
    %dma_start3A_79 = tpu.memref_squeeze %dma_start3A_78 : memref<1x16x1024xf32, #tpu.memory_space<hbm>> -> memref<16x1024xf32, #tpu.memory_space<hbm>>
    %dma_start3A_80 = arith.constant 0 : i32
    %dma_start3A_81 = tpu.memref_slice %arg2[%dma_start3A_76, %add3A_75, %dma_start3A_80] : memref<4x4096x1024xf32, #tpu.memory_space<hbm>> -> memref<1x16x1024xf32, #tpu.memory_space<hbm>>
    %dma_start3A_82 = tpu.memref_squeeze %dma_start3A_81 : memref<1x16x1024xf32, #tpu.memory_space<hbm>> -> memref<16x1024xf32, #tpu.memory_space<hbm>>
    tpu.enqueue_dma source(%dma_start3A_82 : memref<16x1024xf32, #tpu.memory_space<hbm>>) target(%arg11 : memref<16x1024xf32, #tpu.memory_space<vmem>>) target_semaphore(%arg18 : memref<!tpu.dma_semaphore, #tpu.memory_space<semaphore_mem>>)
    %dma_wait3A_83 = arith.constant 1 : i32
    %dma_wait3A_84 = arith.constant 0 : i32
    %dma_wait3A_85 = tpu.memref_slice %arg2[%dma_wait3A_83, %add3A_24, %dma_wait3A_84] : memref<4x4096x1024xf32, #tpu.memory_space<hbm>> -> memref<1x16x1024xf32, #tpu.memory_space<hbm>>
    %dma_wait3A_86 = tpu.memref_squeeze %dma_wait3A_85 : memref<1x16x1024xf32, #tpu.memory_space<hbm>> -> memref<16x1024xf32, #tpu.memory_space<hbm>>
    %dma_wait3A_87 = arith.constant 0 : i32
    %dma_wait3A_88 = tpu.memref_slice %arg2[%dma_wait3A_83, %add3A_24, %dma_wait3A_87] : memref<4x4096x1024xf32, #tpu.memory_space<hbm>> -> memref<1x16x1024xf32, #tpu.memory_space<hbm>>
    %dma_wait3A_89 = tpu.memref_squeeze %dma_wait3A_88 : memref<1x16x1024xf32, #tpu.memory_space<hbm>> -> memref<16x1024xf32, #tpu.memory_space<hbm>>
    tpu.wait_dma2 semaphore(%arg15 : memref<!tpu.dma_semaphore, #tpu.memory_space<semaphore_mem>>) src(%dma_wait3A_89 : memref<16x1024xf32, #tpu.memory_space<hbm>>) dst(%arg8 : memref<16x1024xf32, #tpu.memory_space<vmem>>)
    %scan3A_90 = arith.constant 0 : i32
    %scan3A_91 = arith.constant 0 : i32
    %scan3A_92 = arith.constant 16 : i32
    %scan3A_93 = arith.addi %scan3A_91, %scan3A_92 : i32
    %scan3A_94 = arith.constant 1 : i32
    scf.for %scan3A_1296 = %scan3A_91 to %scan3A_93 step %scan3A_94  : i32 {
      %parallel_loop3A = arith.constant 0 : i32
      %parallel_loop3A_1297 = arith.constant 64 : i32
      %parallel_loop3A_1298 = arith.constant 1 : i32
      scf.for %parallel_loop3A_1299 = %parallel_loop3A to %parallel_loop3A_1297 step %parallel_loop3A_1298  : i32 {
        %parallel_loop3A_1300 = arith.constant 16 : i32
        %parallel_loop3A_1301 = arith.muli %parallel_loop3A_1299, %parallel_loop3A_1300 : i32
        %parallel_loop3A_1302 = arith.index_cast %scan3A_1296 : i32 to index
        %parallel_loop3A_1303 = arith.index_cast %parallel_loop3A_1301 : i32 to index
        %parallel_loop3A_1304 = tpu.vector_load %arg5[%parallel_loop3A_1302, %parallel_loop3A_1303] {strides = array<i32>} : memref<16x1024xf32, #tpu.memory_space<vmem>>, vector<1x16xf32>,
        %parallel_loop3A_1305 = vector.shape_cast %parallel_loop3A_1304 : vector<1x16xf32> to vector<16xf32>
        %parallel_loop3A_1306 = arith.index_cast %scan3A_1296 : i32 to index
        %parallel_loop3A_1307 = arith.index_cast %parallel_loop3A_1301 : i32 to index
        %parallel_loop3A_1308 = tpu.vector_load %arg8[%parallel_loop3A_1306, %parallel_loop3A_1307] {strides = array<i32>} : memref<16x1024xf32, #tpu.memory_space<vmem>>, vector<1x16xf32>,
        %parallel_loop3A_1309 = vector.shape_cast %parallel_loop3A_1308 : vector<1x16xf32> to vector<16xf32>
        %parallel_loop3A_1310 = vector.shape_cast %parallel_loop3A_1305 : vector<16xf32> to vector<1x16xf32>
        tpu.vector_store %arg8[%parallel_loop3A_1306, %parallel_loop3A_1307], %parallel_loop3A_1310 {add = true, strides = array<i32>} : memref<16x1024xf32, #tpu.memory_space<vmem>>, vector<1x16xf32>,
      } {sc.loop_unroll_factor = 32 : i64, sc.parallel_access}
    }
    %scan3A_95 = arith.constant 16 : i32
    %add3A_96 = arith.constant 0 : i32
    %add3A_97 = arith.addi %mul3A_2, %add3A_96 : i32
    %dma_start3A_98 = arith.constant 1 : i32
    %dma_start3A_99 = arith.constant 0 : i32
    %dma_start3A_100 = tpu.memref_slice %arg4[%dma_start3A_98, %add3A_97, %dma_start3A_99] : memref<4x4096x1024xf32, #tpu.memory_space<hbm>> -> memref<1x16x1024xf32, #tpu.memory_space<hbm>>
    %dma_start3A_101 = tpu.memref_squeeze %dma_start3A_100 : memref<1x16x1024xf32, #tpu.memory_space<hbm>> -> memref<16x1024xf32, #tpu.memory_space<hbm>>
    %dma_start3A_102 = arith.constant 0 : i32
    %dma_start3A_103 = tpu.memref_slice %arg4[%dma_start3A_98, %add3A_97, %dma_start3A_102] : memref<4x4096x1024xf32, #tpu.memory_space<hbm>> -> memref<1x16x1024xf32, #tpu.memory_space<hbm>>
    %dma_start3A_104 = tpu.memref_squeeze %dma_start3A_103 : memref<1x16x1024xf32, #tpu.memory_space<hbm>> -> memref<16x1024xf32, #tpu.memory_space<hbm>>
    tpu.enqueue_dma source(%arg8 : memref<16x1024xf32, #tpu.memory_space<vmem>>) target(%dma_start3A_104 : memref<16x1024xf32, #tpu.memory_space<hbm>>) target_semaphore(%arg20 : memref<!tpu.dma_semaphore, #tpu.memory_space<semaphore_mem>>)
    %dma_wait3A_105 = arith.constant 0 : i32
    %dma_wait3A_106 = arith.constant 0 : i32
    %dma_wait3A_107 = tpu.memref_slice %arg4[%dma_wait3A_105, %add3A_66, %dma_wait3A_106] : memref<4x4096x1024xf32, #tpu.memory_space<hbm>> -> memref<1x16x1024xf32, #tpu.memory_space<hbm>>
    %dma_wait3A_108 = tpu.memref_squeeze %dma_wait3A_107 : memref<1x16x1024xf32, #tpu.memory_space<hbm>> -> memref<16x1024xf32, #tpu.memory_space<hbm>>
    %dma_wait3A_109 = arith.constant 0 : i32
    %dma_wait3A_110 = tpu.memref_slice %arg4[%dma_wait3A_105, %add3A_66, %dma_wait3A_109] : memref<4x4096x1024xf32, #tpu.memory_space<hbm>> -> memref<1x16x1024xf32, #tpu.memory_space<hbm>>
    %dma_wait3A_111 = tpu.memref_squeeze %dma_wait3A_110 : memref<1x16x1024xf32, #tpu.memory_space<hbm>> -> memref<16x1024xf32, #tpu.memory_space<hbm>>
    tpu.wait_dma2 semaphore(%arg19 : memref<!tpu.dma_semaphore, #tpu.memory_space<semaphore_mem>>) src(%arg7 : memref<16x1024xf32, #tpu.memory_space<vmem>>) dst(%dma_wait3A_111 : memref<16x1024xf32, #tpu.memory_space<hbm>>)
    %add3A_112 = arith.constant 16 : i32
    %add3A_113 = arith.addi %mul3A_2, %add3A_112 : i32
    %dma_start3A_114 = arith.constant 1 : i32
    %dma_start3A_115 = arith.constant 0 : i32
    %dma_start3A_116 = tpu.memref_slice %arg2[%dma_start3A_114, %add3A_113, %dma_start3A_115] : memref<4x4096x1024xf32, #tpu.memory_space<hbm>> -> memref<1x16x1024xf32, #tpu.memory_space<hbm>>
    %dma_start3A_117 = tpu.memref_squeeze %dma_start3A_116 : memref<1x16x1024xf32, #tpu.memory_space<hbm>> -> memref<16x1024xf32, #tpu.memory_space<hbm>>
    %dma_start3A_118 = arith.constant 0 : i32
    %dma_start3A_119 = tpu.memref_slice %arg2[%dma_start3A_114, %add3A_113, %dma_start3A_118] : memref<4x4096x1024xf32, #tpu.memory_space<hbm>> -> memref<1x16x1024xf32, #tpu.memory_space<hbm>>
    %dma_start3A_120 = tpu.memref_squeeze %dma_start3A_119 : memref<1x16x1024xf32, #tpu.memory_space<hbm>> -> memref<16x1024xf32, #tpu.memory_space<hbm>>
    tpu.enqueue_dma source(%dma_start3A_120 : memref<16x1024xf32, #tpu.memory_space<hbm>>) target(%arg7 : memref<16x1024xf32, #tpu.memory_space<vmem>>) target_semaphore(%arg14 : memref<!tpu.dma_semaphore, #tpu.memory_space<semaphore_mem>>)
    %dma_wait3A_121 = arith.constant 2 : i32
    %dma_wait3A_122 = arith.constant 0 : i32
    %dma_wait3A_123 = tpu.memref_slice %arg2[%dma_wait3A_121, %add3A_33, %dma_wait3A_122] : memref<4x4096x1024xf32, #tpu.memory_space<hbm>> -> memref<1x16x1024xf32, #tpu.memory_space<hbm>>
    %dma_wait3A_124 = tpu.memref_squeeze %dma_wait3A_123 : memref<1x16x1024xf32, #tpu.memory_space<hbm>> -> memref<16x1024xf32, #tpu.memory_space<hbm>>
    %dma_wait3A_125 = arith.constant 0 : i32
    %dma_wait3A_126 = tpu.memref_slice %arg2[%dma_wait3A_121, %add3A_33, %dma_wait3A_125] : memref<4x4096x1024xf32, #tpu.memory_space<hbm>> -> memref<1x16x1024xf32, #tpu.memory_space<hbm>>
    %dma_wait3A_127 = tpu.memref_squeeze %dma_wait3A_126 : memref<1x16x1024xf32, #tpu.memory_space<hbm>> -> memref<16x1024xf32, #tpu.memory_space<hbm>>
    tpu.wait_dma2 semaphore(%arg16 : memref<!tpu.dma_semaphore, #tpu.memory_space<semaphore_mem>>) src(%dma_wait3A_127 : memref<16x1024xf32, #tpu.memory_space<hbm>>) dst(%arg9 : memref<16x1024xf32, #tpu.memory_space<vmem>>)
    %scan3A_128 = arith.constant 0 : i32
    %scan3A_129 = arith.constant 0 : i32
    %scan3A_130 = arith.constant 16 : i32
    %scan3A_131 = arith.addi %scan3A_129, %scan3A_130 : i32
    %scan3A_132 = arith.constant 1 : i32
    scf.for %scan3A_1296 = %scan3A_129 to %scan3A_131 step %scan3A_132  : i32 {
      %parallel_loop3A = arith.constant 0 : i32
      %parallel_loop3A_1297 = arith.constant 64 : i32
      %parallel_loop3A_1298 = arith.constant 1 : i32
      scf.for %parallel_loop3A_1299 = %parallel_loop3A to %parallel_loop3A_1297 step %parallel_loop3A_1298  : i32 {
        %parallel_loop3A_1300 = arith.constant 16 : i32
        %parallel_loop3A_1301 = arith.muli %parallel_loop3A_1299, %parallel_loop3A_1300 : i32
        %parallel_loop3A_1302 = arith.index_cast %scan3A_1296 : i32 to index
        %parallel_loop3A_1303 = arith.index_cast %parallel_loop3A_1301 : i32 to index
        %parallel_loop3A_1304 = tpu.vector_load %arg5[%parallel_loop3A_1302, %parallel_loop3A_1303] {strides = array<i32>} : memref<16x1024xf32, #tpu.memory_space<vmem>>, vector<1x16xf32>,
        %parallel_loop3A_1305 = vector.shape_cast %parallel_loop3A_1304 : vector<1x16xf32> to vector<16xf32>
        %parallel_loop3A_1306 = arith.index_cast %scan3A_1296 : i32 to index
        %parallel_loop3A_1307 = arith.index_cast %parallel_loop3A_1301 : i32 to index
        %parallel_loop3A_1308 = tpu.vector_load %arg9[%parallel_loop3A_1306, %parallel_loop3A_1307] {strides = array<i32>} : memref<16x1024xf32, #tpu.memory_space<vmem>>, vector<1x16xf32>,
        %parallel_loop3A_1309 = vector.shape_cast %parallel_loop3A_1308 : vector<1x16xf32> to vector<16xf32>
        %parallel_loop3A_1310 = vector.shape_cast %parallel_loop3A_1305 : vector<16xf32> to vector<1x16xf32>
        tpu.vector_store %arg9[%parallel_loop3A_1306, %parallel_loop3A_1307], %parallel_loop3A_1310 {add = true, strides = array<i32>} : memref<16x1024xf32, #tpu.memory_space<vmem>>, vector<1x16xf32>,
      } {sc.loop_unroll_factor = 32 : i64, sc.parallel_access}
    }
    %scan3A_133 = arith.constant 16 : i32
    %add3A_134 = arith.constant 0 : i32
    %add3A_135 = arith.addi %mul3A_2, %add3A_134 : i32
    %dma_start3A_136 = arith.constant 2 : i32
    %dma_start3A_137 = arith.constant 0 : i32
    %dma_start3A_138 = tpu.memref_slice %arg4[%dma_start3A_136, %add3A_135, %dma_start3A_137] : memref<4x4096x1024xf32, #tpu.memory_space<hbm>> -> memref<1x16x1024xf32, #tpu.memory_space<hbm>>
    %dma_start3A_139 = tpu.memref_squeeze %dma_start3A_138 : memref<1x16x1024xf32, #tpu.memory_space<hbm>> -> memref<16x1024xf32, #tpu.memory_space<hbm>>
    %dma_start3A_140 = arith.constant 0 : i32
    %dma_start3A_141 = tpu.memref_slice %arg4[%dma_start3A_136, %add3A_135, %dma_start3A_140] : memref<4x4096x1024xf32, #tpu.memory_space<hbm>> -> memref<1x16x1024xf32, #tpu.memory_space<hbm>>
    %dma_start3A_142 = tpu.memref_squeeze %dma_start3A_141 : memref<1x16x1024xf32, #tpu.memory_space<hbm>> -> memref<16x1024xf32, #tpu.memory_space<hbm>>
    tpu.enqueue_dma source(%arg9 : memref<16x1024xf32, #tpu.memory_space<vmem>>) target(%dma_start3A_142 : memref<16x1024xf32, #tpu.memory_space<hbm>>) target_semaphore(%arg21 : memref<!tpu.dma_semaphore, #tpu.memory_space<semaphore_mem>>)
    %dma_wait3A_143 = arith.constant 1 : i32
    %dma_wait3A_144 = arith.constant 0 : i32
    %dma_wait3A_145 = tpu.memref_slice %arg4[%dma_wait3A_143, %add3A_97, %dma_wait3A_144] : memref<4x4096x1024xf32, #tpu.memory_space<hbm>> -> memref<1x16x1024xf32, #tpu.memory_space<hbm>>
    %dma_wait3A_146 = tpu.memref_squeeze %dma_wait3A_145 : memref<1x16x1024xf32, #tpu.memory_space<hbm>> -> memref<16x1024xf32, #tpu.memory_space<hbm>>
    %dma_wait3A_147 = arith.constant 0 : i32
    %dma_wait3A_148 = tpu.memref_slice %arg4[%dma_wait3A_143, %add3A_97, %dma_wait3A_147] : memref<4x4096x1024xf32, #tpu.memory_space<hbm>> -> memref<1x16x1024xf32, #tpu.memory_space<hbm>>
    %dma_wait3A_149 = tpu.memref_squeeze %dma_wait3A_148 : memref<1x16x1024xf32, #tpu.memory_space<hbm>> -> memref<16x1024xf32, #tpu.memory_space<hbm>>
    tpu.wait_dma2 semaphore(%arg20 : memref<!tpu.dma_semaphore, #tpu.memory_space<semaphore_mem>>) src(%arg8 : memref<16x1024xf32, #tpu.memory_space<vmem>>) dst(%dma_wait3A_149 : memref<16x1024xf32, #tpu.memory_space<hbm>>)
    %add3A_150 = arith.constant 16 : i32
    %add3A_151 = arith.addi %mul3A_2, %add3A_150 : i32
    %dma_start3A_152 = arith.constant 2 : i32
    %dma_start3A_153 = arith.constant 0 : i32
    %dma_start3A_154 = tpu.memref_slice %arg2[%dma_start3A_152, %add3A_151, %dma_start3A_153] : memref<4x4096x1024xf32, #tpu.memory_space<hbm>> -> memref<1x16x1024xf32, #tpu.memory_space<hbm>>
    %dma_start3A_155 = tpu.memref_squeeze %dma_start3A_154 : memref<1x16x1024xf32, #tpu.memory_space<hbm>> -> memref<16x1024xf32, #tpu.memory_space<hbm>>
    %dma_start3A_156 = arith.constant 0 : i32
    %dma_start3A_157 = tpu.memref_slice %arg2[%dma_start3A_152, %add3A_151, %dma_start3A_156] : memref<4x4096x1024xf32, #tpu.memory_space<hbm>> -> memref<1x16x1024xf32, #tpu.memory_space<hbm>>
    %dma_start3A_158 = tpu.memref_squeeze %dma_start3A_157 : memref<1x16x1024xf32, #tpu.memory_space<hbm>> -> memref<16x1024xf32, #tpu.memory_space<hbm>>
    tpu.enqueue_dma source(%dma_start3A_158 : memref<16x1024xf32, #tpu.memory_space<hbm>>) target(%arg8 : memref<16x1024xf32, #tpu.memory_space<vmem>>) target_semaphore(%arg15 : memref<!tpu.dma_semaphore, #tpu.memory_space<semaphore_mem>>)
    %dma_wait3A_159 = arith.constant 3 : i32
    %dma_wait3A_160 = arith.constant 0 : i32
    %dma_wait3A_161 = tpu.memref_slice %arg2[%dma_wait3A_159, %add3A_45, %dma_wait3A_160] : memref<4x4096x1024xf32, #tpu.memory_space<hbm>> -> memref<1x16x1024xf32, #tpu.memory_space<hbm>>
    %dma_wait3A_162 = tpu.memref_squeeze %dma_wait3A_161 : memref<1x16x1024xf32, #tpu.memory_space<hbm>> -> memref<16x1024xf32, #tpu.memory_space<hbm>>
    %dma_wait3A_163 = arith.constant 0 : i32
    %dma_wait3A_164 = tpu.memref_slice %arg2[%dma_wait3A_159, %add3A_45, %dma_wait3A_163] : memref<4x4096x1024xf32, #tpu.memory_space<hbm>> -> memref<1x16x1024xf32, #tpu.memory_space<hbm>>
    %dma_wait3A_165 = tpu.memref_squeeze %dma_wait3A_164 : memref<1x16x1024xf32, #tpu.memory_space<hbm>> -> memref<16x1024xf32, #tpu.memory_space<hbm>>
    tpu.wait_dma2 semaphore(%arg17 : memref<!tpu.dma_semaphore, #tpu.memory_space<semaphore_mem>>) src(%dma_wait3A_165 : memref<16x1024xf32, #tpu.memory_space<hbm>>) dst(%arg10 : memref<16x1024xf32, #tpu.memory_space<vmem>>)
    %scan3A_166 = arith.constant 0 : i32
    %scan3A_167 = arith.constant 0 : i32
    %scan3A_168 = arith.constant 16 : i32
    %scan3A_169 = arith.addi %scan3A_167, %scan3A_168 : i32
    %scan3A_170 = arith.constant 1 : i32
    scf.for %scan3A_1296 = %scan3A_167 to %scan3A_169 step %scan3A_170  : i32 {
      %parallel_loop3A = arith.constant 0 : i32
      %parallel_loop3A_1297 = arith.constant 64 : i32
      %parallel_loop3A_1298 = arith.constant 1 : i32
      scf.for %parallel_loop3A_1299 = %parallel_loop3A to %parallel_loop3A_1297 step %parallel_loop3A_1298  : i32 {
        %parallel_loop3A_1300 = arith.constant 16 : i32
        %parallel_loop3A_1301 = arith.muli %parallel_loop3A_1299, %parallel_loop3A_1300 : i32
        %parallel_loop3A_1302 = arith.index_cast %scan3A_1296 : i32 to index
        %parallel_loop3A_1303 = arith.index_cast %parallel_loop3A_1301 : i32 to index
        %parallel_loop3A_1304 = tpu.vector_load %arg5[%parallel_loop3A_1302, %parallel_loop3A_1303] {strides = array<i32>} : memref<16x1024xf32, #tpu.memory_space<vmem>>, vector<1x16xf32>,
        %parallel_loop3A_1305 = vector.shape_cast %parallel_loop3A_1304 : vector<1x16xf32> to vector<16xf32>
        %parallel_loop3A_1306 = arith.index_cast %scan3A_1296 : i32 to index
        %parallel_loop3A_1307 = arith.index_cast %parallel_loop3A_1301 : i32 to index
        %parallel_loop3A_1308 = tpu.vector_load %arg10[%parallel_loop3A_1306, %parallel_loop3A_1307] {strides = array<i32>} : memref<16x1024xf32, #tpu.memory_space<vmem>>, vector<1x16xf32>,
        %parallel_loop3A_1309 = vector.shape_cast %parallel_loop3A_1308 : vector<1x16xf32> to vector<16xf32>
        %parallel_loop3A_1310 = vector.shape_cast %parallel_loop3A_1305 : vector<16xf32> to vector<1x16xf32>
        tpu.vector_store %arg10[%parallel_loop3A_1306, %parallel_loop3A_1307], %parallel_loop3A_1310 {add = true, strides = array<i32>} : memref<16x1024xf32, #tpu.memory_space<vmem>>, vector<1x16xf32>,
      } {sc.loop_unroll_factor = 32 : i64, sc.parallel_access}
    }
    %scan3A_171 = arith.constant 16 : i32
    %add3A_172 = arith.constant 0 : i32
    %add3A_173 = arith.addi %mul3A_2, %add3A_172 : i32
    %dma_start3A_174 = arith.constant 3 : i32
    %dma_start3A_175 = arith.constant 0 : i32
    %dma_start3A_176 = tpu.memref_slice %arg4[%dma_start3A_174, %add3A_173, %dma_start3A_175] : memref<4x4096x1024xf32, #tpu.memory_space<hbm>> -> memref<1x16x1024xf32, #tpu.memory_space<hbm>>
    %dma_start3A_177 = tpu.memref_squeeze %dma_start3A_176 : memref<1x16x1024xf32, #tpu.memory_space<hbm>> -> memref<16x1024xf32, #tpu.memory_space<hbm>>
    %dma_start3A_178 = arith.constant 0 : i32
    %dma_start3A_179 = tpu.memref_slice %arg4[%dma_start3A_174, %add3A_173, %dma_start3A_178] : memref<4x4096x1024xf32, #tpu.memory_space<hbm>> -> memref<1x16x1024xf32, #tpu.memory_space<hbm>>
    %dma_start3A_180 = tpu.memref_squeeze %dma_start3A_179 : memref<1x16x1024xf32, #tpu.memory_space<hbm>> -> memref<16x1024xf32, #tpu.memory_space<hbm>>
    tpu.enqueue_dma source(%arg10 : memref<16x1024xf32, #tpu.memory_space<vmem>>) target(%dma_start3A_180 : memref<16x1024xf32, #tpu.memory_space<hbm>>) target_semaphore(%arg22 : memref<!tpu.dma_semaphore, #tpu.memory_space<semaphore_mem>>)
    %add3A_181 = arith.constant 32 : i32
    %add3A_182 = arith.addi %mul3A_2, %add3A_181 : i32
    %dma_start3A_183 = arith.constant 0 : i32
    %dma_start3A_184 = tpu.memref_slice %arg3[%add3A_182, %dma_start3A_183] : memref<8192x1024xf32, #tpu.memory_space<hbm>> -> memref<16x1024xf32, #tpu.memory_space<hbm>>
    %dma_start3A_185 = arith.constant 0 : i32
    %dma_start3A_186 = tpu.memref_slice %arg3[%add3A_182, %dma_start3A_185] : memref<8192x1024xf32, #tpu.memory_space<hbm>> -> memref<16x1024xf32, #tpu.memory_space<hbm>>
    tpu.enqueue_dma source(%dma_start3A_186 : memref<16x1024xf32, #tpu.memory_space<hbm>>) target(%arg5 : memref<16x1024xf32, #tpu.memory_space<vmem>>) target_semaphore(%arg12 : memref<!tpu.dma_semaphore, #tpu.memory_space<semaphore_mem>>)
    %dma_wait3A_187 = arith.constant 0 : i32
    %dma_wait3A_188 = tpu.memref_slice %arg3[%add3A_9, %dma_wait3A_187] : memref<8192x1024xf32, #tpu.memory_space<hbm>> -> memref<16x1024xf32, #tpu.memory_space<hbm>>
    %dma_wait3A_189 = arith.constant 0 : i32
    %dma_wait3A_190 = tpu.memref_slice %arg3[%add3A_9, %dma_wait3A_189] : memref<8192x1024xf32, #tpu.memory_space<hbm>> -> memref<16x1024xf32, #tpu.memory_space<hbm>>
    tpu.wait_dma2 semaphore(%arg13 : memref<!tpu.dma_semaphore, #tpu.memory_space<semaphore_mem>>) src(%dma_wait3A_190 : memref<16x1024xf32, #tpu.memory_space<hbm>>) dst(%arg6 : memref<16x1024xf32, #tpu.memory_space<vmem>>)
    %dma_wait3A_191 = arith.constant 2 : i32
    %dma_wait3A_192 = arith.constant 0 : i32
    %dma_wait3A_193 = tpu.memref_slice %arg4[%dma_wait3A_191, %add3A_135, %dma_wait3A_192] : memref<4x4096x1024xf32, #tpu.memory_space<hbm>> -> memref<1x16x1024xf32, #tpu.memory_space<hbm>>
    %dma_wait3A_194 = tpu.memref_squeeze %dma_wait3A_193 : memref<1x16x1024xf32, #tpu.memory_space<hbm>> -> memref<16x1024xf32, #tpu.memory_space<hbm>>
    %dma_wait3A_195 = arith.constant 0 : i32
    %dma_wait3A_196 = tpu.memref_slice %arg4[%dma_wait3A_191, %add3A_135, %dma_wait3A_195] : memref<4x4096x1024xf32, #tpu.memory_space<hbm>> -> memref<1x16x1024xf32, #tpu.memory_space<hbm>>
    %dma_wait3A_197 = tpu.memref_squeeze %dma_wait3A_196 : memref<1x16x1024xf32, #tpu.memory_space<hbm>> -> memref<16x1024xf32, #tpu.memory_space<hbm>>
    tpu.wait_dma2 semaphore(%arg21 : memref<!tpu.dma_semaphore, #tpu.memory_space<semaphore_mem>>) src(%arg9 : memref<16x1024xf32, #tpu.memory_space<vmem>>) dst(%dma_wait3A_197 : memref<16x1024xf32, #tpu.memory_space<hbm>>)
    %add3A_198 = arith.constant 16 : i32
    %add3A_199 = arith.addi %mul3A_2, %add3A_198 : i32
    %dma_start3A_200 = arith.constant 3 : i32
    %dma_start3A_201 = arith.constant 0 : i32
    %dma_start3A_202 = tpu.memref_slice %arg2[%dma_start3A_200, %add3A_199, %dma_start3A_201] : memref<4x4096x1024xf32, #tpu.memory_space<hbm>> -> memref<1x16x1024xf32, #tpu.memory_space<hbm>>
    %dma_start3A_203 = tpu.memref_squeeze %dma_start3A_202 : memref<1x16x1024xf32, #tpu.memory_space<hbm>> -> memref<16x1024xf32, #tpu.memory_space<hbm>>
    %dma_start3A_204 = arith.constant 0 : i32
    %dma_start3A_205 = tpu.memref_slice %arg2[%dma_start3A_200, %add3A_199, %dma_start3A_204] : memref<4x4096x1024xf32, #tpu.memory_space<hbm>> -> memref<1x16x1024xf32, #tpu.memory_space<hbm>>
    %dma_start3A_206 = tpu.memref_squeeze %dma_start3A_205 : memref<1x16x1024xf32, #tpu.memory_space<hbm>> -> memref<16x1024xf32, #tpu.memory_space<hbm>>
    tpu.enqueue_dma source(%dma_start3A_206 : memref<16x1024xf32, #tpu.memory_space<hbm>>) target(%arg9 : memref<16x1024xf32, #tpu.memory_space<vmem>>) target_semaphore(%arg16 : memref<!tpu.dma_semaphore, #tpu.memory_space<semaphore_mem>>)
    %dma_wait3A_207 = arith.constant 0 : i32
    %dma_wait3A_208 = arith.constant 0 : i32
    %dma_wait3A_209 = tpu.memref_slice %arg2[%dma_wait3A_207, %add3A_75, %dma_wait3A_208] : memref<4x4096x1024xf32, #tpu.memory_space<hbm>> -> memref<1x16x1024xf32, #tpu.memory_space<hbm>>
    %dma_wait3A_210 = tpu.memref_squeeze %dma_wait3A_209 : memref<1x16x1024xf32, #tpu.memory_space<hbm>> -> memref<16x1024xf32, #tpu.memory_space<hbm>>
    %dma_wait3A_211 = arith.constant 0 : i32
    %dma_wait3A_212 = tpu.memref_slice %arg2[%dma_wait3A_207, %add3A_75, %dma_wait3A_211] : memref<4x4096x1024xf32, #tpu.memory_space<hbm>> -> memref<1x16x1024xf32, #tpu.memory_space<hbm>>
    %dma_wait3A_213 = tpu.memref_squeeze %dma_wait3A_212 : memref<1x16x1024xf32, #tpu.memory_space<hbm>> -> memref<16x1024xf32, #tpu.memory_space<hbm>>
    tpu.wait_dma2 semaphore(%arg18 : memref<!tpu.dma_semaphore, #tpu.memory_space<semaphore_mem>>) src(%dma_wait3A_213 : memref<16x1024xf32, #tpu.memory_space<hbm>>) dst(%arg11 : memref<16x1024xf32, #tpu.memory_space<vmem>>)
    %scan3A_214 = arith.constant 0 : i32
    %scan3A_215 = arith.constant 0 : i32
    %scan3A_216 = arith.constant 16 : i32
    %scan3A_217 = arith.addi %scan3A_215, %scan3A_216 : i32
    %scan3A_218 = arith.constant 1 : i32
    scf.for %scan3A_1296 = %scan3A_215 to %scan3A_217 step %scan3A_218  : i32 {
      %parallel_loop3A = arith.constant 0 : i32
      %parallel_loop3A_1297 = arith.constant 64 : i32
      %parallel_loop3A_1298 = arith.constant 1 : i32
      scf.for %parallel_loop3A_1299 = %parallel_loop3A to %parallel_loop3A_1297 step %parallel_loop3A_1298  : i32 {
        %parallel_loop3A_1300 = arith.constant 16 : i32
        %parallel_loop3A_1301 = arith.muli %parallel_loop3A_1299, %parallel_loop3A_1300 : i32
        %parallel_loop3A_1302 = arith.index_cast %scan3A_1296 : i32 to index
        %parallel_loop3A_1303 = arith.index_cast %parallel_loop3A_1301 : i32 to index
        %parallel_loop3A_1304 = tpu.vector_load %arg6[%parallel_loop3A_1302, %parallel_loop3A_1303] {strides = array<i32>} : memref<16x1024xf32, #tpu.memory_space<vmem>>, vector<1x16xf32>,
        %parallel_loop3A_1305 = vector.shape_cast %parallel_loop3A_1304 : vector<1x16xf32> to vector<16xf32>
        %parallel_loop3A_1306 = arith.index_cast %scan3A_1296 : i32 to index
        %parallel_loop3A_1307 = arith.index_cast %parallel_loop3A_1301 : i32 to index
        %parallel_loop3A_1308 = tpu.vector_load %arg11[%parallel_loop3A_1306, %parallel_loop3A_1307] {strides = array<i32>} : memref<16x1024xf32, #tpu.memory_space<vmem>>, vector<1x16xf32>,
        %parallel_loop3A_1309 = vector.shape_cast %parallel_loop3A_1308 : vector<1x16xf32> to vector<16xf32>
        %parallel_loop3A_1310 = vector.shape_cast %parallel_loop3A_1305 : vector<16xf32> to vector<1x16xf32>
        tpu.vector_store %arg11[%parallel_loop3A_1306, %parallel_loop3A_1307], %parallel_loop3A_1310 {add = true, strides = array<i32>} : memref<16x1024xf32, #tpu.memory_space<vmem>>, vector<1x16xf32>,
      } {sc.loop_unroll_factor = 32 : i64, sc.parallel_access}
    }
    %scan3A_219 = arith.constant 16 : i32
    %add3A_220 = arith.constant 16 : i32
    %add3A_221 = arith.addi %mul3A_2, %add3A_220 : i32
    %dma_start3A_222 = arith.constant 0 : i32
    %dma_start3A_223 = arith.constant 0 : i32
    %dma_start3A_224 = tpu.memref_slice %arg4[%dma_start3A_222, %add3A_221, %dma_start3A_223] : memref<4x4096x1024xf32, #tpu.memory_space<hbm>> -> memref<1x16x1024xf32, #tpu.memory_space<hbm>>
    %dma_start3A_225 = tpu.memref_squeeze %dma_start3A_224 : memref<1x16x1024xf32, #tpu.memory_space<hbm>> -> memref<16x1024xf32, #tpu.memory_space<hbm>>
    %dma_start3A_226 = arith.constant 0 : i32
    %dma_start3A_227 = tpu.memref_slice %arg4[%dma_start3A_222, %add3A_221, %dma_start3A_226] : memref<4x4096x1024xf32, #tpu.memory_space<hbm>> -> memref<1x16x1024xf32, #tpu.memory_space<hbm>>
    %dma_start3A_228 = tpu.memref_squeeze %dma_start3A_227 : memref<1x16x1024xf32, #tpu.memory_space<hbm>> -> memref<16x1024xf32, #tpu.memory_space<hbm>>
    tpu.enqueue_dma source(%arg11 : memref<16x1024xf32, #tpu.memory_space<vmem>>) target(%dma_start3A_228 : memref<16x1024xf32, #tpu.memory_space<hbm>>) target_semaphore(%arg23 : memref<!tpu.dma_semaphore, #tpu.memory_space<semaphore_mem>>)
    %dma_wait3A_229 = arith.constant 3 : i32
    %dma_wait3A_230 = arith.constant 0 : i32
    %dma_wait3A_231 = tpu.memref_slice %arg4[%dma_wait3A_229, %add3A_173, %dma_wait3A_230] : memref<4x4096x1024xf32, #tpu.memory_space<hbm>> -> memref<1x16x1024xf32, #tpu.memory_space<hbm>>
    %dma_wait3A_232 = tpu.memref_squeeze %dma_wait3A_231 : memref<1x16x1024xf32, #tpu.memory_space<hbm>> -> memref<16x1024xf32, #tpu.memory_space<hbm>>
    %dma_wait3A_233 = arith.constant 0 : i32
    %dma_wait3A_234 = tpu.memref_slice %arg4[%dma_wait3A_229, %add3A_173, %dma_wait3A_233] : memref<4x4096x1024xf32, #tpu.memory_space<hbm>> -> memref<1x16x1024xf32, #tpu.memory_space<hbm>>
    %dma_wait3A_235 = tpu.memref_squeeze %dma_wait3A_234 : memref<1x16x1024xf32, #tpu.memory_space<hbm>> -> memref<16x1024xf32, #tpu.memory_space<hbm>>
    tpu.wait_dma2 semaphore(%arg22 : memref<!tpu.dma_semaphore, #tpu.memory_space<semaphore_mem>>) src(%arg10 : memref<16x1024xf32, #tpu.memory_space<vmem>>) dst(%dma_wait3A_235 : memref<16x1024xf32, #tpu.memory_space<hbm>>)
    %add3A_236 = arith.constant 32 : i32
    %add3A_237 = arith.addi %mul3A_2, %add3A_236 : i32
    %dma_start3A_238 = arith.constant 0 : i32
    %dma_start3A_239 = arith.constant 0 : i32
    %dma_start3A_240 = tpu.memref_slice %arg2[%dma_start3A_238, %add3A_237, %dma_start3A_239] : memref<4x4096x1024xf32, #tpu.memory_space<hbm>> -> memref<1x16x1024xf32, #tpu.memory_space<hbm>>
    %dma_start3A_241 = tpu.memref_squeeze %dma_start3A_240 : memref<1x16x1024xf32, #tpu.memory_space<hbm>> -> memref<16x1024xf32, #tpu.memory_space<hbm>>
    %dma_start3A_242 = arith.constant 0 : i32
    %dma_start3A_243 = tpu.memref_slice %arg2[%dma_start3A_238, %add3A_237, %dma_start3A_242] : memref<4x4096x1024xf32, #tpu.memory_space<hbm>> -> memref<1x16x1024xf32, #tpu.memory_space<hbm>>
    %dma_start3A_244 = tpu.memref_squeeze %dma_start3A_243 : memref<1x16x1024xf32, #tpu.memory_space<hbm>> -> memref<16x1024xf32, #tpu.memory_space<hbm>>
    tpu.enqueue_dma source(%dma_start3A_244 : memref<16x1024xf32, #tpu.memory_space<hbm>>) target(%arg10 : memref<16x1024xf32, #tpu.memory_space<vmem>>) target_semaphore(%arg17 : memref<!tpu.dma_semaphore, #tpu.memory_space<semaphore_mem>>)
    %dma_wait3A_245 = arith.constant 1 : i32
    %dma_wait3A_246 = arith.constant 0 : i32
    %dma_wait3A_247 = tpu.memref_slice %arg2[%dma_wait3A_245, %add3A_113, %dma_wait3A_246] : memref<4x4096x1024xf32, #tpu.memory_space<hbm>> -> memref<1x16x1024xf32, #tpu.memory_space<hbm>>
    %dma_wait3A_248 = tpu.memref_squeeze %dma_wait3A_247 : memref<1x16x1024xf32, #tpu.memory_space<hbm>> -> memref<16x1024xf32, #tpu.memory_space<hbm>>
    %dma_wait3A_249 = arith.constant 0 : i32
    %dma_wait3A_250 = tpu.memref_slice %arg2[%dma_wait3A_245, %add3A_113, %dma_wait3A_249] : memref<4x4096x1024xf32, #tpu.memory_space<hbm>> -> memref<1x16x1024xf32, #tpu.memory_space<hbm>>
    %dma_wait3A_251 = tpu.memref_squeeze %dma_wait3A_250 : memref<1x16x1024xf32, #tpu.memory_space<hbm>> -> memref<16x1024xf32, #tpu.memory_space<hbm>>
    tpu.wait_dma2 semaphore(%arg14 : memref<!tpu.dma_semaphore, #tpu.memory_space<semaphore_mem>>) src(%dma_wait3A_251 : memref<16x1024xf32, #tpu.memory_space<hbm>>) dst(%arg7 : memref<16x1024xf32, #tpu.memory_space<vmem>>)
    %scan3A_252 = arith.constant 0 : i32
    %scan3A_253 = arith.constant 0 : i32
    %scan3A_254 = arith.constant 16 : i32
    %scan3A_255 = arith.addi %scan3A_253, %scan3A_254 : i32
    %scan3A_256 = arith.constant 1 : i32
    scf.for %scan3A_1296 = %scan3A_253 to %scan3A_255 step %scan3A_256  : i32 {
      %parallel_loop3A = arith.constant 0 : i32
      %parallel_loop3A_1297 = arith.constant 64 : i32
      %parallel_loop3A_1298 = arith.constant 1 : i32
      scf.for %parallel_loop3A_1299 = %parallel_loop3A to %parallel_loop3A_1297 step %parallel_loop3A_1298  : i32 {
        %parallel_loop3A_1300 = arith.constant 16 : i32
        %parallel_loop3A_1301 = arith.muli %parallel_loop3A_1299, %parallel_loop3A_1300 : i32
        %parallel_loop3A_1302 = arith.index_cast %scan3A_1296 : i32 to index
        %parallel_loop3A_1303 = arith.index_cast %parallel_loop3A_1301 : i32 to index
        %parallel_loop3A_1304 = tpu.vector_load %arg6[%parallel_loop3A_1302, %parallel_loop3A_1303] {strides = array<i32>} : memref<16x1024xf32, #tpu.memory_space<vmem>>, vector<1x16xf32>,
        %parallel_loop3A_1305 = vector.shape_cast %parallel_loop3A_1304 : vector<1x16xf32> to vector<16xf32>
        %parallel_loop3A_1306 = arith.index_cast %scan3A_1296 : i32 to index
        %parallel_loop3A_1307 = arith.index_cast %parallel_loop3A_1301 : i32 to index
        %parallel_loop3A_1308 = tpu.vector_load %arg7[%parallel_loop3A_1306, %parallel_loop3A_1307] {strides = array<i32>} : memref<16x1024xf32, #tpu.memory_space<vmem>>, vector<1x16xf32>,
        %parallel_loop3A_1309 = vector.shape_cast %parallel_loop3A_1308 : vector<1x16xf32> to vector<16xf32>
        %parallel_loop3A_1310 = vector.shape_cast %parallel_loop3A_1305 : vector<16xf32> to vector<1x16xf32>
        tpu.vector_store %arg7[%parallel_loop3A_1306, %parallel_loop3A_1307], %parallel_loop3A_1310 {add = true, strides = array<i32>} : memref<16x1024xf32, #tpu.memory_space<vmem>>, vector<1x16xf32>,
      } {sc.loop_unroll_factor = 32 : i64, sc.parallel_access}
    }
    %scan3A_257 = arith.constant 16 : i32
    %add3A_258 = arith.constant 16 : i32
    %add3A_259 = arith.addi %mul3A_2, %add3A_258 : i32
    %dma_start3A_260 = arith.constant 1 : i32
    %dma_start3A_261 = arith.constant 0 : i32
    %dma_start3A_262 = tpu.memref_slice %arg4[%dma_start3A_260, %add3A_259, %dma_start3A_261] : memref<4x4096x1024xf32, #tpu.memory_space<hbm>> -> memref<1x16x1024xf32, #tpu.memory_space<hbm>>
    %dma_start3A_263 = tpu.memref_squeeze %dma_start3A_262 : memref<1x16x1024xf32, #tpu.memory_space<hbm>> -> memref<16x1024xf32, #tpu.memory_space<hbm>>
    %dma_start3A_264 = arith.constant 0 : i32
    %dma_start3A_265 = tpu.memref_slice %arg4[%dma_start3A_260, %add3A_259, %dma_start3A_264] : memref<4x4096x1024xf32, #tpu.memory_space<hbm>> -> memref<1x16x1024xf32, #tpu.memory_space<hbm>>
    %dma_start3A_266 = tpu.memref_squeeze %dma_start3A_265 : memref<1x16x1024xf32, #tpu.memory_space<hbm>> -> memref<16x1024xf32, #tpu.memory_space<hbm>>
    tpu.enqueue_dma source(%arg7 : memref<16x1024xf32, #tpu.memory_space<vmem>>) target(%dma_start3A_266 : memref<16x1024xf32, #tpu.memory_space<hbm>>) target_semaphore(%arg19 : memref<!tpu.dma_semaphore, #tpu.memory_space<semaphore_mem>>)
    %dma_wait3A_267 = arith.constant 0 : i32
    %dma_wait3A_268 = arith.constant 0 : i32
    %dma_wait3A_269 = tpu.memref_slice %arg4[%dma_wait3A_267, %add3A_221, %dma_wait3A_268] : memref<4x4096x1024xf32, #tpu.memory_space<hbm>> -> memref<1x16x1024xf32, #tpu.memory_space<hbm>>
    %dma_wait3A_270 = tpu.memref_squeeze %dma_wait3A_269 : memref<1x16x1024xf32, #tpu.memory_space<hbm>> -> memref<16x1024xf32, #tpu.memory_space<hbm>>
    %dma_wait3A_271 = arith.constant 0 : i32
    %dma_wait3A_272 = tpu.memref_slice %arg4[%dma_wait3A_267, %add3A_221, %dma_wait3A_271] : memref<4x4096x1024xf32, #tpu.memory_space<hbm>> -> memref<1x16x1024xf32, #tpu.memory_space<hbm>>
    %dma_wait3A_273 = tpu.memref_squeeze %dma_wait3A_272 : memref<1x16x1024xf32, #tpu.memory_space<hbm>> -> memref<16x1024xf32, #tpu.memory_space<hbm>>
    tpu.wait_dma2 semaphore(%arg23 : memref<!tpu.dma_semaphore, #tpu.memory_space<semaphore_mem>>) src(%arg11 : memref<16x1024xf32, #tpu.memory_space<vmem>>) dst(%dma_wait3A_273 : memref<16x1024xf32, #tpu.memory_space<hbm>>)
    %add3A_274 = arith.constant 32 : i32
    %add3A_275 = arith.addi %mul3A_2, %add3A_274 : i32
    %dma_start3A_276 = arith.constant 1 : i32
    %dma_start3A_277 = arith.constant 0 : i32
    %dma_start3A_278 = tpu.memref_slice %arg2[%dma_start3A_276, %add3A_275, %dma_start3A_277] : memref<4x4096x1024xf32, #tpu.memory_space<hbm>> -> memref<1x16x1024xf32, #tpu.memory_space<hbm>>
    %dma_start3A_279 = tpu.memref_squeeze %dma_start3A_278 : memref<1x16x1024xf32, #tpu.memory_space<hbm>> -> memref<16x1024xf32, #tpu.memory_space<hbm>>
    %dma_start3A_280 = arith.constant 0 : i32
    %dma_start3A_281 = tpu.memref_slice %arg2[%dma_start3A_276, %add3A_275, %dma_start3A_280] : memref<4x4096x1024xf32, #tpu.memory_space<hbm>> -> memref<1x16x1024xf32, #tpu.memory_space<hbm>>
    %dma_start3A_282 = tpu.memref_squeeze %dma_start3A_281 : memref<1x16x1024xf32, #tpu.memory_space<hbm>> -> memref<16x1024xf32, #tpu.memory_space<hbm>>
    tpu.enqueue_dma source(%dma_start3A_282 : memref<16x1024xf32, #tpu.memory_space<hbm>>) target(%arg11 : memref<16x1024xf32, #tpu.memory_space<vmem>>) target_semaphore(%arg18 : memref<!tpu.dma_semaphore, #tpu.memory_space<semaphore_mem>>)
    %dma_wait3A_283 = arith.constant 2 : i32
    %dma_wait3A_284 = arith.constant 0 : i32
    %dma_wait3A_285 = tpu.memref_slice %arg2[%dma_wait3A_283, %add3A_151, %dma_wait3A_284] : memref<4x4096x1024xf32, #tpu.memory_space<hbm>> -> memref<1x16x1024xf32, #tpu.memory_space<hbm>>
    %dma_wait3A_286 = tpu.memref_squeeze %dma_wait3A_285 : memref<1x16x1024xf32, #tpu.memory_space<hbm>> -> memref<16x1024xf32, #tpu.memory_space<hbm>>
    %dma_wait3A_287 = arith.constant 0 : i32
    %dma_wait3A_288 = tpu.memref_slice %arg2[%dma_wait3A_283, %add3A_151, %dma_wait3A_287] : memref<4x4096x1024xf32, #tpu.memory_space<hbm>> -> memref<1x16x1024xf32, #tpu.memory_space<hbm>>
    %dma_wait3A_289 = tpu.memref_squeeze %dma_wait3A_288 : memref<1x16x1024xf32, #tpu.memory_space<hbm>> -> memref<16x1024xf32, #tpu.memory_space<hbm>>
    tpu.wait_dma2 semaphore(%arg15 : memref<!tpu.dma_semaphore, #tpu.memory_space<semaphore_mem>>) src(%dma_wait3A_289 : memref<16x1024xf32, #tpu.memory_space<hbm>>) dst(%arg8 : memref<16x1024xf32, #tpu.memory_space<vmem>>)
    %scan3A_290 = arith.constant 0 : i32
    %scan3A_291 = arith.constant 0 : i32
    %scan3A_292 = arith.constant 16 : i32
    %scan3A_293 = arith.addi %scan3A_291, %scan3A_292 : i32
    %scan3A_294 = arith.constant 1 : i32
    scf.for %scan3A_1296 = %scan3A_291 to %scan3A_293 step %scan3A_294  : i32 {
      %parallel_loop3A = arith.constant 0 : i32
      %parallel_loop3A_1297 = arith.constant 64 : i32
      %parallel_loop3A_1298 = arith.constant 1 : i32
      scf.for %parallel_loop3A_1299 = %parallel_loop3A to %parallel_loop3A_1297 step %parallel_loop3A_1298  : i32 {
        %parallel_loop3A_1300 = arith.constant 16 : i32
        %parallel_loop3A_1301 = arith.muli %parallel_loop3A_1299, %parallel_loop3A_1300 : i32
        %parallel_loop3A_1302 = arith.index_cast %scan3A_1296 : i32 to index
        %parallel_loop3A_1303 = arith.index_cast %parallel_loop3A_1301 : i32 to index
        %parallel_loop3A_1304 = tpu.vector_load %arg6[%parallel_loop3A_1302, %parallel_loop3A_1303] {strides = array<i32>} : memref<16x1024xf32, #tpu.memory_space<vmem>>, vector<1x16xf32>,
        %parallel_loop3A_1305 = vector.shape_cast %parallel_loop3A_1304 : vector<1x16xf32> to vector<16xf32>
        %parallel_loop3A_1306 = arith.index_cast %scan3A_1296 : i32 to index
        %parallel_loop3A_1307 = arith.index_cast %parallel_loop3A_1301 : i32 to index
        %parallel_loop3A_1308 = tpu.vector_load %arg8[%parallel_loop3A_1306, %parallel_loop3A_1307] {strides = array<i32>} : memref<16x1024xf32, #tpu.memory_space<vmem>>, vector<1x16xf32>,
        %parallel_loop3A_1309 = vector.shape_cast %parallel_loop3A_1308 : vector<1x16xf32> to vector<16xf32>
        %parallel_loop3A_1310 = vector.shape_cast %parallel_loop3A_1305 : vector<16xf32> to vector<1x16xf32>
        tpu.vector_store %arg8[%parallel_loop3A_1306, %parallel_loop3A_1307], %parallel_loop3A_1310 {add = true, strides = array<i32>} : memref<16x1024xf32, #tpu.memory_space<vmem>>, vector<1x16xf32>,
      } {sc.loop_unroll_factor = 32 : i64, sc.parallel_access}
    }
    %scan3A_295 = arith.constant 16 : i32
    %add3A_296 = arith.constant 16 : i32
    %add3A_297 = arith.addi %mul3A_2, %add3A_296 : i32
    %dma_start3A_298 = arith.constant 2 : i32
    %dma_start3A_299 = arith.constant 0 : i32
    %dma_start3A_300 = tpu.memref_slice %arg4[%dma_start3A_298, %add3A_297, %dma_start3A_299] : memref<4x4096x1024xf32, #tpu.memory_space<hbm>> -> memref<1x16x1024xf32, #tpu.memory_space<hbm>>
    %dma_start3A_301 = tpu.memref_squeeze %dma_start3A_300 : memref<1x16x1024xf32, #tpu.memory_space<hbm>> -> memref<16x1024xf32, #tpu.memory_space<hbm>>
    %dma_start3A_302 = arith.constant 0 : i32
    %dma_start3A_303 = tpu.memref_slice %arg4[%dma_start3A_298, %add3A_297, %dma_start3A_302] : memref<4x4096x1024xf32, #tpu.memory_space<hbm>> -> memref<1x16x1024xf32, #tpu.memory_space<hbm>>
    %dma_start3A_304 = tpu.memref_squeeze %dma_start3A_303 : memref<1x16x1024xf32, #tpu.memory_space<hbm>> -> memref<16x1024xf32, #tpu.memory_space<hbm>>
    tpu.enqueue_dma source(%arg8 : memref<16x1024xf32, #tpu.memory_space<vmem>>) target(%dma_start3A_304 : memref<16x1024xf32, #tpu.memory_space<hbm>>) target_semaphore(%arg20 : memref<!tpu.dma_semaphore, #tpu.memory_space<semaphore_mem>>)
    %dma_wait3A_305 = arith.constant 1 : i32
    %dma_wait3A_306 = arith.constant 0 : i32
    %dma_wait3A_307 = tpu.memref_slice %arg4[%dma_wait3A_305, %add3A_259, %dma_wait3A_306] : memref<4x4096x1024xf32, #tpu.memory_space<hbm>> -> memref<1x16x1024xf32, #tpu.memory_space<hbm>>
    %dma_wait3A_308 = tpu.memref_squeeze %dma_wait3A_307 : memref<1x16x1024xf32, #tpu.memory_space<hbm>> -> memref<16x1024xf32, #tpu.memory_space<hbm>>
    %dma_wait3A_309 = arith.constant 0 : i32
    %dma_wait3A_310 = tpu.memref_slice %arg4[%dma_wait3A_305, %add3A_259, %dma_wait3A_309] : memref<4x4096x1024xf32, #tpu.memory_space<hbm>> -> memref<1x16x1024xf32, #tpu.memory_space<hbm>>
    %dma_wait3A_311 = tpu.memref_squeeze %dma_wait3A_310 : memref<1x16x1024xf32, #tpu.memory_space<hbm>> -> memref<16x1024xf32, #tpu.memory_space<hbm>>
    tpu.wait_dma2 semaphore(%arg19 : memref<!tpu.dma_semaphore, #tpu.memory_space<semaphore_mem>>) src(%arg7 : memref<16x1024xf32, #tpu.memory_space<vmem>>) dst(%dma_wait3A_311 : memref<16x1024xf32, #tpu.memory_space<hbm>>)
    %add3A_312 = arith.constant 32 : i32
    %add3A_313 = arith.addi %mul3A_2, %add3A_312 : i32
    %dma_start3A_314 = arith.constant 2 : i32
    %dma_start3A_315 = arith.constant 0 : i32
    %dma_start3A_316 = tpu.memref_slice %arg2[%dma_start3A_314, %add3A_313, %dma_start3A_315] : memref<4x4096x1024xf32, #tpu.memory_space<hbm>> -> memref<1x16x1024xf32, #tpu.memory_space<hbm>>
    %dma_start3A_317 = tpu.memref_squeeze %dma_start3A_316 : memref<1x16x1024xf32, #tpu.memory_space<hbm>> -> memref<16x1024xf32, #tpu.memory_space<hbm>>
    %dma_start3A_318 = arith.constant 0 : i32
    %dma_start3A_319 = tpu.memref_slice %arg2[%dma_start3A_314, %add3A_313, %dma_start3A_318] : memref<4x4096x1024xf32, #tpu.memory_space<hbm>> -> memref<1x16x1024xf32, #tpu.memory_space<hbm>>
    %dma_start3A_320 = tpu.memref_squeeze %dma_start3A_319 : memref<1x16x1024xf32, #tpu.memory_space<hbm>> -> memref<16x1024xf32, #tpu.memory_space<hbm>>
    tpu.enqueue_dma source(%dma_start3A_320 : memref<16x1024xf32, #tpu.memory_space<hbm>>) target(%arg7 : memref<16x1024xf32, #tpu.memory_space<vmem>>) target_semaphore(%arg14 : memref<!tpu.dma_semaphore, #tpu.memory_space<semaphore_mem>>)
    %dma_wait3A_321 = arith.constant 3 : i32
    %dma_wait3A_322 = arith.constant 0 : i32
    %dma_wait3A_323 = tpu.memref_slice %arg2[%dma_wait3A_321, %add3A_199, %dma_wait3A_322] : memref<4x4096x1024xf32, #tpu.memory_space<hbm>> -> memref<1x16x1024xf32, #tpu.memory_space<hbm>>
    %dma_wait3A_324 = tpu.memref_squeeze %dma_wait3A_323 : memref<1x16x1024xf32, #tpu.memory_space<hbm>> -> memref<16x1024xf32, #tpu.memory_space<hbm>>
    %dma_wait3A_325 = arith.constant 0 : i32
    %dma_wait3A_326 = tpu.memref_slice %arg2[%dma_wait3A_321, %add3A_199, %dma_wait3A_325] : memref<4x4096x1024xf32, #tpu.memory_space<hbm>> -> memref<1x16x1024xf32, #tpu.memory_space<hbm>>
    %dma_wait3A_327 = tpu.memref_squeeze %dma_wait3A_326 : memref<1x16x1024xf32, #tpu.memory_space<hbm>> -> memref<16x1024xf32, #tpu.memory_space<hbm>>
    tpu.wait_dma2 semaphore(%arg16 : memref<!tpu.dma_semaphore, #tpu.memory_space<semaphore_mem>>) src(%dma_wait3A_327 : memref<16x1024xf32, #tpu.memory_space<hbm>>) dst(%arg9 : memref<16x1024xf32, #tpu.memory_space<vmem>>)
    %scan3A_328 = arith.constant 0 : i32
    %scan3A_329 = arith.constant 0 : i32
    %scan3A_330 = arith.constant 16 : i32
    %scan3A_331 = arith.addi %scan3A_329, %scan3A_330 : i32
    %scan3A_332 = arith.constant 1 : i32
    scf.for %scan3A_1296 = %scan3A_329 to %scan3A_331 step %scan3A_332  : i32 {
      %parallel_loop3A = arith.constant 0 : i32
      %parallel_loop3A_1297 = arith.constant 64 : i32
      %parallel_loop3A_1298 = arith.constant 1 : i32
      scf.for %parallel_loop3A_1299 = %parallel_loop3A to %parallel_loop3A_1297 step %parallel_loop3A_1298  : i32 {
        %parallel_loop3A_1300 = arith.constant 16 : i32
        %parallel_loop3A_1301 = arith.muli %parallel_loop3A_1299, %parallel_loop3A_1300 : i32
        %parallel_loop3A_1302 = arith.index_cast %scan3A_1296 : i32 to index
        %parallel_loop3A_1303 = arith.index_cast %parallel_loop3A_1301 : i32 to index
        %parallel_loop3A_1304 = tpu.vector_load %arg6[%parallel_loop3A_1302, %parallel_loop3A_1303] {strides = array<i32>} : memref<16x1024xf32, #tpu.memory_space<vmem>>, vector<1x16xf32>,
        %parallel_loop3A_1305 = vector.shape_cast %parallel_loop3A_1304 : vector<1x16xf32> to vector<16xf32>
        %parallel_loop3A_1306 = arith.index_cast %scan3A_1296 : i32 to index
        %parallel_loop3A_1307 = arith.index_cast %parallel_loop3A_1301 : i32 to index
        %parallel_loop3A_1308 = tpu.vector_load %arg9[%parallel_loop3A_1306, %parallel_loop3A_1307] {strides = array<i32>} : memref<16x1024xf32, #tpu.memory_space<vmem>>, vector<1x16xf32>,
        %parallel_loop3A_1309 = vector.shape_cast %parallel_loop3A_1308 : vector<1x16xf32> to vector<16xf32>
        %parallel_loop3A_1310 = vector.shape_cast %parallel_loop3A_1305 : vector<16xf32> to vector<1x16xf32>
        tpu.vector_store %arg9[%parallel_loop3A_1306, %parallel_loop3A_1307], %parallel_loop3A_1310 {add = true, strides = array<i32>} : memref<16x1024xf32, #tpu.memory_space<vmem>>, vector<1x16xf32>,
      } {sc.loop_unroll_factor = 32 : i64, sc.parallel_access}
    }
    %scan3A_333 = arith.constant 16 : i32
    %add3A_334 = arith.constant 16 : i32
    %add3A_335 = arith.addi %mul3A_2, %add3A_334 : i32
    %dma_start3A_336 = arith.constant 3 : i32
    %dma_start3A_337 = arith.constant 0 : i32
    %dma_start3A_338 = tpu.memref_slice %arg4[%dma_start3A_336, %add3A_335, %dma_start3A_337] : memref<4x4096x1024xf32, #tpu.memory_space<hbm>> -> memref<1x16x1024xf32, #tpu.memory_space<hbm>>
    %dma_start3A_339 = tpu.memref_squeeze %dma_start3A_338 : memref<1x16x1024xf32, #tpu.memory_space<hbm>> -> memref<16x1024xf32, #tpu.memory_space<hbm>>
    %dma_start3A_340 = arith.constant 0 : i32
    %dma_start3A_341 = tpu.memref_slice %arg4[%dma_start3A_336, %add3A_335, %dma_start3A_340] : memref<4x4096x1024xf32, #tpu.memory_space<hbm>> -> memref<1x16x1024xf32, #tpu.memory_space<hbm>>
    %dma_start3A_342 = tpu.memref_squeeze %dma_start3A_341 : memref<1x16x1024xf32, #tpu.memory_space<hbm>> -> memref<16x1024xf32, #tpu.memory_space<hbm>>
    tpu.enqueue_dma source(%arg9 : memref<16x1024xf32, #tpu.memory_space<vmem>>) target(%dma_start3A_342 : memref<16x1024xf32, #tpu.memory_space<hbm>>) target_semaphore(%arg21 : memref<!tpu.dma_semaphore, #tpu.memory_space<semaphore_mem>>)
    %add3A_343 = arith.constant 48 : i32
    %add3A_344 = arith.addi %mul3A_2, %add3A_343 : i32
    %dma_start3A_345 = arith.constant 0 : i32
    %dma_start3A_346 = tpu.memref_slice %arg3[%add3A_344, %dma_start3A_345] : memref<8192x1024xf32, #tpu.memory_space<hbm>> -> memref<16x1024xf32, #tpu.memory_space<hbm>>
    %dma_start3A_347 = arith.constant 0 : i32
    %dma_start3A_348 = tpu.memref_slice %arg3[%add3A_344, %dma_start3A_347] : memref<8192x1024xf32, #tpu.memory_space<hbm>> -> memref<16x1024xf32, #tpu.memory_space<hbm>>
    tpu.enqueue_dma source(%dma_start3A_348 : memref<16x1024xf32, #tpu.memory_space<hbm>>) target(%arg6 : memref<16x1024xf32, #tpu.memory_space<vmem>>) target_semaphore(%arg13 : memref<!tpu.dma_semaphore, #tpu.memory_space<semaphore_mem>>)
    %dma_wait3A_349 = arith.constant 0 : i32
    %dma_wait3A_350 = tpu.memref_slice %arg3[%add3A_182, %dma_wait3A_349] : memref<8192x1024xf32, #tpu.memory_space<hbm>> -> memref<16x1024xf32, #tpu.memory_space<hbm>>
    %dma_wait3A_351 = arith.constant 0 : i32
    %dma_wait3A_352 = tpu.memref_slice %arg3[%add3A_182, %dma_wait3A_351] : memref<8192x1024xf32, #tpu.memory_space<hbm>> -> memref<16x1024xf32, #tpu.memory_space<hbm>>
    tpu.wait_dma2 semaphore(%arg12 : memref<!tpu.dma_semaphore, #tpu.memory_space<semaphore_mem>>) src(%dma_wait3A_352 : memref<16x1024xf32, #tpu.memory_space<hbm>>) dst(%arg5 : memref<16x1024xf32, #tpu.memory_space<vmem>>)
    %dma_wait3A_353 = arith.constant 2 : i32
    %dma_wait3A_354 = arith.constant 0 : i32
    %dma_wait3A_355 = tpu.memref_slice %arg4[%dma_wait3A_353, %add3A_297, %dma_wait3A_354] : memref<4x4096x1024xf32, #tpu.memory_space<hbm>> -> memref<1x16x1024xf32, #tpu.memory_space<hbm>>
    %dma_wait3A_356 = tpu.memref_squeeze %dma_wait3A_355 : memref<1x16x1024xf32, #tpu.memory_space<hbm>> -> memref<16x1024xf32, #tpu.memory_space<hbm>>
    %dma_wait3A_357 = arith.constant 0 : i32
    %dma_wait3A_358 = tpu.memref_slice %arg4[%dma_wait3A_353, %add3A_297, %dma_wait3A_357] : memref<4x4096x1024xf32, #tpu.memory_space<hbm>> -> memref<1x16x1024xf32, #tpu.memory_space<hbm>>
    %dma_wait3A_359 = tpu.memref_squeeze %dma_wait3A_358 : memref<1x16x1024xf32, #tpu.memory_space<hbm>> -> memref<16x1024xf32, #tpu.memory_space<hbm>>
    tpu.wait_dma2 semaphore(%arg20 : memref<!tpu.dma_semaphore, #tpu.memory_space<semaphore_mem>>) src(%arg8 : memref<16x1024xf32, #tpu.memory_space<vmem>>) dst(%dma_wait3A_359 : memref<16x1024xf32, #tpu.memory_space<hbm>>)
    %add3A_360 = arith.constant 32 : i32
    %add3A_361 = arith.addi %mul3A_2, %add3A_360 : i32
    %dma_start3A_362 = arith.constant 3 : i32
    %dma_start3A_363 = arith.constant 0 : i32
    %dma_start3A_364 = tpu.memref_slice %arg2[%dma_start3A_362, %add3A_361, %dma_start3A_363] : memref<4x4096x1024xf32, #tpu.memory_space<hbm>> -> memref<1x16x1024xf32, #tpu.memory_space<hbm>>
    %dma_start3A_365 = tpu.memref_squeeze %dma_start3A_364 : memref<1x16x1024xf32, #tpu.memory_space<hbm>> -> memref<16x1024xf32, #tpu.memory_space<hbm>>
    %dma_start3A_366 = arith.constant 0 : i32
    %dma_start3A_367 = tpu.memref_slice %arg2[%dma_start3A_362, %add3A_361, %dma_start3A_366] : memref<4x4096x1024xf32, #tpu.memory_space<hbm>> -> memref<1x16x1024xf32, #tpu.memory_space<hbm>>
    %dma_start3A_368 = tpu.memref_squeeze %dma_start3A_367 : memref<1x16x1024xf32, #tpu.memory_space<hbm>> -> memref<16x1024xf32, #tpu.memory_space<hbm>>
    tpu.enqueue_dma source(%dma_start3A_368 : memref<16x1024xf32, #tpu.memory_space<hbm>>) target(%arg8 : memref<16x1024xf32, #tpu.memory_space<vmem>>) target_semaphore(%arg15 : memref<!tpu.dma_semaphore, #tpu.memory_space<semaphore_mem>>)
    %dma_wait3A_369 = arith.constant 0 : i32
    %dma_wait3A_370 = arith.constant 0 : i32
    %dma_wait3A_371 = tpu.memref_slice %arg2[%dma_wait3A_369, %add3A_237, %dma_wait3A_370] : memref<4x4096x1024xf32, #tpu.memory_space<hbm>> -> memref<1x16x1024xf32, #tpu.memory_space<hbm>>
    %dma_wait3A_372 = tpu.memref_squeeze %dma_wait3A_371 : memref<1x16x1024xf32, #tpu.memory_space<hbm>> -> memref<16x1024xf32, #tpu.memory_space<hbm>>
    %dma_wait3A_373 = arith.constant 0 : i32
    %dma_wait3A_374 = tpu.memref_slice %arg2[%dma_wait3A_369, %add3A_237, %dma_wait3A_373] : memref<4x4096x1024xf32, #tpu.memory_space<hbm>> -> memref<1x16x1024xf32, #tpu.memory_space<hbm>>
    %dma_wait3A_375 = tpu.memref_squeeze %dma_wait3A_374 : memref<1x16x1024xf32, #tpu.memory_space<hbm>> -> memref<16x1024xf32, #tpu.memory_space<hbm>>
    tpu.wait_dma2 semaphore(%arg17 : memref<!tpu.dma_semaphore, #tpu.memory_space<semaphore_mem>>) src(%dma_wait3A_375 : memref<16x1024xf32, #tpu.memory_space<hbm>>) dst(%arg10 : memref<16x1024xf32, #tpu.memory_space<vmem>>)
    %scan3A_376 = arith.constant 0 : i32
    %scan3A_377 = arith.constant 0 : i32
    %scan3A_378 = arith.constant 16 : i32
    %scan3A_379 = arith.addi %scan3A_377, %scan3A_378 : i32
    %scan3A_380 = arith.constant 1 : i32
    scf.for %scan3A_1296 = %scan3A_377 to %scan3A_379 step %scan3A_380  : i32 {
      %parallel_loop3A = arith.constant 0 : i32
      %parallel_loop3A_1297 = arith.constant 64 : i32
      %parallel_loop3A_1298 = arith.constant 1 : i32
      scf.for %parallel_loop3A_1299 = %parallel_loop3A to %parallel_loop3A_1297 step %parallel_loop3A_1298  : i32 {
        %parallel_loop3A_1300 = arith.constant 16 : i32
        %parallel_loop3A_1301 = arith.muli %parallel_loop3A_1299, %parallel_loop3A_1300 : i32
        %parallel_loop3A_1302 = arith.index_cast %scan3A_1296 : i32 to index
        %parallel_loop3A_1303 = arith.index_cast %parallel_loop3A_1301 : i32 to index
        %parallel_loop3A_1304 = tpu.vector_load %arg5[%parallel_loop3A_1302, %parallel_loop3A_1303] {strides = array<i32>} : memref<16x1024xf32, #tpu.memory_space<vmem>>, vector<1x16xf32>,
        %parallel_loop3A_1305 = vector.shape_cast %parallel_loop3A_1304 : vector<1x16xf32> to vector<16xf32>
        %parallel_loop3A_1306 = arith.index_cast %scan3A_1296 : i32 to index
        %parallel_loop3A_1307 = arith.index_cast %parallel_loop3A_1301 : i32 to index
        %parallel_loop3A_1308 = tpu.vector_load %arg10[%parallel_loop3A_1306, %parallel_loop3A_1307] {strides = array<i32>} : memref<16x1024xf32, #tpu.memory_space<vmem>>, vector<1x16xf32>,
        %parallel_loop3A_1309 = vector.shape_cast %parallel_loop3A_1308 : vector<1x16xf32> to vector<16xf32>
        %parallel_loop3A_1310 = vector.shape_cast %parallel_loop3A_1305 : vector<16xf32> to vector<1x16xf32>
        tpu.vector_store %arg10[%parallel_loop3A_1306, %parallel_loop3A_1307], %parallel_loop3A_1310 {add = true, strides = array<i32>} : memref<16x1024xf32, #tpu.memory_space<vmem>>, vector<1x16xf32>,
      } {sc.loop_unroll_factor = 32 : i64, sc.parallel_access}
    }
    %scan3A_381 = arith.constant 16 : i32
    %add3A_382 = arith.constant 32 : i32
    %add3A_383 = arith.addi %mul3A_2, %add3A_382 : i32
    %dma_start3A_384 = arith.constant 0 : i32
    %dma_start3A_385 = arith.constant 0 : i32
    %dma_start3A_386 = tpu.memref_slice %arg4[%dma_start3A_384, %add3A_383, %dma_start3A_385] : memref<4x4096x1024xf32, #tpu.memory_space<hbm>> -> memref<1x16x1024xf32, #tpu.memory_space<hbm>>
    %dma_start3A_387 = tpu.memref_squeeze %dma_start3A_386 : memref<1x16x1024xf32, #tpu.memory_space<hbm>> -> memref<16x1024xf32, #tpu.memory_space<hbm>>
    %dma_start3A_388 = arith.constant 0 : i32
    %dma_start3A_389 = tpu.memref_slice %arg4[%dma_start3A_384, %add3A_383, %dma_start3A_388] : memref<4x4096x1024xf32, #tpu.memory_space<hbm>> -> memref<1x16x1024xf32, #tpu.memory_space<hbm>>
    %dma_start3A_390 = tpu.memref_squeeze %dma_start3A_389 : memref<1x16x1024xf32, #tpu.memory_space<hbm>> -> memref<16x1024xf32, #tpu.memory_space<hbm>>
    tpu.enqueue_dma source(%arg10 : memref<16x1024xf32, #tpu.memory_space<vmem>>) target(%dma_start3A_390 : memref<16x1024xf32, #tpu.memory_space<hbm>>) target_semaphore(%arg22 : memref<!tpu.dma_semaphore, #tpu.memory_space<semaphore_mem>>)
    %dma_wait3A_391 = arith.constant 3 : i32
    %dma_wait3A_392 = arith.constant 0 : i32
    %dma_wait3A_393 = tpu.memref_slice %arg4[%dma_wait3A_391, %add3A_335, %dma_wait3A_392] : memref<4x4096x1024xf32, #tpu.memory_space<hbm>> -> memref<1x16x1024xf32, #tpu.memory_space<hbm>>
    %dma_wait3A_394 = tpu.memref_squeeze %dma_wait3A_393 : memref<1x16x1024xf32, #tpu.memory_space<hbm>> -> memref<16x1024xf32, #tpu.memory_space<hbm>>
    %dma_wait3A_395 = arith.constant 0 : i32
    %dma_wait3A_396 = tpu.memref_slice %arg4[%dma_wait3A_391, %add3A_335, %dma_wait3A_395] : memref<4x4096x1024xf32, #tpu.memory_space<hbm>> -> memref<1x16x1024xf32, #tpu.memory_space<hbm>>
    %dma_wait3A_397 = tpu.memref_squeeze %dma_wait3A_396 : memref<1x16x1024xf32, #tpu.memory_space<hbm>> -> memref<16x1024xf32, #tpu.memory_space<hbm>>
    tpu.wait_dma2 semaphore(%arg21 : memref<!tpu.dma_semaphore, #tpu.memory_space<semaphore_mem>>) src(%arg9 : memref<16x1024xf32, #tpu.memory_space<vmem>>) dst(%dma_wait3A_397 : memref<16x1024xf32, #tpu.memory_space<hbm>>)
    %add3A_398 = arith.constant 48 : i32
    %add3A_399 = arith.addi %mul3A_2, %add3A_398 : i32
    %dma_start3A_400 = arith.constant 0 : i32
    %dma_start3A_401 = arith.constant 0 : i32
    %dma_start3A_402 = tpu.memref_slice %arg2[%dma_start3A_400, %add3A_399, %dma_start3A_401] : memref<4x4096x1024xf32, #tpu.memory_space<hbm>> -> memref<1x16x1024xf32, #tpu.memory_space<hbm>>
    %dma_start3A_403 = tpu.memref_squeeze %dma_start3A_402 : memref<1x16x1024xf32, #tpu.memory_space<hbm>> -> memref<16x1024xf32, #tpu.memory_space<hbm>>
    %dma_start3A_404 = arith.constant 0 : i32
    %dma_start3A_405 = tpu.memref_slice %arg2[%dma_start3A_400, %add3A_399, %dma_start3A_404] : memref<4x4096x1024xf32, #tpu.memory_space<hbm>> -> memref<1x16x1024xf32, #tpu.memory_space<hbm>>
    %dma_start3A_406 = tpu.memref_squeeze %dma_start3A_405 : memref<1x16x1024xf32, #tpu.memory_space<hbm>> -> memref<16x1024xf32, #tpu.memory_space<hbm>>
    tpu.enqueue_dma source(%dma_start3A_406 : memref<16x1024xf32, #tpu.memory_space<hbm>>) target(%arg9 : memref<16x1024xf32, #tpu.memory_space<vmem>>) target_semaphore(%arg16 : memref<!tpu.dma_semaphore, #tpu.memory_space<semaphore_mem>>)
    %dma_wait3A_407 = arith.constant 1 : i32
    %dma_wait3A_408 = arith.constant 0 : i32
    %dma_wait3A_409 = tpu.memref_slice %arg2[%dma_wait3A_407, %add3A_275, %dma_wait3A_408] : memref<4x4096x1024xf32, #tpu.memory_space<hbm>> -> memref<1x16x1024xf32, #tpu.memory_space<hbm>>
    %dma_wait3A_410 = tpu.memref_squeeze %dma_wait3A_409 : memref<1x16x1024xf32, #tpu.memory_space<hbm>> -> memref<16x1024xf32, #tpu.memory_space<hbm>>
    %dma_wait3A_411 = arith.constant 0 : i32
    %dma_wait3A_412 = tpu.memref_slice %arg2[%dma_wait3A_407, %add3A_275, %dma_wait3A_411] : memref<4x4096x1024xf32, #tpu.memory_space<hbm>> -> memref<1x16x1024xf32, #tpu.memory_space<hbm>>
    %dma_wait3A_413 = tpu.memref_squeeze %dma_wait3A_412 : memref<1x16x1024xf32, #tpu.memory_space<hbm>> -> memref<16x1024xf32, #tpu.memory_space<hbm>>
    tpu.wait_dma2 semaphore(%arg18 : memref<!tpu.dma_semaphore, #tpu.memory_space<semaphore_mem>>) src(%dma_wait3A_413 : memref<16x1024xf32, #tpu.memory_space<hbm>>) dst(%arg11 : memref<16x1024xf32, #tpu.memory_space<vmem>>)
    %scan3A_414 = arith.constant 0 : i32
    %scan3A_415 = arith.constant 0 : i32
    %scan3A_416 = arith.constant 16 : i32
    %scan3A_417 = arith.addi %scan3A_415, %scan3A_416 : i32
    %scan3A_418 = arith.constant 1 : i32
    scf.for %scan3A_1296 = %scan3A_415 to %scan3A_417 step %scan3A_418  : i32 {
      %parallel_loop3A = arith.constant 0 : i32
      %parallel_loop3A_1297 = arith.constant 64 : i32
      %parallel_loop3A_1298 = arith.constant 1 : i32
      scf.for %parallel_loop3A_1299 = %parallel_loop3A to %parallel_loop3A_1297 step %parallel_loop3A_1298  : i32 {
        %parallel_loop3A_1300 = arith.constant 16 : i32
        %parallel_loop3A_1301 = arith.muli %parallel_loop3A_1299, %parallel_loop3A_1300 : i32
        %parallel_loop3A_1302 = arith.index_cast %scan3A_1296 : i32 to index
        %parallel_loop3A_1303 = arith.index_cast %parallel_loop3A_1301 : i32 to index
        %parallel_loop3A_1304 = tpu.vector_load %arg5[%parallel_loop3A_1302, %parallel_loop3A_1303] {strides = array<i32>} : memref<16x1024xf32, #tpu.memory_space<vmem>>, vector<1x16xf32>,
        %parallel_loop3A_1305 = vector.shape_cast %parallel_loop3A_1304 : vector<1x16xf32> to vector<16xf32>
        %parallel_loop3A_1306 = arith.index_cast %scan3A_1296 : i32 to index
        %parallel_loop3A_1307 = arith.index_cast %parallel_loop3A_1301 : i32 to index
        %parallel_loop3A_1308 = tpu.vector_load %arg11[%parallel_loop3A_1306, %parallel_loop3A_1307] {strides = array<i32>} : memref<16x1024xf32, #tpu.memory_space<vmem>>, vector<1x16xf32>,
        %parallel_loop3A_1309 = vector.shape_cast %parallel_loop3A_1308 : vector<1x16xf32> to vector<16xf32>
        %parallel_loop3A_1310 = vector.shape_cast %parallel_loop3A_1305 : vector<16xf32> to vector<1x16xf32>
        tpu.vector_store %arg11[%parallel_loop3A_1306, %parallel_loop3A_1307], %parallel_loop3A_1310 {add = true, strides = array<i32>} : memref<16x1024xf32, #tpu.memory_space<vmem>>, vector<1x16xf32>,
      } {sc.loop_unroll_factor = 32 : i64, sc.parallel_access}
    }
    %scan3A_419 = arith.constant 16 : i32
    %add3A_420 = arith.constant 32 : i32
    %add3A_421 = arith.addi %mul3A_2, %add3A_420 : i32
    %dma_start3A_422 = arith.constant 1 : i32
    %dma_start3A_423 = arith.constant 0 : i32
    %dma_start3A_424 = tpu.memref_slice %arg4[%dma_start3A_422, %add3A_421, %dma_start3A_423] : memref<4x4096x1024xf32, #tpu.memory_space<hbm>> -> memref<1x16x1024xf32, #tpu.memory_space<hbm>>
    %dma_start3A_425 = tpu.memref_squeeze %dma_start3A_424 : memref<1x16x1024xf32, #tpu.memory_space<hbm>> -> memref<16x1024xf32, #tpu.memory_space<hbm>>
    %dma_start3A_426 = arith.constant 0 : i32
    %dma_start3A_427 = tpu.memref_slice %arg4[%dma_start3A_422, %add3A_421, %dma_start3A_426] : memref<4x4096x1024xf32, #tpu.memory_space<hbm>> -> memref<1x16x1024xf32, #tpu.memory_space<hbm>>
    %dma_start3A_428 = tpu.memref_squeeze %dma_start3A_427 : memref<1x16x1024xf32, #tpu.memory_space<hbm>> -> memref<16x1024xf32, #tpu.memory_space<hbm>>
    tpu.enqueue_dma source(%arg11 : memref<16x1024xf32, #tpu.memory_space<vmem>>) target(%dma_start3A_428 : memref<16x1024xf32, #tpu.memory_space<hbm>>) target_semaphore(%arg23 : memref<!tpu.dma_semaphore, #tpu.memory_space<semaphore_mem>>)
    %dma_wait3A_429 = arith.constant 0 : i32
    %dma_wait3A_430 = arith.constant 0 : i32
    %dma_wait3A_431 = tpu.memref_slice %arg4[%dma_wait3A_429, %add3A_383, %dma_wait3A_430] : memref<4x4096x1024xf32, #tpu.memory_space<hbm>> -> memref<1x16x1024xf32, #tpu.memory_space<hbm>>
    %dma_wait3A_432 = tpu.memref_squeeze %dma_wait3A_431 : memref<1x16x1024xf32, #tpu.memory_space<hbm>> -> memref<16x1024xf32, #tpu.memory_space<hbm>>
    %dma_wait3A_433 = arith.constant 0 : i32
    %dma_wait3A_434 = tpu.memref_slice %arg4[%dma_wait3A_429, %add3A_383, %dma_wait3A_433] : memref<4x4096x1024xf32, #tpu.memory_space<hbm>> -> memref<1x16x1024xf32, #tpu.memory_space<hbm>>
    %dma_wait3A_435 = tpu.memref_squeeze %dma_wait3A_434 : memref<1x16x1024xf32, #tpu.memory_space<hbm>> -> memref<16x1024xf32, #tpu.memory_space<hbm>>
    tpu.wait_dma2 semaphore(%arg22 : memref<!tpu.dma_semaphore, #tpu.memory_space<semaphore_mem>>) src(%arg10 : memref<16x1024xf32, #tpu.memory_space<vmem>>) dst(%dma_wait3A_435 : memref<16x1024xf32, #tpu.memory_space<hbm>>)
    %add3A_436 = arith.constant 48 : i32
    %add3A_437 = arith.addi %mul3A_2, %add3A_436 : i32
    %dma_start3A_438 = arith.constant 1 : i32
    %dma_start3A_439 = arith.constant 0 : i32
    %dma_start3A_440 = tpu.memref_slice %arg2[%dma_start3A_438, %add3A_437, %dma_start3A_439] : memref<4x4096x1024xf32, #tpu.memory_space<hbm>> -> memref<1x16x1024xf32, #tpu.memory_space<hbm>>
    %dma_start3A_441 = tpu.memref_squeeze %dma_start3A_440 : memref<1x16x1024xf32, #tpu.memory_space<hbm>> -> memref<16x1024xf32, #tpu.memory_space<hbm>>
    %dma_start3A_442 = arith.constant 0 : i32
    %dma_start3A_443 = tpu.memref_slice %arg2[%dma_start3A_438, %add3A_437, %dma_start3A_442] : memref<4x4096x1024xf32, #tpu.memory_space<hbm>> -> memref<1x16x1024xf32, #tpu.memory_space<hbm>>
    %dma_start3A_444 = tpu.memref_squeeze %dma_start3A_443 : memref<1x16x1024xf32, #tpu.memory_space<hbm>> -> memref<16x1024xf32, #tpu.memory_space<hbm>>
    tpu.enqueue_dma source(%dma_start3A_444 : memref<16x1024xf32, #tpu.memory_space<hbm>>) target(%arg10 : memref<16x1024xf32, #tpu.memory_space<vmem>>) target_semaphore(%arg17 : memref<!tpu.dma_semaphore, #tpu.memory_space<semaphore_mem>>)
    %dma_wait3A_445 = arith.constant 2 : i32
    %dma_wait3A_446 = arith.constant 0 : i32
    %dma_wait3A_447 = tpu.memref_slice %arg2[%dma_wait3A_445, %add3A_313, %dma_wait3A_446] : memref<4x4096x1024xf32, #tpu.memory_space<hbm>> -> memref<1x16x1024xf32, #tpu.memory_space<hbm>>
    %dma_wait3A_448 = tpu.memref_squeeze %dma_wait3A_447 : memref<1x16x1024xf32, #tpu.memory_space<hbm>> -> memref<16x1024xf32, #tpu.memory_space<hbm>>
    %dma_wait3A_449 = arith.constant 0 : i32
    %dma_wait3A_450 = tpu.memref_slice %arg2[%dma_wait3A_445, %add3A_313, %dma_wait3A_449] : memref<4x4096x1024xf32, #tpu.memory_space<hbm>> -> memref<1x16x1024xf32, #tpu.memory_space<hbm>>
    %dma_wait3A_451 = tpu.memref_squeeze %dma_wait3A_450 : memref<1x16x1024xf32, #tpu.memory_space<hbm>> -> memref<16x1024xf32, #tpu.memory_space<hbm>>
    tpu.wait_dma2 semaphore(%arg14 : memref<!tpu.dma_semaphore, #tpu.memory_space<semaphore_mem>>) src(%dma_wait3A_451 : memref<16x1024xf32, #tpu.memory_space<hbm>>) dst(%arg7 : memref<16x1024xf32, #tpu.memory_space<vmem>>)
    %scan3A_452 = arith.constant 0 : i32
    %scan3A_453 = arith.constant 0 : i32
    %scan3A_454 = arith.constant 16 : i32
    %scan3A_455 = arith.addi %scan3A_453, %scan3A_454 : i32
    %scan3A_456 = arith.constant 1 : i32
    scf.for %scan3A_1296 = %scan3A_453 to %scan3A_455 step %scan3A_456  : i32 {
      %parallel_loop3A = arith.constant 0 : i32
      %parallel_loop3A_1297 = arith.constant 64 : i32
      %parallel_loop3A_1298 = arith.constant 1 : i32
      scf.for %parallel_loop3A_1299 = %parallel_loop3A to %parallel_loop3A_1297 step %parallel_loop3A_1298  : i32 {
        %parallel_loop3A_1300 = arith.constant 16 : i32
        %parallel_loop3A_1301 = arith.muli %parallel_loop3A_1299, %parallel_loop3A_1300 : i32
        %parallel_loop3A_1302 = arith.index_cast %scan3A_1296 : i32 to index
        %parallel_loop3A_1303 = arith.index_cast %parallel_loop3A_1301 : i32 to index
        %parallel_loop3A_1304 = tpu.vector_load %arg5[%parallel_loop3A_1302, %parallel_loop3A_1303] {strides = array<i32>} : memref<16x1024xf32, #tpu.memory_space<vmem>>, vector<1x16xf32>,
        %parallel_loop3A_1305 = vector.shape_cast %parallel_loop3A_1304 : vector<1x16xf32> to vector<16xf32>
        %parallel_loop3A_1306 = arith.index_cast %scan3A_1296 : i32 to index
        %parallel_loop3A_1307 = arith.index_cast %parallel_loop3A_1301 : i32 to index
        %parallel_loop3A_1308 = tpu.vector_load %arg7[%parallel_loop3A_1306, %parallel_loop3A_1307] {strides = array<i32>} : memref<16x1024xf32, #tpu.memory_space<vmem>>, vector<1x16xf32>,
        %parallel_loop3A_1309 = vector.shape_cast %parallel_loop3A_1308 : vector<1x16xf32> to vector<16xf32>
        %parallel_loop3A_1310 = vector.shape_cast %parallel_loop3A_1305 : vector<16xf32> to vector<1x16xf32>
        tpu.vector_store %arg7[%parallel_loop3A_1306, %parallel_loop3A_1307], %parallel_loop3A_1310 {add = true, strides = array<i32>} : memref<16x1024xf32, #tpu.memory_space<vmem>>, vector<1x16xf32>,
      } {sc.loop_unroll_factor = 32 : i64, sc.parallel_access}
    }
    %scan3A_457 = arith.constant 16 : i32
    %add3A_458 = arith.constant 32 : i32
    %add3A_459 = arith.addi %mul3A_2, %add3A_458 : i32
    %dma_start3A_460 = arith.constant 2 : i32
    %dma_start3A_461 = arith.constant 0 : i32
    %dma_start3A_462 = tpu.memref_slice %arg4[%dma_start3A_460, %add3A_459, %dma_start3A_461] : memref<4x4096x1024xf32, #tpu.memory_space<hbm>> -> memref<1x16x1024xf32, #tpu.memory_space<hbm>>
    %dma_start3A_463 = tpu.memref_squeeze %dma_start3A_462 : memref<1x16x1024xf32, #tpu.memory_space<hbm>> -> memref<16x1024xf32, #tpu.memory_space<hbm>>
    %dma_start3A_464 = arith.constant 0 : i32
    %dma_start3A_465 = tpu.memref_slice %arg4[%dma_start3A_460, %add3A_459, %dma_start3A_464] : memref<4x4096x1024xf32, #tpu.memory_space<hbm>> -> memref<1x16x1024xf32, #tpu.memory_space<hbm>>
    %dma_start3A_466 = tpu.memref_squeeze %dma_start3A_465 : memref<1x16x1024xf32, #tpu.memory_space<hbm>> -> memref<16x1024xf32, #tpu.memory_space<hbm>>
    tpu.enqueue_dma source(%arg7 : memref<16x1024xf32, #tpu.memory_space<vmem>>) target(%dma_start3A_466 : memref<16x1024xf32, #tpu.memory_space<hbm>>) target_semaphore(%arg19 : memref<!tpu.dma_semaphore, #tpu.memory_space<semaphore_mem>>)
    %dma_wait3A_467 = arith.constant 1 : i32
    %dma_wait3A_468 = arith.constant 0 : i32
    %dma_wait3A_469 = tpu.memref_slice %arg4[%dma_wait3A_467, %add3A_421, %dma_wait3A_468] : memref<4x4096x1024xf32, #tpu.memory_space<hbm>> -> memref<1x16x1024xf32, #tpu.memory_space<hbm>>
    %dma_wait3A_470 = tpu.memref_squeeze %dma_wait3A_469 : memref<1x16x1024xf32, #tpu.memory_space<hbm>> -> memref<16x1024xf32, #tpu.memory_space<hbm>>
    %dma_wait3A_471 = arith.constant 0 : i32
    %dma_wait3A_472 = tpu.memref_slice %arg4[%dma_wait3A_467, %add3A_421, %dma_wait3A_471] : memref<4x4096x1024xf32, #tpu.memory_space<hbm>> -> memref<1x16x1024xf32, #tpu.memory_space<hbm>>
    %dma_wait3A_473 = tpu.memref_squeeze %dma_wait3A_472 : memref<1x16x1024xf32, #tpu.memory_space<hbm>> -> memref<16x1024xf32, #tpu.memory_space<hbm>>
    tpu.wait_dma2 semaphore(%arg23 : memref<!tpu.dma_semaphore, #tpu.memory_space<semaphore_mem>>) src(%arg11 : memref<16x1024xf32, #tpu.memory_space<vmem>>) dst(%dma_wait3A_473 : memref<16x1024xf32, #tpu.memory_space<hbm>>)
    %add3A_474 = arith.constant 48 : i32
    %add3A_475 = arith.addi %mul3A_2, %add3A_474 : i32
    %dma_start3A_476 = arith.constant 2 : i32
    %dma_start3A_477 = arith.constant 0 : i32
    %dma_start3A_478 = tpu.memref_slice %arg2[%dma_start3A_476, %add3A_475, %dma_start3A_477] : memref<4x4096x1024xf32, #tpu.memory_space<hbm>> -> memref<1x16x1024xf32, #tpu.memory_space<hbm>>
    %dma_start3A_479 = tpu.memref_squeeze %dma_start3A_478 : memref<1x16x1024xf32, #tpu.memory_space<hbm>> -> memref<16x1024xf32, #tpu.memory_space<hbm>>
    %dma_start3A_480 = arith.constant 0 : i32
    %dma_start3A_481 = tpu.memref_slice %arg2[%dma_start3A_476, %add3A_475, %dma_start3A_480] : memref<4x4096x1024xf32, #tpu.memory_space<hbm>> -> memref<1x16x1024xf32, #tpu.memory_space<hbm>>
    %dma_start3A_482 = tpu.memref_squeeze %dma_start3A_481 : memref<1x16x1024xf32, #tpu.memory_space<hbm>> -> memref<16x1024xf32, #tpu.memory_space<hbm>>
    tpu.enqueue_dma source(%dma_start3A_482 : memref<16x1024xf32, #tpu.memory_space<hbm>>) target(%arg11 : memref<16x1024xf32, #tpu.memory_space<vmem>>) target_semaphore(%arg18 : memref<!tpu.dma_semaphore, #tpu.memory_space<semaphore_mem>>)
    %dma_wait3A_483 = arith.constant 3 : i32
    %dma_wait3A_484 = arith.constant 0 : i32
    %dma_wait3A_485 = tpu.memref_slice %arg2[%dma_wait3A_483, %add3A_361, %dma_wait3A_484] : memref<4x4096x1024xf32, #tpu.memory_space<hbm>> -> memref<1x16x1024xf32, #tpu.memory_space<hbm>>
    %dma_wait3A_486 = tpu.memref_squeeze %dma_wait3A_485 : memref<1x16x1024xf32, #tpu.memory_space<hbm>> -> memref<16x1024xf32, #tpu.memory_space<hbm>>
    %dma_wait3A_487 = arith.constant 0 : i32
    %dma_wait3A_488 = tpu.memref_slice %arg2[%dma_wait3A_483, %add3A_361, %dma_wait3A_487] : memref<4x4096x1024xf32, #tpu.memory_space<hbm>> -> memref<1x16x1024xf32, #tpu.memory_space<hbm>>
    %dma_wait3A_489 = tpu.memref_squeeze %dma_wait3A_488 : memref<1x16x1024xf32, #tpu.memory_space<hbm>> -> memref<16x1024xf32, #tpu.memory_space<hbm>>
    tpu.wait_dma2 semaphore(%arg15 : memref<!tpu.dma_semaphore, #tpu.memory_space<semaphore_mem>>) src(%dma_wait3A_489 : memref<16x1024xf32, #tpu.memory_space<hbm>>) dst(%arg8 : memref<16x1024xf32, #tpu.memory_space<vmem>>)
    %scan3A_490 = arith.constant 0 : i32
    %scan3A_491 = arith.constant 0 : i32
    %scan3A_492 = arith.constant 16 : i32
    %scan3A_493 = arith.addi %scan3A_491, %scan3A_492 : i32
    %scan3A_494 = arith.constant 1 : i32
    scf.for %scan3A_1296 = %scan3A_491 to %scan3A_493 step %scan3A_494  : i32 {
      %parallel_loop3A = arith.constant 0 : i32
      %parallel_loop3A_1297 = arith.constant 64 : i32
      %parallel_loop3A_1298 = arith.constant 1 : i32
      scf.for %parallel_loop3A_1299 = %parallel_loop3A to %parallel_loop3A_1297 step %parallel_loop3A_1298  : i32 {
        %parallel_loop3A_1300 = arith.constant 16 : i32
        %parallel_loop3A_1301 = arith.muli %parallel_loop3A_1299, %parallel_loop3A_1300 : i32
        %parallel_loop3A_1302 = arith.index_cast %scan3A_1296 : i32 to index
        %parallel_loop3A_1303 = arith.index_cast %parallel_loop3A_1301 : i32 to index
        %parallel_loop3A_1304 = tpu.vector_load %arg5[%parallel_loop3A_1302, %parallel_loop3A_1303] {strides = array<i32>} : memref<16x1024xf32, #tpu.memory_space<vmem>>, vector<1x16xf32>,
        %parallel_loop3A_1305 = vector.shape_cast %parallel_loop3A_1304 : vector<1x16xf32> to vector<16xf32>
        %parallel_loop3A_1306 = arith.index_cast %scan3A_1296 : i32 to index
        %parallel_loop3A_1307 = arith.index_cast %parallel_loop3A_1301 : i32 to index
        %parallel_loop3A_1308 = tpu.vector_load %arg8[%parallel_loop3A_1306, %parallel_loop3A_1307] {strides = array<i32>} : memref<16x1024xf32, #tpu.memory_space<vmem>>, vector<1x16xf32>,
        %parallel_loop3A_1309 = vector.shape_cast %parallel_loop3A_1308 : vector<1x16xf32> to vector<16xf32>
        %parallel_loop3A_1310 = vector.shape_cast %parallel_loop3A_1305 : vector<16xf32> to vector<1x16xf32>
        tpu.vector_store %arg8[%parallel_loop3A_1306, %parallel_loop3A_1307], %parallel_loop3A_1310 {add = true, strides = array<i32>} : memref<16x1024xf32, #tpu.memory_space<vmem>>, vector<1x16xf32>,
      } {sc.loop_unroll_factor = 32 : i64, sc.parallel_access}
    }
    %scan3A_495 = arith.constant 16 : i32
    %add3A_496 = arith.constant 32 : i32
    %add3A_497 = arith.addi %mul3A_2, %add3A_496 : i32
    %dma_start3A_498 = arith.constant 3 : i32
    %dma_start3A_499 = arith.constant 0 : i32
    %dma_start3A_500 = tpu.memref_slice %arg4[%dma_start3A_498, %add3A_497, %dma_start3A_499] : memref<4x4096x1024xf32, #tpu.memory_space<hbm>> -> memref<1x16x1024xf32, #tpu.memory_space<hbm>>
    %dma_start3A_501 = tpu.memref_squeeze %dma_start3A_500 : memref<1x16x1024xf32, #tpu.memory_space<hbm>> -> memref<16x1024xf32, #tpu.memory_space<hbm>>
    %dma_start3A_502 = arith.constant 0 : i32
    %dma_start3A_503 = tpu.memref_slice %arg4[%dma_start3A_498, %add3A_497, %dma_start3A_502] : memref<4x4096x1024xf32, #tpu.memory_space<hbm>> -> memref<1x16x1024xf32, #tpu.memory_space<hbm>>
    %dma_start3A_504 = tpu.memref_squeeze %dma_start3A_503 : memref<1x16x1024xf32, #tpu.memory_space<hbm>> -> memref<16x1024xf32, #tpu.memory_space<hbm>>
    tpu.enqueue_dma source(%arg8 : memref<16x1024xf32, #tpu.memory_space<vmem>>) target(%dma_start3A_504 : memref<16x1024xf32, #tpu.memory_space<hbm>>) target_semaphore(%arg20 : memref<!tpu.dma_semaphore, #tpu.memory_space<semaphore_mem>>)
    %add3A_505 = arith.constant 64 : i32
    %add3A_506 = arith.addi %mul3A_2, %add3A_505 : i32
    %dma_start3A_507 = arith.constant 0 : i32
    %dma_start3A_508 = tpu.memref_slice %arg3[%add3A_506, %dma_start3A_507] : memref<8192x1024xf32, #tpu.memory_space<hbm>> -> memref<16x1024xf32, #tpu.memory_space<hbm>>
    %dma_start3A_509 = arith.constant 0 : i32
    %dma_start3A_510 = tpu.memref_slice %arg3[%add3A_506, %dma_start3A_509] : memref<8192x1024xf32, #tpu.memory_space<hbm>> -> memref<16x1024xf32, #tpu.memory_space<hbm>>
    tpu.enqueue_dma source(%dma_start3A_510 : memref<16x1024xf32, #tpu.memory_space<hbm>>) target(%arg5 : memref<16x1024xf32, #tpu.memory_space<vmem>>) target_semaphore(%arg12 : memref<!tpu.dma_semaphore, #tpu.memory_space<semaphore_mem>>)
    %dma_wait3A_511 = arith.constant 0 : i32
    %dma_wait3A_512 = tpu.memref_slice %arg3[%add3A_344, %dma_wait3A_511] : memref<8192x1024xf32, #tpu.memory_space<hbm>> -> memref<16x1024xf32, #tpu.memory_space<hbm>>
    %dma_wait3A_513 = arith.constant 0 : i32
    %dma_wait3A_514 = tpu.memref_slice %arg3[%add3A_344, %dma_wait3A_513] : memref<8192x1024xf32, #tpu.memory_space<hbm>> -> memref<16x1024xf32, #tpu.memory_space<hbm>>
    tpu.wait_dma2 semaphore(%arg13 : memref<!tpu.dma_semaphore, #tpu.memory_space<semaphore_mem>>) src(%dma_wait3A_514 : memref<16x1024xf32, #tpu.memory_space<hbm>>) dst(%arg6 : memref<16x1024xf32, #tpu.memory_space<vmem>>)
    %dma_wait3A_515 = arith.constant 2 : i32
    %dma_wait3A_516 = arith.constant 0 : i32
    %dma_wait3A_517 = tpu.memref_slice %arg4[%dma_wait3A_515, %add3A_459, %dma_wait3A_516] : memref<4x4096x1024xf32, #tpu.memory_space<hbm>> -> memref<1x16x1024xf32, #tpu.memory_space<hbm>>
    %dma_wait3A_518 = tpu.memref_squeeze %dma_wait3A_517 : memref<1x16x1024xf32, #tpu.memory_space<hbm>> -> memref<16x1024xf32, #tpu.memory_space<hbm>>
    %dma_wait3A_519 = arith.constant 0 : i32
    %dma_wait3A_520 = tpu.memref_slice %arg4[%dma_wait3A_515, %add3A_459, %dma_wait3A_519] : memref<4x4096x1024xf32, #tpu.memory_space<hbm>> -> memref<1x16x1024xf32, #tpu.memory_space<hbm>>
    %dma_wait3A_521 = tpu.memref_squeeze %dma_wait3A_520 : memref<1x16x1024xf32, #tpu.memory_space<hbm>> -> memref<16x1024xf32, #tpu.memory_space<hbm>>
    tpu.wait_dma2 semaphore(%arg19 : memref<!tpu.dma_semaphore, #tpu.memory_space<semaphore_mem>>) src(%arg7 : memref<16x1024xf32, #tpu.memory_space<vmem>>) dst(%dma_wait3A_521 : memref<16x1024xf32, #tpu.memory_space<hbm>>)
    %add3A_522 = arith.constant 48 : i32
    %add3A_523 = arith.addi %mul3A_2, %add3A_522 : i32
    %dma_start3A_524 = arith.constant 3 : i32
    %dma_start3A_525 = arith.constant 0 : i32
    %dma_start3A_526 = tpu.memref_slice %arg2[%dma_start3A_524, %add3A_523, %dma_start3A_525] : memref<4x4096x1024xf32, #tpu.memory_space<hbm>> -> memref<1x16x1024xf32, #tpu.memory_space<hbm>>
    %dma_start3A_527 = tpu.memref_squeeze %dma_start3A_526 : memref<1x16x1024xf32, #tpu.memory_space<hbm>> -> memref<16x1024xf32, #tpu.memory_space<hbm>>
    %dma_start3A_528 = arith.constant 0 : i32
    %dma_start3A_529 = tpu.memref_slice %arg2[%dma_start3A_524, %add3A_523, %dma_start3A_528] : memref<4x4096x1024xf32, #tpu.memory_space<hbm>> -> memref<1x16x1024xf32, #tpu.memory_space<hbm>>
    %dma_start3A_530 = tpu.memref_squeeze %dma_start3A_529 : memref<1x16x1024xf32, #tpu.memory_space<hbm>> -> memref<16x1024xf32, #tpu.memory_space<hbm>>
    tpu.enqueue_dma source(%dma_start3A_530 : memref<16x1024xf32, #tpu.memory_space<hbm>>) target(%arg7 : memref<16x1024xf32, #tpu.memory_space<vmem>>) target_semaphore(%arg14 : memref<!tpu.dma_semaphore, #tpu.memory_space<semaphore_mem>>)
    %dma_wait3A_531 = arith.constant 0 : i32
    %dma_wait3A_532 = arith.constant 0 : i32
    %dma_wait3A_533 = tpu.memref_slice %arg2[%dma_wait3A_531, %add3A_399, %dma_wait3A_532] : memref<4x4096x1024xf32, #tpu.memory_space<hbm>> -> memref<1x16x1024xf32, #tpu.memory_space<hbm>>
    %dma_wait3A_534 = tpu.memref_squeeze %dma_wait3A_533 : memref<1x16x1024xf32, #tpu.memory_space<hbm>> -> memref<16x1024xf32, #tpu.memory_space<hbm>>
    %dma_wait3A_535 = arith.constant 0 : i32
    %dma_wait3A_536 = tpu.memref_slice %arg2[%dma_wait3A_531, %add3A_399, %dma_wait3A_535] : memref<4x4096x1024xf32, #tpu.memory_space<hbm>> -> memref<1x16x1024xf32, #tpu.memory_space<hbm>>
    %dma_wait3A_537 = tpu.memref_squeeze %dma_wait3A_536 : memref<1x16x1024xf32, #tpu.memory_space<hbm>> -> memref<16x1024xf32, #tpu.memory_space<hbm>>
    tpu.wait_dma2 semaphore(%arg16 : memref<!tpu.dma_semaphore, #tpu.memory_space<semaphore_mem>>) src(%dma_wait3A_537 : memref<16x1024xf32, #tpu.memory_space<hbm>>) dst(%arg9 : memref<16x1024xf32, #tpu.memory_space<vmem>>)
    %scan3A_538 = arith.constant 0 : i32
    %scan3A_539 = arith.constant 0 : i32
    %scan3A_540 = arith.constant 16 : i32
    %scan3A_541 = arith.addi %scan3A_539, %scan3A_540 : i32
    %scan3A_542 = arith.constant 1 : i32
    scf.for %scan3A_1296 = %scan3A_539 to %scan3A_541 step %scan3A_542  : i32 {
      %parallel_loop3A = arith.constant 0 : i32
      %parallel_loop3A_1297 = arith.constant 64 : i32
      %parallel_loop3A_1298 = arith.constant 1 : i32
      scf.for %parallel_loop3A_1299 = %parallel_loop3A to %parallel_loop3A_1297 step %parallel_loop3A_1298  : i32 {
        %parallel_loop3A_1300 = arith.constant 16 : i32
        %parallel_loop3A_1301 = arith.muli %parallel_loop3A_1299, %parallel_loop3A_1300 : i32
        %parallel_loop3A_1302 = arith.index_cast %scan3A_1296 : i32 to index
        %parallel_loop3A_1303 = arith.index_cast %parallel_loop3A_1301 : i32 to index
        %parallel_loop3A_1304 = tpu.vector_load %arg6[%parallel_loop3A_1302, %parallel_loop3A_1303] {strides = array<i32>} : memref<16x1024xf32, #tpu.memory_space<vmem>>, vector<1x16xf32>,
        %parallel_loop3A_1305 = vector.shape_cast %parallel_loop3A_1304 : vector<1x16xf32> to vector<16xf32>
        %parallel_loop3A_1306 = arith.index_cast %scan3A_1296 : i32 to index
        %parallel_loop3A_1307 = arith.index_cast %parallel_loop3A_1301 : i32 to index
        %parallel_loop3A_1308 = tpu.vector_load %arg9[%parallel_loop3A_1306, %parallel_loop3A_1307] {strides = array<i32>} : memref<16x1024xf32, #tpu.memory_space<vmem>>, vector<1x16xf32>,
        %parallel_loop3A_1309 = vector.shape_cast %parallel_loop3A_1308 : vector<1x16xf32> to vector<16xf32>
        %parallel_loop3A_1310 = vector.shape_cast %parallel_loop3A_1305 : vector<16xf32> to vector<1x16xf32>
        tpu.vector_store %arg9[%parallel_loop3A_1306, %parallel_loop3A_1307], %parallel_loop3A_1310 {add = true, strides = array<i32>} : memref<16x1024xf32, #tpu.memory_space<vmem>>, vector<1x16xf32>,
      } {sc.loop_unroll_factor = 32 : i64, sc.parallel_access}
    }
    %scan3A_543 = arith.constant 16 : i32
    %add3A_544 = arith.constant 48 : i32
    %add3A_545 = arith.addi %mul3A_2, %add3A_544 : i32
    %dma_start3A_546 = arith.constant 0 : i32
    %dma_start3A_547 = arith.constant 0 : i32
    %dma_start3A_548 = tpu.memref_slice %arg4[%dma_start3A_546, %add3A_545, %dma_start3A_547] : memref<4x4096x1024xf32, #tpu.memory_space<hbm>> -> memref<1x16x1024xf32, #tpu.memory_space<hbm>>
    %dma_start3A_549 = tpu.memref_squeeze %dma_start3A_548 : memref<1x16x1024xf32, #tpu.memory_space<hbm>> -> memref<16x1024xf32, #tpu.memory_space<hbm>>
    %dma_start3A_550 = arith.constant 0 : i32
    %dma_start3A_551 = tpu.memref_slice %arg4[%dma_start3A_546, %add3A_545, %dma_start3A_550] : memref<4x4096x1024xf32, #tpu.memory_space<hbm>> -> memref<1x16x1024xf32, #tpu.memory_space<hbm>>
    %dma_start3A_552 = tpu.memref_squeeze %dma_start3A_551 : memref<1x16x1024xf32, #tpu.memory_space<hbm>> -> memref<16x1024xf32, #tpu.memory_space<hbm>>
    tpu.enqueue_dma source(%arg9 : memref<16x1024xf32, #tpu.memory_space<vmem>>) target(%dma_start3A_552 : memref<16x1024xf32, #tpu.memory_space<hbm>>) target_semaphore(%arg21 : memref<!tpu.dma_semaphore, #tpu.memory_space<semaphore_mem>>)
    %dma_wait3A_553 = arith.constant 3 : i32
    %dma_wait3A_554 = arith.constant 0 : i32
    %dma_wait3A_555 = tpu.memref_slice %arg4[%dma_wait3A_553, %add3A_497, %dma_wait3A_554] : memref<4x4096x1024xf32, #tpu.memory_space<hbm>> -> memref<1x16x1024xf32, #tpu.memory_space<hbm>>
    %dma_wait3A_556 = tpu.memref_squeeze %dma_wait3A_555 : memref<1x16x1024xf32, #tpu.memory_space<hbm>> -> memref<16x1024xf32, #tpu.memory_space<hbm>>
    %dma_wait3A_557 = arith.constant 0 : i32
    %dma_wait3A_558 = tpu.memref_slice %arg4[%dma_wait3A_553, %add3A_497, %dma_wait3A_557] : memref<4x4096x1024xf32, #tpu.memory_space<hbm>> -> memref<1x16x1024xf32, #tpu.memory_space<hbm>>
    %dma_wait3A_559 = tpu.memref_squeeze %dma_wait3A_558 : memref<1x16x1024xf32, #tpu.memory_space<hbm>> -> memref<16x1024xf32, #tpu.memory_space<hbm>>
    tpu.wait_dma2 semaphore(%arg20 : memref<!tpu.dma_semaphore, #tpu.memory_space<semaphore_mem>>) src(%arg8 : memref<16x1024xf32, #tpu.memory_space<vmem>>) dst(%dma_wait3A_559 : memref<16x1024xf32, #tpu.memory_space<hbm>>)
    %add3A_560 = arith.constant 64 : i32
    %add3A_561 = arith.addi %mul3A_2, %add3A_560 : i32
    %dma_start3A_562 = arith.constant 0 : i32
    %dma_start3A_563 = arith.constant 0 : i32
    %dma_start3A_564 = tpu.memref_slice %arg2[%dma_start3A_562, %add3A_561, %dma_start3A_563] : memref<4x4096x1024xf32, #tpu.memory_space<hbm>> -> memref<1x16x1024xf32, #tpu.memory_space<hbm>>
    %dma_start3A_565 = tpu.memref_squeeze %dma_start3A_564 : memref<1x16x1024xf32, #tpu.memory_space<hbm>> -> memref<16x1024xf32, #tpu.memory_space<hbm>>
    %dma_start3A_566 = arith.constant 0 : i32
    %dma_start3A_567 = tpu.memref_slice %arg2[%dma_start3A_562, %add3A_561, %dma_start3A_566] : memref<4x4096x1024xf32, #tpu.memory_space<hbm>> -> memref<1x16x1024xf32, #tpu.memory_space<hbm>>
    %dma_start3A_568 = tpu.memref_squeeze %dma_start3A_567 : memref<1x16x1024xf32, #tpu.memory_space<hbm>> -> memref<16x1024xf32, #tpu.memory_space<hbm>>
    tpu.enqueue_dma source(%dma_start3A_568 : memref<16x1024xf32, #tpu.memory_space<hbm>>) target(%arg8 : memref<16x1024xf32, #tpu.memory_space<vmem>>) target_semaphore(%arg15 : memref<!tpu.dma_semaphore, #tpu.memory_space<semaphore_mem>>)
    %dma_wait3A_569 = arith.constant 1 : i32
    %dma_wait3A_570 = arith.constant 0 : i32
    %dma_wait3A_571 = tpu.memref_slice %arg2[%dma_wait3A_569, %add3A_437, %dma_wait3A_570] : memref<4x4096x1024xf32, #tpu.memory_space<hbm>> -> memref<1x16x1024xf32, #tpu.memory_space<hbm>>
    %dma_wait3A_572 = tpu.memref_squeeze %dma_wait3A_571 : memref<1x16x1024xf32, #tpu.memory_space<hbm>> -> memref<16x1024xf32, #tpu.memory_space<hbm>>
    %dma_wait3A_573 = arith.constant 0 : i32
    %dma_wait3A_574 = tpu.memref_slice %arg2[%dma_wait3A_569, %add3A_437, %dma_wait3A_573] : memref<4x4096x1024xf32, #tpu.memory_space<hbm>> -> memref<1x16x1024xf32, #tpu.memory_space<hbm>>
    %dma_wait3A_575 = tpu.memref_squeeze %dma_wait3A_574 : memref<1x16x1024xf32, #tpu.memory_space<hbm>> -> memref<16x1024xf32, #tpu.memory_space<hbm>>
    tpu.wait_dma2 semaphore(%arg17 : memref<!tpu.dma_semaphore, #tpu.memory_space<semaphore_mem>>) src(%dma_wait3A_575 : memref<16x1024xf32, #tpu.memory_space<hbm>>) dst(%arg10 : memref<16x1024xf32, #tpu.memory_space<vmem>>)
    %scan3A_576 = arith.constant 0 : i32
    %scan3A_577 = arith.constant 0 : i32
    %scan3A_578 = arith.constant 16 : i32
    %scan3A_579 = arith.addi %scan3A_577, %scan3A_578 : i32
    %scan3A_580 = arith.constant 1 : i32
    scf.for %scan3A_1296 = %scan3A_577 to %scan3A_579 step %scan3A_580  : i32 {
      %parallel_loop3A = arith.constant 0 : i32
      %parallel_loop3A_1297 = arith.constant 64 : i32
      %parallel_loop3A_1298 = arith.constant 1 : i32
      scf.for %parallel_loop3A_1299 = %parallel_loop3A to %parallel_loop3A_1297 step %parallel_loop3A_1298  : i32 {
        %parallel_loop3A_1300 = arith.constant 16 : i32
        %parallel_loop3A_1301 = arith.muli %parallel_loop3A_1299, %parallel_loop3A_1300 : i32
        %parallel_loop3A_1302 = arith.index_cast %scan3A_1296 : i32 to index
        %parallel_loop3A_1303 = arith.index_cast %parallel_loop3A_1301 : i32 to index
        %parallel_loop3A_1304 = tpu.vector_load %arg6[%parallel_loop3A_1302, %parallel_loop3A_1303] {strides = array<i32>} : memref<16x1024xf32, #tpu.memory_space<vmem>>, vector<1x16xf32>,
        %parallel_loop3A_1305 = vector.shape_cast %parallel_loop3A_1304 : vector<1x16xf32> to vector<16xf32>
        %parallel_loop3A_1306 = arith.index_cast %scan3A_1296 : i32 to index
        %parallel_loop3A_1307 = arith.index_cast %parallel_loop3A_1301 : i32 to index
        %parallel_loop3A_1308 = tpu.vector_load %arg10[%parallel_loop3A_1306, %parallel_loop3A_1307] {strides = array<i32>} : memref<16x1024xf32, #tpu.memory_space<vmem>>, vector<1x16xf32>,
        %parallel_loop3A_1309 = vector.shape_cast %parallel_loop3A_1308 : vector<1x16xf32> to vector<16xf32>
        %parallel_loop3A_1310 = vector.shape_cast %parallel_loop3A_1305 : vector<16xf32> to vector<1x16xf32>
        tpu.vector_store %arg10[%parallel_loop3A_1306, %parallel_loop3A_1307], %parallel_loop3A_1310 {add = true, strides = array<i32>} : memref<16x1024xf32, #tpu.memory_space<vmem>>, vector<1x16xf32>,
      } {sc.loop_unroll_factor = 32 : i64, sc.parallel_access}
    }
    %scan3A_581 = arith.constant 16 : i32
    %add3A_582 = arith.constant 48 : i32
    %add3A_583 = arith.addi %mul3A_2, %add3A_582 : i32
    %dma_start3A_584 = arith.constant 1 : i32
    %dma_start3A_585 = arith.constant 0 : i32
    %dma_start3A_586 = tpu.memref_slice %arg4[%dma_start3A_584, %add3A_583, %dma_start3A_585] : memref<4x4096x1024xf32, #tpu.memory_space<hbm>> -> memref<1x16x1024xf32, #tpu.memory_space<hbm>>
    %dma_start3A_587 = tpu.memref_squeeze %dma_start3A_586 : memref<1x16x1024xf32, #tpu.memory_space<hbm>> -> memref<16x1024xf32, #tpu.memory_space<hbm>>
    %dma_start3A_588 = arith.constant 0 : i32
    %dma_start3A_589 = tpu.memref_slice %arg4[%dma_start3A_584, %add3A_583, %dma_start3A_588] : memref<4x4096x1024xf32, #tpu.memory_space<hbm>> -> memref<1x16x1024xf32, #tpu.memory_space<hbm>>
    %dma_start3A_590 = tpu.memref_squeeze %dma_start3A_589 : memref<1x16x1024xf32, #tpu.memory_space<hbm>> -> memref<16x1024xf32, #tpu.memory_space<hbm>>
    tpu.enqueue_dma source(%arg10 : memref<16x1024xf32, #tpu.memory_space<vmem>>) target(%dma_start3A_590 : memref<16x1024xf32, #tpu.memory_space<hbm>>) target_semaphore(%arg22 : memref<!tpu.dma_semaphore, #tpu.memory_space<semaphore_mem>>)
    %dma_wait3A_591 = arith.constant 0 : i32
    %dma_wait3A_592 = arith.constant 0 : i32
    %dma_wait3A_593 = tpu.memref_slice %arg4[%dma_wait3A_591, %add3A_545, %dma_wait3A_592] : memref<4x4096x1024xf32, #tpu.memory_space<hbm>> -> memref<1x16x1024xf32, #tpu.memory_space<hbm>>
    %dma_wait3A_594 = tpu.memref_squeeze %dma_wait3A_593 : memref<1x16x1024xf32, #tpu.memory_space<hbm>> -> memref<16x1024xf32, #tpu.memory_space<hbm>>
    %dma_wait3A_595 = arith.constant 0 : i32
    %dma_wait3A_596 = tpu.memref_slice %arg4[%dma_wait3A_591, %add3A_545, %dma_wait3A_595] : memref<4x4096x1024xf32, #tpu.memory_space<hbm>> -> memref<1x16x1024xf32, #tpu.memory_space<hbm>>
    %dma_wait3A_597 = tpu.memref_squeeze %dma_wait3A_596 : memref<1x16x1024xf32, #tpu.memory_space<hbm>> -> memref<16x1024xf32, #tpu.memory_space<hbm>>
    tpu.wait_dma2 semaphore(%arg21 : memref<!tpu.dma_semaphore, #tpu.memory_space<semaphore_mem>>) src(%arg9 : memref<16x1024xf32, #tpu.memory_space<vmem>>) dst(%dma_wait3A_597 : memref<16x1024xf32, #tpu.memory_space<hbm>>)
    %add3A_598 = arith.constant 64 : i32
    %add3A_599 = arith.addi %mul3A_2, %add3A_598 : i32
    %dma_start3A_600 = arith.constant 1 : i32
    %dma_start3A_601 = arith.constant 0 : i32
    %dma_start3A_602 = tpu.memref_slice %arg2[%dma_start3A_600, %add3A_599, %dma_start3A_601] : memref<4x4096x1024xf32, #tpu.memory_space<hbm>> -> memref<1x16x1024xf32, #tpu.memory_space<hbm>>
    %dma_start3A_603 = tpu.memref_squeeze %dma_start3A_602 : memref<1x16x1024xf32, #tpu.memory_space<hbm>> -> memref<16x1024xf32, #tpu.memory_space<hbm>>
    %dma_start3A_604 = arith.constant 0 : i32
    %dma_start3A_605 = tpu.memref_slice %arg2[%dma_start3A_600, %add3A_599, %dma_start3A_604] : memref<4x4096x1024xf32, #tpu.memory_space<hbm>> -> memref<1x16x1024xf32, #tpu.memory_space<hbm>>
    %dma_start3A_606 = tpu.memref_squeeze %dma_start3A_605 : memref<1x16x1024xf32, #tpu.memory_space<hbm>> -> memref<16x1024xf32, #tpu.memory_space<hbm>>
    tpu.enqueue_dma source(%dma_start3A_606 : memref<16x1024xf32, #tpu.memory_space<hbm>>) target(%arg9 : memref<16x1024xf32, #tpu.memory_space<vmem>>) target_semaphore(%arg16 : memref<!tpu.dma_semaphore, #tpu.memory_space<semaphore_mem>>)
    %dma_wait3A_607 = arith.constant 2 : i32
    %dma_wait3A_608 = arith.constant 0 : i32
    %dma_wait3A_609 = tpu.memref_slice %arg2[%dma_wait3A_607, %add3A_475, %dma_wait3A_608] : memref<4x4096x1024xf32, #tpu.memory_space<hbm>> -> memref<1x16x1024xf32, #tpu.memory_space<hbm>>
    %dma_wait3A_610 = tpu.memref_squeeze %dma_wait3A_609 : memref<1x16x1024xf32, #tpu.memory_space<hbm>> -> memref<16x1024xf32, #tpu.memory_space<hbm>>
    %dma_wait3A_611 = arith.constant 0 : i32
    %dma_wait3A_612 = tpu.memref_slice %arg2[%dma_wait3A_607, %add3A_475, %dma_wait3A_611] : memref<4x4096x1024xf32, #tpu.memory_space<hbm>> -> memref<1x16x1024xf32, #tpu.memory_space<hbm>>
    %dma_wait3A_613 = tpu.memref_squeeze %dma_wait3A_612 : memref<1x16x1024xf32, #tpu.memory_space<hbm>> -> memref<16x1024xf32, #tpu.memory_space<hbm>>
    tpu.wait_dma2 semaphore(%arg18 : memref<!tpu.dma_semaphore, #tpu.memory_space<semaphore_mem>>) src(%dma_wait3A_613 : memref<16x1024xf32, #tpu.memory_space<hbm>>) dst(%arg11 : memref<16x1024xf32, #tpu.memory_space<vmem>>)
    %scan3A_614 = arith.constant 0 : i32
    %scan3A_615 = arith.constant 0 : i32
    %scan3A_616 = arith.constant 16 : i32
    %scan3A_617 = arith.addi %scan3A_615, %scan3A_616 : i32
    %scan3A_618 = arith.constant 1 : i32
    scf.for %scan3A_1296 = %scan3A_615 to %scan3A_617 step %scan3A_618  : i32 {
      %parallel_loop3A = arith.constant 0 : i32
      %parallel_loop3A_1297 = arith.constant 64 : i32
      %parallel_loop3A_1298 = arith.constant 1 : i32
      scf.for %parallel_loop3A_1299 = %parallel_loop3A to %parallel_loop3A_1297 step %parallel_loop3A_1298  : i32 {
        %parallel_loop3A_1300 = arith.constant 16 : i32
        %parallel_loop3A_1301 = arith.muli %parallel_loop3A_1299, %parallel_loop3A_1300 : i32
        %parallel_loop3A_1302 = arith.index_cast %scan3A_1296 : i32 to index
        %parallel_loop3A_1303 = arith.index_cast %parallel_loop3A_1301 : i32 to index
        %parallel_loop3A_1304 = tpu.vector_load %arg6[%parallel_loop3A_1302, %parallel_loop3A_1303] {strides = array<i32>} : memref<16x1024xf32, #tpu.memory_space<vmem>>, vector<1x16xf32>,
        %parallel_loop3A_1305 = vector.shape_cast %parallel_loop3A_1304 : vector<1x16xf32> to vector<16xf32>
        %parallel_loop3A_1306 = arith.index_cast %scan3A_1296 : i32 to index
        %parallel_loop3A_1307 = arith.index_cast %parallel_loop3A_1301 : i32 to index
        %parallel_loop3A_1308 = tpu.vector_load %arg11[%parallel_loop3A_1306, %parallel_loop3A_1307] {strides = array<i32>} : memref<16x1024xf32, #tpu.memory_space<vmem>>, vector<1x16xf32>,
        %parallel_loop3A_1309 = vector.shape_cast %parallel_loop3A_1308 : vector<1x16xf32> to vector<16xf32>
        %parallel_loop3A_1310 = vector.shape_cast %parallel_loop3A_1305 : vector<16xf32> to vector<1x16xf32>
        tpu.vector_store %arg11[%parallel_loop3A_1306, %parallel_loop3A_1307], %parallel_loop3A_1310 {add = true, strides = array<i32>} : memref<16x1024xf32, #tpu.memory_space<vmem>>, vector<1x16xf32>,
      } {sc.loop_unroll_factor = 32 : i64, sc.parallel_access}
    }
    %scan3A_619 = arith.constant 16 : i32
    %add3A_620 = arith.constant 48 : i32
    %add3A_621 = arith.addi %mul3A_2, %add3A_620 : i32
    %dma_start3A_622 = arith.constant 2 : i32
    %dma_start3A_623 = arith.constant 0 : i32
    %dma_start3A_624 = tpu.memref_slice %arg4[%dma_start3A_622, %add3A_621, %dma_start3A_623] : memref<4x4096x1024xf32, #tpu.memory_space<hbm>> -> memref<1x16x1024xf32, #tpu.memory_space<hbm>>
    %dma_start3A_625 = tpu.memref_squeeze %dma_start3A_624 : memref<1x16x1024xf32, #tpu.memory_space<hbm>> -> memref<16x1024xf32, #tpu.memory_space<hbm>>
    %dma_start3A_626 = arith.constant 0 : i32
    %dma_start3A_627 = tpu.memref_slice %arg4[%dma_start3A_622, %add3A_621, %dma_start3A_626] : memref<4x4096x1024xf32, #tpu.memory_space<hbm>> -> memref<1x16x1024xf32, #tpu.memory_space<hbm>>
    %dma_start3A_628 = tpu.memref_squeeze %dma_start3A_627 : memref<1x16x1024xf32, #tpu.memory_space<hbm>> -> memref<16x1024xf32, #tpu.memory_space<hbm>>
    tpu.enqueue_dma source(%arg11 : memref<16x1024xf32, #tpu.memory_space<vmem>>) target(%dma_start3A_628 : memref<16x1024xf32, #tpu.memory_space<hbm>>) target_semaphore(%arg23 : memref<!tpu.dma_semaphore, #tpu.memory_space<semaphore_mem>>)
    %dma_wait3A_629 = arith.constant 1 : i32
    %dma_wait3A_630 = arith.constant 0 : i32
    %dma_wait3A_631 = tpu.memref_slice %arg4[%dma_wait3A_629, %add3A_583, %dma_wait3A_630] : memref<4x4096x1024xf32, #tpu.memory_space<hbm>> -> memref<1x16x1024xf32, #tpu.memory_space<hbm>>
    %dma_wait3A_632 = tpu.memref_squeeze %dma_wait3A_631 : memref<1x16x1024xf32, #tpu.memory_space<hbm>> -> memref<16x1024xf32, #tpu.memory_space<hbm>>
    %dma_wait3A_633 = arith.constant 0 : i32
    %dma_wait3A_634 = tpu.memref_slice %arg4[%dma_wait3A_629, %add3A_583, %dma_wait3A_633] : memref<4x4096x1024xf32, #tpu.memory_space<hbm>> -> memref<1x16x1024xf32, #tpu.memory_space<hbm>>
    %dma_wait3A_635 = tpu.memref_squeeze %dma_wait3A_634 : memref<1x16x1024xf32, #tpu.memory_space<hbm>> -> memref<16x1024xf32, #tpu.memory_space<hbm>>
    tpu.wait_dma2 semaphore(%arg22 : memref<!tpu.dma_semaphore, #tpu.memory_space<semaphore_mem>>) src(%arg10 : memref<16x1024xf32, #tpu.memory_space<vmem>>) dst(%dma_wait3A_635 : memref<16x1024xf32, #tpu.memory_space<hbm>>)
    %add3A_636 = arith.constant 64 : i32
    %add3A_637 = arith.addi %mul3A_2, %add3A_636 : i32
    %dma_start3A_638 = arith.constant 2 : i32
    %dma_start3A_639 = arith.constant 0 : i32
    %dma_start3A_640 = tpu.memref_slice %arg2[%dma_start3A_638, %add3A_637, %dma_start3A_639] : memref<4x4096x1024xf32, #tpu.memory_space<hbm>> -> memref<1x16x1024xf32, #tpu.memory_space<hbm>>
    %dma_start3A_641 = tpu.memref_squeeze %dma_start3A_640 : memref<1x16x1024xf32, #tpu.memory_space<hbm>> -> memref<16x1024xf32, #tpu.memory_space<hbm>>
    %dma_start3A_642 = arith.constant 0 : i32
    %dma_start3A_643 = tpu.memref_slice %arg2[%dma_start3A_638, %add3A_637, %dma_start3A_642] : memref<4x4096x1024xf32, #tpu.memory_space<hbm>> -> memref<1x16x1024xf32, #tpu.memory_space<hbm>>
    %dma_start3A_644 = tpu.memref_squeeze %dma_start3A_643 : memref<1x16x1024xf32, #tpu.memory_space<hbm>> -> memref<16x1024xf32, #tpu.memory_space<hbm>>
    tpu.enqueue_dma source(%dma_start3A_644 : memref<16x1024xf32, #tpu.memory_space<hbm>>) target(%arg10 : memref<16x1024xf32, #tpu.memory_space<vmem>>) target_semaphore(%arg17 : memref<!tpu.dma_semaphore, #tpu.memory_space<semaphore_mem>>)
    %dma_wait3A_645 = arith.constant 3 : i32
    %dma_wait3A_646 = arith.constant 0 : i32
    %dma_wait3A_647 = tpu.memref_slice %arg2[%dma_wait3A_645, %add3A_523, %dma_wait3A_646] : memref<4x4096x1024xf32, #tpu.memory_space<hbm>> -> memref<1x16x1024xf32, #tpu.memory_space<hbm>>
    %dma_wait3A_648 = tpu.memref_squeeze %dma_wait3A_647 : memref<1x16x1024xf32, #tpu.memory_space<hbm>> -> memref<16x1024xf32, #tpu.memory_space<hbm>>
    %dma_wait3A_649 = arith.constant 0 : i32
    %dma_wait3A_650 = tpu.memref_slice %arg2[%dma_wait3A_645, %add3A_523, %dma_wait3A_649] : memref<4x4096x1024xf32, #tpu.memory_space<hbm>> -> memref<1x16x1024xf32, #tpu.memory_space<hbm>>
    %dma_wait3A_651 = tpu.memref_squeeze %dma_wait3A_650 : memref<1x16x1024xf32, #tpu.memory_space<hbm>> -> memref<16x1024xf32, #tpu.memory_space<hbm>>
    tpu.wait_dma2 semaphore(%arg14 : memref<!tpu.dma_semaphore, #tpu.memory_space<semaphore_mem>>) src(%dma_wait3A_651 : memref<16x1024xf32, #tpu.memory_space<hbm>>) dst(%arg7 : memref<16x1024xf32, #tpu.memory_space<vmem>>)
    %scan3A_652 = arith.constant 0 : i32
    %scan3A_653 = arith.constant 0 : i32
    %scan3A_654 = arith.constant 16 : i32
    %scan3A_655 = arith.addi %scan3A_653, %scan3A_654 : i32
    %scan3A_656 = arith.constant 1 : i32
    scf.for %scan3A_1296 = %scan3A_653 to %scan3A_655 step %scan3A_656  : i32 {
      %parallel_loop3A = arith.constant 0 : i32
      %parallel_loop3A_1297 = arith.constant 64 : i32
      %parallel_loop3A_1298 = arith.constant 1 : i32
      scf.for %parallel_loop3A_1299 = %parallel_loop3A to %parallel_loop3A_1297 step %parallel_loop3A_1298  : i32 {
        %parallel_loop3A_1300 = arith.constant 16 : i32
        %parallel_loop3A_1301 = arith.muli %parallel_loop3A_1299, %parallel_loop3A_1300 : i32
        %parallel_loop3A_1302 = arith.index_cast %scan3A_1296 : i32 to index
        %parallel_loop3A_1303 = arith.index_cast %parallel_loop3A_1301 : i32 to index
        %parallel_loop3A_1304 = tpu.vector_load %arg6[%parallel_loop3A_1302, %parallel_loop3A_1303] {strides = array<i32>} : memref<16x1024xf32, #tpu.memory_space<vmem>>, vector<1x16xf32>,
        %parallel_loop3A_1305 = vector.shape_cast %parallel_loop3A_1304 : vector<1x16xf32> to vector<16xf32>
        %parallel_loop3A_1306 = arith.index_cast %scan3A_1296 : i32 to index
        %parallel_loop3A_1307 = arith.index_cast %parallel_loop3A_1301 : i32 to index
        %parallel_loop3A_1308 = tpu.vector_load %arg7[%parallel_loop3A_1306, %parallel_loop3A_1307] {strides = array<i32>} : memref<16x1024xf32, #tpu.memory_space<vmem>>, vector<1x16xf32>,
        %parallel_loop3A_1309 = vector.shape_cast %parallel_loop3A_1308 : vector<1x16xf32> to vector<16xf32>
        %parallel_loop3A_1310 = vector.shape_cast %parallel_loop3A_1305 : vector<16xf32> to vector<1x16xf32>
        tpu.vector_store %arg7[%parallel_loop3A_1306, %parallel_loop3A_1307], %parallel_loop3A_1310 {add = true, strides = array<i32>} : memref<16x1024xf32, #tpu.memory_space<vmem>>, vector<1x16xf32>,
      } {sc.loop_unroll_factor = 32 : i64, sc.parallel_access}
    }
    %scan3A_657 = arith.constant 16 : i32
    %add3A_658 = arith.constant 48 : i32
    %add3A_659 = arith.addi %mul3A_2, %add3A_658 : i32
    %dma_start3A_660 = arith.constant 3 : i32
    %dma_start3A_661 = arith.constant 0 : i32
    %dma_start3A_662 = tpu.memref_slice %arg4[%dma_start3A_660, %add3A_659, %dma_start3A_661] : memref<4x4096x1024xf32, #tpu.memory_space<hbm>> -> memref<1x16x1024xf32, #tpu.memory_space<hbm>>
    %dma_start3A_663 = tpu.memref_squeeze %dma_start3A_662 : memref<1x16x1024xf32, #tpu.memory_space<hbm>> -> memref<16x1024xf32, #tpu.memory_space<hbm>>
    %dma_start3A_664 = arith.constant 0 : i32
    %dma_start3A_665 = tpu.memref_slice %arg4[%dma_start3A_660, %add3A_659, %dma_start3A_664] : memref<4x4096x1024xf32, #tpu.memory_space<hbm>> -> memref<1x16x1024xf32, #tpu.memory_space<hbm>>
    %dma_start3A_666 = tpu.memref_squeeze %dma_start3A_665 : memref<1x16x1024xf32, #tpu.memory_space<hbm>> -> memref<16x1024xf32, #tpu.memory_space<hbm>>
    tpu.enqueue_dma source(%arg7 : memref<16x1024xf32, #tpu.memory_space<vmem>>) target(%dma_start3A_666 : memref<16x1024xf32, #tpu.memory_space<hbm>>) target_semaphore(%arg19 : memref<!tpu.dma_semaphore, #tpu.memory_space<semaphore_mem>>)
    %add3A_667 = arith.constant 80 : i32
    %add3A_668 = arith.addi %mul3A_2, %add3A_667 : i32
    %dma_start3A_669 = arith.constant 0 : i32
    %dma_start3A_670 = tpu.memref_slice %arg3[%add3A_668, %dma_start3A_669] : memref<8192x1024xf32, #tpu.memory_space<hbm>> -> memref<16x1024xf32, #tpu.memory_space<hbm>>
    %dma_start3A_671 = arith.constant 0 : i32
    %dma_start3A_672 = tpu.memref_slice %arg3[%add3A_668, %dma_start3A_671] : memref<8192x1024xf32, #tpu.memory_space<hbm>> -> memref<16x1024xf32, #tpu.memory_space<hbm>>
    tpu.enqueue_dma source(%dma_start3A_672 : memref<16x1024xf32, #tpu.memory_space<hbm>>) target(%arg6 : memref<16x1024xf32, #tpu.memory_space<vmem>>) target_semaphore(%arg13 : memref<!tpu.dma_semaphore, #tpu.memory_space<semaphore_mem>>)
    %dma_wait3A_673 = arith.constant 0 : i32
    %dma_wait3A_674 = tpu.memref_slice %arg3[%add3A_506, %dma_wait3A_673] : memref<8192x1024xf32, #tpu.memory_space<hbm>> -> memref<16x1024xf32, #tpu.memory_space<hbm>>
    %dma_wait3A_675 = arith.constant 0 : i32
    %dma_wait3A_676 = tpu.memref_slice %arg3[%add3A_506, %dma_wait3A_675] : memref<8192x1024xf32, #tpu.memory_space<hbm>> -> memref<16x1024xf32, #tpu.memory_space<hbm>>
    tpu.wait_dma2 semaphore(%arg12 : memref<!tpu.dma_semaphore, #tpu.memory_space<semaphore_mem>>) src(%dma_wait3A_676 : memref<16x1024xf32, #tpu.memory_space<hbm>>) dst(%arg5 : memref<16x1024xf32, #tpu.memory_space<vmem>>)
    %dma_wait3A_677 = arith.constant 2 : i32
    %dma_wait3A_678 = arith.constant 0 : i32
    %dma_wait3A_679 = tpu.memref_slice %arg4[%dma_wait3A_677, %add3A_621, %dma_wait3A_678] : memref<4x4096x1024xf32, #tpu.memory_space<hbm>> -> memref<1x16x1024xf32, #tpu.memory_space<hbm>>
    %dma_wait3A_680 = tpu.memref_squeeze %dma_wait3A_679 : memref<1x16x1024xf32, #tpu.memory_space<hbm>> -> memref<16x1024xf32, #tpu.memory_space<hbm>>
    %dma_wait3A_681 = arith.constant 0 : i32
    %dma_wait3A_682 = tpu.memref_slice %arg4[%dma_wait3A_677, %add3A_621, %dma_wait3A_681] : memref<4x4096x1024xf32, #tpu.memory_space<hbm>> -> memref<1x16x1024xf32, #tpu.memory_space<hbm>>
    %dma_wait3A_683 = tpu.memref_squeeze %dma_wait3A_682 : memref<1x16x1024xf32, #tpu.memory_space<hbm>> -> memref<16x1024xf32, #tpu.memory_space<hbm>>
    tpu.wait_dma2 semaphore(%arg23 : memref<!tpu.dma_semaphore, #tpu.memory_space<semaphore_mem>>) src(%arg11 : memref<16x1024xf32, #tpu.memory_space<vmem>>) dst(%dma_wait3A_683 : memref<16x1024xf32, #tpu.memory_space<hbm>>)
    %add3A_684 = arith.constant 64 : i32
    %add3A_685 = arith.addi %mul3A_2, %add3A_684 : i32
    %dma_start3A_686 = arith.constant 3 : i32
    %dma_start3A_687 = arith.constant 0 : i32
    %dma_start3A_688 = tpu.memref_slice %arg2[%dma_start3A_686, %add3A_685, %dma_start3A_687] : memref<4x4096x1024xf32, #tpu.memory_space<hbm>> -> memref<1x16x1024xf32, #tpu.memory_space<hbm>>
    %dma_start3A_689 = tpu.memref_squeeze %dma_start3A_688 : memref<1x16x1024xf32, #tpu.memory_space<hbm>> -> memref<16x1024xf32, #tpu.memory_space<hbm>>
    %dma_start3A_690 = arith.constant 0 : i32
    %dma_start3A_691 = tpu.memref_slice %arg2[%dma_start3A_686, %add3A_685, %dma_start3A_690] : memref<4x4096x1024xf32, #tpu.memory_space<hbm>> -> memref<1x16x1024xf32, #tpu.memory_space<hbm>>
    %dma_start3A_692 = tpu.memref_squeeze %dma_start3A_691 : memref<1x16x1024xf32, #tpu.memory_space<hbm>> -> memref<16x1024xf32, #tpu.memory_space<hbm>>
    tpu.enqueue_dma source(%dma_start3A_692 : memref<16x1024xf32, #tpu.memory_space<hbm>>) target(%arg11 : memref<16x1024xf32, #tpu.memory_space<vmem>>) target_semaphore(%arg18 : memref<!tpu.dma_semaphore, #tpu.memory_space<semaphore_mem>>)
    %dma_wait3A_693 = arith.constant 0 : i32
    %dma_wait3A_694 = arith.constant 0 : i32
    %dma_wait3A_695 = tpu.memref_slice %arg2[%dma_wait3A_693, %add3A_561, %dma_wait3A_694] : memref<4x4096x1024xf32, #tpu.memory_space<hbm>> -> memref<1x16x1024xf32, #tpu.memory_space<hbm>>
    %dma_wait3A_696 = tpu.memref_squeeze %dma_wait3A_695 : memref<1x16x1024xf32, #tpu.memory_space<hbm>> -> memref<16x1024xf32, #tpu.memory_space<hbm>>
    %dma_wait3A_697 = arith.constant 0 : i32
    %dma_wait3A_698 = tpu.memref_slice %arg2[%dma_wait3A_693, %add3A_561, %dma_wait3A_697] : memref<4x4096x1024xf32, #tpu.memory_space<hbm>> -> memref<1x16x1024xf32, #tpu.memory_space<hbm>>
    %dma_wait3A_699 = tpu.memref_squeeze %dma_wait3A_698 : memref<1x16x1024xf32, #tpu.memory_space<hbm>> -> memref<16x1024xf32, #tpu.memory_space<hbm>>
    tpu.wait_dma2 semaphore(%arg15 : memref<!tpu.dma_semaphore, #tpu.memory_space<semaphore_mem>>) src(%dma_wait3A_699 : memref<16x1024xf32, #tpu.memory_space<hbm>>) dst(%arg8 : memref<16x1024xf32, #tpu.memory_space<vmem>>)
    %scan3A_700 = arith.constant 0 : i32
    %scan3A_701 = arith.constant 0 : i32
    %scan3A_702 = arith.constant 16 : i32
    %scan3A_703 = arith.addi %scan3A_701, %scan3A_702 : i32
    %scan3A_704 = arith.constant 1 : i32
    scf.for %scan3A_1296 = %scan3A_701 to %scan3A_703 step %scan3A_704  : i32 {
      %parallel_loop3A = arith.constant 0 : i32
      %parallel_loop3A_1297 = arith.constant 64 : i32
      %parallel_loop3A_1298 = arith.constant 1 : i32
      scf.for %parallel_loop3A_1299 = %parallel_loop3A to %parallel_loop3A_1297 step %parallel_loop3A_1298  : i32 {
        %parallel_loop3A_1300 = arith.constant 16 : i32
        %parallel_loop3A_1301 = arith.muli %parallel_loop3A_1299, %parallel_loop3A_1300 : i32
        %parallel_loop3A_1302 = arith.index_cast %scan3A_1296 : i32 to index
        %parallel_loop3A_1303 = arith.index_cast %parallel_loop3A_1301 : i32 to index
        %parallel_loop3A_1304 = tpu.vector_load %arg5[%parallel_loop3A_1302, %parallel_loop3A_1303] {strides = array<i32>} : memref<16x1024xf32, #tpu.memory_space<vmem>>, vector<1x16xf32>,
        %parallel_loop3A_1305 = vector.shape_cast %parallel_loop3A_1304 : vector<1x16xf32> to vector<16xf32>
        %parallel_loop3A_1306 = arith.index_cast %scan3A_1296 : i32 to index
        %parallel_loop3A_1307 = arith.index_cast %parallel_loop3A_1301 : i32 to index
        %parallel_loop3A_1308 = tpu.vector_load %arg8[%parallel_loop3A_1306, %parallel_loop3A_1307] {strides = array<i32>} : memref<16x1024xf32, #tpu.memory_space<vmem>>, vector<1x16xf32>,
        %parallel_loop3A_1309 = vector.shape_cast %parallel_loop3A_1308 : vector<1x16xf32> to vector<16xf32>
        %parallel_loop3A_1310 = vector.shape_cast %parallel_loop3A_1305 : vector<16xf32> to vector<1x16xf32>
        tpu.vector_store %arg8[%parallel_loop3A_1306, %parallel_loop3A_1307], %parallel_loop3A_1310 {add = true, strides = array<i32>} : memref<16x1024xf32, #tpu.memory_space<vmem>>, vector<1x16xf32>,
      } {sc.loop_unroll_factor = 32 : i64, sc.parallel_access}
    }
    %scan3A_705 = arith.constant 16 : i32
    %add3A_706 = arith.constant 64 : i32
    %add3A_707 = arith.addi %mul3A_2, %add3A_706 : i32
    %dma_start3A_708 = arith.constant 0 : i32
    %dma_start3A_709 = arith.constant 0 : i32
    %dma_start3A_710 = tpu.memref_slice %arg4[%dma_start3A_708, %add3A_707, %dma_start3A_709] : memref<4x4096x1024xf32, #tpu.memory_space<hbm>> -> memref<1x16x1024xf32, #tpu.memory_space<hbm>>
    %dma_start3A_711 = tpu.memref_squeeze %dma_start3A_710 : memref<1x16x1024xf32, #tpu.memory_space<hbm>> -> memref<16x1024xf32, #tpu.memory_space<hbm>>
    %dma_start3A_712 = arith.constant 0 : i32
    %dma_start3A_713 = tpu.memref_slice %arg4[%dma_start3A_708, %add3A_707, %dma_start3A_712] : memref<4x4096x1024xf32, #tpu.memory_space<hbm>> -> memref<1x16x1024xf32, #tpu.memory_space<hbm>>
    %dma_start3A_714 = tpu.memref_squeeze %dma_start3A_713 : memref<1x16x1024xf32, #tpu.memory_space<hbm>> -> memref<16x1024xf32, #tpu.memory_space<hbm>>
    tpu.enqueue_dma source(%arg8 : memref<16x1024xf32, #tpu.memory_space<vmem>>) target(%dma_start3A_714 : memref<16x1024xf32, #tpu.memory_space<hbm>>) target_semaphore(%arg20 : memref<!tpu.dma_semaphore, #tpu.memory_space<semaphore_mem>>)
    %dma_wait3A_715 = arith.constant 3 : i32
    %dma_wait3A_716 = arith.constant 0 : i32
    %dma_wait3A_717 = tpu.memref_slice %arg4[%dma_wait3A_715, %add3A_659, %dma_wait3A_716] : memref<4x4096x1024xf32, #tpu.memory_space<hbm>> -> memref<1x16x1024xf32, #tpu.memory_space<hbm>>
    %dma_wait3A_718 = tpu.memref_squeeze %dma_wait3A_717 : memref<1x16x1024xf32, #tpu.memory_space<hbm>> -> memref<16x1024xf32, #tpu.memory_space<hbm>>
    %dma_wait3A_719 = arith.constant 0 : i32
    %dma_wait3A_720 = tpu.memref_slice %arg4[%dma_wait3A_715, %add3A_659, %dma_wait3A_719] : memref<4x4096x1024xf32, #tpu.memory_space<hbm>> -> memref<1x16x1024xf32, #tpu.memory_space<hbm>>
    %dma_wait3A_721 = tpu.memref_squeeze %dma_wait3A_720 : memref<1x16x1024xf32, #tpu.memory_space<hbm>> -> memref<16x1024xf32, #tpu.memory_space<hbm>>
    tpu.wait_dma2 semaphore(%arg19 : memref<!tpu.dma_semaphore, #tpu.memory_space<semaphore_mem>>) src(%arg7 : memref<16x1024xf32, #tpu.memory_space<vmem>>) dst(%dma_wait3A_721 : memref<16x1024xf32, #tpu.memory_space<hbm>>)
    %add3A_722 = arith.constant 80 : i32
    %add3A_723 = arith.addi %mul3A_2, %add3A_722 : i32
    %dma_start3A_724 = arith.constant 0 : i32
    %dma_start3A_725 = arith.constant 0 : i32
    %dma_start3A_726 = tpu.memref_slice %arg2[%dma_start3A_724, %add3A_723, %dma_start3A_725] : memref<4x4096x1024xf32, #tpu.memory_space<hbm>> -> memref<1x16x1024xf32, #tpu.memory_space<hbm>>
    %dma_start3A_727 = tpu.memref_squeeze %dma_start3A_726 : memref<1x16x1024xf32, #tpu.memory_space<hbm>> -> memref<16x1024xf32, #tpu.memory_space<hbm>>
    %dma_start3A_728 = arith.constant 0 : i32
    %dma_start3A_729 = tpu.memref_slice %arg2[%dma_start3A_724, %add3A_723, %dma_start3A_728] : memref<4x4096x1024xf32, #tpu.memory_space<hbm>> -> memref<1x16x1024xf32, #tpu.memory_space<hbm>>
    %dma_start3A_730 = tpu.memref_squeeze %dma_start3A_729 : memref<1x16x1024xf32, #tpu.memory_space<hbm>> -> memref<16x1024xf32, #tpu.memory_space<hbm>>
    tpu.enqueue_dma source(%dma_start3A_730 : memref<16x1024xf32, #tpu.memory_space<hbm>>) target(%arg7 : memref<16x1024xf32, #tpu.memory_space<vmem>>) target_semaphore(%arg14 : memref<!tpu.dma_semaphore, #tpu.memory_space<semaphore_mem>>)
    %dma_wait3A_731 = arith.constant 1 : i32
    %dma_wait3A_732 = arith.constant 0 : i32
    %dma_wait3A_733 = tpu.memref_slice %arg2[%dma_wait3A_731, %add3A_599, %dma_wait3A_732] : memref<4x4096x1024xf32, #tpu.memory_space<hbm>> -> memref<1x16x1024xf32, #tpu.memory_space<hbm>>
    %dma_wait3A_734 = tpu.memref_squeeze %dma_wait3A_733 : memref<1x16x1024xf32, #tpu.memory_space<hbm>> -> memref<16x1024xf32, #tpu.memory_space<hbm>>
    %dma_wait3A_735 = arith.constant 0 : i32
    %dma_wait3A_736 = tpu.memref_slice %arg2[%dma_wait3A_731, %add3A_599, %dma_wait3A_735] : memref<4x4096x1024xf32, #tpu.memory_space<hbm>> -> memref<1x16x1024xf32, #tpu.memory_space<hbm>>
    %dma_wait3A_737 = tpu.memref_squeeze %dma_wait3A_736 : memref<1x16x1024xf32, #tpu.memory_space<hbm>> -> memref<16x1024xf32, #tpu.memory_space<hbm>>
    tpu.wait_dma2 semaphore(%arg16 : memref<!tpu.dma_semaphore, #tpu.memory_space<semaphore_mem>>) src(%dma_wait3A_737 : memref<16x1024xf32, #tpu.memory_space<hbm>>) dst(%arg9 : memref<16x1024xf32, #tpu.memory_space<vmem>>)
    %scan3A_738 = arith.constant 0 : i32
    %scan3A_739 = arith.constant 0 : i32
    %scan3A_740 = arith.constant 16 : i32
    %scan3A_741 = arith.addi %scan3A_739, %scan3A_740 : i32
    %scan3A_742 = arith.constant 1 : i32
    scf.for %scan3A_1296 = %scan3A_739 to %scan3A_741 step %scan3A_742  : i32 {
      %parallel_loop3A = arith.constant 0 : i32
      %parallel_loop3A_1297 = arith.constant 64 : i32
      %parallel_loop3A_1298 = arith.constant 1 : i32
      scf.for %parallel_loop3A_1299 = %parallel_loop3A to %parallel_loop3A_1297 step %parallel_loop3A_1298  : i32 {
        %parallel_loop3A_1300 = arith.constant 16 : i32
        %parallel_loop3A_1301 = arith.muli %parallel_loop3A_1299, %parallel_loop3A_1300 : i32
        %parallel_loop3A_1302 = arith.index_cast %scan3A_1296 : i32 to index
        %parallel_loop3A_1303 = arith.index_cast %parallel_loop3A_1301 : i32 to index
        %parallel_loop3A_1304 = tpu.vector_load %arg5[%parallel_loop3A_1302, %parallel_loop3A_1303] {strides = array<i32>} : memref<16x1024xf32, #tpu.memory_space<vmem>>, vector<1x16xf32>,
        %parallel_loop3A_1305 = vector.shape_cast %parallel_loop3A_1304 : vector<1x16xf32> to vector<16xf32>
        %parallel_loop3A_1306 = arith.index_cast %scan3A_1296 : i32 to index
        %parallel_loop3A_1307 = arith.index_cast %parallel_loop3A_1301 : i32 to index
        %parallel_loop3A_1308 = tpu.vector_load %arg9[%parallel_loop3A_1306, %parallel_loop3A_1307] {strides = array<i32>} : memref<16x1024xf32, #tpu.memory_space<vmem>>, vector<1x16xf32>,
        %parallel_loop3A_1309 = vector.shape_cast %parallel_loop3A_1308 : vector<1x16xf32> to vector<16xf32>
        %parallel_loop3A_1310 = vector.shape_cast %parallel_loop3A_1305 : vector<16xf32> to vector<1x16xf32>
        tpu.vector_store %arg9[%parallel_loop3A_1306, %parallel_loop3A_1307], %parallel_loop3A_1310 {add = true, strides = array<i32>} : memref<16x1024xf32, #tpu.memory_space<vmem>>, vector<1x16xf32>,
      } {sc.loop_unroll_factor = 32 : i64, sc.parallel_access}
    }
    %scan3A_743 = arith.constant 16 : i32
    %add3A_744 = arith.constant 64 : i32
    %add3A_745 = arith.addi %mul3A_2, %add3A_744 : i32
    %dma_start3A_746 = arith.constant 1 : i32
    %dma_start3A_747 = arith.constant 0 : i32
    %dma_start3A_748 = tpu.memref_slice %arg4[%dma_start3A_746, %add3A_745, %dma_start3A_747] : memref<4x4096x1024xf32, #tpu.memory_space<hbm>> -> memref<1x16x1024xf32, #tpu.memory_space<hbm>>
    %dma_start3A_749 = tpu.memref_squeeze %dma_start3A_748 : memref<1x16x1024xf32, #tpu.memory_space<hbm>> -> memref<16x1024xf32, #tpu.memory_space<hbm>>
    %dma_start3A_750 = arith.constant 0 : i32
    %dma_start3A_751 = tpu.memref_slice %arg4[%dma_start3A_746, %add3A_745, %dma_start3A_750] : memref<4x4096x1024xf32, #tpu.memory_space<hbm>> -> memref<1x16x1024xf32, #tpu.memory_space<hbm>>
    %dma_start3A_752 = tpu.memref_squeeze %dma_start3A_751 : memref<1x16x1024xf32, #tpu.memory_space<hbm>> -> memref<16x1024xf32, #tpu.memory_space<hbm>>
    tpu.enqueue_dma source(%arg9 : memref<16x1024xf32, #tpu.memory_space<vmem>>) target(%dma_start3A_752 : memref<16x1024xf32, #tpu.memory_space<hbm>>) target_semaphore(%arg21 : memref<!tpu.dma_semaphore, #tpu.memory_space<semaphore_mem>>)
    %dma_wait3A_753 = arith.constant 0 : i32
    %dma_wait3A_754 = arith.constant 0 : i32
    %dma_wait3A_755 = tpu.memref_slice %arg4[%dma_wait3A_753, %add3A_707, %dma_wait3A_754] : memref<4x4096x1024xf32, #tpu.memory_space<hbm>> -> memref<1x16x1024xf32, #tpu.memory_space<hbm>>
    %dma_wait3A_756 = tpu.memref_squeeze %dma_wait3A_755 : memref<1x16x1024xf32, #tpu.memory_space<hbm>> -> memref<16x1024xf32, #tpu.memory_space<hbm>>
    %dma_wait3A_757 = arith.constant 0 : i32
    %dma_wait3A_758 = tpu.memref_slice %arg4[%dma_wait3A_753, %add3A_707, %dma_wait3A_757] : memref<4x4096x1024xf32, #tpu.memory_space<hbm>> -> memref<1x16x1024xf32, #tpu.memory_space<hbm>>
    %dma_wait3A_759 = tpu.memref_squeeze %dma_wait3A_758 : memref<1x16x1024xf32, #tpu.memory_space<hbm>> -> memref<16x1024xf32, #tpu.memory_space<hbm>>
    tpu.wait_dma2 semaphore(%arg20 : memref<!tpu.dma_semaphore, #tpu.memory_space<semaphore_mem>>) src(%arg8 : memref<16x1024xf32, #tpu.memory_space<vmem>>) dst(%dma_wait3A_759 : memref<16x1024xf32, #tpu.memory_space<hbm>>)
    %add3A_760 = arith.constant 80 : i32
    %add3A_761 = arith.addi %mul3A_2, %add3A_760 : i32
    %dma_start3A_762 = arith.constant 1 : i32
    %dma_start3A_763 = arith.constant 0 : i32
    %dma_start3A_764 = tpu.memref_slice %arg2[%dma_start3A_762, %add3A_761, %dma_start3A_763] : memref<4x4096x1024xf32, #tpu.memory_space<hbm>> -> memref<1x16x1024xf32, #tpu.memory_space<hbm>>
    %dma_start3A_765 = tpu.memref_squeeze %dma_start3A_764 : memref<1x16x1024xf32, #tpu.memory_space<hbm>> -> memref<16x1024xf32, #tpu.memory_space<hbm>>
    %dma_start3A_766 = arith.constant 0 : i32
    %dma_start3A_767 = tpu.memref_slice %arg2[%dma_start3A_762, %add3A_761, %dma_start3A_766] : memref<4x4096x1024xf32, #tpu.memory_space<hbm>> -> memref<1x16x1024xf32, #tpu.memory_space<hbm>>
    %dma_start3A_768 = tpu.memref_squeeze %dma_start3A_767 : memref<1x16x1024xf32, #tpu.memory_space<hbm>> -> memref<16x1024xf32, #tpu.memory_space<hbm>>
    tpu.enqueue_dma source(%dma_start3A_768 : memref<16x1024xf32, #tpu.memory_space<hbm>>) target(%arg8 : memref<16x1024xf32, #tpu.memory_space<vmem>>) target_semaphore(%arg15 : memref<!tpu.dma_semaphore, #tpu.memory_space<semaphore_mem>>)
    %dma_wait3A_769 = arith.constant 2 : i32
    %dma_wait3A_770 = arith.constant 0 : i32
    %dma_wait3A_771 = tpu.memref_slice %arg2[%dma_wait3A_769, %add3A_637, %dma_wait3A_770] : memref<4x4096x1024xf32, #tpu.memory_space<hbm>> -> memref<1x16x1024xf32, #tpu.memory_space<hbm>>
    %dma_wait3A_772 = tpu.memref_squeeze %dma_wait3A_771 : memref<1x16x1024xf32, #tpu.memory_space<hbm>> -> memref<16x1024xf32, #tpu.memory_space<hbm>>
    %dma_wait3A_773 = arith.constant 0 : i32
    %dma_wait3A_774 = tpu.memref_slice %arg2[%dma_wait3A_769, %add3A_637, %dma_wait3A_773] : memref<4x4096x1024xf32, #tpu.memory_space<hbm>> -> memref<1x16x1024xf32, #tpu.memory_space<hbm>>
    %dma_wait3A_775 = tpu.memref_squeeze %dma_wait3A_774 : memref<1x16x1024xf32, #tpu.memory_space<hbm>> -> memref<16x1024xf32, #tpu.memory_space<hbm>>
    tpu.wait_dma2 semaphore(%arg17 : memref<!tpu.dma_semaphore, #tpu.memory_space<semaphore_mem>>) src(%dma_wait3A_775 : memref<16x1024xf32, #tpu.memory_space<hbm>>) dst(%arg10 : memref<16x1024xf32, #tpu.memory_space<vmem>>)
    %scan3A_776 = arith.constant 0 : i32
    %scan3A_777 = arith.constant 0 : i32
    %scan3A_778 = arith.constant 16 : i32
    %scan3A_779 = arith.addi %scan3A_777, %scan3A_778 : i32
    %scan3A_780 = arith.constant 1 : i32
    scf.for %scan3A_1296 = %scan3A_777 to %scan3A_779 step %scan3A_780  : i32 {
      %parallel_loop3A = arith.constant 0 : i32
      %parallel_loop3A_1297 = arith.constant 64 : i32
      %parallel_loop3A_1298 = arith.constant 1 : i32
      scf.for %parallel_loop3A_1299 = %parallel_loop3A to %parallel_loop3A_1297 step %parallel_loop3A_1298  : i32 {
        %parallel_loop3A_1300 = arith.constant 16 : i32
        %parallel_loop3A_1301 = arith.muli %parallel_loop3A_1299, %parallel_loop3A_1300 : i32
        %parallel_loop3A_1302 = arith.index_cast %scan3A_1296 : i32 to index
        %parallel_loop3A_1303 = arith.index_cast %parallel_loop3A_1301 : i32 to index
        %parallel_loop3A_1304 = tpu.vector_load %arg5[%parallel_loop3A_1302, %parallel_loop3A_1303] {strides = array<i32>} : memref<16x1024xf32, #tpu.memory_space<vmem>>, vector<1x16xf32>,
        %parallel_loop3A_1305 = vector.shape_cast %parallel_loop3A_1304 : vector<1x16xf32> to vector<16xf32>
        %parallel_loop3A_1306 = arith.index_cast %scan3A_1296 : i32 to index
        %parallel_loop3A_1307 = arith.index_cast %parallel_loop3A_1301 : i32 to index
        %parallel_loop3A_1308 = tpu.vector_load %arg10[%parallel_loop3A_1306, %parallel_loop3A_1307] {strides = array<i32>} : memref<16x1024xf32, #tpu.memory_space<vmem>>, vector<1x16xf32>,
        %parallel_loop3A_1309 = vector.shape_cast %parallel_loop3A_1308 : vector<1x16xf32> to vector<16xf32>
        %parallel_loop3A_1310 = vector.shape_cast %parallel_loop3A_1305 : vector<16xf32> to vector<1x16xf32>
        tpu.vector_store %arg10[%parallel_loop3A_1306, %parallel_loop3A_1307], %parallel_loop3A_1310 {add = true, strides = array<i32>} : memref<16x1024xf32, #tpu.memory_space<vmem>>, vector<1x16xf32>,
      } {sc.loop_unroll_factor = 32 : i64, sc.parallel_access}
    }
    %scan3A_781 = arith.constant 16 : i32
    %add3A_782 = arith.constant 64 : i32
    %add3A_783 = arith.addi %mul3A_2, %add3A_782 : i32
    %dma_start3A_784 = arith.constant 2 : i32
    %dma_start3A_785 = arith.constant 0 : i32
    %dma_start3A_786 = tpu.memref_slice %arg4[%dma_start3A_784, %add3A_783, %dma_start3A_785] : memref<4x4096x1024xf32, #tpu.memory_space<hbm>> -> memref<1x16x1024xf32, #tpu.memory_space<hbm>>
    %dma_start3A_787 = tpu.memref_squeeze %dma_start3A_786 : memref<1x16x1024xf32, #tpu.memory_space<hbm>> -> memref<16x1024xf32, #tpu.memory_space<hbm>>
    %dma_start3A_788 = arith.constant 0 : i32
    %dma_start3A_789 = tpu.memref_slice %arg4[%dma_start3A_784, %add3A_783, %dma_start3A_788] : memref<4x4096x1024xf32, #tpu.memory_space<hbm>> -> memref<1x16x1024xf32, #tpu.memory_space<hbm>>
    %dma_start3A_790 = tpu.memref_squeeze %dma_start3A_789 : memref<1x16x1024xf32, #tpu.memory_space<hbm>> -> memref<16x1024xf32, #tpu.memory_space<hbm>>
    tpu.enqueue_dma source(%arg10 : memref<16x1024xf32, #tpu.memory_space<vmem>>) target(%dma_start3A_790 : memref<16x1024xf32, #tpu.memory_space<hbm>>) target_semaphore(%arg22 : memref<!tpu.dma_semaphore, #tpu.memory_space<semaphore_mem>>)
    %dma_wait3A_791 = arith.constant 1 : i32
    %dma_wait3A_792 = arith.constant 0 : i32
    %dma_wait3A_793 = tpu.memref_slice %arg4[%dma_wait3A_791, %add3A_745, %dma_wait3A_792] : memref<4x4096x1024xf32, #tpu.memory_space<hbm>> -> memref<1x16x1024xf32, #tpu.memory_space<hbm>>
    %dma_wait3A_794 = tpu.memref_squeeze %dma_wait3A_793 : memref<1x16x1024xf32, #tpu.memory_space<hbm>> -> memref<16x1024xf32, #tpu.memory_space<hbm>>
    %dma_wait3A_795 = arith.constant 0 : i32
    %dma_wait3A_796 = tpu.memref_slice %arg4[%dma_wait3A_791, %add3A_745, %dma_wait3A_795] : memref<4x4096x1024xf32, #tpu.memory_space<hbm>> -> memref<1x16x1024xf32, #tpu.memory_space<hbm>>
    %dma_wait3A_797 = tpu.memref_squeeze %dma_wait3A_796 : memref<1x16x1024xf32, #tpu.memory_space<hbm>> -> memref<16x1024xf32, #tpu.memory_space<hbm>>
    tpu.wait_dma2 semaphore(%arg21 : memref<!tpu.dma_semaphore, #tpu.memory_space<semaphore_mem>>) src(%arg9 : memref<16x1024xf32, #tpu.memory_space<vmem>>) dst(%dma_wait3A_797 : memref<16x1024xf32, #tpu.memory_space<hbm>>)
    %add3A_798 = arith.constant 80 : i32
    %add3A_799 = arith.addi %mul3A_2, %add3A_798 : i32
    %dma_start3A_800 = arith.constant 2 : i32
    %dma_start3A_801 = arith.constant 0 : i32
    %dma_start3A_802 = tpu.memref_slice %arg2[%dma_start3A_800, %add3A_799, %dma_start3A_801] : memref<4x4096x1024xf32, #tpu.memory_space<hbm>> -> memref<1x16x1024xf32, #tpu.memory_space<hbm>>
    %dma_start3A_803 = tpu.memref_squeeze %dma_start3A_802 : memref<1x16x1024xf32, #tpu.memory_space<hbm>> -> memref<16x1024xf32, #tpu.memory_space<hbm>>
    %dma_start3A_804 = arith.constant 0 : i32
    %dma_start3A_805 = tpu.memref_slice %arg2[%dma_start3A_800, %add3A_799, %dma_start3A_804] : memref<4x4096x1024xf32, #tpu.memory_space<hbm>> -> memref<1x16x1024xf32, #tpu.memory_space<hbm>>
    %dma_start3A_806 = tpu.memref_squeeze %dma_start3A_805 : memref<1x16x1024xf32, #tpu.memory_space<hbm>> -> memref<16x1024xf32, #tpu.memory_space<hbm>>
    tpu.enqueue_dma source(%dma_start3A_806 : memref<16x1024xf32, #tpu.memory_space<hbm>>) target(%arg9 : memref<16x1024xf32, #tpu.memory_space<vmem>>) target_semaphore(%arg16 : memref<!tpu.dma_semaphore, #tpu.memory_space<semaphore_mem>>)
    %dma_wait3A_807 = arith.constant 3 : i32
    %dma_wait3A_808 = arith.constant 0 : i32
    %dma_wait3A_809 = tpu.memref_slice %arg2[%dma_wait3A_807, %add3A_685, %dma_wait3A_808] : memref<4x4096x1024xf32, #tpu.memory_space<hbm>> -> memref<1x16x1024xf32, #tpu.memory_space<hbm>>
    %dma_wait3A_810 = tpu.memref_squeeze %dma_wait3A_809 : memref<1x16x1024xf32, #tpu.memory_space<hbm>> -> memref<16x1024xf32, #tpu.memory_space<hbm>>
    %dma_wait3A_811 = arith.constant 0 : i32
    %dma_wait3A_812 = tpu.memref_slice %arg2[%dma_wait3A_807, %add3A_685, %dma_wait3A_811] : memref<4x4096x1024xf32, #tpu.memory_space<hbm>> -> memref<1x16x1024xf32, #tpu.memory_space<hbm>>
    %dma_wait3A_813 = tpu.memref_squeeze %dma_wait3A_812 : memref<1x16x1024xf32, #tpu.memory_space<hbm>> -> memref<16x1024xf32, #tpu.memory_space<hbm>>
    tpu.wait_dma2 semaphore(%arg18 : memref<!tpu.dma_semaphore, #tpu.memory_space<semaphore_mem>>) src(%dma_wait3A_813 : memref<16x1024xf32, #tpu.memory_space<hbm>>) dst(%arg11 : memref<16x1024xf32, #tpu.memory_space<vmem>>)
    %scan3A_814 = arith.constant 0 : i32
    %scan3A_815 = arith.constant 0 : i32
    %scan3A_816 = arith.constant 16 : i32
    %scan3A_817 = arith.addi %scan3A_815, %scan3A_816 : i32
    %scan3A_818 = arith.constant 1 : i32
    scf.for %scan3A_1296 = %scan3A_815 to %scan3A_817 step %scan3A_818  : i32 {
      %parallel_loop3A = arith.constant 0 : i32
      %parallel_loop3A_1297 = arith.constant 64 : i32
      %parallel_loop3A_1298 = arith.constant 1 : i32
      scf.for %parallel_loop3A_1299 = %parallel_loop3A to %parallel_loop3A_1297 step %parallel_loop3A_1298  : i32 {
        %parallel_loop3A_1300 = arith.constant 16 : i32
        %parallel_loop3A_1301 = arith.muli %parallel_loop3A_1299, %parallel_loop3A_1300 : i32
        %parallel_loop3A_1302 = arith.index_cast %scan3A_1296 : i32 to index
        %parallel_loop3A_1303 = arith.index_cast %parallel_loop3A_1301 : i32 to index
        %parallel_loop3A_1304 = tpu.vector_load %arg5[%parallel_loop3A_1302, %parallel_loop3A_1303] {strides = array<i32>} : memref<16x1024xf32, #tpu.memory_space<vmem>>, vector<1x16xf32>,
        %parallel_loop3A_1305 = vector.shape_cast %parallel_loop3A_1304 : vector<1x16xf32> to vector<16xf32>
        %parallel_loop3A_1306 = arith.index_cast %scan3A_1296 : i32 to index
        %parallel_loop3A_1307 = arith.index_cast %parallel_loop3A_1301 : i32 to index
        %parallel_loop3A_1308 = tpu.vector_load %arg11[%parallel_loop3A_1306, %parallel_loop3A_1307] {strides = array<i32>} : memref<16x1024xf32, #tpu.memory_space<vmem>>, vector<1x16xf32>,
        %parallel_loop3A_1309 = vector.shape_cast %parallel_loop3A_1308 : vector<1x16xf32> to vector<16xf32>
        %parallel_loop3A_1310 = vector.shape_cast %parallel_loop3A_1305 : vector<16xf32> to vector<1x16xf32>
        tpu.vector_store %arg11[%parallel_loop3A_1306, %parallel_loop3A_1307], %parallel_loop3A_1310 {add = true, strides = array<i32>} : memref<16x1024xf32, #tpu.memory_space<vmem>>, vector<1x16xf32>,
      } {sc.loop_unroll_factor = 32 : i64, sc.parallel_access}
    }
    %scan3A_819 = arith.constant 16 : i32
    %add3A_820 = arith.constant 64 : i32
    %add3A_821 = arith.addi %mul3A_2, %add3A_820 : i32
    %dma_start3A_822 = arith.constant 3 : i32
    %dma_start3A_823 = arith.constant 0 : i32
    %dma_start3A_824 = tpu.memref_slice %arg4[%dma_start3A_822, %add3A_821, %dma_start3A_823] : memref<4x4096x1024xf32, #tpu.memory_space<hbm>> -> memref<1x16x1024xf32, #tpu.memory_space<hbm>>
    %dma_start3A_825 = tpu.memref_squeeze %dma_start3A_824 : memref<1x16x1024xf32, #tpu.memory_space<hbm>> -> memref<16x1024xf32, #tpu.memory_space<hbm>>
    %dma_start3A_826 = arith.constant 0 : i32
    %dma_start3A_827 = tpu.memref_slice %arg4[%dma_start3A_822, %add3A_821, %dma_start3A_826] : memref<4x4096x1024xf32, #tpu.memory_space<hbm>> -> memref<1x16x1024xf32, #tpu.memory_space<hbm>>
    %dma_start3A_828 = tpu.memref_squeeze %dma_start3A_827 : memref<1x16x1024xf32, #tpu.memory_space<hbm>> -> memref<16x1024xf32, #tpu.memory_space<hbm>>
    tpu.enqueue_dma source(%arg11 : memref<16x1024xf32, #tpu.memory_space<vmem>>) target(%dma_start3A_828 : memref<16x1024xf32, #tpu.memory_space<hbm>>) target_semaphore(%arg23 : memref<!tpu.dma_semaphore, #tpu.memory_space<semaphore_mem>>)
    %add3A_829 = arith.constant 96 : i32
    %add3A_830 = arith.addi %mul3A_2, %add3A_829 : i32
    %dma_start3A_831 = arith.constant 0 : i32
    %dma_start3A_832 = tpu.memref_slice %arg3[%add3A_830, %dma_start3A_831] : memref<8192x1024xf32, #tpu.memory_space<hbm>> -> memref<16x1024xf32, #tpu.memory_space<hbm>>
    %dma_start3A_833 = arith.constant 0 : i32
    %dma_start3A_834 = tpu.memref_slice %arg3[%add3A_830, %dma_start3A_833] : memref<8192x1024xf32, #tpu.memory_space<hbm>> -> memref<16x1024xf32, #tpu.memory_space<hbm>>
    tpu.enqueue_dma source(%dma_start3A_834 : memref<16x1024xf32, #tpu.memory_space<hbm>>) target(%arg5 : memref<16x1024xf32, #tpu.memory_space<vmem>>) target_semaphore(%arg12 : memref<!tpu.dma_semaphore, #tpu.memory_space<semaphore_mem>>)
    %dma_wait3A_835 = arith.constant 0 : i32
    %dma_wait3A_836 = tpu.memref_slice %arg3[%add3A_668, %dma_wait3A_835] : memref<8192x1024xf32, #tpu.memory_space<hbm>> -> memref<16x1024xf32, #tpu.memory_space<hbm>>
    %dma_wait3A_837 = arith.constant 0 : i32
    %dma_wait3A_838 = tpu.memref_slice %arg3[%add3A_668, %dma_wait3A_837] : memref<8192x1024xf32, #tpu.memory_space<hbm>> -> memref<16x1024xf32, #tpu.memory_space<hbm>>
    tpu.wait_dma2 semaphore(%arg13 : memref<!tpu.dma_semaphore, #tpu.memory_space<semaphore_mem>>) src(%dma_wait3A_838 : memref<16x1024xf32, #tpu.memory_space<hbm>>) dst(%arg6 : memref<16x1024xf32, #tpu.memory_space<vmem>>)
    %dma_wait3A_839 = arith.constant 2 : i32
    %dma_wait3A_840 = arith.constant 0 : i32
    %dma_wait3A_841 = tpu.memref_slice %arg4[%dma_wait3A_839, %add3A_783, %dma_wait3A_840] : memref<4x4096x1024xf32, #tpu.memory_space<hbm>> -> memref<1x16x1024xf32, #tpu.memory_space<hbm>>
    %dma_wait3A_842 = tpu.memref_squeeze %dma_wait3A_841 : memref<1x16x1024xf32, #tpu.memory_space<hbm>> -> memref<16x1024xf32, #tpu.memory_space<hbm>>
    %dma_wait3A_843 = arith.constant 0 : i32
    %dma_wait3A_844 = tpu.memref_slice %arg4[%dma_wait3A_839, %add3A_783, %dma_wait3A_843] : memref<4x4096x1024xf32, #tpu.memory_space<hbm>> -> memref<1x16x1024xf32, #tpu.memory_space<hbm>>
    %dma_wait3A_845 = tpu.memref_squeeze %dma_wait3A_844 : memref<1x16x1024xf32, #tpu.memory_space<hbm>> -> memref<16x1024xf32, #tpu.memory_space<hbm>>
    tpu.wait_dma2 semaphore(%arg22 : memref<!tpu.dma_semaphore, #tpu.memory_space<semaphore_mem>>) src(%arg10 : memref<16x1024xf32, #tpu.memory_space<vmem>>) dst(%dma_wait3A_845 : memref<16x1024xf32, #tpu.memory_space<hbm>>)
    %add3A_846 = arith.constant 80 : i32
    %add3A_847 = arith.addi %mul3A_2, %add3A_846 : i32
    %dma_start3A_848 = arith.constant 3 : i32
    %dma_start3A_849 = arith.constant 0 : i32
    %dma_start3A_850 = tpu.memref_slice %arg2[%dma_start3A_848, %add3A_847, %dma_start3A_849] : memref<4x4096x1024xf32, #tpu.memory_space<hbm>> -> memref<1x16x1024xf32, #tpu.memory_space<hbm>>
    %dma_start3A_851 = tpu.memref_squeeze %dma_start3A_850 : memref<1x16x1024xf32, #tpu.memory_space<hbm>> -> memref<16x1024xf32, #tpu.memory_space<hbm>>
    %dma_start3A_852 = arith.constant 0 : i32
    %dma_start3A_853 = tpu.memref_slice %arg2[%dma_start3A_848, %add3A_847, %dma_start3A_852] : memref<4x4096x1024xf32, #tpu.memory_space<hbm>> -> memref<1x16x1024xf32, #tpu.memory_space<hbm>>
    %dma_start3A_854 = tpu.memref_squeeze %dma_start3A_853 : memref<1x16x1024xf32, #tpu.memory_space<hbm>> -> memref<16x1024xf32, #tpu.memory_space<hbm>>
    tpu.enqueue_dma source(%dma_start3A_854 : memref<16x1024xf32, #tpu.memory_space<hbm>>) target(%arg10 : memref<16x1024xf32, #tpu.memory_space<vmem>>) target_semaphore(%arg17 : memref<!tpu.dma_semaphore, #tpu.memory_space<semaphore_mem>>)
    %dma_wait3A_855 = arith.constant 0 : i32
    %dma_wait3A_856 = arith.constant 0 : i32
    %dma_wait3A_857 = tpu.memref_slice %arg2[%dma_wait3A_855, %add3A_723, %dma_wait3A_856] : memref<4x4096x1024xf32, #tpu.memory_space<hbm>> -> memref<1x16x1024xf32, #tpu.memory_space<hbm>>
    %dma_wait3A_858 = tpu.memref_squeeze %dma_wait3A_857 : memref<1x16x1024xf32, #tpu.memory_space<hbm>> -> memref<16x1024xf32, #tpu.memory_space<hbm>>
    %dma_wait3A_859 = arith.constant 0 : i32
    %dma_wait3A_860 = tpu.memref_slice %arg2[%dma_wait3A_855, %add3A_723, %dma_wait3A_859] : memref<4x4096x1024xf32, #tpu.memory_space<hbm>> -> memref<1x16x1024xf32, #tpu.memory_space<hbm>>
    %dma_wait3A_861 = tpu.memref_squeeze %dma_wait3A_860 : memref<1x16x1024xf32, #tpu.memory_space<hbm>> -> memref<16x1024xf32, #tpu.memory_space<hbm>>
    tpu.wait_dma2 semaphore(%arg14 : memref<!tpu.dma_semaphore, #tpu.memory_space<semaphore_mem>>) src(%dma_wait3A_861 : memref<16x1024xf32, #tpu.memory_space<hbm>>) dst(%arg7 : memref<16x1024xf32, #tpu.memory_space<vmem>>)
    %scan3A_862 = arith.constant 0 : i32
    %scan3A_863 = arith.constant 0 : i32
    %scan3A_864 = arith.constant 16 : i32
    %scan3A_865 = arith.addi %scan3A_863, %scan3A_864 : i32
    %scan3A_866 = arith.constant 1 : i32
    scf.for %scan3A_1296 = %scan3A_863 to %scan3A_865 step %scan3A_866  : i32 {
      %parallel_loop3A = arith.constant 0 : i32
      %parallel_loop3A_1297 = arith.constant 64 : i32
      %parallel_loop3A_1298 = arith.constant 1 : i32
      scf.for %parallel_loop3A_1299 = %parallel_loop3A to %parallel_loop3A_1297 step %parallel_loop3A_1298  : i32 {
        %parallel_loop3A_1300 = arith.constant 16 : i32
        %parallel_loop3A_1301 = arith.muli %parallel_loop3A_1299, %parallel_loop3A_1300 : i32
        %parallel_loop3A_1302 = arith.index_cast %scan3A_1296 : i32 to index
        %parallel_loop3A_1303 = arith.index_cast %parallel_loop3A_1301 : i32 to index
        %parallel_loop3A_1304 = tpu.vector_load %arg6[%parallel_loop3A_1302, %parallel_loop3A_1303] {strides = array<i32>} : memref<16x1024xf32, #tpu.memory_space<vmem>>, vector<1x16xf32>,
        %parallel_loop3A_1305 = vector.shape_cast %parallel_loop3A_1304 : vector<1x16xf32> to vector<16xf32>
        %parallel_loop3A_1306 = arith.index_cast %scan3A_1296 : i32 to index
        %parallel_loop3A_1307 = arith.index_cast %parallel_loop3A_1301 : i32 to index
        %parallel_loop3A_1308 = tpu.vector_load %arg7[%parallel_loop3A_1306, %parallel_loop3A_1307] {strides = array<i32>} : memref<16x1024xf32, #tpu.memory_space<vmem>>, vector<1x16xf32>,
        %parallel_loop3A_1309 = vector.shape_cast %parallel_loop3A_1308 : vector<1x16xf32> to vector<16xf32>
        %parallel_loop3A_1310 = vector.shape_cast %parallel_loop3A_1305 : vector<16xf32> to vector<1x16xf32>
        tpu.vector_store %arg7[%parallel_loop3A_1306, %parallel_loop3A_1307], %parallel_loop3A_1310 {add = true, strides = array<i32>} : memref<16x1024xf32, #tpu.memory_space<vmem>>, vector<1x16xf32>,
      } {sc.loop_unroll_factor = 32 : i64, sc.parallel_access}
    }
    %scan3A_867 = arith.constant 16 : i32
    %add3A_868 = arith.constant 80 : i32
    %add3A_869 = arith.addi %mul3A_2, %add3A_868 : i32
    %dma_start3A_870 = arith.constant 0 : i32
    %dma_start3A_871 = arith.constant 0 : i32
    %dma_start3A_872 = tpu.memref_slice %arg4[%dma_start3A_870, %add3A_869, %dma_start3A_871] : memref<4x4096x1024xf32, #tpu.memory_space<hbm>> -> memref<1x16x1024xf32, #tpu.memory_space<hbm>>
    %dma_start3A_873 = tpu.memref_squeeze %dma_start3A_872 : memref<1x16x1024xf32, #tpu.memory_space<hbm>> -> memref<16x1024xf32, #tpu.memory_space<hbm>>
    %dma_start3A_874 = arith.constant 0 : i32
    %dma_start3A_875 = tpu.memref_slice %arg4[%dma_start3A_870, %add3A_869, %dma_start3A_874] : memref<4x4096x1024xf32, #tpu.memory_space<hbm>> -> memref<1x16x1024xf32, #tpu.memory_space<hbm>>
    %dma_start3A_876 = tpu.memref_squeeze %dma_start3A_875 : memref<1x16x1024xf32, #tpu.memory_space<hbm>> -> memref<16x1024xf32, #tpu.memory_space<hbm>>
    tpu.enqueue_dma source(%arg7 : memref<16x1024xf32, #tpu.memory_space<vmem>>) target(%dma_start3A_876 : memref<16x1024xf32, #tpu.memory_space<hbm>>) target_semaphore(%arg19 : memref<!tpu.dma_semaphore, #tpu.memory_space<semaphore_mem>>)
    %dma_wait3A_877 = arith.constant 3 : i32
    %dma_wait3A_878 = arith.constant 0 : i32
    %dma_wait3A_879 = tpu.memref_slice %arg4[%dma_wait3A_877, %add3A_821, %dma_wait3A_878] : memref<4x4096x1024xf32, #tpu.memory_space<hbm>> -> memref<1x16x1024xf32, #tpu.memory_space<hbm>>
    %dma_wait3A_880 = tpu.memref_squeeze %dma_wait3A_879 : memref<1x16x1024xf32, #tpu.memory_space<hbm>> -> memref<16x1024xf32, #tpu.memory_space<hbm>>
    %dma_wait3A_881 = arith.constant 0 : i32
    %dma_wait3A_882 = tpu.memref_slice %arg4[%dma_wait3A_877, %add3A_821, %dma_wait3A_881] : memref<4x4096x1024xf32, #tpu.memory_space<hbm>> -> memref<1x16x1024xf32, #tpu.memory_space<hbm>>
    %dma_wait3A_883 = tpu.memref_squeeze %dma_wait3A_882 : memref<1x16x1024xf32, #tpu.memory_space<hbm>> -> memref<16x1024xf32, #tpu.memory_space<hbm>>
    tpu.wait_dma2 semaphore(%arg23 : memref<!tpu.dma_semaphore, #tpu.memory_space<semaphore_mem>>) src(%arg11 : memref<16x1024xf32, #tpu.memory_space<vmem>>) dst(%dma_wait3A_883 : memref<16x1024xf32, #tpu.memory_space<hbm>>)
    %add3A_884 = arith.constant 96 : i32
    %add3A_885 = arith.addi %mul3A_2, %add3A_884 : i32
    %dma_start3A_886 = arith.constant 0 : i32
    %dma_start3A_887 = arith.constant 0 : i32
    %dma_start3A_888 = tpu.memref_slice %arg2[%dma_start3A_886, %add3A_885, %dma_start3A_887] : memref<4x4096x1024xf32, #tpu.memory_space<hbm>> -> memref<1x16x1024xf32, #tpu.memory_space<hbm>>
    %dma_start3A_889 = tpu.memref_squeeze %dma_start3A_888 : memref<1x16x1024xf32, #tpu.memory_space<hbm>> -> memref<16x1024xf32, #tpu.memory_space<hbm>>
    %dma_start3A_890 = arith.constant 0 : i32
    %dma_start3A_891 = tpu.memref_slice %arg2[%dma_start3A_886, %add3A_885, %dma_start3A_890] : memref<4x4096x1024xf32, #tpu.memory_space<hbm>> -> memref<1x16x1024xf32, #tpu.memory_space<hbm>>
    %dma_start3A_892 = tpu.memref_squeeze %dma_start3A_891 : memref<1x16x1024xf32, #tpu.memory_space<hbm>> -> memref<16x1024xf32, #tpu.memory_space<hbm>>
    tpu.enqueue_dma source(%dma_start3A_892 : memref<16x1024xf32, #tpu.memory_space<hbm>>) target(%arg11 : memref<16x1024xf32, #tpu.memory_space<vmem>>) target_semaphore(%arg18 : memref<!tpu.dma_semaphore, #tpu.memory_space<semaphore_mem>>)
    %dma_wait3A_893 = arith.constant 1 : i32
    %dma_wait3A_894 = arith.constant 0 : i32
    %dma_wait3A_895 = tpu.memref_slice %arg2[%dma_wait3A_893, %add3A_761, %dma_wait3A_894] : memref<4x4096x1024xf32, #tpu.memory_space<hbm>> -> memref<1x16x1024xf32, #tpu.memory_space<hbm>>
    %dma_wait3A_896 = tpu.memref_squeeze %dma_wait3A_895 : memref<1x16x1024xf32, #tpu.memory_space<hbm>> -> memref<16x1024xf32, #tpu.memory_space<hbm>>
    %dma_wait3A_897 = arith.constant 0 : i32
    %dma_wait3A_898 = tpu.memref_slice %arg2[%dma_wait3A_893, %add3A_761, %dma_wait3A_897] : memref<4x4096x1024xf32, #tpu.memory_space<hbm>> -> memref<1x16x1024xf32, #tpu.memory_space<hbm>>
    %dma_wait3A_899 = tpu.memref_squeeze %dma_wait3A_898 : memref<1x16x1024xf32, #tpu.memory_space<hbm>> -> memref<16x1024xf32, #tpu.memory_space<hbm>>
    tpu.wait_dma2 semaphore(%arg15 : memref<!tpu.dma_semaphore, #tpu.memory_space<semaphore_mem>>) src(%dma_wait3A_899 : memref<16x1024xf32, #tpu.memory_space<hbm>>) dst(%arg8 : memref<16x1024xf32, #tpu.memory_space<vmem>>)
    %scan3A_900 = arith.constant 0 : i32
    %scan3A_901 = arith.constant 0 : i32
    %scan3A_902 = arith.constant 16 : i32
    %scan3A_903 = arith.addi %scan3A_901, %scan3A_902 : i32
    %scan3A_904 = arith.constant 1 : i32
    scf.for %scan3A_1296 = %scan3A_901 to %scan3A_903 step %scan3A_904  : i32 {
      %parallel_loop3A = arith.constant 0 : i32
      %parallel_loop3A_1297 = arith.constant 64 : i32
      %parallel_loop3A_1298 = arith.constant 1 : i32
      scf.for %parallel_loop3A_1299 = %parallel_loop3A to %parallel_loop3A_1297 step %parallel_loop3A_1298  : i32 {
        %parallel_loop3A_1300 = arith.constant 16 : i32
        %parallel_loop3A_1301 = arith.muli %parallel_loop3A_1299, %parallel_loop3A_1300 : i32
        %parallel_loop3A_1302 = arith.index_cast %scan3A_1296 : i32 to index
        %parallel_loop3A_1303 = arith.index_cast %parallel_loop3A_1301 : i32 to index
        %parallel_loop3A_1304 = tpu.vector_load %arg6[%parallel_loop3A_1302, %parallel_loop3A_1303] {strides = array<i32>} : memref<16x1024xf32, #tpu.memory_space<vmem>>, vector<1x16xf32>,
        %parallel_loop3A_1305 = vector.shape_cast %parallel_loop3A_1304 : vector<1x16xf32> to vector<16xf32>
        %parallel_loop3A_1306 = arith.index_cast %scan3A_1296 : i32 to index
        %parallel_loop3A_1307 = arith.index_cast %parallel_loop3A_1301 : i32 to index
        %parallel_loop3A_1308 = tpu.vector_load %arg8[%parallel_loop3A_1306, %parallel_loop3A_1307] {strides = array<i32>} : memref<16x1024xf32, #tpu.memory_space<vmem>>, vector<1x16xf32>,
        %parallel_loop3A_1309 = vector.shape_cast %parallel_loop3A_1308 : vector<1x16xf32> to vector<16xf32>
        %parallel_loop3A_1310 = vector.shape_cast %parallel_loop3A_1305 : vector<16xf32> to vector<1x16xf32>
        tpu.vector_store %arg8[%parallel_loop3A_1306, %parallel_loop3A_1307], %parallel_loop3A_1310 {add = true, strides = array<i32>} : memref<16x1024xf32, #tpu.memory_space<vmem>>, vector<1x16xf32>,
      } {sc.loop_unroll_factor = 32 : i64, sc.parallel_access}
    }
    %scan3A_905 = arith.constant 16 : i32
    %add3A_906 = arith.constant 80 : i32
    %add3A_907 = arith.addi %mul3A_2, %add3A_906 : i32
    %dma_start3A_908 = arith.constant 1 : i32
    %dma_start3A_909 = arith.constant 0 : i32
    %dma_start3A_910 = tpu.memref_slice %arg4[%dma_start3A_908, %add3A_907, %dma_start3A_909] : memref<4x4096x1024xf32, #tpu.memory_space<hbm>> -> memref<1x16x1024xf32, #tpu.memory_space<hbm>>
    %dma_start3A_911 = tpu.memref_squeeze %dma_start3A_910 : memref<1x16x1024xf32, #tpu.memory_space<hbm>> -> memref<16x1024xf32, #tpu.memory_space<hbm>>
    %dma_start3A_912 = arith.constant 0 : i32
    %dma_start3A_913 = tpu.memref_slice %arg4[%dma_start3A_908, %add3A_907, %dma_start3A_912] : memref<4x4096x1024xf32, #tpu.memory_space<hbm>> -> memref<1x16x1024xf32, #tpu.memory_space<hbm>>
    %dma_start3A_914 = tpu.memref_squeeze %dma_start3A_913 : memref<1x16x1024xf32, #tpu.memory_space<hbm>> -> memref<16x1024xf32, #tpu.memory_space<hbm>>
    tpu.enqueue_dma source(%arg8 : memref<16x1024xf32, #tpu.memory_space<vmem>>) target(%dma_start3A_914 : memref<16x1024xf32, #tpu.memory_space<hbm>>) target_semaphore(%arg20 : memref<!tpu.dma_semaphore, #tpu.memory_space<semaphore_mem>>)
    %dma_wait3A_915 = arith.constant 0 : i32
    %dma_wait3A_916 = arith.constant 0 : i32
    %dma_wait3A_917 = tpu.memref_slice %arg4[%dma_wait3A_915, %add3A_869, %dma_wait3A_916] : memref<4x4096x1024xf32, #tpu.memory_space<hbm>> -> memref<1x16x1024xf32, #tpu.memory_space<hbm>>
    %dma_wait3A_918 = tpu.memref_squeeze %dma_wait3A_917 : memref<1x16x1024xf32, #tpu.memory_space<hbm>> -> memref<16x1024xf32, #tpu.memory_space<hbm>>
    %dma_wait3A_919 = arith.constant 0 : i32
    %dma_wait3A_920 = tpu.memref_slice %arg4[%dma_wait3A_915, %add3A_869, %dma_wait3A_919] : memref<4x4096x1024xf32, #tpu.memory_space<hbm>> -> memref<1x16x1024xf32, #tpu.memory_space<hbm>>
    %dma_wait3A_921 = tpu.memref_squeeze %dma_wait3A_920 : memref<1x16x1024xf32, #tpu.memory_space<hbm>> -> memref<16x1024xf32, #tpu.memory_space<hbm>>
    tpu.wait_dma2 semaphore(%arg19 : memref<!tpu.dma_semaphore, #tpu.memory_space<semaphore_mem>>) src(%arg7 : memref<16x1024xf32, #tpu.memory_space<vmem>>) dst(%dma_wait3A_921 : memref<16x1024xf32, #tpu.memory_space<hbm>>)
    %add3A_922 = arith.constant 96 : i32
    %add3A_923 = arith.addi %mul3A_2, %add3A_922 : i32
    %dma_start3A_924 = arith.constant 1 : i32
    %dma_start3A_925 = arith.constant 0 : i32
    %dma_start3A_926 = tpu.memref_slice %arg2[%dma_start3A_924, %add3A_923, %dma_start3A_925] : memref<4x4096x1024xf32, #tpu.memory_space<hbm>> -> memref<1x16x1024xf32, #tpu.memory_space<hbm>>
    %dma_start3A_927 = tpu.memref_squeeze %dma_start3A_926 : memref<1x16x1024xf32, #tpu.memory_space<hbm>> -> memref<16x1024xf32, #tpu.memory_space<hbm>>
    %dma_start3A_928 = arith.constant 0 : i32
    %dma_start3A_929 = tpu.memref_slice %arg2[%dma_start3A_924, %add3A_923, %dma_start3A_928] : memref<4x4096x1024xf32, #tpu.memory_space<hbm>> -> memref<1x16x1024xf32, #tpu.memory_space<hbm>>
    %dma_start3A_930 = tpu.memref_squeeze %dma_start3A_929 : memref<1x16x1024xf32, #tpu.memory_space<hbm>> -> memref<16x1024xf32, #tpu.memory_space<hbm>>
    tpu.enqueue_dma source(%dma_start3A_930 : memref<16x1024xf32, #tpu.memory_space<hbm>>) target(%arg7 : memref<16x1024xf32, #tpu.memory_space<vmem>>) target_semaphore(%arg14 : memref<!tpu.dma_semaphore, #tpu.memory_space<semaphore_mem>>)
    %dma_wait3A_931 = arith.constant 2 : i32
    %dma_wait3A_932 = arith.constant 0 : i32
    %dma_wait3A_933 = tpu.memref_slice %arg2[%dma_wait3A_931, %add3A_799, %dma_wait3A_932] : memref<4x4096x1024xf32, #tpu.memory_space<hbm>> -> memref<1x16x1024xf32, #tpu.memory_space<hbm>>
    %dma_wait3A_934 = tpu.memref_squeeze %dma_wait3A_933 : memref<1x16x1024xf32, #tpu.memory_space<hbm>> -> memref<16x1024xf32, #tpu.memory_space<hbm>>
    %dma_wait3A_935 = arith.constant 0 : i32
    %dma_wait3A_936 = tpu.memref_slice %arg2[%dma_wait3A_931, %add3A_799, %dma_wait3A_935] : memref<4x4096x1024xf32, #tpu.memory_space<hbm>> -> memref<1x16x1024xf32, #tpu.memory_space<hbm>>
    %dma_wait3A_937 = tpu.memref_squeeze %dma_wait3A_936 : memref<1x16x1024xf32, #tpu.memory_space<hbm>> -> memref<16x1024xf32, #tpu.memory_space<hbm>>
    tpu.wait_dma2 semaphore(%arg16 : memref<!tpu.dma_semaphore, #tpu.memory_space<semaphore_mem>>) src(%dma_wait3A_937 : memref<16x1024xf32, #tpu.memory_space<hbm>>) dst(%arg9 : memref<16x1024xf32, #tpu.memory_space<vmem>>)
    %scan3A_938 = arith.constant 0 : i32
    %scan3A_939 = arith.constant 0 : i32
    %scan3A_940 = arith.constant 16 : i32
    %scan3A_941 = arith.addi %scan3A_939, %scan3A_940 : i32
    %scan3A_942 = arith.constant 1 : i32
    scf.for %scan3A_1296 = %scan3A_939 to %scan3A_941 step %scan3A_942  : i32 {
      %parallel_loop3A = arith.constant 0 : i32
      %parallel_loop3A_1297 = arith.constant 64 : i32
      %parallel_loop3A_1298 = arith.constant 1 : i32
      scf.for %parallel_loop3A_1299 = %parallel_loop3A to %parallel_loop3A_1297 step %parallel_loop3A_1298  : i32 {
        %parallel_loop3A_1300 = arith.constant 16 : i32
        %parallel_loop3A_1301 = arith.muli %parallel_loop3A_1299, %parallel_loop3A_1300 : i32
        %parallel_loop3A_1302 = arith.index_cast %scan3A_1296 : i32 to index
        %parallel_loop3A_1303 = arith.index_cast %parallel_loop3A_1301 : i32 to index
        %parallel_loop3A_1304 = tpu.vector_load %arg6[%parallel_loop3A_1302, %parallel_loop3A_1303] {strides = array<i32>} : memref<16x1024xf32, #tpu.memory_space<vmem>>, vector<1x16xf32>,
        %parallel_loop3A_1305 = vector.shape_cast %parallel_loop3A_1304 : vector<1x16xf32> to vector<16xf32>
        %parallel_loop3A_1306 = arith.index_cast %scan3A_1296 : i32 to index
        %parallel_loop3A_1307 = arith.index_cast %parallel_loop3A_1301 : i32 to index
        %parallel_loop3A_1308 = tpu.vector_load %arg9[%parallel_loop3A_1306, %parallel_loop3A_1307] {strides = array<i32>} : memref<16x1024xf32, #tpu.memory_space<vmem>>, vector<1x16xf32>,
        %parallel_loop3A_1309 = vector.shape_cast %parallel_loop3A_1308 : vector<1x16xf32> to vector<16xf32>
        %parallel_loop3A_1310 = vector.shape_cast %parallel_loop3A_1305 : vector<16xf32> to vector<1x16xf32>
        tpu.vector_store %arg9[%parallel_loop3A_1306, %parallel_loop3A_1307], %parallel_loop3A_1310 {add = true, strides = array<i32>} : memref<16x1024xf32, #tpu.memory_space<vmem>>, vector<1x16xf32>,
      } {sc.loop_unroll_factor = 32 : i64, sc.parallel_access}
    }
    %scan3A_943 = arith.constant 16 : i32
    %add3A_944 = arith.constant 80 : i32
    %add3A_945 = arith.addi %mul3A_2, %add3A_944 : i32
    %dma_start3A_946 = arith.constant 2 : i32
    %dma_start3A_947 = arith.constant 0 : i32
    %dma_start3A_948 = tpu.memref_slice %arg4[%dma_start3A_946, %add3A_945, %dma_start3A_947] : memref<4x4096x1024xf32, #tpu.memory_space<hbm>> -> memref<1x16x1024xf32, #tpu.memory_space<hbm>>
    %dma_start3A_949 = tpu.memref_squeeze %dma_start3A_948 : memref<1x16x1024xf32, #tpu.memory_space<hbm>> -> memref<16x1024xf32, #tpu.memory_space<hbm>>
    %dma_start3A_950 = arith.constant 0 : i32
    %dma_start3A_951 = tpu.memref_slice %arg4[%dma_start3A_946, %add3A_945, %dma_start3A_950] : memref<4x4096x1024xf32, #tpu.memory_space<hbm>> -> memref<1x16x1024xf32, #tpu.memory_space<hbm>>
    %dma_start3A_952 = tpu.memref_squeeze %dma_start3A_951 : memref<1x16x1024xf32, #tpu.memory_space<hbm>> -> memref<16x1024xf32, #tpu.memory_space<hbm>>
    tpu.enqueue_dma source(%arg9 : memref<16x1024xf32, #tpu.memory_space<vmem>>) target(%dma_start3A_952 : memref<16x1024xf32, #tpu.memory_space<hbm>>) target_semaphore(%arg21 : memref<!tpu.dma_semaphore, #tpu.memory_space<semaphore_mem>>)
    %dma_wait3A_953 = arith.constant 1 : i32
    %dma_wait3A_954 = arith.constant 0 : i32
    %dma_wait3A_955 = tpu.memref_slice %arg4[%dma_wait3A_953, %add3A_907, %dma_wait3A_954] : memref<4x4096x1024xf32, #tpu.memory_space<hbm>> -> memref<1x16x1024xf32, #tpu.memory_space<hbm>>
    %dma_wait3A_956 = tpu.memref_squeeze %dma_wait3A_955 : memref<1x16x1024xf32, #tpu.memory_space<hbm>> -> memref<16x1024xf32, #tpu.memory_space<hbm>>
    %dma_wait3A_957 = arith.constant 0 : i32
    %dma_wait3A_958 = tpu.memref_slice %arg4[%dma_wait3A_953, %add3A_907, %dma_wait3A_957] : memref<4x4096x1024xf32, #tpu.memory_space<hbm>> -> memref<1x16x1024xf32, #tpu.memory_space<hbm>>
    %dma_wait3A_959 = tpu.memref_squeeze %dma_wait3A_958 : memref<1x16x1024xf32, #tpu.memory_space<hbm>> -> memref<16x1024xf32, #tpu.memory_space<hbm>>
    tpu.wait_dma2 semaphore(%arg20 : memref<!tpu.dma_semaphore, #tpu.memory_space<semaphore_mem>>) src(%arg8 : memref<16x1024xf32, #tpu.memory_space<vmem>>) dst(%dma_wait3A_959 : memref<16x1024xf32, #tpu.memory_space<hbm>>)
    %add3A_960 = arith.constant 96 : i32
    %add3A_961 = arith.addi %mul3A_2, %add3A_960 : i32
    %dma_start3A_962 = arith.constant 2 : i32
    %dma_start3A_963 = arith.constant 0 : i32
    %dma_start3A_964 = tpu.memref_slice %arg2[%dma_start3A_962, %add3A_961, %dma_start3A_963] : memref<4x4096x1024xf32, #tpu.memory_space<hbm>> -> memref<1x16x1024xf32, #tpu.memory_space<hbm>>
    %dma_start3A_965 = tpu.memref_squeeze %dma_start3A_964 : memref<1x16x1024xf32, #tpu.memory_space<hbm>> -> memref<16x1024xf32, #tpu.memory_space<hbm>>
    %dma_start3A_966 = arith.constant 0 : i32
    %dma_start3A_967 = tpu.memref_slice %arg2[%dma_start3A_962, %add3A_961, %dma_start3A_966] : memref<4x4096x1024xf32, #tpu.memory_space<hbm>> -> memref<1x16x1024xf32, #tpu.memory_space<hbm>>
    %dma_start3A_968 = tpu.memref_squeeze %dma_start3A_967 : memref<1x16x1024xf32, #tpu.memory_space<hbm>> -> memref<16x1024xf32, #tpu.memory_space<hbm>>
    tpu.enqueue_dma source(%dma_start3A_968 : memref<16x1024xf32, #tpu.memory_space<hbm>>) target(%arg8 : memref<16x1024xf32, #tpu.memory_space<vmem>>) target_semaphore(%arg15 : memref<!tpu.dma_semaphore, #tpu.memory_space<semaphore_mem>>)
    %dma_wait3A_969 = arith.constant 3 : i32
    %dma_wait3A_970 = arith.constant 0 : i32
    %dma_wait3A_971 = tpu.memref_slice %arg2[%dma_wait3A_969, %add3A_847, %dma_wait3A_970] : memref<4x4096x1024xf32, #tpu.memory_space<hbm>> -> memref<1x16x1024xf32, #tpu.memory_space<hbm>>
    %dma_wait3A_972 = tpu.memref_squeeze %dma_wait3A_971 : memref<1x16x1024xf32, #tpu.memory_space<hbm>> -> memref<16x1024xf32, #tpu.memory_space<hbm>>
    %dma_wait3A_973 = arith.constant 0 : i32
    %dma_wait3A_974 = tpu.memref_slice %arg2[%dma_wait3A_969, %add3A_847, %dma_wait3A_973] : memref<4x4096x1024xf32, #tpu.memory_space<hbm>> -> memref<1x16x1024xf32, #tpu.memory_space<hbm>>
    %dma_wait3A_975 = tpu.memref_squeeze %dma_wait3A_974 : memref<1x16x1024xf32, #tpu.memory_space<hbm>> -> memref<16x1024xf32, #tpu.memory_space<hbm>>
    tpu.wait_dma2 semaphore(%arg17 : memref<!tpu.dma_semaphore, #tpu.memory_space<semaphore_mem>>) src(%dma_wait3A_975 : memref<16x1024xf32, #tpu.memory_space<hbm>>) dst(%arg10 : memref<16x1024xf32, #tpu.memory_space<vmem>>)
    %scan3A_976 = arith.constant 0 : i32
    %scan3A_977 = arith.constant 0 : i32
    %scan3A_978 = arith.constant 16 : i32
    %scan3A_979 = arith.addi %scan3A_977, %scan3A_978 : i32
    %scan3A_980 = arith.constant 1 : i32
    scf.for %scan3A_1296 = %scan3A_977 to %scan3A_979 step %scan3A_980  : i32 {
      %parallel_loop3A = arith.constant 0 : i32
      %parallel_loop3A_1297 = arith.constant 64 : i32
      %parallel_loop3A_1298 = arith.constant 1 : i32
      scf.for %parallel_loop3A_1299 = %parallel_loop3A to %parallel_loop3A_1297 step %parallel_loop3A_1298  : i32 {
        %parallel_loop3A_1300 = arith.constant 16 : i32
        %parallel_loop3A_1301 = arith.muli %parallel_loop3A_1299, %parallel_loop3A_1300 : i32
        %parallel_loop3A_1302 = arith.index_cast %scan3A_1296 : i32 to index
        %parallel_loop3A_1303 = arith.index_cast %parallel_loop3A_1301 : i32 to index
        %parallel_loop3A_1304 = tpu.vector_load %arg6[%parallel_loop3A_1302, %parallel_loop3A_1303] {strides = array<i32>} : memref<16x1024xf32, #tpu.memory_space<vmem>>, vector<1x16xf32>,
        %parallel_loop3A_1305 = vector.shape_cast %parallel_loop3A_1304 : vector<1x16xf32> to vector<16xf32>
        %parallel_loop3A_1306 = arith.index_cast %scan3A_1296 : i32 to index
        %parallel_loop3A_1307 = arith.index_cast %parallel_loop3A_1301 : i32 to index
        %parallel_loop3A_1308 = tpu.vector_load %arg10[%parallel_loop3A_1306, %parallel_loop3A_1307] {strides = array<i32>} : memref<16x1024xf32, #tpu.memory_space<vmem>>, vector<1x16xf32>,
        %parallel_loop3A_1309 = vector.shape_cast %parallel_loop3A_1308 : vector<1x16xf32> to vector<16xf32>
        %parallel_loop3A_1310 = vector.shape_cast %parallel_loop3A_1305 : vector<16xf32> to vector<1x16xf32>
        tpu.vector_store %arg10[%parallel_loop3A_1306, %parallel_loop3A_1307], %parallel_loop3A_1310 {add = true, strides = array<i32>} : memref<16x1024xf32, #tpu.memory_space<vmem>>, vector<1x16xf32>,
      } {sc.loop_unroll_factor = 32 : i64, sc.parallel_access}
    }
    %scan3A_981 = arith.constant 16 : i32
    %add3A_982 = arith.constant 80 : i32
    %add3A_983 = arith.addi %mul3A_2, %add3A_982 : i32
    %dma_start3A_984 = arith.constant 3 : i32
    %dma_start3A_985 = arith.constant 0 : i32
    %dma_start3A_986 = tpu.memref_slice %arg4[%dma_start3A_984, %add3A_983, %dma_start3A_985] : memref<4x4096x1024xf32, #tpu.memory_space<hbm>> -> memref<1x16x1024xf32, #tpu.memory_space<hbm>>
    %dma_start3A_987 = tpu.memref_squeeze %dma_start3A_986 : memref<1x16x1024xf32, #tpu.memory_space<hbm>> -> memref<16x1024xf32, #tpu.memory_space<hbm>>
    %dma_start3A_988 = arith.constant 0 : i32
    %dma_start3A_989 = tpu.memref_slice %arg4[%dma_start3A_984, %add3A_983, %dma_start3A_988] : memref<4x4096x1024xf32, #tpu.memory_space<hbm>> -> memref<1x16x1024xf32, #tpu.memory_space<hbm>>
    %dma_start3A_990 = tpu.memref_squeeze %dma_start3A_989 : memref<1x16x1024xf32, #tpu.memory_space<hbm>> -> memref<16x1024xf32, #tpu.memory_space<hbm>>
    tpu.enqueue_dma source(%arg10 : memref<16x1024xf32, #tpu.memory_space<vmem>>) target(%dma_start3A_990 : memref<16x1024xf32, #tpu.memory_space<hbm>>) target_semaphore(%arg22 : memref<!tpu.dma_semaphore, #tpu.memory_space<semaphore_mem>>)
    %add3A_991 = arith.constant 112 : i32
    %add3A_992 = arith.addi %mul3A_2, %add3A_991 : i32
    %dma_start3A_993 = arith.constant 0 : i32
    %dma_start3A_994 = tpu.memref_slice %arg3[%add3A_992, %dma_start3A_993] : memref<8192x1024xf32, #tpu.memory_space<hbm>> -> memref<16x1024xf32, #tpu.memory_space<hbm>>
    %dma_start3A_995 = arith.constant 0 : i32
    %dma_start3A_996 = tpu.memref_slice %arg3[%add3A_992, %dma_start3A_995] : memref<8192x1024xf32, #tpu.memory_space<hbm>> -> memref<16x1024xf32, #tpu.memory_space<hbm>>
    tpu.enqueue_dma source(%dma_start3A_996 : memref<16x1024xf32, #tpu.memory_space<hbm>>) target(%arg6 : memref<16x1024xf32, #tpu.memory_space<vmem>>) target_semaphore(%arg13 : memref<!tpu.dma_semaphore, #tpu.memory_space<semaphore_mem>>)
    %dma_wait3A_997 = arith.constant 0 : i32
    %dma_wait3A_998 = tpu.memref_slice %arg3[%add3A_830, %dma_wait3A_997] : memref<8192x1024xf32, #tpu.memory_space<hbm>> -> memref<16x1024xf32, #tpu.memory_space<hbm>>
    %dma_wait3A_999 = arith.constant 0 : i32
    %dma_wait3A_1000 = tpu.memref_slice %arg3[%add3A_830, %dma_wait3A_999] : memref<8192x1024xf32, #tpu.memory_space<hbm>> -> memref<16x1024xf32, #tpu.memory_space<hbm>>
    tpu.wait_dma2 semaphore(%arg12 : memref<!tpu.dma_semaphore, #tpu.memory_space<semaphore_mem>>) src(%dma_wait3A_1000 : memref<16x1024xf32, #tpu.memory_space<hbm>>) dst(%arg5 : memref<16x1024xf32, #tpu.memory_space<vmem>>)
    %dma_wait3A_1001 = arith.constant 2 : i32
    %dma_wait3A_1002 = arith.constant 0 : i32
    %dma_wait3A_1003 = tpu.memref_slice %arg4[%dma_wait3A_1001, %add3A_945, %dma_wait3A_1002] : memref<4x4096x1024xf32, #tpu.memory_space<hbm>> -> memref<1x16x1024xf32, #tpu.memory_space<hbm>>
    %dma_wait3A_1004 = tpu.memref_squeeze %dma_wait3A_1003 : memref<1x16x1024xf32, #tpu.memory_space<hbm>> -> memref<16x1024xf32, #tpu.memory_space<hbm>>
    %dma_wait3A_1005 = arith.constant 0 : i32
    %dma_wait3A_1006 = tpu.memref_slice %arg4[%dma_wait3A_1001, %add3A_945, %dma_wait3A_1005] : memref<4x4096x1024xf32, #tpu.memory_space<hbm>> -> memref<1x16x1024xf32, #tpu.memory_space<hbm>>
    %dma_wait3A_1007 = tpu.memref_squeeze %dma_wait3A_1006 : memref<1x16x1024xf32, #tpu.memory_space<hbm>> -> memref<16x1024xf32, #tpu.memory_space<hbm>>
    tpu.wait_dma2 semaphore(%arg21 : memref<!tpu.dma_semaphore, #tpu.memory_space<semaphore_mem>>) src(%arg9 : memref<16x1024xf32, #tpu.memory_space<vmem>>) dst(%dma_wait3A_1007 : memref<16x1024xf32, #tpu.memory_space<hbm>>)
    %add3A_1008 = arith.constant 96 : i32
    %add3A_1009 = arith.addi %mul3A_2, %add3A_1008 : i32
    %dma_start3A_1010 = arith.constant 3 : i32
    %dma_start3A_1011 = arith.constant 0 : i32
    %dma_start3A_1012 = tpu.memref_slice %arg2[%dma_start3A_1010, %add3A_1009, %dma_start3A_1011] : memref<4x4096x1024xf32, #tpu.memory_space<hbm>> -> memref<1x16x1024xf32, #tpu.memory_space<hbm>>
    %dma_start3A_1013 = tpu.memref_squeeze %dma_start3A_1012 : memref<1x16x1024xf32, #tpu.memory_space<hbm>> -> memref<16x1024xf32, #tpu.memory_space<hbm>>
    %dma_start3A_1014 = arith.constant 0 : i32
    %dma_start3A_1015 = tpu.memref_slice %arg2[%dma_start3A_1010, %add3A_1009, %dma_start3A_1014] : memref<4x4096x1024xf32, #tpu.memory_space<hbm>> -> memref<1x16x1024xf32, #tpu.memory_space<hbm>>
    %dma_start3A_1016 = tpu.memref_squeeze %dma_start3A_1015 : memref<1x16x1024xf32, #tpu.memory_space<hbm>> -> memref<16x1024xf32, #tpu.memory_space<hbm>>
    tpu.enqueue_dma source(%dma_start3A_1016 : memref<16x1024xf32, #tpu.memory_space<hbm>>) target(%arg9 : memref<16x1024xf32, #tpu.memory_space<vmem>>) target_semaphore(%arg16 : memref<!tpu.dma_semaphore, #tpu.memory_space<semaphore_mem>>)
    %dma_wait3A_1017 = arith.constant 0 : i32
    %dma_wait3A_1018 = arith.constant 0 : i32
    %dma_wait3A_1019 = tpu.memref_slice %arg2[%dma_wait3A_1017, %add3A_885, %dma_wait3A_1018] : memref<4x4096x1024xf32, #tpu.memory_space<hbm>> -> memref<1x16x1024xf32, #tpu.memory_space<hbm>>
    %dma_wait3A_1020 = tpu.memref_squeeze %dma_wait3A_1019 : memref<1x16x1024xf32, #tpu.memory_space<hbm>> -> memref<16x1024xf32, #tpu.memory_space<hbm>>
    %dma_wait3A_1021 = arith.constant 0 : i32
    %dma_wait3A_1022 = tpu.memref_slice %arg2[%dma_wait3A_1017, %add3A_885, %dma_wait3A_1021] : memref<4x4096x1024xf32, #tpu.memory_space<hbm>> -> memref<1x16x1024xf32, #tpu.memory_space<hbm>>
    %dma_wait3A_1023 = tpu.memref_squeeze %dma_wait3A_1022 : memref<1x16x1024xf32, #tpu.memory_space<hbm>> -> memref<16x1024xf32, #tpu.memory_space<hbm>>
    tpu.wait_dma2 semaphore(%arg18 : memref<!tpu.dma_semaphore, #tpu.memory_space<semaphore_mem>>) src(%dma_wait3A_1023 : memref<16x1024xf32, #tpu.memory_space<hbm>>) dst(%arg11 : memref<16x1024xf32, #tpu.memory_space<vmem>>)
    %scan3A_1024 = arith.constant 0 : i32
    %scan3A_1025 = arith.constant 0 : i32
    %scan3A_1026 = arith.constant 16 : i32
    %scan3A_1027 = arith.addi %scan3A_1025, %scan3A_1026 : i32
    %scan3A_1028 = arith.constant 1 : i32
    scf.for %scan3A_1296 = %scan3A_1025 to %scan3A_1027 step %scan3A_1028  : i32 {
      %parallel_loop3A = arith.constant 0 : i32
      %parallel_loop3A_1297 = arith.constant 64 : i32
      %parallel_loop3A_1298 = arith.constant 1 : i32
      scf.for %parallel_loop3A_1299 = %parallel_loop3A to %parallel_loop3A_1297 step %parallel_loop3A_1298  : i32 {
        %parallel_loop3A_1300 = arith.constant 16 : i32
        %parallel_loop3A_1301 = arith.muli %parallel_loop3A_1299, %parallel_loop3A_1300 : i32
        %parallel_loop3A_1302 = arith.index_cast %scan3A_1296 : i32 to index
        %parallel_loop3A_1303 = arith.index_cast %parallel_loop3A_1301 : i32 to index
        %parallel_loop3A_1304 = tpu.vector_load %arg5[%parallel_loop3A_1302, %parallel_loop3A_1303] {strides = array<i32>} : memref<16x1024xf32, #tpu.memory_space<vmem>>, vector<1x16xf32>,
        %parallel_loop3A_1305 = vector.shape_cast %parallel_loop3A_1304 : vector<1x16xf32> to vector<16xf32>
        %parallel_loop3A_1306 = arith.index_cast %scan3A_1296 : i32 to index
        %parallel_loop3A_1307 = arith.index_cast %parallel_loop3A_1301 : i32 to index
        %parallel_loop3A_1308 = tpu.vector_load %arg11[%parallel_loop3A_1306, %parallel_loop3A_1307] {strides = array<i32>} : memref<16x1024xf32, #tpu.memory_space<vmem>>, vector<1x16xf32>,
        %parallel_loop3A_1309 = vector.shape_cast %parallel_loop3A_1308 : vector<1x16xf32> to vector<16xf32>
        %parallel_loop3A_1310 = vector.shape_cast %parallel_loop3A_1305 : vector<16xf32> to vector<1x16xf32>
        tpu.vector_store %arg11[%parallel_loop3A_1306, %parallel_loop3A_1307], %parallel_loop3A_1310 {add = true, strides = array<i32>} : memref<16x1024xf32, #tpu.memory_space<vmem>>, vector<1x16xf32>,
      } {sc.loop_unroll_factor = 32 : i64, sc.parallel_access}
    }
    %scan3A_1029 = arith.constant 16 : i32
    %add3A_1030 = arith.constant 96 : i32
    %add3A_1031 = arith.addi %mul3A_2, %add3A_1030 : i32
    %dma_start3A_1032 = arith.constant 0 : i32
    %dma_start3A_1033 = arith.constant 0 : i32
    %dma_start3A_1034 = tpu.memref_slice %arg4[%dma_start3A_1032, %add3A_1031, %dma_start3A_1033] : memref<4x4096x1024xf32, #tpu.memory_space<hbm>> -> memref<1x16x1024xf32, #tpu.memory_space<hbm>>
    %dma_start3A_1035 = tpu.memref_squeeze %dma_start3A_1034 : memref<1x16x1024xf32, #tpu.memory_space<hbm>> -> memref<16x1024xf32, #tpu.memory_space<hbm>>
    %dma_start3A_1036 = arith.constant 0 : i32
    %dma_start3A_1037 = tpu.memref_slice %arg4[%dma_start3A_1032, %add3A_1031, %dma_start3A_1036] : memref<4x4096x1024xf32, #tpu.memory_space<hbm>> -> memref<1x16x1024xf32, #tpu.memory_space<hbm>>
    %dma_start3A_1038 = tpu.memref_squeeze %dma_start3A_1037 : memref<1x16x1024xf32, #tpu.memory_space<hbm>> -> memref<16x1024xf32, #tpu.memory_space<hbm>>
    tpu.enqueue_dma source(%arg11 : memref<16x1024xf32, #tpu.memory_space<vmem>>) target(%dma_start3A_1038 : memref<16x1024xf32, #tpu.memory_space<hbm>>) target_semaphore(%arg23 : memref<!tpu.dma_semaphore, #tpu.memory_space<semaphore_mem>>)
    %dma_wait3A_1039 = arith.constant 3 : i32
    %dma_wait3A_1040 = arith.constant 0 : i32
    %dma_wait3A_1041 = tpu.memref_slice %arg4[%dma_wait3A_1039, %add3A_983, %dma_wait3A_1040] : memref<4x4096x1024xf32, #tpu.memory_space<hbm>> -> memref<1x16x1024xf32, #tpu.memory_space<hbm>>
    %dma_wait3A_1042 = tpu.memref_squeeze %dma_wait3A_1041 : memref<1x16x1024xf32, #tpu.memory_space<hbm>> -> memref<16x1024xf32, #tpu.memory_space<hbm>>
    %dma_wait3A_1043 = arith.constant 0 : i32
    %dma_wait3A_1044 = tpu.memref_slice %arg4[%dma_wait3A_1039, %add3A_983, %dma_wait3A_1043] : memref<4x4096x1024xf32, #tpu.memory_space<hbm>> -> memref<1x16x1024xf32, #tpu.memory_space<hbm>>
    %dma_wait3A_1045 = tpu.memref_squeeze %dma_wait3A_1044 : memref<1x16x1024xf32, #tpu.memory_space<hbm>> -> memref<16x1024xf32, #tpu.memory_space<hbm>>
    tpu.wait_dma2 semaphore(%arg22 : memref<!tpu.dma_semaphore, #tpu.memory_space<semaphore_mem>>) src(%arg10 : memref<16x1024xf32, #tpu.memory_space<vmem>>) dst(%dma_wait3A_1045 : memref<16x1024xf32, #tpu.memory_space<hbm>>)
    %add3A_1046 = arith.constant 112 : i32
    %add3A_1047 = arith.addi %mul3A_2, %add3A_1046 : i32
    %dma_start3A_1048 = arith.constant 0 : i32
    %dma_start3A_1049 = arith.constant 0 : i32
    %dma_start3A_1050 = tpu.memref_slice %arg2[%dma_start3A_1048, %add3A_1047, %dma_start3A_1049] : memref<4x4096x1024xf32, #tpu.memory_space<hbm>> -> memref<1x16x1024xf32, #tpu.memory_space<hbm>>
    %dma_start3A_1051 = tpu.memref_squeeze %dma_start3A_1050 : memref<1x16x1024xf32, #tpu.memory_space<hbm>> -> memref<16x1024xf32, #tpu.memory_space<hbm>>
    %dma_start3A_1052 = arith.constant 0 : i32
    %dma_start3A_1053 = tpu.memref_slice %arg2[%dma_start3A_1048, %add3A_1047, %dma_start3A_1052] : memref<4x4096x1024xf32, #tpu.memory_space<hbm>> -> memref<1x16x1024xf32, #tpu.memory_space<hbm>>
    %dma_start3A_1054 = tpu.memref_squeeze %dma_start3A_1053 : memref<1x16x1024xf32, #tpu.memory_space<hbm>> -> memref<16x1024xf32, #tpu.memory_space<hbm>>
    tpu.enqueue_dma source(%dma_start3A_1054 : memref<16x1024xf32, #tpu.memory_space<hbm>>) target(%arg10 : memref<16x1024xf32, #tpu.memory_space<vmem>>) target_semaphore(%arg17 : memref<!tpu.dma_semaphore, #tpu.memory_space<semaphore_mem>>)
    %dma_wait3A_1055 = arith.constant 1 : i32
    %dma_wait3A_1056 = arith.constant 0 : i32
    %dma_wait3A_1057 = tpu.memref_slice %arg2[%dma_wait3A_1055, %add3A_923, %dma_wait3A_1056] : memref<4x4096x1024xf32, #tpu.memory_space<hbm>> -> memref<1x16x1024xf32, #tpu.memory_space<hbm>>
    %dma_wait3A_1058 = tpu.memref_squeeze %dma_wait3A_1057 : memref<1x16x1024xf32, #tpu.memory_space<hbm>> -> memref<16x1024xf32, #tpu.memory_space<hbm>>
    %dma_wait3A_1059 = arith.constant 0 : i32
    %dma_wait3A_1060 = tpu.memref_slice %arg2[%dma_wait3A_1055, %add3A_923, %dma_wait3A_1059] : memref<4x4096x1024xf32, #tpu.memory_space<hbm>> -> memref<1x16x1024xf32, #tpu.memory_space<hbm>>
    %dma_wait3A_1061 = tpu.memref_squeeze %dma_wait3A_1060 : memref<1x16x1024xf32, #tpu.memory_space<hbm>> -> memref<16x1024xf32, #tpu.memory_space<hbm>>
    tpu.wait_dma2 semaphore(%arg14 : memref<!tpu.dma_semaphore, #tpu.memory_space<semaphore_mem>>) src(%dma_wait3A_1061 : memref<16x1024xf32, #tpu.memory_space<hbm>>) dst(%arg7 : memref<16x1024xf32, #tpu.memory_space<vmem>>)
    %scan3A_1062 = arith.constant 0 : i32
    %scan3A_1063 = arith.constant 0 : i32
    %scan3A_1064 = arith.constant 16 : i32
    %scan3A_1065 = arith.addi %scan3A_1063, %scan3A_1064 : i32
    %scan3A_1066 = arith.constant 1 : i32
    scf.for %scan3A_1296 = %scan3A_1063 to %scan3A_1065 step %scan3A_1066  : i32 {
      %parallel_loop3A = arith.constant 0 : i32
      %parallel_loop3A_1297 = arith.constant 64 : i32
      %parallel_loop3A_1298 = arith.constant 1 : i32
      scf.for %parallel_loop3A_1299 = %parallel_loop3A to %parallel_loop3A_1297 step %parallel_loop3A_1298  : i32 {
        %parallel_loop3A_1300 = arith.constant 16 : i32
        %parallel_loop3A_1301 = arith.muli %parallel_loop3A_1299, %parallel_loop3A_1300 : i32
        %parallel_loop3A_1302 = arith.index_cast %scan3A_1296 : i32 to index
        %parallel_loop3A_1303 = arith.index_cast %parallel_loop3A_1301 : i32 to index
        %parallel_loop3A_1304 = tpu.vector_load %arg5[%parallel_loop3A_1302, %parallel_loop3A_1303] {strides = array<i32>} : memref<16x1024xf32, #tpu.memory_space<vmem>>, vector<1x16xf32>,
        %parallel_loop3A_1305 = vector.shape_cast %parallel_loop3A_1304 : vector<1x16xf32> to vector<16xf32>
        %parallel_loop3A_1306 = arith.index_cast %scan3A_1296 : i32 to index
        %parallel_loop3A_1307 = arith.index_cast %parallel_loop3A_1301 : i32 to index
        %parallel_loop3A_1308 = tpu.vector_load %arg7[%parallel_loop3A_1306, %parallel_loop3A_1307] {strides = array<i32>} : memref<16x1024xf32, #tpu.memory_space<vmem>>, vector<1x16xf32>,
        %parallel_loop3A_1309 = vector.shape_cast %parallel_loop3A_1308 : vector<1x16xf32> to vector<16xf32>
        %parallel_loop3A_1310 = vector.shape_cast %parallel_loop3A_1305 : vector<16xf32> to vector<1x16xf32>
        tpu.vector_store %arg7[%parallel_loop3A_1306, %parallel_loop3A_1307], %parallel_loop3A_1310 {add = true, strides = array<i32>} : memref<16x1024xf32, #tpu.memory_space<vmem>>, vector<1x16xf32>,
      } {sc.loop_unroll_factor = 32 : i64, sc.parallel_access}
    }
    %scan3A_1067 = arith.constant 16 : i32
    %add3A_1068 = arith.constant 96 : i32
    %add3A_1069 = arith.addi %mul3A_2, %add3A_1068 : i32
    %dma_start3A_1070 = arith.constant 1 : i32
    %dma_start3A_1071 = arith.constant 0 : i32
    %dma_start3A_1072 = tpu.memref_slice %arg4[%dma_start3A_1070, %add3A_1069, %dma_start3A_1071] : memref<4x4096x1024xf32, #tpu.memory_space<hbm>> -> memref<1x16x1024xf32, #tpu.memory_space<hbm>>
    %dma_start3A_1073 = tpu.memref_squeeze %dma_start3A_1072 : memref<1x16x1024xf32, #tpu.memory_space<hbm>> -> memref<16x1024xf32, #tpu.memory_space<hbm>>
    %dma_start3A_1074 = arith.constant 0 : i32
    %dma_start3A_1075 = tpu.memref_slice %arg4[%dma_start3A_1070, %add3A_1069, %dma_start3A_1074] : memref<4x4096x1024xf32, #tpu.memory_space<hbm>> -> memref<1x16x1024xf32, #tpu.memory_space<hbm>>
    %dma_start3A_1076 = tpu.memref_squeeze %dma_start3A_1075 : memref<1x16x1024xf32, #tpu.memory_space<hbm>> -> memref<16x1024xf32, #tpu.memory_space<hbm>>
    tpu.enqueue_dma source(%arg7 : memref<16x1024xf32, #tpu.memory_space<vmem>>) target(%dma_start3A_1076 : memref<16x1024xf32, #tpu.memory_space<hbm>>) target_semaphore(%arg19 : memref<!tpu.dma_semaphore, #tpu.memory_space<semaphore_mem>>)
    %dma_wait3A_1077 = arith.constant 0 : i32
    %dma_wait3A_1078 = arith.constant 0 : i32
    %dma_wait3A_1079 = tpu.memref_slice %arg4[%dma_wait3A_1077, %add3A_1031, %dma_wait3A_1078] : memref<4x4096x1024xf32, #tpu.memory_space<hbm>> -> memref<1x16x1024xf32, #tpu.memory_space<hbm>>
    %dma_wait3A_1080 = tpu.memref_squeeze %dma_wait3A_1079 : memref<1x16x1024xf32, #tpu.memory_space<hbm>> -> memref<16x1024xf32, #tpu.memory_space<hbm>>
    %dma_wait3A_1081 = arith.constant 0 : i32
    %dma_wait3A_1082 = tpu.memref_slice %arg4[%dma_wait3A_1077, %add3A_1031, %dma_wait3A_1081] : memref<4x4096x1024xf32, #tpu.memory_space<hbm>> -> memref<1x16x1024xf32, #tpu.memory_space<hbm>>
    %dma_wait3A_1083 = tpu.memref_squeeze %dma_wait3A_1082 : memref<1x16x1024xf32, #tpu.memory_space<hbm>> -> memref<16x1024xf32, #tpu.memory_space<hbm>>
    tpu.wait_dma2 semaphore(%arg23 : memref<!tpu.dma_semaphore, #tpu.memory_space<semaphore_mem>>) src(%arg11 : memref<16x1024xf32, #tpu.memory_space<vmem>>) dst(%dma_wait3A_1083 : memref<16x1024xf32, #tpu.memory_space<hbm>>)
    %add3A_1084 = arith.constant 112 : i32
    %add3A_1085 = arith.addi %mul3A_2, %add3A_1084 : i32
    %dma_start3A_1086 = arith.constant 1 : i32
    %dma_start3A_1087 = arith.constant 0 : i32
    %dma_start3A_1088 = tpu.memref_slice %arg2[%dma_start3A_1086, %add3A_1085, %dma_start3A_1087] : memref<4x4096x1024xf32, #tpu.memory_space<hbm>> -> memref<1x16x1024xf32, #tpu.memory_space<hbm>>
    %dma_start3A_1089 = tpu.memref_squeeze %dma_start3A_1088 : memref<1x16x1024xf32, #tpu.memory_space<hbm>> -> memref<16x1024xf32, #tpu.memory_space<hbm>>
    %dma_start3A_1090 = arith.constant 0 : i32
    %dma_start3A_1091 = tpu.memref_slice %arg2[%dma_start3A_1086, %add3A_1085, %dma_start3A_1090] : memref<4x4096x1024xf32, #tpu.memory_space<hbm>> -> memref<1x16x1024xf32, #tpu.memory_space<hbm>>
    %dma_start3A_1092 = tpu.memref_squeeze %dma_start3A_1091 : memref<1x16x1024xf32, #tpu.memory_space<hbm>> -> memref<16x1024xf32, #tpu.memory_space<hbm>>
    tpu.enqueue_dma source(%dma_start3A_1092 : memref<16x1024xf32, #tpu.memory_space<hbm>>) target(%arg11 : memref<16x1024xf32, #tpu.memory_space<vmem>>) target_semaphore(%arg18 : memref<!tpu.dma_semaphore, #tpu.memory_space<semaphore_mem>>)
    %dma_wait3A_1093 = arith.constant 2 : i32
    %dma_wait3A_1094 = arith.constant 0 : i32
    %dma_wait3A_1095 = tpu.memref_slice %arg2[%dma_wait3A_1093, %add3A_961, %dma_wait3A_1094] : memref<4x4096x1024xf32, #tpu.memory_space<hbm>> -> memref<1x16x1024xf32, #tpu.memory_space<hbm>>
    %dma_wait3A_1096 = tpu.memref_squeeze %dma_wait3A_1095 : memref<1x16x1024xf32, #tpu.memory_space<hbm>> -> memref<16x1024xf32, #tpu.memory_space<hbm>>
    %dma_wait3A_1097 = arith.constant 0 : i32
    %dma_wait3A_1098 = tpu.memref_slice %arg2[%dma_wait3A_1093, %add3A_961, %dma_wait3A_1097] : memref<4x4096x1024xf32, #tpu.memory_space<hbm>> -> memref<1x16x1024xf32, #tpu.memory_space<hbm>>
    %dma_wait3A_1099 = tpu.memref_squeeze %dma_wait3A_1098 : memref<1x16x1024xf32, #tpu.memory_space<hbm>> -> memref<16x1024xf32, #tpu.memory_space<hbm>>
    tpu.wait_dma2 semaphore(%arg15 : memref<!tpu.dma_semaphore, #tpu.memory_space<semaphore_mem>>) src(%dma_wait3A_1099 : memref<16x1024xf32, #tpu.memory_space<hbm>>) dst(%arg8 : memref<16x1024xf32, #tpu.memory_space<vmem>>)
    %scan3A_1100 = arith.constant 0 : i32
    %scan3A_1101 = arith.constant 0 : i32
    %scan3A_1102 = arith.constant 16 : i32
    %scan3A_1103 = arith.addi %scan3A_1101, %scan3A_1102 : i32
    %scan3A_1104 = arith.constant 1 : i32
    scf.for %scan3A_1296 = %scan3A_1101 to %scan3A_1103 step %scan3A_1104  : i32 {
      %parallel_loop3A = arith.constant 0 : i32
      %parallel_loop3A_1297 = arith.constant 64 : i32
      %parallel_loop3A_1298 = arith.constant 1 : i32
      scf.for %parallel_loop3A_1299 = %parallel_loop3A to %parallel_loop3A_1297 step %parallel_loop3A_1298  : i32 {
        %parallel_loop3A_1300 = arith.constant 16 : i32
        %parallel_loop3A_1301 = arith.muli %parallel_loop3A_1299, %parallel_loop3A_1300 : i32
        %parallel_loop3A_1302 = arith.index_cast %scan3A_1296 : i32 to index
        %parallel_loop3A_1303 = arith.index_cast %parallel_loop3A_1301 : i32 to index
        %parallel_loop3A_1304 = tpu.vector_load %arg5[%parallel_loop3A_1302, %parallel_loop3A_1303] {strides = array<i32>} : memref<16x1024xf32, #tpu.memory_space<vmem>>, vector<1x16xf32>,
        %parallel_loop3A_1305 = vector.shape_cast %parallel_loop3A_1304 : vector<1x16xf32> to vector<16xf32>
        %parallel_loop3A_1306 = arith.index_cast %scan3A_1296 : i32 to index
        %parallel_loop3A_1307 = arith.index_cast %parallel_loop3A_1301 : i32 to index
        %parallel_loop3A_1308 = tpu.vector_load %arg8[%parallel_loop3A_1306, %parallel_loop3A_1307] {strides = array<i32>} : memref<16x1024xf32, #tpu.memory_space<vmem>>, vector<1x16xf32>,
        %parallel_loop3A_1309 = vector.shape_cast %parallel_loop3A_1308 : vector<1x16xf32> to vector<16xf32>
        %parallel_loop3A_1310 = vector.shape_cast %parallel_loop3A_1305 : vector<16xf32> to vector<1x16xf32>
        tpu.vector_store %arg8[%parallel_loop3A_1306, %parallel_loop3A_1307], %parallel_loop3A_1310 {add = true, strides = array<i32>} : memref<16x1024xf32, #tpu.memory_space<vmem>>, vector<1x16xf32>,
      } {sc.loop_unroll_factor = 32 : i64, sc.parallel_access}
    }
    %scan3A_1105 = arith.constant 16 : i32
    %add3A_1106 = arith.constant 96 : i32
    %add3A_1107 = arith.addi %mul3A_2, %add3A_1106 : i32
    %dma_start3A_1108 = arith.constant 2 : i32
    %dma_start3A_1109 = arith.constant 0 : i32
    %dma_start3A_1110 = tpu.memref_slice %arg4[%dma_start3A_1108, %add3A_1107, %dma_start3A_1109] : memref<4x4096x1024xf32, #tpu.memory_space<hbm>> -> memref<1x16x1024xf32, #tpu.memory_space<hbm>>
    %dma_start3A_1111 = tpu.memref_squeeze %dma_start3A_1110 : memref<1x16x1024xf32, #tpu.memory_space<hbm>> -> memref<16x1024xf32, #tpu.memory_space<hbm>>
    %dma_start3A_1112 = arith.constant 0 : i32
    %dma_start3A_1113 = tpu.memref_slice %arg4[%dma_start3A_1108, %add3A_1107, %dma_start3A_1112] : memref<4x4096x1024xf32, #tpu.memory_space<hbm>> -> memref<1x16x1024xf32, #tpu.memory_space<hbm>>
    %dma_start3A_1114 = tpu.memref_squeeze %dma_start3A_1113 : memref<1x16x1024xf32, #tpu.memory_space<hbm>> -> memref<16x1024xf32, #tpu.memory_space<hbm>>
    tpu.enqueue_dma source(%arg8 : memref<16x1024xf32, #tpu.memory_space<vmem>>) target(%dma_start3A_1114 : memref<16x1024xf32, #tpu.memory_space<hbm>>) target_semaphore(%arg20 : memref<!tpu.dma_semaphore, #tpu.memory_space<semaphore_mem>>)
    %dma_wait3A_1115 = arith.constant 1 : i32
    %dma_wait3A_1116 = arith.constant 0 : i32
    %dma_wait3A_1117 = tpu.memref_slice %arg4[%dma_wait3A_1115, %add3A_1069, %dma_wait3A_1116] : memref<4x4096x1024xf32, #tpu.memory_space<hbm>> -> memref<1x16x1024xf32, #tpu.memory_space<hbm>>
    %dma_wait3A_1118 = tpu.memref_squeeze %dma_wait3A_1117 : memref<1x16x1024xf32, #tpu.memory_space<hbm>> -> memref<16x1024xf32, #tpu.memory_space<hbm>>
    %dma_wait3A_1119 = arith.constant 0 : i32
    %dma_wait3A_1120 = tpu.memref_slice %arg4[%dma_wait3A_1115, %add3A_1069, %dma_wait3A_1119] : memref<4x4096x1024xf32, #tpu.memory_space<hbm>> -> memref<1x16x1024xf32, #tpu.memory_space<hbm>>
    %dma_wait3A_1121 = tpu.memref_squeeze %dma_wait3A_1120 : memref<1x16x1024xf32, #tpu.memory_space<hbm>> -> memref<16x1024xf32, #tpu.memory_space<hbm>>
    tpu.wait_dma2 semaphore(%arg19 : memref<!tpu.dma_semaphore, #tpu.memory_space<semaphore_mem>>) src(%arg7 : memref<16x1024xf32, #tpu.memory_space<vmem>>) dst(%dma_wait3A_1121 : memref<16x1024xf32, #tpu.memory_space<hbm>>)
    %add3A_1122 = arith.constant 112 : i32
    %add3A_1123 = arith.addi %mul3A_2, %add3A_1122 : i32
    %dma_start3A_1124 = arith.constant 2 : i32
    %dma_start3A_1125 = arith.constant 0 : i32
    %dma_start3A_1126 = tpu.memref_slice %arg2[%dma_start3A_1124, %add3A_1123, %dma_start3A_1125] : memref<4x4096x1024xf32, #tpu.memory_space<hbm>> -> memref<1x16x1024xf32, #tpu.memory_space<hbm>>
    %dma_start3A_1127 = tpu.memref_squeeze %dma_start3A_1126 : memref<1x16x1024xf32, #tpu.memory_space<hbm>> -> memref<16x1024xf32, #tpu.memory_space<hbm>>
    %dma_start3A_1128 = arith.constant 0 : i32
    %dma_start3A_1129 = tpu.memref_slice %arg2[%dma_start3A_1124, %add3A_1123, %dma_start3A_1128] : memref<4x4096x1024xf32, #tpu.memory_space<hbm>> -> memref<1x16x1024xf32, #tpu.memory_space<hbm>>
    %dma_start3A_1130 = tpu.memref_squeeze %dma_start3A_1129 : memref<1x16x1024xf32, #tpu.memory_space<hbm>> -> memref<16x1024xf32, #tpu.memory_space<hbm>>
    tpu.enqueue_dma source(%dma_start3A_1130 : memref<16x1024xf32, #tpu.memory_space<hbm>>) target(%arg7 : memref<16x1024xf32, #tpu.memory_space<vmem>>) target_semaphore(%arg14 : memref<!tpu.dma_semaphore, #tpu.memory_space<semaphore_mem>>)
    %dma_wait3A_1131 = arith.constant 3 : i32
    %dma_wait3A_1132 = arith.constant 0 : i32
    %dma_wait3A_1133 = tpu.memref_slice %arg2[%dma_wait3A_1131, %add3A_1009, %dma_wait3A_1132] : memref<4x4096x1024xf32, #tpu.memory_space<hbm>> -> memref<1x16x1024xf32, #tpu.memory_space<hbm>>
    %dma_wait3A_1134 = tpu.memref_squeeze %dma_wait3A_1133 : memref<1x16x1024xf32, #tpu.memory_space<hbm>> -> memref<16x1024xf32, #tpu.memory_space<hbm>>
    %dma_wait3A_1135 = arith.constant 0 : i32
    %dma_wait3A_1136 = tpu.memref_slice %arg2[%dma_wait3A_1131, %add3A_1009, %dma_wait3A_1135] : memref<4x4096x1024xf32, #tpu.memory_space<hbm>> -> memref<1x16x1024xf32, #tpu.memory_space<hbm>>
    %dma_wait3A_1137 = tpu.memref_squeeze %dma_wait3A_1136 : memref<1x16x1024xf32, #tpu.memory_space<hbm>> -> memref<16x1024xf32, #tpu.memory_space<hbm>>
    tpu.wait_dma2 semaphore(%arg16 : memref<!tpu.dma_semaphore, #tpu.memory_space<semaphore_mem>>) src(%dma_wait3A_1137 : memref<16x1024xf32, #tpu.memory_space<hbm>>) dst(%arg9 : memref<16x1024xf32, #tpu.memory_space<vmem>>)
    %scan3A_1138 = arith.constant 0 : i32
    %scan3A_1139 = arith.constant 0 : i32
    %scan3A_1140 = arith.constant 16 : i32
    %scan3A_1141 = arith.addi %scan3A_1139, %scan3A_1140 : i32
    %scan3A_1142 = arith.constant 1 : i32
    scf.for %scan3A_1296 = %scan3A_1139 to %scan3A_1141 step %scan3A_1142  : i32 {
      %parallel_loop3A = arith.constant 0 : i32
      %parallel_loop3A_1297 = arith.constant 64 : i32
      %parallel_loop3A_1298 = arith.constant 1 : i32
      scf.for %parallel_loop3A_1299 = %parallel_loop3A to %parallel_loop3A_1297 step %parallel_loop3A_1298  : i32 {
        %parallel_loop3A_1300 = arith.constant 16 : i32
        %parallel_loop3A_1301 = arith.muli %parallel_loop3A_1299, %parallel_loop3A_1300 : i32
        %parallel_loop3A_1302 = arith.index_cast %scan3A_1296 : i32 to index
        %parallel_loop3A_1303 = arith.index_cast %parallel_loop3A_1301 : i32 to index
        %parallel_loop3A_1304 = tpu.vector_load %arg5[%parallel_loop3A_1302, %parallel_loop3A_1303] {strides = array<i32>} : memref<16x1024xf32, #tpu.memory_space<vmem>>, vector<1x16xf32>,
        %parallel_loop3A_1305 = vector.shape_cast %parallel_loop3A_1304 : vector<1x16xf32> to vector<16xf32>
        %parallel_loop3A_1306 = arith.index_cast %scan3A_1296 : i32 to index
        %parallel_loop3A_1307 = arith.index_cast %parallel_loop3A_1301 : i32 to index
        %parallel_loop3A_1308 = tpu.vector_load %arg9[%parallel_loop3A_1306, %parallel_loop3A_1307] {strides = array<i32>} : memref<16x1024xf32, #tpu.memory_space<vmem>>, vector<1x16xf32>,
        %parallel_loop3A_1309 = vector.shape_cast %parallel_loop3A_1308 : vector<1x16xf32> to vector<16xf32>
        %parallel_loop3A_1310 = vector.shape_cast %parallel_loop3A_1305 : vector<16xf32> to vector<1x16xf32>
        tpu.vector_store %arg9[%parallel_loop3A_1306, %parallel_loop3A_1307], %parallel_loop3A_1310 {add = true, strides = array<i32>} : memref<16x1024xf32, #tpu.memory_space<vmem>>, vector<1x16xf32>,
      } {sc.loop_unroll_factor = 32 : i64, sc.parallel_access}
    }
    %scan3A_1143 = arith.constant 16 : i32
    %add3A_1144 = arith.constant 96 : i32
    %add3A_1145 = arith.addi %mul3A_2, %add3A_1144 : i32
    %dma_start3A_1146 = arith.constant 3 : i32
    %dma_start3A_1147 = arith.constant 0 : i32
    %dma_start3A_1148 = tpu.memref_slice %arg4[%dma_start3A_1146, %add3A_1145, %dma_start3A_1147] : memref<4x4096x1024xf32, #tpu.memory_space<hbm>> -> memref<1x16x1024xf32, #tpu.memory_space<hbm>>
    %dma_start3A_1149 = tpu.memref_squeeze %dma_start3A_1148 : memref<1x16x1024xf32, #tpu.memory_space<hbm>> -> memref<16x1024xf32, #tpu.memory_space<hbm>>
    %dma_start3A_1150 = arith.constant 0 : i32
    %dma_start3A_1151 = tpu.memref_slice %arg4[%dma_start3A_1146, %add3A_1145, %dma_start3A_1150] : memref<4x4096x1024xf32, #tpu.memory_space<hbm>> -> memref<1x16x1024xf32, #tpu.memory_space<hbm>>
    %dma_start3A_1152 = tpu.memref_squeeze %dma_start3A_1151 : memref<1x16x1024xf32, #tpu.memory_space<hbm>> -> memref<16x1024xf32, #tpu.memory_space<hbm>>
    tpu.enqueue_dma source(%arg9 : memref<16x1024xf32, #tpu.memory_space<vmem>>) target(%dma_start3A_1152 : memref<16x1024xf32, #tpu.memory_space<hbm>>) target_semaphore(%arg21 : memref<!tpu.dma_semaphore, #tpu.memory_space<semaphore_mem>>)
    %dma_wait3A_1153 = arith.constant 0 : i32
    %dma_wait3A_1154 = tpu.memref_slice %arg3[%add3A_992, %dma_wait3A_1153] : memref<8192x1024xf32, #tpu.memory_space<hbm>> -> memref<16x1024xf32, #tpu.memory_space<hbm>>
    %dma_wait3A_1155 = arith.constant 0 : i32
    %dma_wait3A_1156 = tpu.memref_slice %arg3[%add3A_992, %dma_wait3A_1155] : memref<8192x1024xf32, #tpu.memory_space<hbm>> -> memref<16x1024xf32, #tpu.memory_space<hbm>>
    tpu.wait_dma2 semaphore(%arg13 : memref<!tpu.dma_semaphore, #tpu.memory_space<semaphore_mem>>) src(%dma_wait3A_1156 : memref<16x1024xf32, #tpu.memory_space<hbm>>) dst(%arg6 : memref<16x1024xf32, #tpu.memory_space<vmem>>)
    %dma_wait3A_1157 = arith.constant 2 : i32
    %dma_wait3A_1158 = arith.constant 0 : i32
    %dma_wait3A_1159 = tpu.memref_slice %arg4[%dma_wait3A_1157, %add3A_1107, %dma_wait3A_1158] : memref<4x4096x1024xf32, #tpu.memory_space<hbm>> -> memref<1x16x1024xf32, #tpu.memory_space<hbm>>
    %dma_wait3A_1160 = tpu.memref_squeeze %dma_wait3A_1159 : memref<1x16x1024xf32, #tpu.memory_space<hbm>> -> memref<16x1024xf32, #tpu.memory_space<hbm>>
    %dma_wait3A_1161 = arith.constant 0 : i32
    %dma_wait3A_1162 = tpu.memref_slice %arg4[%dma_wait3A_1157, %add3A_1107, %dma_wait3A_1161] : memref<4x4096x1024xf32, #tpu.memory_space<hbm>> -> memref<1x16x1024xf32, #tpu.memory_space<hbm>>
    %dma_wait3A_1163 = tpu.memref_squeeze %dma_wait3A_1162 : memref<1x16x1024xf32, #tpu.memory_space<hbm>> -> memref<16x1024xf32, #tpu.memory_space<hbm>>
    tpu.wait_dma2 semaphore(%arg20 : memref<!tpu.dma_semaphore, #tpu.memory_space<semaphore_mem>>) src(%arg8 : memref<16x1024xf32, #tpu.memory_space<vmem>>) dst(%dma_wait3A_1163 : memref<16x1024xf32, #tpu.memory_space<hbm>>)
    %add3A_1164 = arith.constant 112 : i32
    %add3A_1165 = arith.addi %mul3A_2, %add3A_1164 : i32
    %dma_start3A_1166 = arith.constant 3 : i32
    %dma_start3A_1167 = arith.constant 0 : i32
    %dma_start3A_1168 = tpu.memref_slice %arg2[%dma_start3A_1166, %add3A_1165, %dma_start3A_1167] : memref<4x4096x1024xf32, #tpu.memory_space<hbm>> -> memref<1x16x1024xf32, #tpu.memory_space<hbm>>
    %dma_start3A_1169 = tpu.memref_squeeze %dma_start3A_1168 : memref<1x16x1024xf32, #tpu.memory_space<hbm>> -> memref<16x1024xf32, #tpu.memory_space<hbm>>
    %dma_start3A_1170 = arith.constant 0 : i32
    %dma_start3A_1171 = tpu.memref_slice %arg2[%dma_start3A_1166, %add3A_1165, %dma_start3A_1170] : memref<4x4096x1024xf32, #tpu.memory_space<hbm>> -> memref<1x16x1024xf32, #tpu.memory_space<hbm>>
    %dma_start3A_1172 = tpu.memref_squeeze %dma_start3A_1171 : memref<1x16x1024xf32, #tpu.memory_space<hbm>> -> memref<16x1024xf32, #tpu.memory_space<hbm>>
    tpu.enqueue_dma source(%dma_start3A_1172 : memref<16x1024xf32, #tpu.memory_space<hbm>>) target(%arg8 : memref<16x1024xf32, #tpu.memory_space<vmem>>) target_semaphore(%arg15 : memref<!tpu.dma_semaphore, #tpu.memory_space<semaphore_mem>>)
    %dma_wait3A_1173 = arith.constant 0 : i32
    %dma_wait3A_1174 = arith.constant 0 : i32
    %dma_wait3A_1175 = tpu.memref_slice %arg2[%dma_wait3A_1173, %add3A_1047, %dma_wait3A_1174] : memref<4x4096x1024xf32, #tpu.memory_space<hbm>> -> memref<1x16x1024xf32, #tpu.memory_space<hbm>>
    %dma_wait3A_1176 = tpu.memref_squeeze %dma_wait3A_1175 : memref<1x16x1024xf32, #tpu.memory_space<hbm>> -> memref<16x1024xf32, #tpu.memory_space<hbm>>
    %dma_wait3A_1177 = arith.constant 0 : i32
    %dma_wait3A_1178 = tpu.memref_slice %arg2[%dma_wait3A_1173, %add3A_1047, %dma_wait3A_1177] : memref<4x4096x1024xf32, #tpu.memory_space<hbm>> -> memref<1x16x1024xf32, #tpu.memory_space<hbm>>
    %dma_wait3A_1179 = tpu.memref_squeeze %dma_wait3A_1178 : memref<1x16x1024xf32, #tpu.memory_space<hbm>> -> memref<16x1024xf32, #tpu.memory_space<hbm>>
    tpu.wait_dma2 semaphore(%arg17 : memref<!tpu.dma_semaphore, #tpu.memory_space<semaphore_mem>>) src(%dma_wait3A_1179 : memref<16x1024xf32, #tpu.memory_space<hbm>>) dst(%arg10 : memref<16x1024xf32, #tpu.memory_space<vmem>>)
    %scan3A_1180 = arith.constant 0 : i32
    %scan3A_1181 = arith.constant 0 : i32
    %scan3A_1182 = arith.constant 16 : i32
    %scan3A_1183 = arith.addi %scan3A_1181, %scan3A_1182 : i32
    %scan3A_1184 = arith.constant 1 : i32
    scf.for %scan3A_1296 = %scan3A_1181 to %scan3A_1183 step %scan3A_1184  : i32 {
      %parallel_loop3A = arith.constant 0 : i32
      %parallel_loop3A_1297 = arith.constant 64 : i32
      %parallel_loop3A_1298 = arith.constant 1 : i32
      scf.for %parallel_loop3A_1299 = %parallel_loop3A to %parallel_loop3A_1297 step %parallel_loop3A_1298  : i32 {
        %parallel_loop3A_1300 = arith.constant 16 : i32
        %parallel_loop3A_1301 = arith.muli %parallel_loop3A_1299, %parallel_loop3A_1300 : i32
        %parallel_loop3A_1302 = arith.index_cast %scan3A_1296 : i32 to index
        %parallel_loop3A_1303 = arith.index_cast %parallel_loop3A_1301 : i32 to index
        %parallel_loop3A_1304 = tpu.vector_load %arg6[%parallel_loop3A_1302, %parallel_loop3A_1303] {strides = array<i32>} : memref<16x1024xf32, #tpu.memory_space<vmem>>, vector<1x16xf32>,
        %parallel_loop3A_1305 = vector.shape_cast %parallel_loop3A_1304 : vector<1x16xf32> to vector<16xf32>
        %parallel_loop3A_1306 = arith.index_cast %scan3A_1296 : i32 to index
        %parallel_loop3A_1307 = arith.index_cast %parallel_loop3A_1301 : i32 to index
        %parallel_loop3A_1308 = tpu.vector_load %arg10[%parallel_loop3A_1306, %parallel_loop3A_1307] {strides = array<i32>} : memref<16x1024xf32, #tpu.memory_space<vmem>>, vector<1x16xf32>,
        %parallel_loop3A_1309 = vector.shape_cast %parallel_loop3A_1308 : vector<1x16xf32> to vector<16xf32>
        %parallel_loop3A_1310 = vector.shape_cast %parallel_loop3A_1305 : vector<16xf32> to vector<1x16xf32>
        tpu.vector_store %arg10[%parallel_loop3A_1306, %parallel_loop3A_1307], %parallel_loop3A_1310 {add = true, strides = array<i32>} : memref<16x1024xf32, #tpu.memory_space<vmem>>, vector<1x16xf32>,
      } {sc.loop_unroll_factor = 32 : i64, sc.parallel_access}
    }
    %scan3A_1185 = arith.constant 16 : i32
    %add3A_1186 = arith.constant 112 : i32
    %add3A_1187 = arith.addi %mul3A_2, %add3A_1186 : i32
    %dma_start3A_1188 = arith.constant 0 : i32
    %dma_start3A_1189 = arith.constant 0 : i32
    %dma_start3A_1190 = tpu.memref_slice %arg4[%dma_start3A_1188, %add3A_1187, %dma_start3A_1189] : memref<4x4096x1024xf32, #tpu.memory_space<hbm>> -> memref<1x16x1024xf32, #tpu.memory_space<hbm>>
    %dma_start3A_1191 = tpu.memref_squeeze %dma_start3A_1190 : memref<1x16x1024xf32, #tpu.memory_space<hbm>> -> memref<16x1024xf32, #tpu.memory_space<hbm>>
    %dma_start3A_1192 = arith.constant 0 : i32
    %dma_start3A_1193 = tpu.memref_slice %arg4[%dma_start3A_1188, %add3A_1187, %dma_start3A_1192] : memref<4x4096x1024xf32, #tpu.memory_space<hbm>> -> memref<1x16x1024xf32, #tpu.memory_space<hbm>>
    %dma_start3A_1194 = tpu.memref_squeeze %dma_start3A_1193 : memref<1x16x1024xf32, #tpu.memory_space<hbm>> -> memref<16x1024xf32, #tpu.memory_space<hbm>>
    tpu.enqueue_dma source(%arg10 : memref<16x1024xf32, #tpu.memory_space<vmem>>) target(%dma_start3A_1194 : memref<16x1024xf32, #tpu.memory_space<hbm>>) target_semaphore(%arg22 : memref<!tpu.dma_semaphore, #tpu.memory_space<semaphore_mem>>)
    %dma_wait3A_1195 = arith.constant 1 : i32
    %dma_wait3A_1196 = arith.constant 0 : i32
    %dma_wait3A_1197 = tpu.memref_slice %arg2[%dma_wait3A_1195, %add3A_1085, %dma_wait3A_1196] : memref<4x4096x1024xf32, #tpu.memory_space<hbm>> -> memref<1x16x1024xf32, #tpu.memory_space<hbm>>
    %dma_wait3A_1198 = tpu.memref_squeeze %dma_wait3A_1197 : memref<1x16x1024xf32, #tpu.memory_space<hbm>> -> memref<16x1024xf32, #tpu.memory_space<hbm>>
    %dma_wait3A_1199 = arith.constant 0 : i32
    %dma_wait3A_1200 = tpu.memref_slice %arg2[%dma_wait3A_1195, %add3A_1085, %dma_wait3A_1199] : memref<4x4096x1024xf32, #tpu.memory_space<hbm>> -> memref<1x16x1024xf32, #tpu.memory_space<hbm>>
    %dma_wait3A_1201 = tpu.memref_squeeze %dma_wait3A_1200 : memref<1x16x1024xf32, #tpu.memory_space<hbm>> -> memref<16x1024xf32, #tpu.memory_space<hbm>>
    tpu.wait_dma2 semaphore(%arg18 : memref<!tpu.dma_semaphore, #tpu.memory_space<semaphore_mem>>) src(%dma_wait3A_1201 : memref<16x1024xf32, #tpu.memory_space<hbm>>) dst(%arg11 : memref<16x1024xf32, #tpu.memory_space<vmem>>)
    %scan3A_1202 = arith.constant 0 : i32
    %scan3A_1203 = arith.constant 0 : i32
    %scan3A_1204 = arith.constant 16 : i32
    %scan3A_1205 = arith.addi %scan3A_1203, %scan3A_1204 : i32
    %scan3A_1206 = arith.constant 1 : i32
    scf.for %scan3A_1296 = %scan3A_1203 to %scan3A_1205 step %scan3A_1206  : i32 {
      %parallel_loop3A = arith.constant 0 : i32
      %parallel_loop3A_1297 = arith.constant 64 : i32
      %parallel_loop3A_1298 = arith.constant 1 : i32
      scf.for %parallel_loop3A_1299 = %parallel_loop3A to %parallel_loop3A_1297 step %parallel_loop3A_1298  : i32 {
        %parallel_loop3A_1300 = arith.constant 16 : i32
        %parallel_loop3A_1301 = arith.muli %parallel_loop3A_1299, %parallel_loop3A_1300 : i32
        %parallel_loop3A_1302 = arith.index_cast %scan3A_1296 : i32 to index
        %parallel_loop3A_1303 = arith.index_cast %parallel_loop3A_1301 : i32 to index
        %parallel_loop3A_1304 = tpu.vector_load %arg6[%parallel_loop3A_1302, %parallel_loop3A_1303] {strides = array<i32>} : memref<16x1024xf32, #tpu.memory_space<vmem>>, vector<1x16xf32>,
        %parallel_loop3A_1305 = vector.shape_cast %parallel_loop3A_1304 : vector<1x16xf32> to vector<16xf32>
        %parallel_loop3A_1306 = arith.index_cast %scan3A_1296 : i32 to index
        %parallel_loop3A_1307 = arith.index_cast %parallel_loop3A_1301 : i32 to index
        %parallel_loop3A_1308 = tpu.vector_load %arg11[%parallel_loop3A_1306, %parallel_loop3A_1307] {strides = array<i32>} : memref<16x1024xf32, #tpu.memory_space<vmem>>, vector<1x16xf32>,
        %parallel_loop3A_1309 = vector.shape_cast %parallel_loop3A_1308 : vector<1x16xf32> to vector<16xf32>
        %parallel_loop3A_1310 = vector.shape_cast %parallel_loop3A_1305 : vector<16xf32> to vector<1x16xf32>
        tpu.vector_store %arg11[%parallel_loop3A_1306, %parallel_loop3A_1307], %parallel_loop3A_1310 {add = true, strides = array<i32>} : memref<16x1024xf32, #tpu.memory_space<vmem>>, vector<1x16xf32>,
      } {sc.loop_unroll_factor = 32 : i64, sc.parallel_access}
    }
    %scan3A_1207 = arith.constant 16 : i32
    %add3A_1208 = arith.constant 112 : i32
    %add3A_1209 = arith.addi %mul3A_2, %add3A_1208 : i32
    %dma_start3A_1210 = arith.constant 1 : i32
    %dma_start3A_1211 = arith.constant 0 : i32
    %dma_start3A_1212 = tpu.memref_slice %arg4[%dma_start3A_1210, %add3A_1209, %dma_start3A_1211] : memref<4x4096x1024xf32, #tpu.memory_space<hbm>> -> memref<1x16x1024xf32, #tpu.memory_space<hbm>>
    %dma_start3A_1213 = tpu.memref_squeeze %dma_start3A_1212 : memref<1x16x1024xf32, #tpu.memory_space<hbm>> -> memref<16x1024xf32, #tpu.memory_space<hbm>>
    %dma_start3A_1214 = arith.constant 0 : i32
    %dma_start3A_1215 = tpu.memref_slice %arg4[%dma_start3A_1210, %add3A_1209, %dma_start3A_1214] : memref<4x4096x1024xf32, #tpu.memory_space<hbm>> -> memref<1x16x1024xf32, #tpu.memory_space<hbm>>
    %dma_start3A_1216 = tpu.memref_squeeze %dma_start3A_1215 : memref<1x16x1024xf32, #tpu.memory_space<hbm>> -> memref<16x1024xf32, #tpu.memory_space<hbm>>
    tpu.enqueue_dma source(%arg11 : memref<16x1024xf32, #tpu.memory_space<vmem>>) target(%dma_start3A_1216 : memref<16x1024xf32, #tpu.memory_space<hbm>>) target_semaphore(%arg23 : memref<!tpu.dma_semaphore, #tpu.memory_space<semaphore_mem>>)
    %dma_wait3A_1217 = arith.constant 2 : i32
    %dma_wait3A_1218 = arith.constant 0 : i32
    %dma_wait3A_1219 = tpu.memref_slice %arg2[%dma_wait3A_1217, %add3A_1123, %dma_wait3A_1218] : memref<4x4096x1024xf32, #tpu.memory_space<hbm>> -> memref<1x16x1024xf32, #tpu.memory_space<hbm>>
    %dma_wait3A_1220 = tpu.memref_squeeze %dma_wait3A_1219 : memref<1x16x1024xf32, #tpu.memory_space<hbm>> -> memref<16x1024xf32, #tpu.memory_space<hbm>>
    %dma_wait3A_1221 = arith.constant 0 : i32
    %dma_wait3A_1222 = tpu.memref_slice %arg2[%dma_wait3A_1217, %add3A_1123, %dma_wait3A_1221] : memref<4x4096x1024xf32, #tpu.memory_space<hbm>> -> memref<1x16x1024xf32, #tpu.memory_space<hbm>>
    %dma_wait3A_1223 = tpu.memref_squeeze %dma_wait3A_1222 : memref<1x16x1024xf32, #tpu.memory_space<hbm>> -> memref<16x1024xf32, #tpu.memory_space<hbm>>
    tpu.wait_dma2 semaphore(%arg14 : memref<!tpu.dma_semaphore, #tpu.memory_space<semaphore_mem>>) src(%dma_wait3A_1223 : memref<16x1024xf32, #tpu.memory_space<hbm>>) dst(%arg7 : memref<16x1024xf32, #tpu.memory_space<vmem>>)
    %scan3A_1224 = arith.constant 0 : i32
    %scan3A_1225 = arith.constant 0 : i32
    %scan3A_1226 = arith.constant 16 : i32
    %scan3A_1227 = arith.addi %scan3A_1225, %scan3A_1226 : i32
    %scan3A_1228 = arith.constant 1 : i32
    scf.for %scan3A_1296 = %scan3A_1225 to %scan3A_1227 step %scan3A_1228  : i32 {
      %parallel_loop3A = arith.constant 0 : i32
      %parallel_loop3A_1297 = arith.constant 64 : i32
      %parallel_loop3A_1298 = arith.constant 1 : i32
      scf.for %parallel_loop3A_1299 = %parallel_loop3A to %parallel_loop3A_1297 step %parallel_loop3A_1298  : i32 {
        %parallel_loop3A_1300 = arith.constant 16 : i32
        %parallel_loop3A_1301 = arith.muli %parallel_loop3A_1299, %parallel_loop3A_1300 : i32
        %parallel_loop3A_1302 = arith.index_cast %scan3A_1296 : i32 to index
        %parallel_loop3A_1303 = arith.index_cast %parallel_loop3A_1301 : i32 to index
        %parallel_loop3A_1304 = tpu.vector_load %arg6[%parallel_loop3A_1302, %parallel_loop3A_1303] {strides = array<i32>} : memref<16x1024xf32, #tpu.memory_space<vmem>>, vector<1x16xf32>,
        %parallel_loop3A_1305 = vector.shape_cast %parallel_loop3A_1304 : vector<1x16xf32> to vector<16xf32>
        %parallel_loop3A_1306 = arith.index_cast %scan3A_1296 : i32 to index
        %parallel_loop3A_1307 = arith.index_cast %parallel_loop3A_1301 : i32 to index
        %parallel_loop3A_1308 = tpu.vector_load %arg7[%parallel_loop3A_1306, %parallel_loop3A_1307] {strides = array<i32>} : memref<16x1024xf32, #tpu.memory_space<vmem>>, vector<1x16xf32>,
        %parallel_loop3A_1309 = vector.shape_cast %parallel_loop3A_1308 : vector<1x16xf32> to vector<16xf32>
        %parallel_loop3A_1310 = vector.shape_cast %parallel_loop3A_1305 : vector<16xf32> to vector<1x16xf32>
        tpu.vector_store %arg7[%parallel_loop3A_1306, %parallel_loop3A_1307], %parallel_loop3A_1310 {add = true, strides = array<i32>} : memref<16x1024xf32, #tpu.memory_space<vmem>>, vector<1x16xf32>,
      } {sc.loop_unroll_factor = 32 : i64, sc.parallel_access}
    }
    %scan3A_1229 = arith.constant 16 : i32
    %add3A_1230 = arith.constant 112 : i32
    %add3A_1231 = arith.addi %mul3A_2, %add3A_1230 : i32
    %dma_start3A_1232 = arith.constant 2 : i32
    %dma_start3A_1233 = arith.constant 0 : i32
    %dma_start3A_1234 = tpu.memref_slice %arg4[%dma_start3A_1232, %add3A_1231, %dma_start3A_1233] : memref<4x4096x1024xf32, #tpu.memory_space<hbm>> -> memref<1x16x1024xf32, #tpu.memory_space<hbm>>
    %dma_start3A_1235 = tpu.memref_squeeze %dma_start3A_1234 : memref<1x16x1024xf32, #tpu.memory_space<hbm>> -> memref<16x1024xf32, #tpu.memory_space<hbm>>
    %dma_start3A_1236 = arith.constant 0 : i32
    %dma_start3A_1237 = tpu.memref_slice %arg4[%dma_start3A_1232, %add3A_1231, %dma_start3A_1236] : memref<4x4096x1024xf32, #tpu.memory_space<hbm>> -> memref<1x16x1024xf32, #tpu.memory_space<hbm>>
    %dma_start3A_1238 = tpu.memref_squeeze %dma_start3A_1237 : memref<1x16x1024xf32, #tpu.memory_space<hbm>> -> memref<16x1024xf32, #tpu.memory_space<hbm>>
    tpu.enqueue_dma source(%arg7 : memref<16x1024xf32, #tpu.memory_space<vmem>>) target(%dma_start3A_1238 : memref<16x1024xf32, #tpu.memory_space<hbm>>) target_semaphore(%arg19 : memref<!tpu.dma_semaphore, #tpu.memory_space<semaphore_mem>>)
    %dma_wait3A_1239 = arith.constant 3 : i32
    %dma_wait3A_1240 = arith.constant 0 : i32
    %dma_wait3A_1241 = tpu.memref_slice %arg2[%dma_wait3A_1239, %add3A_1165, %dma_wait3A_1240] : memref<4x4096x1024xf32, #tpu.memory_space<hbm>> -> memref<1x16x1024xf32, #tpu.memory_space<hbm>>
    %dma_wait3A_1242 = tpu.memref_squeeze %dma_wait3A_1241 : memref<1x16x1024xf32, #tpu.memory_space<hbm>> -> memref<16x1024xf32, #tpu.memory_space<hbm>>
    %dma_wait3A_1243 = arith.constant 0 : i32
    %dma_wait3A_1244 = tpu.memref_slice %arg2[%dma_wait3A_1239, %add3A_1165, %dma_wait3A_1243] : memref<4x4096x1024xf32, #tpu.memory_space<hbm>> -> memref<1x16x1024xf32, #tpu.memory_space<hbm>>
    %dma_wait3A_1245 = tpu.memref_squeeze %dma_wait3A_1244 : memref<1x16x1024xf32, #tpu.memory_space<hbm>> -> memref<16x1024xf32, #tpu.memory_space<hbm>>
    tpu.wait_dma2 semaphore(%arg15 : memref<!tpu.dma_semaphore, #tpu.memory_space<semaphore_mem>>) src(%dma_wait3A_1245 : memref<16x1024xf32, #tpu.memory_space<hbm>>) dst(%arg8 : memref<16x1024xf32, #tpu.memory_space<vmem>>)
    %scan3A_1246 = arith.constant 0 : i32
    %scan3A_1247 = arith.constant 0 : i32
    %scan3A_1248 = arith.constant 16 : i32
    %scan3A_1249 = arith.addi %scan3A_1247, %scan3A_1248 : i32
    %scan3A_1250 = arith.constant 1 : i32
    scf.for %scan3A_1296 = %scan3A_1247 to %scan3A_1249 step %scan3A_1250  : i32 {
      %parallel_loop3A = arith.constant 0 : i32
      %parallel_loop3A_1297 = arith.constant 64 : i32
      %parallel_loop3A_1298 = arith.constant 1 : i32
      scf.for %parallel_loop3A_1299 = %parallel_loop3A to %parallel_loop3A_1297 step %parallel_loop3A_1298  : i32 {
        %parallel_loop3A_1300 = arith.constant 16 : i32
        %parallel_loop3A_1301 = arith.muli %parallel_loop3A_1299, %parallel_loop3A_1300 : i32
        %parallel_loop3A_1302 = arith.index_cast %scan3A_1296 : i32 to index
        %parallel_loop3A_1303 = arith.index_cast %parallel_loop3A_1301 : i32 to index
        %parallel_loop3A_1304 = tpu.vector_load %arg6[%parallel_loop3A_1302, %parallel_loop3A_1303] {strides = array<i32>} : memref<16x1024xf32, #tpu.memory_space<vmem>>, vector<1x16xf32>,
        %parallel_loop3A_1305 = vector.shape_cast %parallel_loop3A_1304 : vector<1x16xf32> to vector<16xf32>
        %parallel_loop3A_1306 = arith.index_cast %scan3A_1296 : i32 to index
        %parallel_loop3A_1307 = arith.index_cast %parallel_loop3A_1301 : i32 to index
        %parallel_loop3A_1308 = tpu.vector_load %arg8[%parallel_loop3A_1306, %parallel_loop3A_1307] {strides = array<i32>} : memref<16x1024xf32, #tpu.memory_space<vmem>>, vector<1x16xf32>,
        %parallel_loop3A_1309 = vector.shape_cast %parallel_loop3A_1308 : vector<1x16xf32> to vector<16xf32>
        %parallel_loop3A_1310 = vector.shape_cast %parallel_loop3A_1305 : vector<16xf32> to vector<1x16xf32>
        tpu.vector_store %arg8[%parallel_loop3A_1306, %parallel_loop3A_1307], %parallel_loop3A_1310 {add = true, strides = array<i32>} : memref<16x1024xf32, #tpu.memory_space<vmem>>, vector<1x16xf32>,
      } {sc.loop_unroll_factor = 32 : i64, sc.parallel_access}
    }
    %scan3A_1251 = arith.constant 16 : i32
    %add3A_1252 = arith.constant 112 : i32
    %add3A_1253 = arith.addi %mul3A_2, %add3A_1252 : i32
    %dma_start3A_1254 = arith.constant 3 : i32
    %dma_start3A_1255 = arith.constant 0 : i32
    %dma_start3A_1256 = tpu.memref_slice %arg4[%dma_start3A_1254, %add3A_1253, %dma_start3A_1255] : memref<4x4096x1024xf32, #tpu.memory_space<hbm>> -> memref<1x16x1024xf32, #tpu.memory_space<hbm>>
    %dma_start3A_1257 = tpu.memref_squeeze %dma_start3A_1256 : memref<1x16x1024xf32, #tpu.memory_space<hbm>> -> memref<16x1024xf32, #tpu.memory_space<hbm>>
    %dma_start3A_1258 = arith.constant 0 : i32
    %dma_start3A_1259 = tpu.memref_slice %arg4[%dma_start3A_1254, %add3A_1253, %dma_start3A_1258] : memref<4x4096x1024xf32, #tpu.memory_space<hbm>> -> memref<1x16x1024xf32, #tpu.memory_space<hbm>>
    %dma_start3A_1260 = tpu.memref_squeeze %dma_start3A_1259 : memref<1x16x1024xf32, #tpu.memory_space<hbm>> -> memref<16x1024xf32, #tpu.memory_space<hbm>>
    tpu.enqueue_dma source(%arg8 : memref<16x1024xf32, #tpu.memory_space<vmem>>) target(%dma_start3A_1260 : memref<16x1024xf32, #tpu.memory_space<hbm>>) target_semaphore(%arg20 : memref<!tpu.dma_semaphore, #tpu.memory_space<semaphore_mem>>)
    %dma_wait3A_1261 = arith.constant 3 : i32
    %dma_wait3A_1262 = arith.constant 0 : i32
    %dma_wait3A_1263 = tpu.memref_slice %arg4[%dma_wait3A_1261, %add3A_1145, %dma_wait3A_1262] : memref<4x4096x1024xf32, #tpu.memory_space<hbm>> -> memref<1x16x1024xf32, #tpu.memory_space<hbm>>
    %dma_wait3A_1264 = tpu.memref_squeeze %dma_wait3A_1263 : memref<1x16x1024xf32, #tpu.memory_space<hbm>> -> memref<16x1024xf32, #tpu.memory_space<hbm>>
    %dma_wait3A_1265 = arith.constant 0 : i32
    %dma_wait3A_1266 = tpu.memref_slice %arg4[%dma_wait3A_1261, %add3A_1145, %dma_wait3A_1265] : memref<4x4096x1024xf32, #tpu.memory_space<hbm>> -> memref<1x16x1024xf32, #tpu.memory_space<hbm>>
    %dma_wait3A_1267 = tpu.memref_squeeze %dma_wait3A_1266 : memref<1x16x1024xf32, #tpu.memory_space<hbm>> -> memref<16x1024xf32, #tpu.memory_space<hbm>>
    tpu.wait_dma2 semaphore(%arg21 : memref<!tpu.dma_semaphore, #tpu.memory_space<semaphore_mem>>) src(%arg9 : memref<16x1024xf32, #tpu.memory_space<vmem>>) dst(%dma_wait3A_1267 : memref<16x1024xf32, #tpu.memory_space<hbm>>)
    %dma_wait3A_1268 = arith.constant 0 : i32
    %dma_wait3A_1269 = arith.constant 0 : i32
    %dma_wait3A_1270 = tpu.memref_slice %arg4[%dma_wait3A_1268, %add3A_1187, %dma_wait3A_1269] : memref<4x4096x1024xf32, #tpu.memory_space<hbm>> -> memref<1x16x1024xf32, #tpu.memory_space<hbm>>
    %dma_wait3A_1271 = tpu.memref_squeeze %dma_wait3A_1270 : memref<1x16x1024xf32, #tpu.memory_space<hbm>> -> memref<16x1024xf32, #tpu.memory_space<hbm>>
    %dma_wait3A_1272 = arith.constant 0 : i32
    %dma_wait3A_1273 = tpu.memref_slice %arg4[%dma_wait3A_1268, %add3A_1187, %dma_wait3A_1272] : memref<4x4096x1024xf32, #tpu.memory_space<hbm>> -> memref<1x16x1024xf32, #tpu.memory_space<hbm>>
    %dma_wait3A_1274 = tpu.memref_squeeze %dma_wait3A_1273 : memref<1x16x1024xf32, #tpu.memory_space<hbm>> -> memref<16x1024xf32, #tpu.memory_space<hbm>>
    tpu.wait_dma2 semaphore(%arg22 : memref<!tpu.dma_semaphore, #tpu.memory_space<semaphore_mem>>) src(%arg10 : memref<16x1024xf32, #tpu.memory_space<vmem>>) dst(%dma_wait3A_1274 : memref<16x1024xf32, #tpu.memory_space<hbm>>)
    %dma_wait3A_1275 = arith.constant 1 : i32
    %dma_wait3A_1276 = arith.constant 0 : i32
    %dma_wait3A_1277 = tpu.memref_slice %arg4[%dma_wait3A_1275, %add3A_1209, %dma_wait3A_1276] : memref<4x4096x1024xf32, #tpu.memory_space<hbm>> -> memref<1x16x1024xf32, #tpu.memory_space<hbm>>
    %dma_wait3A_1278 = tpu.memref_squeeze %dma_wait3A_1277 : memref<1x16x1024xf32, #tpu.memory_space<hbm>> -> memref<16x1024xf32, #tpu.memory_space<hbm>>
    %dma_wait3A_1279 = arith.constant 0 : i32
    %dma_wait3A_1280 = tpu.memref_slice %arg4[%dma_wait3A_1275, %add3A_1209, %dma_wait3A_1279] : memref<4x4096x1024xf32, #tpu.memory_space<hbm>> -> memref<1x16x1024xf32, #tpu.memory_space<hbm>>
    %dma_wait3A_1281 = tpu.memref_squeeze %dma_wait3A_1280 : memref<1x16x1024xf32, #tpu.memory_space<hbm>> -> memref<16x1024xf32, #tpu.memory_space<hbm>>
    tpu.wait_dma2 semaphore(%arg23 : memref<!tpu.dma_semaphore, #tpu.memory_space<semaphore_mem>>) src(%arg11 : memref<16x1024xf32, #tpu.memory_space<vmem>>) dst(%dma_wait3A_1281 : memref<16x1024xf32, #tpu.memory_space<hbm>>)
    %dma_wait3A_1282 = arith.constant 2 : i32
    %dma_wait3A_1283 = arith.constant 0 : i32
    %dma_wait3A_1284 = tpu.memref_slice %arg4[%dma_wait3A_1282, %add3A_1231, %dma_wait3A_1283] : memref<4x4096x1024xf32, #tpu.memory_space<hbm>> -> memref<1x16x1024xf32, #tpu.memory_space<hbm>>
    %dma_wait3A_1285 = tpu.memref_squeeze %dma_wait3A_1284 : memref<1x16x1024xf32, #tpu.memory_space<hbm>> -> memref<16x1024xf32, #tpu.memory_space<hbm>>
    %dma_wait3A_1286 = arith.constant 0 : i32
    %dma_wait3A_1287 = tpu.memref_slice %arg4[%dma_wait3A_1282, %add3A_1231, %dma_wait3A_1286] : memref<4x4096x1024xf32, #tpu.memory_space<hbm>> -> memref<1x16x1024xf32, #tpu.memory_space<hbm>>
    %dma_wait3A_1288 = tpu.memref_squeeze %dma_wait3A_1287 : memref<1x16x1024xf32, #tpu.memory_space<hbm>> -> memref<16x1024xf32, #tpu.memory_space<hbm>>
    tpu.wait_dma2 semaphore(%arg19 : memref<!tpu.dma_semaphore, #tpu.memory_space<semaphore_mem>>) src(%arg7 : memref<16x1024xf32, #tpu.memory_space<vmem>>) dst(%dma_wait3A_1288 : memref<16x1024xf32, #tpu.memory_space<hbm>>)
    %dma_wait3A_1289 = arith.constant 3 : i32
    %dma_wait3A_1290 = arith.constant 0 : i32
    %dma_wait3A_1291 = tpu.memref_slice %arg4[%dma_wait3A_1289, %add3A_1253, %dma_wait3A_1290] : memref<4x4096x1024xf32, #tpu.memory_space<hbm>> -> memref<1x16x1024xf32, #tpu.memory_space<hbm>>
    %dma_wait3A_1292 = tpu.memref_squeeze %dma_wait3A_1291 : memref<1x16x1024xf32, #tpu.memory_space<hbm>> -> memref<16x1024xf32, #tpu.memory_space<hbm>>
    %dma_wait3A_1293 = arith.constant 0 : i32
    %dma_wait3A_1294 = tpu.memref_slice %arg4[%dma_wait3A_1289, %add3A_1253, %dma_wait3A_1293] : memref<4x4096x1024xf32, #tpu.memory_space<hbm>> -> memref<1x16x1024xf32, #tpu.memory_space<hbm>>
    %dma_wait3A_1295 = tpu.memref_squeeze %dma_wait3A_1294 : memref<1x16x1024xf32, #tpu.memory_space<hbm>> -> memref<16x1024xf32, #tpu.memory_space<hbm>>
    tpu.wait_dma2 semaphore(%arg20 : memref<!tpu.dma_semaphore, #tpu.memory_space<semaphore_mem>>) src(%arg8 : memref<16x1024xf32, #tpu.memory_space<vmem>>) dst(%dma_wait3A_1295 : memref<16x1024xf32, #tpu.memory_space<hbm>>)
    return
  }
}

</mosaic_0001>

<sc_bundles>
// kernel: kernel.3.cloned.1.call-start
scs
__scs_entry_jumppad:
0x0: {  	(pc) =	sbr.rel $0x88, $3  }
0x1: {  	(tag) =	ssettag $0x0;
	lr =	simm.s32 $0x1  }
0x2: {  	[smem:$0x3F9F] =	sst lr;
	_ =	strace $0xD0000000  }
0x3: {  	_ = 	snop  }
0x4: {  	_ = 	snop  }
0x5: {  	_ = 	snop  }
0x6: {  	_ = 	snop  }
0x7: {  	_ = 	snop  }
__scs_overlays_trampoline_lowered:
0x8: {  	[smem:$0x3FAE] =	sst s0  }
0x9: {  	[smem:$0x3FAF] =	sst s1  }
0xa: {  	[smem:$0x3FB0] =	sst s2  }
0xb: {  	[smem:$0x3FB1] =	sst s3  }
0xc: {  	[smem:$0x3FB2] =	sst s4  }
0xd: {  	[smem:$0x3FB3] =	sst s5  }
0xe: {  	[smem:$0x3FB4] =	sst s6  }
0xf: {  	[smem:$0x3FB5] =	sst s7  }
0x10: {  	[smem:$0x3FB6] =	sst s8  }
0x11: {  	[smem:$0x3FB7] =	sst s9;
	s0 =	simm.s32 @!p0 $0x0  }
0x12: {  	s1 =	sld [smem:$0x3F9D];
	s0 =	simm.s32 @p0 $0x1  }
0x13: {  	[smem:$0x3FB8] =	sst s0;
	s0 =	simm.s32 @!p1 $0x0  }
0x14: {  	s2 =	sld [smem:$0x3F9C];
	s0 =	simm.s32 @p1 $0x1  }
0x15: {  	[smem:$0x3FB9] =	sst s0;
	s0 =	simm.s32 @!p2 $0x0  }
0x16: {  	s3 =	sld [smem:$0x3FDB];
	s0 =	simm.s32 @p2 $0x1  }
0x17: {  	s4 =	simm.s32 $0x1BF5;
	[smem:$0x3FBB] =	sst s0  }
0x18: {  	s0 =	sld [smem:$0x3F9E];
	_ =	swait.ge [sflag:s4], $0x0  }
0x19: {  	s7 =	sld [smem:$0x3F9F]  }
0x1a: {  	s8 =	sadd.s32 $0xFFFFE003, lr  }
0x1b: {  	s9 =	sadd.s32 $0xFFFFFEF7, lr;
	s5 =	simm.s32 $0xFFFFFFFF;
	p2 =	slt.u32 s8, $0xFFFFF086  }
0x1c: {  	p1 =	slt.u32 s9, $0xF7A;
	s5 =	simm.s32 @!p2 $0x0  }
0x1d: {  	s5 =	simm.s32 @p1 $0x1;
	p0 =	seq.s32 s7, s2  }
0x1e: {  	s7 =	smul.u32 @!p0 $0xF7A, s2;
	p2 =	seq.s32 @!p0 s5, $0x0  }
0x1f: {  	s9 =	smul.u32 $0xF7A, s1;
	s8 =	simm.s32 @!p0 $0x1BF5;
	p2 =	por !p2, p0  }
0x20: {  	[sflag:s8] =	ssyncset.s32 @!p0 $0xFFFFF086;
	s6 =	sadd.s32 @!p0 s3, s7;
	s7 =	simm.s32 @!p0 $0x108  }
0x21: {  	s3 =	sadd.s32 s3, s9;
	s6 =	sadd.s32 @!p0 $0x88, s6;
	s7 =	simm.s32 @p2 $0x1082  }
0x22: {  	[simem:s7], [sflag:s8] =	dma.local @!p0 [hbm:s6], $0xF7A  }
0x23: {  	s9 =	sor.u32 $0xD0000000, s2;
	s6 =	simm.s32 $0x108;
	_ =	swait.ge @!p0 [sflag:s8], $0x0  }
0x24: {  	s3 =	sadd.s32 $0x88, s3;
	s6 =	simm.s32 @!p1 $0x1082;
	[sflag:s4] =	ssyncset.s32 $0xFFFFF086  }
0x25: {  	[simem:s6], [sflag:s4] =	dma.local [hbm:s3], $0xF7A  }
0x26: {  	[smem:$0x3F9F] =	sst s1;
	(tag) =	ssettag s2;
	_ =	strace s9  }
0x27: {  	s1 =	sld [smem:$0x3FAF]  }
0x28: {  	s2 =	sld [smem:$0x3FB0]  }
0x29: {  	s4 =	sld [smem:$0x3FB2]  }
0x2a: {  	p0 =	seq.s32 s5, $0x0;
	s5 =	sld [smem:$0x3FB3]  }
0x2b: {  	s6 =	sld [smem:$0x3FB4]  }
0x2c: {  	s7 =	sld [smem:$0x3FB5]  }
0x2d: {  	s3 =	simm.s32 $0x108;
	s8 =	sld [smem:$0x3FB6]  }
0x2e: {  	s3 =	simm.s32 @!p0 $0x1082;
	s9 =	sld [smem:$0x3FB7]  }
0x2f: {  	lr =	sadd.s32 s0, s3;
	s0 =	sld [smem:$0x3FAE]  }
0x30: {  	s3 =	sld [smem:$0x3FB1]  }
0x31: {  	[smem:$0x3FBA] =	sst s10  }
0x32: {  	s10 =	sld [smem:$0x3FB8];
	_ =	sdelay $0x3  }
0x33: {  	p0 =	seq.s32 s10, $0x1;
	s10 =	sld [smem:$0x3FBA];
	_ =	sdelay $0x3  }
0x34: {  	[smem:$0x3FBA] =	sst s10  }
0x35: {  	s10 =	sld [smem:$0x3FB9];
	_ =	sdelay $0x3  }
0x36: {  	p1 =	seq.s32 s10, $0x1;
	s10 =	sld [smem:$0x3FBA];
	_ =	sdelay $0x3  }
0x37: {  	[smem:$0x3FBA] =	sst s10  }
0x38: {  	s10 =	sld [smem:$0x3FBB]  }
0x39: {  	_ = 	snop;
	(pc) =	sbr.ind lr, $3  }
0x3a: {  	_ = 	snop  }
0x3b: {  	_ = 	snop  }
0x3c: {  	p2 =	seq.s32 s10, $0x1;
	s10 =	sld [smem:$0x3FBA]  }
0x3d: {  	_ =	shalt  }
0x3e: {  	_ =	shalt  }
0x3f: {  	_ =	shalt  }
0x40: {  	_ =	shalt  }
0x41: {  	_ =	shalt  }
0x42: {  	_ =	shalt  }
0x43: {  	_ =	shalt  }
0x44: {  	_ =	shalt  }
0x45: {  	_ =	shalt  }
0x46: {  	_ =	shalt  }
0x47: {  	_ =	shalt  }
0x48: {  	_ =	shalt  }
0x49: {  	_ =	shalt  }
0x4a: {  	_ =	shalt  }
0x4b: {  	_ =	shalt  }
0x4c: {  	_ =	shalt  }
0x4d: {  	_ =	shalt  }
0x4e: {  	_ =	shalt  }
0x4f: {  	_ =	shalt  }
0x50: {  	_ =	shalt  }
0x51: {  	_ =	shalt  }
0x52: {  	_ =	shalt  }
0x53: {  	_ =	shalt  }
0x54: {  	_ =	shalt  }
0x55: {  	_ =	shalt  }
0x56: {  	_ =	shalt  }
0x57: {  	_ =	shalt  }
0x58: {  	_ =	shalt  }
0x59: {  	_ =	shalt  }
0x5a: {  	_ =	shalt  }
0x5b: {  	_ =	shalt  }
0x5c: {  	_ =	shalt  }
0x5d: {  	_ =	shalt  }
0x5e: {  	_ =	shalt  }
0x5f: {  	_ =	shalt  }
0x60: {  	_ =	shalt  }
0x61: {  	_ =	shalt  }
0x62: {  	_ =	shalt  }
0x63: {  	_ =	shalt  }
0x64: {  	_ =	shalt  }
0x65: {  	_ =	shalt  }
0x66: {  	_ =	shalt  }
0x67: {  	_ =	shalt  }
0x68: {  	_ =	shalt  }
0x69: {  	_ =	shalt  }
0x6a: {  	_ =	shalt  }
0x6b: {  	_ =	shalt  }
0x6c: {  	_ =	shalt  }
0x6d: {  	_ =	shalt  }
0x6e: {  	_ =	shalt  }
0x6f: {  	_ =	shalt  }
0x70: {  	_ =	shalt  }
0x71: {  	_ =	shalt  }
0x72: {  	_ =	shalt  }
0x73: {  	_ =	shalt  }
0x74: {  	_ =	shalt  }
0x75: {  	_ =	shalt  }
0x76: {  	_ =	shalt  }
0x77: {  	_ =	shalt  }
0x78: {  	_ =	shalt  }
0x79: {  	_ =	shalt  }
0x7a: {  	_ =	shalt  }
0x7b: {  	_ =	shalt  }
0x7c: {  	_ =	shalt  }
0x7d: {  	_ =	shalt  }
0x7e: {  	_ =	shalt  }
0x7f: {  	_ =	shalt  }
0x80: {  	_ =	shalt  }
0x81: {  	_ =	shalt  }
0x82: {  	_ =	shalt  }
0x83: {  	_ =	shalt  }
0x84: {  	_ =	shalt  }
0x85: {  	_ =	shalt  }
0x86: {  	_ =	shalt  }
0x87: {  	_ =	shalt  }
.Lfunc_end0:
.L_simem_size_0:
called_computation_lowered:
.L_overlay_start_0:
0x88: {  	s2 =	sld [smem:$0x3FD9]  }
0x89: {  	s3 =	sld [smem:$0x3FFE];
	_ =	sdelay $0x1  }
0x8a: {  	s1 =	srdreg.scid  }
0x8b: {  	s0 =	sand.u32 $0x1, s1  }
0x8c: {  	s18 =	sshll.u32 s0, $0xA;
	s2 =	sadd.s32 s3, s2  }
0x8d: {  	s2 =	sadd.s32 s2, s18  }
0x8e: {  	[smem:$0x3FC6] =	sst s2  }
0x8f: {  	_ = 	snop  }
0x90: {  	s2 =	sld [smem:$0x3FC9]  }
0x91: {  	s19 =	sld [smem:$0x3FC8]  }
0x92: {  	s4 =	sld [smem:$0x3FD0];
	(tm) =	ssettm $0x1  }
0x93: {  	s5 =	sld [smem:$0x3FFB];
	_ =	sdelay $0x3  }
0x94: {  	_ =	strace s5  }
0x95: {  	s5 =	sld [smem:$0x3FFC];
	_ =	sdelay $0x3  }
0x96: {  	_ =	strace s5  }
0x97: {  	s5 =	sld [smem:$0x3FFD];
	_ =	sdelay $0x3  }
0x98: {  	_ =	strace s5  }
0x99: {  	_ =	strace $0x8FFFFFFF  }
0x9a: {  	s20 =	sld [smem:$0x3FDB];
	_ =	sdelay $0x1  }
0x9b: {  	s6 =	simm.s32 $_scs_section_size  }
0x9c: {  	s7 =	simm.s32 $_size__tile_overlayer_lowered;
	s8 =	simm.s32 $_tile_overlayer_lowered  }
0x9d: {  	s23 =	simm.s32 $0x1BFF;
	s22 =	sshll.u32 s8, $0x1;
	s5 =	sadd.s32 s6, s20  }
0x9e: {  	s9 =	simm.s32 $0x0;
	s21 =	sshll.u32 s7, $0x1;
	s7 =	sadd.s32 s22, s5  }
0x9f: {  	[timem:s9], [sflag:s23] =	dma.local [hbm:s7], s21  }
0xa0: {  	_ =	swait.ge [sflag:s23], s21  }
0xa1: {  	s6 =	ssub.s32 $0x0, s21;
	[sflag:s23] =	ssyncset.done $0x0  }
0xa2: {  	[sflag:s23] =	ssyncadd.s32 s6;
	_ =	sdelay $0x1  }
0xa3: {  	s24 =	simm.s32 $0x1B8B  }
0xa4: {  	_ =	swait.ge [sflag:s24], $0x1  }
0xa5: {  	[sflag:s24] =	ssyncset.done $0x0  }
0xa6: {  	s25 =	simm.s32 $0x1B8E;
	[sflag:s24] =	ssyncadd.s32 $0xFFFFFFFF  }
0xa7: {  	s26 =	simm.s32 $execute0_lowered;
	[smem:$0x3FD2] =	sst s25  }
0xa8: {  	s6 =	sshll.u32 s26, $0x1;
	_ =	strace $0x80000046;
	[dreg:$0x1] =	wrdreg $0xFFFFFFFF  }
0xa9: {  	s28 =	simm.s32 $_size_execute0_lowered;
	s5 =	sadd.s32 s5, s6;
	[dreg:$0x0] =	wrdreg $0x0  }
0xaa: {  	s6 =	sshll.u32 s28, $0x1;
	[dreg:$0x2] =	wrdreg s5  }
0xab: {  	[dreg:$0x3] =	wrdreg s6  }
0xac: {  	[dreg:$0x4] =	wrdreg $0xC0  }
0xad: {  	_ =	task [dreg:s9], $0x5FFFF  }
0xae: {  	[dreg:$0x1] =	wrdreg $0xFFFFFFFF  }
0xaf: {  	[dreg:$0x0] =	wrdreg $0x60  }
0xb0: {  	[dreg:$0x2] =	wrdreg s2  }
0xb1: {  	[dreg:$0x3] =	wrdreg s19  }
0xb2: {  	[dreg:$0x4] =	wrdreg s4  }
0xb3: {  	[dreg:$0x5] =	wrdreg $0x9  }
0xb4: {  	_ =	task.clear_ibuf [dreg:s9], $0x6FFFF;
	_ =	strace $0x90000046  }
0xb5: {  	s29 =	simm.s32 $0x9;
	_ =	strace $0x80000048  }
0xb6: {  	_ =	swait.ge [sflag:s29], $0x1  }
0xb7: {  	[sflag:s29] =	ssyncadd.s32 $0xFFFFFFFF  }
0xb8: {  	_ =	strace $0x90000048  }
0xb9: {  	_ =	sfence  }
0xba: {  	s30 =	sld [smem:$0x0];
	_ =	sdelay $0x2  }
0xbb: {  	s31 =	sshll.u32 s1, $0xD;
	s1 =	sshrl.u32 s1, $0x2  }
0xbc: {  	s3 =	sand.u32 $0x4000, s31;
	s1 =	sadd.s32 s1, s30  }
0xbd: {  	s0 =	sor.u32 s3, s0;
	s1 =	sshll.u32 s1, $0x11  }
0xbe: {  	s0 =	sor.u32 s1, s0  }
0xbf: {  	s0 =	sadd.s32 $0x8F2B, s0  }
0xc0: {  	[sflag:s0] =	ssyncadd.remote.s32 $0x1  }
0xc1: {  	_ =	sfence.sel $0xFFFF  }
0xc2: {  	[dreg:$0x0] =	wrdreg $0xFFFFFFFF;
	(pc) =	sbr.abs _section_cstart, $3  }
0xc3: {  	[dreg:$0x1] =	wrdreg $0xFFFFFFFF  }
0xc4: {  	_ =	task.clear_ibuf [dreg:s9], $0x2FFFF;
	_ =	strace $0x9FFFFFFF  }
0xc5: {  	(tm) =	ssettm $0x7FFFFFFF  }
tec
execute0_lowered:
.L_overlay_start_1:
0x0: {  	(tag) =	ssettag $0x1  }
0x1: {  	s1 =	srdreg.scid  }
0x2: {  	s0 =	rddreg [dreg:$0x0];
	s2 =	stileid.u32;
	s1 =	sand.u32 $0x1, s1  }
0x3: {  	s5 =	rddreg [dreg:$0x1];
	s3 =	sshll.u32 s2, $0xF;
	s4 =	sshll.u32 s1, $0xE  }
0x4: {  	s2 =	rddreg [dreg:$0x2];
	s4 =	sor.u32 s4, s3  }
0x5: {  	s6 =	ssub.s32 $0x2, s1;
	s1 =	simm.s32 $0x0;
	s7 =	sor.u32 $0x800, s4  }
0x6: {  	[smem:$0x7FF] =	sst s1;
	s14 =	sor.u32 $0x80000, s4;
	s13 =	sadd.s32 s5, s7  }
0x7: {  	s8 =	sor.u32 $0x100000, s4;
	s10 =	sadd.s32 s0, s14;
	[dreg:$0x4] =	wrdreg s13  }
0x8: {  	s9 =	sor.u32 $0x180000, s4;
	s15 =	sadd.s32 s0, s8;
	[dreg:$0x5] =	wrdreg s10  }
0x9: {  	s12 =	sshrl.u32 s6, $0x1;
	s16 =	sadd.s32 s0, s9;
	[dreg:$0x6] =	wrdreg s15  }
0xa: {  	s3 =	ssub.s32 s6, s12;
	s17 =	sadd.s32 s0, s7;
	[dreg:$0x7] =	wrdreg s16  }
0xb: {  	s18 =	sor.u32 $0x80800, s4;
	s6 =	sadd.s32 s2, s14;
	[dreg:$0x8] =	wrdreg s17  }
0xc: {  	s19 =	sadd.s32 s0, s18;
	[dreg:$0x9] =	wrdreg s6  }
0xd: {  	s20 =	sor.u32 $0x100800, s4;
	s8 =	sadd.s32 s2, s8;
	[dreg:$0xa] =	wrdreg s19  }
0xe: {  	s21 =	sadd.s32 s0, s20;
	[dreg:$0xb] =	wrdreg s8  }
0xf: {  	s22 =	sor.u32 $0x1000, s4;
	s9 =	sadd.s32 s2, s9;
	[dreg:$0xc] =	wrdreg s21  }
0x10: {  	s11 =	sor.u32 $0x180800, s4;
	s23 =	sadd.s32 s5, s22;
	[dreg:$0xd] =	wrdreg s9  }
0x11: {  	s24 =	sadd.s32 s0, s11;
	[dreg:$0xe] =	wrdreg s23  }
0x12: {  	s7 =	sadd.s32 s2, s7;
	[dreg:$0xf] =	wrdreg s24  }
0x13: {  	s25 =	sadd.s32 s0, s22;
	[dreg:$0x10] =	wrdreg s7  }
0x14: {  	[dreg:$0x11] =	wrdreg s25;
	s6 =	sadd.s32 s2, s18  }
0x15: {  	s8 =	sadd.s32 s2, s20;
	[dreg:$0x12] =	wrdreg s6  }
0x16: {  	s9 =	sadd.s32 s2, s11;
	[dreg:$0x13] =	wrdreg s8  }
0x17: {  	s26 =	sor.u32 $0x81000, s4;
	s10 =	sadd.s32 s2, s22;
	[dreg:$0x14] =	wrdreg s9  }
0x18: {  	s12 =	sor.u32 $0x101000, s4;
	s11 =	sadd.s32 s0, s26;
	[dreg:$0x15] =	wrdreg s10  }
0x19: {  	s13 =	sadd.s32 s0, s12;
	[dreg:$0x16] =	wrdreg s11  }
0x1a: {  	s14 =	sor.u32 $0x181000, s4;
	s7 =	sadd.s32 s2, s12;
	[dreg:$0x18] =	wrdreg s13  }
0x1b: {  	s16 =	sadd.s32 s0, s14;
	[dreg:$0x19] =	wrdreg s7  }
0x1c: {  	s15 =	sor.u32 $0x1800, s4;
	s6 =	sadd.s32 s2, s26;
	[dreg:$0x1a] =	wrdreg s16  }
0x1d: {  	s17 =	sadd.s32 s5, s15;
	[dreg:$0x17] =	wrdreg s6  }
0x1e: {  	s18 =	sadd.s32 s0, s15;
	[dreg:$0x1c] =	wrdreg s17  }
0x1f: {  	s20 =	sor.u32 $0x81800, s4;
	s19 =	sadd.s32 s2, s15;
	[dreg:$0x1d] =	wrdreg s18  }
0x20: {  	s21 =	sor.u32 $0x101800, s4;
	s22 =	sadd.s32 s0, s20;
	[dreg:$0x1e] =	wrdreg s19  }
0x21: {  	s23 =	sadd.s32 s0, s21;
	[dreg:$0x1f] =	wrdreg s22  }
0x22: {  	s25 =	sor.u32 $0x2000, s4;
	s24 =	sadd.s32 s2, s21;
	[smem:$0x7D9] =	sst s23  }
0x23: {  	s10 =	sadd.s32 s5, s25;
	[smem:$0x7DA] =	sst s24  }
0x24: {  	s12 =	sor.u32 $0x82000, s4;
	s11 =	sadd.s32 s0, s25;
	[smem:$0x7DD] =	sst s10  }
0x25: {  	s13 =	sadd.s32 s0, s12;
	[smem:$0x7DE] =	sst s11  }
0x26: {  	s26 =	sor.u32 $0x181800, s4;
	s6 =	sadd.s32 s2, s14;
	[smem:$0x7E0] =	sst s13  }
0x27: {  	s28 =	simm.s32 $0x6;
	s9 =	sadd.s32 s0, s26;
	[dreg:$0x1b] =	wrdreg s6  }
0x28: {  	s16 =	sor.u32 $0x182000, s4;
	s7 =	sadd.s32 s2, s26;
	[smem:$0x7DB] =	sst s9  }
0x29: {  	s21 =	sor.u32 $0x82800, s4;
	s17 =	sadd.s32 s0, s16;
	[smem:$0x7DC] =	sst s7  }
0x2a: {  	s29 =	simm.s32 $0x2;
	s22 =	sadd.s32 s0, s21;
	[smem:$0x7E4] =	sst s17  }
0x2b: {  	s14 =	sor.u32 $0x102000, s4;
	s6 =	sadd.s32 s2, s20;
	[smem:$0x7E9] =	sst s22  }
0x2c: {  	s18 =	sor.u32 $0x2800, s4;
	s15 =	sadd.s32 s0, s14;
	[smem:$0x7D8] =	sst s6  }
0x2d: {  	s30 =	simm.s32 $0xA;
	s19 =	sadd.s32 s5, s18;
	[smem:$0x7E2] =	sst s15  }
0x2e: {  	s31 =	simm.s32 $0x7;
	s20 =	sadd.s32 s0, s18;
	[smem:$0x7E6] =	sst s19  }
0x2f: {  	s23 =	sor.u32 $0x102800, s4;
	s7 =	sadd.s32 s2, s21;
	[smem:$0x7E7] =	sst s20  }
0x30: {  	s10 =	sor.u32 $0x3000, s4;
	s24 =	sadd.s32 s0, s23;
	[smem:$0x7EA] =	sst s7  }
0x31: {  	s11 =	sor.u32 $0x3800, s4;
	s9 =	sadd.s32 s5, s4;
	[smem:$0x7EB] =	sst s24  }
0x32: {  	s13 =	sor.u32 $0x83000, s4;
	s21 =	sadd.s32 s0, s4;
	[smem:$0x7EF] =	sst s9  }
0x33: {  	s17 =	sor.u32 $0x183000, s4;
	s6 =	sadd.s32 s2, s25;
	[smem:$0x7FA] =	sst s21  }
0x34: {  	s22 =	sor.u32 $0x83800, s4;
	s15 =	sadd.s32 s0, s13;
	[smem:$0x7DF] =	sst s6  }
0x35: {  	s25 =	sor.u32 $0x182800, s4;
	s19 =	sadd.s32 s0, s17;
	[smem:$0x7F4] =	sst s15  }
0x36: {  	s20 =	sadd.s32 s2, s17;
	s24 =	sor.u32 $0x103800, s4;
	[smem:$0x7F8] =	sst s19  }
0x37: {  	s17 =	simm.s32 $0xC000;
	s6 =	sadd.s32 s2, s12;
	[smem:$0x7F9] =	sst s20  }
0x38: {  	s21 =	simm.s32 $0x3;
	s26 =	sadd.s32 s0, s25;
	[smem:$0x7E1] =	sst s6  }
0x39: {  	s8 =	sadd.s32 s2, s25;
	s12 =	sadd.s32 s5, s10;
	[smem:$0x7ED] =	sst s26  }
0x3a: {  	s5 =	sadd.s32 s5, s11;
	s25 =	sadd.s32 s0, s11;
	[smem:$0x7EE] =	sst s8  }
0x3b: {  	s15 =	simm.s32 $0x4000;
	s19 =	simm.s32 $0x1;
	[smem:$0x7F0] =	sst s12  }
0x3c: {  	s20 =	simm.s32 $0x14000;
	s6 =	sadd.s32 s2, s14;
	[smem:$0x7F1] =	sst s5  }
0x3d: {  	s14 =	sadd.s32 s0, s10;
	s5 =	sadd.s32 s2, s13;
	[smem:$0x7FC] =	sst s25  }
0x3e: {  	s26 =	sadd.s32 s0, s22;
	s8 =	sadd.s32 s0, s24;
	[smem:$0x7E3] =	sst s6  }
0x3f: {  	s12 =	sadd.s32 s2, s24;
	s24 =	simm.s32 $0x8;
	[smem:$0x7F2] =	sst s14  }
0x40: {  	s25 =	simm.s32 $0x5;
	s6 =	sadd.s32 s2, s16;
	[smem:$0x7F5] =	sst s5  }
0x41: {  	s16 =	sor.u32 $0x103000, s4;
	[smem:$0x7FD] =	sst s26;
	s14 =	smax.u32 s3, $0x1  }
0x42: {  	s26 =	simm.s32 $0x9;
	[smem:$0x7E5] =	sst s6;
	s6 =	sadd.s32 s2, s18  }
0x43: {  	s3 =	simm.s32 $0x0;
	s18 =	sadd.s32 s0, s16;
	[smem:$0x7E8] =	sst s6  }
0x44: {  	s5 =	sadd.s32 s2, s16;
	s16 =	simm.s32 $0x8000;
	[smem:$0x7F6] =	sst s18  }
0x45: {  	s6 =	sadd.s32 s2, s23;
	[smem:$0x7F7] =	sst s5;
	s23 =	sadd.s32 s2, s4  }
0x46: {  	s4 =	sor.u32 $0x183800, s4;
	s18 =	simm.s32 $0x10000;
	[smem:$0x7EC] =	sst s6  }
0x47: {  	s6 =	sadd.s32 s2, s10;
	[smem:$0x7FB] =	sst s23;
	s9 =	sadd.s32 s0, s4  }
0x48: {  	s10 =	sadd.s32 s2, s11;
	s11 =	sadd.s32 s2, s22;
	s13 =	sadd.s32 s2, s4  }
0x49: {  	s22 =	simm.s32 $0x18000;
	s23 =	simm.s32 $0x4;
	[smem:$0x7F3] =	sst s6  }
0x4a: {  	s0 =	simm.s32 $0xB;
	s2 =	simm.s32 $0xC;
	_ =	strace $0x80000047  }
.LBB2_1:
0x4b: {  	s4 =	sld [smem:$0x7EF];
	_ =	sdelay $0x1  }
0x4c: {  	s6 =	rddreg [dreg:$0x4]  }
0x4d: {  	[tilespmem:s1], [sflag:$0x1] =	stream.linear.gather [hbm4b:s4+s1], $0x4000, $0x38;
	[tilespmem:$0x1C000] =	vst v63  }
0x4e: {  	s7 =	sld [smem:$0x7FA]  }
0x4f: {  	[tilespmem:s15], [sflag:$0x2] =	stream.linear.gather [hbm4b:s6+s1], $0x4000, $0x38;
	[tilespmem:$0x1C000] =	vst v63  }
0x50: {  	_ = 	snop  }
0x51: {  	[tilespmem:s16], [sflag:$0x3] =	stream.linear.gather [hbm4b:s7+s1], $0x4000, $0x38;
	[tilespmem:$0x1C000] =	vst v63  }
0x52: {  	s5 =	rddreg [dreg:$0x5]  }
0x53: {  	[tilespmem:s17], [sflag:$0x4] =	stream.linear.gather [hbm4b:s5+s1], $0x4000, $0x38;
	[tilespmem:$0x1C000] =	vst v63  }
0x54: {  	s6 =	rddreg [dreg:$0x6]  }
0x55: {  	[tilespmem:s18], [sflag:$0x5] =	stream.linear.gather [hbm4b:s6+s1], $0x4000, $0x38;
	[tilespmem:$0x1C000] =	vst v63  }
0x56: {  	_ =	swait.ge [sflag:s19], $0x4000  }
0x57: {  	[sflag:s19] =	ssyncset.done $0x0  }
0x58: {  	s7 =	rddreg [dreg:$0x7];
	[sflag:s19] =	ssyncadd.s32 $0xFFFFC000  }
0x59: {  	[tilespmem:s20], [sflag:$0x6] =	stream.linear.gather [hbm4b:s7+s1], $0x4000, $0x38;
	[tilespmem:$0x1C000] =	vst v63  }
0x5a: {  	_ =	swait.ge [sflag:s21], $0x4000  }
0x5b: {  	[sflag:s21] =	ssyncset.done $0x0  }
0x5c: {  	s4 =	simm.s32 $0x0;
	[sflag:s21] =	ssyncadd.s32 $0xFFFFC000  }
.LBB2_2:
0x5d: {  	s5 =	sshll.u32 s4, $0xA;
	s6 =	sshll.u32 s4, $0x7  }
0x5e: {  	s5 =	sand.u32 $0x2000, s5;
	s6 =	sand.u32 $0x380, s6  }
0x5f: {  	p0 =	por $0x1, $0x1;
	s5 =	sor.u32 s5, s6;
	s6 =	simm.s32 $0x0  }
.LBB2_3:
0x60: {  	s6 =	sor.u32 s6, s5  }
0x61: {  	v0 =	vld [tilespmem:s6+$0x0];
	s7 =	sor.u32 $0x10, s6  }
0x62: {  	v1 =	vld [tilespmem:s7+$0x0];
	s7 =	sor.u32 $0x20, s6  }
0x63: {  	v37 =	vld [tilespmem:s7+$0x0];
	s7 =	sor.u32 $0x30, s6  }
0x64: {  	v38 =	vld [tilespmem:s7+$0x0];
	s7 =	sor.u32 $0x40, s6  }
0x65: {  	v2 =	vld [tilespmem:s7+$0x0]  }
0x66: {  	s7 =	sor.u32 $0x50, s6;
	[tilespmem:s6+$0x8000] =	vst.add.f32.msk $0xffff, v0  }
0x67: {  	v3 =	vld [tilespmem:s7+$0x0]  }
0x68: {  	s7 =	sor.u32 $0x60, s6;
	[tilespmem:s6+$0x8010] =	vst.add.f32.msk $0xffff, v1  }
0x69: {  	v4 =	vld [tilespmem:s7+$0x0]  }
0x6a: {  	s7 =	sor.u32 $0x70, s6;
	[tilespmem:s6+$0x8020] =	vst.add.f32.msk $0xffff, v37  }
0x6b: {  	v39 =	vld [tilespmem:s7+$0x0]  }
0x6c: {  	s7 =	sor.u32 $0x400, s6;
	[tilespmem:s6+$0x8030] =	vst.add.f32.msk $0xffff, v38  }
0x6d: {  	v40 =	vld [tilespmem:s7+$0x0]  }
0x6e: {  	s7 =	sor.u32 $0x410, s6;
	[tilespmem:s6+$0x8040] =	vst.add.f32.msk $0xffff, v2  }
0x6f: {  	v41 =	vld [tilespmem:s7+$0x0]  }
0x70: {  	s7 =	sor.u32 $0x420, s6;
	[tilespmem:s6+$0x8050] =	vst.add.f32.msk $0xffff, v3  }
0x71: {  	v42 =	vld [tilespmem:s7+$0x0]  }
0x72: {  	s7 =	sor.u32 $0x430, s6;
	[tilespmem:s6+$0x8060] =	vst.add.f32.msk $0xffff, v4  }
0x73: {  	v43 =	vld [tilespmem:s7+$0x0]  }
0x74: {  	s7 =	sor.u32 $0x440, s6;
	[tilespmem:s6+$0x8070] =	vst.add.f32.msk $0xffff, v39  }
0x75: {  	v44 =	vld [tilespmem:s7+$0x0]  }
0x76: {  	s7 =	sor.u32 $0x450, s6;
	[tilespmem:s6+$0x8400] =	vst.add.f32.msk $0xffff, v40  }
0x77: {  	v45 =	vld [tilespmem:s7+$0x0]  }
0x78: {  	s7 =	sor.u32 $0x460, s6;
	[tilespmem:s6+$0x8410] =	vst.add.f32.msk $0xffff, v41  }
0x79: {  	v46 =	vld [tilespmem:s7+$0x0]  }
0x7a: {  	s7 =	sor.u32 $0x470, s6;
	[tilespmem:s6+$0x8420] =	vst.add.f32.msk $0xffff, v42  }
0x7b: {  	v47 =	vld [tilespmem:s7+$0x0]  }
0x7c: {  	s7 =	sor.u32 $0x800, s6;
	[tilespmem:s6+$0x8430] =	vst.add.f32.msk $0xffff, v43  }
0x7d: {  	v48 =	vld [tilespmem:s7+$0x0]  }
0x7e: {  	s7 =	sor.u32 $0x810, s6;
	[tilespmem:s6+$0x8440] =	vst.add.f32.msk $0xffff, v44  }
0x7f: {  	v49 =	vld [tilespmem:s7+$0x0]  }
0x80: {  	s7 =	sor.u32 $0x820, s6;
	[tilespmem:s6+$0x8450] =	vst.add.f32.msk $0xffff, v45  }
0x81: {  	v50 =	vld [tilespmem:s7+$0x0]  }
0x82: {  	s7 =	sor.u32 $0x830, s6;
	[tilespmem:s6+$0x8460] =	vst.add.f32.msk $0xffff, v46  }
0x83: {  	v51 =	vld [tilespmem:s7+$0x0]  }
0x84: {  	s7 =	sor.u32 $0x840, s6;
	[tilespmem:s6+$0x8470] =	vst.add.f32.msk $0xffff, v47  }
0x85: {  	v52 =	vld [tilespmem:s7+$0x0]  }
0x86: {  	s7 =	sor.u32 $0x850, s6;
	[tilespmem:s6+$0x8800] =	vst.add.f32.msk $0xffff, v48  }
0x87: {  	v53 =	vld [tilespmem:s7+$0x0]  }
0x88: {  	s7 =	sor.u32 $0x860, s6;
	[tilespmem:s6+$0x8810] =	vst.add.f32.msk $0xffff, v49  }
0x89: {  	v54 =	vld [tilespmem:s7+$0x0]  }
0x8a: {  	s7 =	sor.u32 $0x870, s6;
	[tilespmem:s6+$0x8820] =	vst.add.f32.msk $0xffff, v50  }
0x8b: {  	v55 =	vld [tilespmem:s7+$0x0]  }
0x8c: {  	s7 =	sor.u32 $0xC00, s6;
	[tilespmem:s6+$0x8830] =	vst.add.f32.msk $0xffff, v51  }
0x8d: {  	v56 =	vld [tilespmem:s7+$0x0]  }
0x8e: {  	s7 =	sor.u32 $0xC10, s6;
	[tilespmem:s6+$0x8840] =	vst.add.f32.msk $0xffff, v52  }
0x8f: {  	v57 =	vld [tilespmem:s7+$0x0]  }
0x90: {  	s7 =	sor.u32 $0xC20, s6;
	[tilespmem:s6+$0x8850] =	vst.add.f32.msk $0xffff, v53  }
0x91: {  	v58 =	vld [tilespmem:s7+$0x0]  }
0x92: {  	s7 =	sor.u32 $0xC30, s6;
	[tilespmem:s6+$0x8860] =	vst.add.f32.msk $0xffff, v54  }
0x93: {  	v59 =	vld [tilespmem:s7+$0x0]  }
0x94: {  	s7 =	sor.u32 $0xC40, s6;
	[tilespmem:s6+$0x8870] =	vst.add.f32.msk $0xffff, v55  }
0x95: {  	v60 =	vld [tilespmem:s7+$0x0]  }
0x96: {  	s7 =	sor.u32 $0xC50, s6;
	[tilespmem:s6+$0x8C00] =	vst.add.f32.msk $0xffff, v56  }
0x97: {  	v61 =	vld [tilespmem:s7+$0x0]  }
0x98: {  	s7 =	sor.u32 $0xC60, s6;
	[tilespmem:s6+$0x8C10] =	vst.add.f32.msk $0xffff, v57  }
0x99: {  	v62 =	vld [tilespmem:s7+$0x0]  }
0x9a: {  	s7 =	sor.u32 $0xC70, s6;
	[tilespmem:s6+$0x8C20] =	vst.add.f32.msk $0xffff, v58  }
0x9b: {  	p1 =	por p0, p0;
	v63 =	vld [tilespmem:s7+$0x0]  }
.Ltmp0:
0x9c: {  	[tilespmem:s6+$0x8C30] =	vst.add.f32.msk $0xffff, v59;
	(pc) =	sbr.rel @p1 .LBB2_3-.Ltmp0, $4  }
0x9d: {  	[tilespmem:s6+$0x8C40] =	vst.add.f32.msk $0xffff, v60  }
0x9e: {  	[tilespmem:s6+$0x8C50] =	vst.add.f32.msk $0xffff, v61  }
0x9f: {  	[tilespmem:s6+$0x8C60] =	vst.add.f32.msk $0xffff, v62  }
0xa0: {  	p0 =	por $0x0, $0x0;
	[tilespmem:s6+$0x8C70] =	vst.add.f32.msk $0xffff, v63;
	s6 =	simm.s32 $0x1000  }
0xa1: {  	s4 =	sadd.s32 $0x1, s4  }
0xa2: {  	p0 =	sne.s32 s4, $0x10  }
.Ltmp1:
0xa3: {  	_ = 	snop;
	(pc) =	sbr.rel @p0 .LBB2_2-.Ltmp1, $1  }
0xa4: {  	_ =	sdelay $0x3  }
0xa5: {  	s5 =	sld [smem:$0x7FB];
	_ =	sdelay $0x1  }
0xa6: {  	s4 =	simm.s32 $0x0  }
0xa7: {  	[hbm4b:s5+s4] =	stream.linear.scatter [tilespmem:s16], [sflag:$0x8], $0x4000, $0x38;
	[tilespmem:$0x1C000] =	vst v63  }
0xa8: {  	s7 =	rddreg [dreg:$0x8]  }
0xa9: {  	[tilespmem:s22], [sflag:$0x7] =	stream.linear.gather [hbm4b:s7+s4], $0x4000, $0x38;
	[tilespmem:$0x1C000] =	vst v63  }
0xaa: {  	_ =	swait.ge [sflag:s23], $0x4000  }
0xab: {  	[sflag:s23] =	ssyncset.done $0x0  }
0xac: {  	[sflag:s23] =	ssyncadd.s32 $0xFFFFC000  }
.LBB2_6:
0xad: {  	s5 =	sshll.u32 s4, $0xA;
	s6 =	sshll.u32 s4, $0x7  }
0xae: {  	s5 =	sand.u32 $0x2000, s5;
	s6 =	sand.u32 $0x380, s6  }
0xaf: {  	p0 =	por $0x1, $0x1;
	s5 =	sor.u32 s5, s6;
	s6 =	simm.s32 $0x0  }
.LBB2_7:
0xb0: {  	s6 =	sor.u32 s6, s5  }
0xb1: {  	v0 =	vld [tilespmem:s6+$0x0];
	s7 =	sor.u32 $0x10, s6  }
0xb2: {  	v1 =	vld [tilespmem:s7+$0x0];
	s7 =	sor.u32 $0x20, s6  }
0xb3: {  	v37 =	vld [tilespmem:s7+$0x0];
	s7 =	sor.u32 $0x30, s6  }
0xb4: {  	v38 =	vld [tilespmem:s7+$0x0];
	s7 =	sor.u32 $0x40, s6  }
0xb5: {  	v2 =	vld [tilespmem:s7+$0x0]  }
0xb6: {  	s7 =	sor.u32 $0x50, s6;
	[tilespmem:s6+$0xC000] =	vst.add.f32.msk $0xffff, v0  }
0xb7: {  	v3 =	vld [tilespmem:s7+$0x0]  }
0xb8: {  	s7 =	sor.u32 $0x60, s6;
	[tilespmem:s6+$0xC010] =	vst.add.f32.msk $0xffff, v1  }
0xb9: {  	v4 =	vld [tilespmem:s7+$0x0]  }
0xba: {  	s7 =	sor.u32 $0x70, s6;
	[tilespmem:s6+$0xC020] =	vst.add.f32.msk $0xffff, v37  }
0xbb: {  	v39 =	vld [tilespmem:s7+$0x0]  }
0xbc: {  	s7 =	sor.u32 $0x400, s6;
	[tilespmem:s6+$0xC030] =	vst.add.f32.msk $0xffff, v38  }
0xbd: {  	v40 =	vld [tilespmem:s7+$0x0]  }
0xbe: {  	s7 =	sor.u32 $0x410, s6;
	[tilespmem:s6+$0xC040] =	vst.add.f32.msk $0xffff, v2  }
0xbf: {  	v41 =	vld [tilespmem:s7+$0x0]  }
0xc0: {  	s7 =	sor.u32 $0x420, s6;
	[tilespmem:s6+$0xC050] =	vst.add.f32.msk $0xffff, v3  }
0xc1: {  	v42 =	vld [tilespmem:s7+$0x0]  }
0xc2: {  	s7 =	sor.u32 $0x430, s6;
	[tilespmem:s6+$0xC060] =	vst.add.f32.msk $0xffff, v4  }
0xc3: {  	v43 =	vld [tilespmem:s7+$0x0]  }
0xc4: {  	s7 =	sor.u32 $0x440, s6;
	[tilespmem:s6+$0xC070] =	vst.add.f32.msk $0xffff, v39  }
0xc5: {  	v44 =	vld [tilespmem:s7+$0x0]  }
0xc6: {  	s7 =	sor.u32 $0x450, s6;
	[tilespmem:s6+$0xC400] =	vst.add.f32.msk $0xffff, v40  }
0xc7: {  	v45 =	vld [tilespmem:s7+$0x0]  }
0xc8: {  	s7 =	sor.u32 $0x460, s6;
	[tilespmem:s6+$0xC410] =	vst.add.f32.msk $0xffff, v41  }
0xc9: {  	v46 =	vld [tilespmem:s7+$0x0]  }
0xca: {  	s7 =	sor.u32 $0x470, s6;
	[tilespmem:s6+$0xC420] =	vst.add.f32.msk $0xffff, v42  }
0xcb: {  	v47 =	vld [tilespmem:s7+$0x0]  }
0xcc: {  	s7 =	sor.u32 $0x800, s6;
	[tilespmem:s6+$0xC430] =	vst.add.f32.msk $0xffff, v43  }
0xcd: {  	v48 =	vld [tilespmem:s7+$0x0]  }
0xce: {  	s7 =	sor.u32 $0x810, s6;
	[tilespmem:s6+$0xC440] =	vst.add.f32.msk $0xffff, v44  }
0xcf: {  	v49 =	vld [tilespmem:s7+$0x0]  }
0xd0: {  	s7 =	sor.u32 $0x820, s6;
	[tilespmem:s6+$0xC450] =	vst.add.f32.msk $0xffff, v45  }
0xd1: {  	v50 =	vld [tilespmem:s7+$0x0]  }
0xd2: {  	s7 =	sor.u32 $0x830, s6;
	[tilespmem:s6+$0xC460] =	vst.add.f32.msk $0xffff, v46  }
0xd3: {  	v51 =	vld [tilespmem:s7+$0x0]  }
0xd4: {  	s7 =	sor.u32 $0x840, s6;
	[tilespmem:s6+$0xC470] =	vst.add.f32.msk $0xffff, v47  }
0xd5: {  	v52 =	vld [tilespmem:s7+$0x0]  }
0xd6: {  	s7 =	sor.u32 $0x850, s6;
	[tilespmem:s6+$0xC800] =	vst.add.f32.msk $0xffff, v48  }
0xd7: {  	v53 =	vld [tilespmem:s7+$0x0]  }
0xd8: {  	s7 =	sor.u32 $0x860, s6;
	[tilespmem:s6+$0xC810] =	vst.add.f32.msk $0xffff, v49  }
0xd9: {  	v54 =	vld [tilespmem:s7+$0x0]  }
0xda: {  	s7 =	sor.u32 $0x870, s6;
	[tilespmem:s6+$0xC820] =	vst.add.f32.msk $0xffff, v50  }
0xdb: {  	v55 =	vld [tilespmem:s7+$0x0]  }
0xdc: {  	s7 =	sor.u32 $0xC00, s6;
	[tilespmem:s6+$0xC830] =	vst.add.f32.msk $0xffff, v51  }
0xdd: {  	v56 =	vld [tilespmem:s7+$0x0]  }
0xde: {  	s7 =	sor.u32 $0xC10, s6;
	[tilespmem:s6+$0xC840] =	vst.add.f32.msk $0xffff, v52  }
0xdf: {  	v57 =	vld [tilespmem:s7+$0x0]  }
0xe0: {  	s7 =	sor.u32 $0xC20, s6;
	[tilespmem:s6+$0xC850] =	vst.add.f32.msk $0xffff, v53  }
0xe1: {  	v58 =	vld [tilespmem:s7+$0x0]  }
0xe2: {  	s7 =	sor.u32 $0xC30, s6;
	[tilespmem:s6+$0xC860] =	vst.add.f32.msk $0xffff, v54  }
0xe3: {  	v59 =	vld [tilespmem:s7+$0x0]  }
0xe4: {  	s7 =	sor.u32 $0xC40, s6;
	[tilespmem:s6+$0xC870] =	vst.add.f32.msk $0xffff, v55  }
0xe5: {  	v60 =	vld [tilespmem:s7+$0x0]  }
0xe6: {  	s7 =	sor.u32 $0xC50, s6;
	[tilespmem:s6+$0xCC00] =	vst.add.f32.msk $0xffff, v56  }
0xe7: {  	v61 =	vld [tilespmem:s7+$0x0]  }
0xe8: {  	s7 =	sor.u32 $0xC60, s6;
	[tilespmem:s6+$0xCC10] =	vst.add.f32.msk $0xffff, v57  }
0xe9: {  	v62 =	vld [tilespmem:s7+$0x0]  }
0xea: {  	s7 =	sor.u32 $0xC70, s6;
	[tilespmem:s6+$0xCC20] =	vst.add.f32.msk $0xffff, v58  }
0xeb: {  	p1 =	por p0, p0;
	v63 =	vld [tilespmem:s7+$0x0]  }
.Ltmp2:
0xec: {  	[tilespmem:s6+$0xCC30] =	vst.add.f32.msk $0xffff, v59;
	(pc) =	sbr.rel @p1 .LBB2_7-.Ltmp2, $4  }
0xed: {  	[tilespmem:s6+$0xCC40] =	vst.add.f32.msk $0xffff, v60  }
0xee: {  	[tilespmem:s6+$0xCC50] =	vst.add.f32.msk $0xffff, v61  }
0xef: {  	[tilespmem:s6+$0xCC60] =	vst.add.f32.msk $0xffff, v62  }
0xf0: {  	p0 =	por $0x0, $0x0;
	[tilespmem:s6+$0xCC70] =	vst.add.f32.msk $0xffff, v63;
	s6 =	simm.s32 $0x1000  }
0xf1: {  	s4 =	sadd.s32 $0x1, s4  }
0xf2: {  	p0 =	sne.s32 s4, $0x10  }
.Ltmp3:
0xf3: {  	_ = 	snop;
	(pc) =	sbr.rel @p0 .LBB2_6-.Ltmp3, $1  }
0xf4: {  	_ =	sdelay $0x3  }
0xf5: {  	s4 =	simm.s32 $0x0;
	s5 =	rddreg [dreg:$0x9]  }
0xf6: {  	[hbm4b:s5+s4] =	stream.linear.scatter [tilespmem:s17], [sflag:$0x9], $0x4000, $0x38;
	[tilespmem:$0x1C000] =	vst v63  }
0xf7: {  	_ =	swait.ge [sflag:s24], $0x4000  }
0xf8: {  	[sflag:s24] =	ssyncset.done $0x0  }
0xf9: {  	s7 =	rddreg [dreg:$0xa];
	[sflag:s24] =	ssyncadd.s32 $0xFFFFC000  }
0xfa: {  	[tilespmem:s16], [sflag:$0x3] =	stream.linear.gather [hbm4b:s7+s4], $0x4000, $0x38;
	[tilespmem:$0x1C000] =	vst v63  }
0xfb: {  	_ =	swait.ge [sflag:s25], $0x4000  }
0xfc: {  	[sflag:s25] =	ssyncset.done $0x0  }
0xfd: {  	[sflag:s25] =	ssyncadd.s32 $0xFFFFC000  }
.LBB2_10:
0xfe: {  	s5 =	sshll.u32 s4, $0xA;
	s6 =	sshll.u32 s4, $0x7  }
0xff: {  	s5 =	sand.u32 $0x2000, s5;
	s6 =	sand.u32 $0x380, s6  }
0x100: {  	p0 =	por $0x1, $0x1;
	s5 =	sor.u32 s5, s6;
	s6 =	simm.s32 $0x0  }
.LBB2_11:
0x101: {  	s6 =	sor.u32 s6, s5  }
0x102: {  	v0 =	vld [tilespmem:s6+$0x0];
	s7 =	sor.u32 $0x10, s6  }
0x103: {  	v1 =	vld [tilespmem:s7+$0x0];
	s7 =	sor.u32 $0x20, s6  }
0x104: {  	v37 =	vld [tilespmem:s7+$0x0];
	s7 =	sor.u32 $0x30, s6  }
0x105: {  	v38 =	vld [tilespmem:s7+$0x0];
	s7 =	sor.u32 $0x40, s6  }
0x106: {  	v2 =	vld [tilespmem:s7+$0x0]  }
0x107: {  	s7 =	sor.u32 $0x50, s6;
	[tilespmem:s6+$0x10000] =	vst.add.f32.msk $0xffff, v0  }
0x108: {  	v3 =	vld [tilespmem:s7+$0x0]  }
0x109: {  	s7 =	sor.u32 $0x60, s6;
	[tilespmem:s6+$0x10010] =	vst.add.f32.msk $0xffff, v1  }
0x10a: {  	v4 =	vld [tilespmem:s7+$0x0]  }
0x10b: {  	s7 =	sor.u32 $0x70, s6;
	[tilespmem:s6+$0x10020] =	vst.add.f32.msk $0xffff, v37  }
0x10c: {  	v39 =	vld [tilespmem:s7+$0x0]  }
0x10d: {  	s7 =	sor.u32 $0x400, s6;
	[tilespmem:s6+$0x10030] =	vst.add.f32.msk $0xffff, v38  }
0x10e: {  	v40 =	vld [tilespmem:s7+$0x0]  }
0x10f: {  	s7 =	sor.u32 $0x410, s6;
	[tilespmem:s6+$0x10040] =	vst.add.f32.msk $0xffff, v2  }
0x110: {  	v41 =	vld [tilespmem:s7+$0x0]  }
0x111: {  	s7 =	sor.u32 $0x420, s6;
	[tilespmem:s6+$0x10050] =	vst.add.f32.msk $0xffff, v3  }
0x112: {  	v42 =	vld [tilespmem:s7+$0x0]  }
0x113: {  	s7 =	sor.u32 $0x430, s6;
	[tilespmem:s6+$0x10060] =	vst.add.f32.msk $0xffff, v4  }
0x114: {  	v43 =	vld [tilespmem:s7+$0x0]  }
0x115: {  	s7 =	sor.u32 $0x440, s6;
	[tilespmem:s6+$0x10070] =	vst.add.f32.msk $0xffff, v39  }
0x116: {  	v44 =	vld [tilespmem:s7+$0x0]  }
0x117: {  	s7 =	sor.u32 $0x450, s6;
	[tilespmem:s6+$0x10400] =	vst.add.f32.msk $0xffff, v40  }
0x118: {  	v45 =	vld [tilespmem:s7+$0x0]  }
0x119: {  	s7 =	sor.u32 $0x460, s6;
	[tilespmem:s6+$0x10410] =	vst.add.f32.msk $0xffff, v41  }
0x11a: {  	v46 =	vld [tilespmem:s7+$0x0]  }
0x11b: {  	s7 =	sor.u32 $0x470, s6;
	[tilespmem:s6+$0x10420] =	vst.add.f32.msk $0xffff, v42  }
0x11c: {  	v47 =	vld [tilespmem:s7+$0x0]  }
0x11d: {  	s7 =	sor.u32 $0x800, s6;
	[tilespmem:s6+$0x10430] =	vst.add.f32.msk $0xffff, v43  }
0x11e: {  	v48 =	vld [tilespmem:s7+$0x0]  }
0x11f: {  	s7 =	sor.u32 $0x810, s6;
	[tilespmem:s6+$0x10440] =	vst.add.f32.msk $0xffff, v44  }
0x120: {  	v49 =	vld [tilespmem:s7+$0x0]  }
0x121: {  	s7 =	sor.u32 $0x820, s6;
	[tilespmem:s6+$0x10450] =	vst.add.f32.msk $0xffff, v45  }
0x122: {  	v50 =	vld [tilespmem:s7+$0x0]  }
0x123: {  	s7 =	sor.u32 $0x830, s6;
	[tilespmem:s6+$0x10460] =	vst.add.f32.msk $0xffff, v46  }
0x124: {  	v51 =	vld [tilespmem:s7+$0x0]  }
0x125: {  	s7 =	sor.u32 $0x840, s6;
	[tilespmem:s6+$0x10470] =	vst.add.f32.msk $0xffff, v47  }
0x126: {  	v52 =	vld [tilespmem:s7+$0x0]  }
0x127: {  	s7 =	sor.u32 $0x850, s6;
	[tilespmem:s6+$0x10800] =	vst.add.f32.msk $0xffff, v48  }
0x128: {  	v53 =	vld [tilespmem:s7+$0x0]  }
0x129: {  	s7 =	sor.u32 $0x860, s6;
	[tilespmem:s6+$0x10810] =	vst.add.f32.msk $0xffff, v49  }
0x12a: {  	v54 =	vld [tilespmem:s7+$0x0]  }
0x12b: {  	s7 =	sor.u32 $0x870, s6;
	[tilespmem:s6+$0x10820] =	vst.add.f32.msk $0xffff, v50  }
0x12c: {  	v55 =	vld [tilespmem:s7+$0x0]  }
0x12d: {  	s7 =	sor.u32 $0xC00, s6;
	[tilespmem:s6+$0x10830] =	vst.add.f32.msk $0xffff, v51  }
0x12e: {  	v56 =	vld [tilespmem:s7+$0x0]  }
0x12f: {  	s7 =	sor.u32 $0xC10, s6;
	[tilespmem:s6+$0x10840] =	vst.add.f32.msk $0xffff, v52  }
0x130: {  	v57 =	vld [tilespmem:s7+$0x0]  }
0x131: {  	s7 =	sor.u32 $0xC20, s6;
	[tilespmem:s6+$0x10850] =	vst.add.f32.msk $0xffff, v53  }
0x132: {  	v58 =	vld [tilespmem:s7+$0x0]  }
0x133: {  	s7 =	sor.u32 $0xC30, s6;
	[tilespmem:s6+$0x10860] =	vst.add.f32.msk $0xffff, v54  }
0x134: {  	v59 =	vld [tilespmem:s7+$0x0]  }
0x135: {  	s7 =	sor.u32 $0xC40, s6;
	[tilespmem:s6+$0x10870] =	vst.add.f32.msk $0xffff, v55  }
0x136: {  	v60 =	vld [tilespmem:s7+$0x0]  }
0x137: {  	s7 =	sor.u32 $0xC50, s6;
	[tilespmem:s6+$0x10C00] =	vst.add.f32.msk $0xffff, v56  }
0x138: {  	v61 =	vld [tilespmem:s7+$0x0]  }
0x139: {  	s7 =	sor.u32 $0xC60, s6;
	[tilespmem:s6+$0x10C10] =	vst.add.f32.msk $0xffff, v57  }
0x13a: {  	v62 =	vld [tilespmem:s7+$0x0]  }
0x13b: {  	s7 =	sor.u32 $0xC70, s6;
	[tilespmem:s6+$0x10C20] =	vst.add.f32.msk $0xffff, v58  }
0x13c: {  	p1 =	por p0, p0;
	v63 =	vld [tilespmem:s7+$0x0]  }
.Ltmp4:
0x13d: {  	[tilespmem:s6+$0x10C30] =	vst.add.f32.msk $0xffff, v59;
	(pc) =	sbr.rel @p1 .LBB2_11-.Ltmp4, $4  }
0x13e: {  	[tilespmem:s6+$0x10C40] =	vst.add.f32.msk $0xffff, v60  }
0x13f: {  	[tilespmem:s6+$0x10C50] =	vst.add.f32.msk $0xffff, v61  }
0x140: {  	[tilespmem:s6+$0x10C60] =	vst.add.f32.msk $0xffff, v62  }
0x141: {  	p0 =	por $0x0, $0x0;
	[tilespmem:s6+$0x10C70] =	vst.add.f32.msk $0xffff, v63;
	s6 =	simm.s32 $0x1000  }
0x142: {  	s4 =	sadd.s32 $0x1, s4  }
0x143: {  	p0 =	sne.s32 s4, $0x10  }
.Ltmp5:
0x144: {  	_ = 	snop;
	(pc) =	sbr.rel @p0 .LBB2_10-.Ltmp5, $1  }
0x145: {  	_ =	sdelay $0x3  }
0x146: {  	s4 =	simm.s32 $0x0;
	s5 =	rddreg [dreg:$0xb]  }
0x147: {  	[hbm4b:s5+s4] =	stream.linear.scatter [tilespmem:s18], [sflag:$0xA], $0x4000, $0x38;
	[tilespmem:$0x1C000] =	vst v63  }
0x148: {  	_ =	swait.ge [sflag:s26], $0x4000  }
0x149: {  	[sflag:s26] =	ssyncset.done $0x0  }
0x14a: {  	s7 =	rddreg [dreg:$0xc];
	[sflag:s26] =	ssyncadd.s32 $0xFFFFC000  }
0x14b: {  	[tilespmem:s17], [sflag:$0x4] =	stream.linear.gather [hbm4b:s7+s4], $0x4000, $0x38;
	[tilespmem:$0x1C000] =	vst v63  }
0x14c: {  	_ =	swait.ge [sflag:s28], $0x4000  }
0x14d: {  	[sflag:s28] =	ssyncset.done $0x0  }
0x14e: {  	[sflag:s28] =	ssyncadd.s32 $0xFFFFC000  }
.LBB2_14:
0x14f: {  	s5 =	sshll.u32 s4, $0xA;
	s6 =	sshll.u32 s4, $0x7  }
0x150: {  	s5 =	sand.u32 $0x2000, s5;
	s6 =	sand.u32 $0x380, s6  }
0x151: {  	p0 =	por $0x1, $0x1;
	s5 =	sor.u32 s5, s6;
	s6 =	simm.s32 $0x0  }
.LBB2_15:
0x152: {  	s6 =	sor.u32 s6, s5  }
0x153: {  	v0 =	vld [tilespmem:s6+$0x0];
	s7 =	sor.u32 $0x10, s6  }
0x154: {  	v1 =	vld [tilespmem:s7+$0x0];
	s7 =	sor.u32 $0x20, s6  }
0x155: {  	v37 =	vld [tilespmem:s7+$0x0];
	s7 =	sor.u32 $0x30, s6  }
0x156: {  	v38 =	vld [tilespmem:s7+$0x0];
	s7 =	sor.u32 $0x40, s6  }
0x157: {  	v2 =	vld [tilespmem:s7+$0x0]  }
0x158: {  	s7 =	sor.u32 $0x50, s6;
	[tilespmem:s6+$0x14000] =	vst.add.f32.msk $0xffff, v0  }
0x159: {  	v3 =	vld [tilespmem:s7+$0x0]  }
0x15a: {  	s7 =	sor.u32 $0x60, s6;
	[tilespmem:s6+$0x14010] =	vst.add.f32.msk $0xffff, v1  }
0x15b: {  	v4 =	vld [tilespmem:s7+$0x0]  }
0x15c: {  	s7 =	sor.u32 $0x70, s6;
	[tilespmem:s6+$0x14020] =	vst.add.f32.msk $0xffff, v37  }
0x15d: {  	v39 =	vld [tilespmem:s7+$0x0]  }
0x15e: {  	s7 =	sor.u32 $0x400, s6;
	[tilespmem:s6+$0x14030] =	vst.add.f32.msk $0xffff, v38  }
0x15f: {  	v40 =	vld [tilespmem:s7+$0x0]  }
0x160: {  	s7 =	sor.u32 $0x410, s6;
	[tilespmem:s6+$0x14040] =	vst.add.f32.msk $0xffff, v2  }
0x161: {  	v41 =	vld [tilespmem:s7+$0x0]  }
0x162: {  	s7 =	sor.u32 $0x420, s6;
	[tilespmem:s6+$0x14050] =	vst.add.f32.msk $0xffff, v3  }
0x163: {  	v42 =	vld [tilespmem:s7+$0x0]  }
0x164: {  	s7 =	sor.u32 $0x430, s6;
	[tilespmem:s6+$0x14060] =	vst.add.f32.msk $0xffff, v4  }
0x165: {  	v43 =	vld [tilespmem:s7+$0x0]  }
0x166: {  	s7 =	sor.u32 $0x440, s6;
	[tilespmem:s6+$0x14070] =	vst.add.f32.msk $0xffff, v39  }
0x167: {  	v44 =	vld [tilespmem:s7+$0x0]  }
0x168: {  	s7 =	sor.u32 $0x450, s6;
	[tilespmem:s6+$0x14400] =	vst.add.f32.msk $0xffff, v40  }
0x169: {  	v45 =	vld [tilespmem:s7+$0x0]  }
0x16a: {  	s7 =	sor.u32 $0x460, s6;
	[tilespmem:s6+$0x14410] =	vst.add.f32.msk $0xffff, v41  }
0x16b: {  	v46 =	vld [tilespmem:s7+$0x0]  }
0x16c: {  	s7 =	sor.u32 $0x470, s6;
	[tilespmem:s6+$0x14420] =	vst.add.f32.msk $0xffff, v42  }
0x16d: {  	v47 =	vld [tilespmem:s7+$0x0]  }
0x16e: {  	s7 =	sor.u32 $0x800, s6;
	[tilespmem:s6+$0x14430] =	vst.add.f32.msk $0xffff, v43  }
0x16f: {  	v48 =	vld [tilespmem:s7+$0x0]  }
0x170: {  	s7 =	sor.u32 $0x810, s6;
	[tilespmem:s6+$0x14440] =	vst.add.f32.msk $0xffff, v44  }
0x171: {  	v49 =	vld [tilespmem:s7+$0x0]  }
0x172: {  	s7 =	sor.u32 $0x820, s6;
	[tilespmem:s6+$0x14450] =	vst.add.f32.msk $0xffff, v45  }
0x173: {  	v50 =	vld [tilespmem:s7+$0x0]  }
0x174: {  	s7 =	sor.u32 $0x830, s6;
	[tilespmem:s6+$0x14460] =	vst.add.f32.msk $0xffff, v46  }
0x175: {  	v51 =	vld [tilespmem:s7+$0x0]  }
0x176: {  	s7 =	sor.u32 $0x840, s6;
	[tilespmem:s6+$0x14470] =	vst.add.f32.msk $0xffff, v47  }
0x177: {  	v52 =	vld [tilespmem:s7+$0x0]  }
0x178: {  	s7 =	sor.u32 $0x850, s6;
	[tilespmem:s6+$0x14800] =	vst.add.f32.msk $0xffff, v48  }
0x179: {  	v53 =	vld [tilespmem:s7+$0x0]  }
0x17a: {  	s7 =	sor.u32 $0x860, s6;
	[tilespmem:s6+$0x14810] =	vst.add.f32.msk $0xffff, v49  }
0x17b: {  	v54 =	vld [tilespmem:s7+$0x0]  }
0x17c: {  	s7 =	sor.u32 $0x870, s6;
	[tilespmem:s6+$0x14820] =	vst.add.f32.msk $0xffff, v50  }
0x17d: {  	v55 =	vld [tilespmem:s7+$0x0]  }
0x17e: {  	s7 =	sor.u32 $0xC00, s6;
	[tilespmem:s6+$0x14830] =	vst.add.f32.msk $0xffff, v51  }
0x17f: {  	v56 =	vld [tilespmem:s7+$0x0]  }
0x180: {  	s7 =	sor.u32 $0xC10, s6;
	[tilespmem:s6+$0x14840] =	vst.add.f32.msk $0xffff, v52  }
0x181: {  	v57 =	vld [tilespmem:s7+$0x0]  }
0x182: {  	s7 =	sor.u32 $0xC20, s6;
	[tilespmem:s6+$0x14850] =	vst.add.f32.msk $0xffff, v53  }
0x183: {  	v58 =	vld [tilespmem:s7+$0x0]  }
0x184: {  	s7 =	sor.u32 $0xC30, s6;
	[tilespmem:s6+$0x14860] =	vst.add.f32.msk $0xffff, v54  }
0x185: {  	v59 =	vld [tilespmem:s7+$0x0]  }
0x186: {  	s7 =	sor.u32 $0xC40, s6;
	[tilespmem:s6+$0x14870] =	vst.add.f32.msk $0xffff, v55  }
0x187: {  	v60 =	vld [tilespmem:s7+$0x0]  }
0x188: {  	s7 =	sor.u32 $0xC50, s6;
	[tilespmem:s6+$0x14C00] =	vst.add.f32.msk $0xffff, v56  }
0x189: {  	v61 =	vld [tilespmem:s7+$0x0]  }
0x18a: {  	s7 =	sor.u32 $0xC60, s6;
	[tilespmem:s6+$0x14C10] =	vst.add.f32.msk $0xffff, v57  }
0x18b: {  	v62 =	vld [tilespmem:s7+$0x0]  }
0x18c: {  	s7 =	sor.u32 $0xC70, s6;
	[tilespmem:s6+$0x14C20] =	vst.add.f32.msk $0xffff, v58  }
0x18d: {  	p1 =	por p0, p0;
	v63 =	vld [tilespmem:s7+$0x0]  }
.Ltmp6:
0x18e: {  	[tilespmem:s6+$0x14C30] =	vst.add.f32.msk $0xffff, v59;
	(pc) =	sbr.rel @p1 .LBB2_15-.Ltmp6, $4  }
0x18f: {  	[tilespmem:s6+$0x14C40] =	vst.add.f32.msk $0xffff, v60  }
0x190: {  	[tilespmem:s6+$0x14C50] =	vst.add.f32.msk $0xffff, v61  }
0x191: {  	[tilespmem:s6+$0x14C60] =	vst.add.f32.msk $0xffff, v62  }
0x192: {  	p0 =	por $0x0, $0x0;
	[tilespmem:s6+$0x14C70] =	vst.add.f32.msk $0xffff, v63;
	s6 =	simm.s32 $0x1000  }
0x193: {  	s4 =	sadd.s32 $0x1, s4  }
0x194: {  	p0 =	sne.s32 s4, $0x10  }
.Ltmp7:
0x195: {  	_ = 	snop;
	(pc) =	sbr.rel @p0 .LBB2_14-.Ltmp7, $1  }
0x196: {  	_ =	sdelay $0x3  }
0x197: {  	s4 =	simm.s32 $0x0;
	s5 =	rddreg [dreg:$0xd]  }
0x198: {  	[hbm4b:s5+s4] =	stream.linear.scatter [tilespmem:s20], [sflag:$0xB], $0x4000, $0x38;
	[tilespmem:$0x1C000] =	vst v63  }
0x199: {  	s6 =	rddreg [dreg:$0xe]  }
0x19a: {  	[tilespmem:s4], [sflag:$0x1] =	stream.linear.gather [hbm4b:s6+s4], $0x4000, $0x38;
	[tilespmem:$0x1C000] =	vst v63  }
0x19b: {  	_ =	swait.ge [sflag:s29], $0x4000  }
0x19c: {  	[sflag:s29] =	ssyncset.done $0x0  }
0x19d: {  	[sflag:s29] =	ssyncadd.s32 $0xFFFFC000  }
0x19e: {  	_ =	swait.ge [sflag:s30], $0x4000  }
0x19f: {  	[sflag:s30] =	ssyncset.done $0x0  }
0x1a0: {  	s7 =	rddreg [dreg:$0xf];
	[sflag:s30] =	ssyncadd.s32 $0xFFFFC000  }
0x1a1: {  	[tilespmem:s18], [sflag:$0x5] =	stream.linear.gather [hbm4b:s7+s4], $0x4000, $0x38;
	[tilespmem:$0x1C000] =	vst v63  }
0x1a2: {  	_ =	swait.ge [sflag:s31], $0x4000  }
0x1a3: {  	[sflag:s31] =	ssyncset.done $0x0  }
0x1a4: {  	[sflag:s31] =	ssyncadd.s32 $0xFFFFC000  }
.LBB2_18:
0x1a5: {  	s5 =	sshll.u32 s4, $0xA;
	s6 =	sshll.u32 s4, $0x7  }
0x1a6: {  	s5 =	sand.u32 $0x2000, s5;
	s6 =	sand.u32 $0x380, s6  }
0x1a7: {  	p0 =	por $0x1, $0x1;
	s5 =	sor.u32 s5, s6;
	s6 =	simm.s32 $0x0  }
.LBB2_19:
0x1a8: {  	s6 =	sor.u32 s6, s5  }
0x1a9: {  	v0 =	vld [tilespmem:s6+$0x4000]  }
0x1aa: {  	v1 =	vld [tilespmem:s6+$0x4010]  }
0x1ab: {  	v37 =	vld [tilespmem:s6+$0x4020]  }
0x1ac: {  	v38 =	vld [tilespmem:s6+$0x4030]  }
0x1ad: {  	v2 =	vld [tilespmem:s6+$0x4040]  }
0x1ae: {  	v3 =	vld [tilespmem:s6+$0x4050]  }
0x1af: {  	v4 =	vld [tilespmem:s6+$0x4060]  }
0x1b0: {  	v39 =	vld [tilespmem:s6+$0x4070]  }
0x1b1: {  	v40 =	vld [tilespmem:s6+$0x4400]  }
0x1b2: {  	v41 =	vld [tilespmem:s6+$0x4410]  }
0x1b3: {  	v42 =	vld [tilespmem:s6+$0x4420]  }
0x1b4: {  	v43 =	vld [tilespmem:s6+$0x4430]  }
0x1b5: {  	v44 =	vld [tilespmem:s6+$0x4440]  }
0x1b6: {  	v45 =	vld [tilespmem:s6+$0x4450]  }
0x1b7: {  	v46 =	vld [tilespmem:s6+$0x4460]  }
0x1b8: {  	v47 =	vld [tilespmem:s6+$0x4470]  }
0x1b9: {  	v48 =	vld [tilespmem:s6+$0x4800]  }
0x1ba: {  	v49 =	vld [tilespmem:s6+$0x4810]  }
0x1bb: {  	v50 =	vld [tilespmem:s6+$0x4820]  }
0x1bc: {  	v51 =	vld [tilespmem:s6+$0x4830]  }
0x1bd: {  	v52 =	vld [tilespmem:s6+$0x4840]  }
0x1be: {  	v53 =	vld [tilespmem:s6+$0x4850]  }
0x1bf: {  	v54 =	vld [tilespmem:s6+$0x4860]  }
0x1c0: {  	v55 =	vld [tilespmem:s6+$0x4870]  }
0x1c1: {  	v56 =	vld [tilespmem:s6+$0x4C00]  }
0x1c2: {  	v57 =	vld [tilespmem:s6+$0x4C10]  }
0x1c3: {  	v58 =	vld [tilespmem:s6+$0x4C20]  }
0x1c4: {  	v59 =	vld [tilespmem:s6+$0x4C30]  }
0x1c5: {  	v60 =	vld [tilespmem:s6+$0x4C40]  }
0x1c6: {  	v61 =	vld [tilespmem:s6+$0x4C50]  }
0x1c7: {  	v62 =	vld [tilespmem:s6+$0x4C60]  }
0x1c8: {  	v63 =	vld [tilespmem:s6+$0x4C70]  }
0x1c9: {  	[tilespmem:s6+$0x18000] =	vst.add.f32.msk $0xffff, v0  }
0x1ca: {  	[tilespmem:s6+$0x18010] =	vst.add.f32.msk $0xffff, v1  }
0x1cb: {  	[tilespmem:s6+$0x18020] =	vst.add.f32.msk $0xffff, v37  }
0x1cc: {  	[tilespmem:s6+$0x18030] =	vst.add.f32.msk $0xffff, v38  }
0x1cd: {  	[tilespmem:s6+$0x18040] =	vst.add.f32.msk $0xffff, v2  }
0x1ce: {  	[tilespmem:s6+$0x18050] =	vst.add.f32.msk $0xffff, v3  }
0x1cf: {  	[tilespmem:s6+$0x18060] =	vst.add.f32.msk $0xffff, v4  }
0x1d0: {  	[tilespmem:s6+$0x18070] =	vst.add.f32.msk $0xffff, v39  }
0x1d1: {  	[tilespmem:s6+$0x18400] =	vst.add.f32.msk $0xffff, v40  }
0x1d2: {  	[tilespmem:s6+$0x18410] =	vst.add.f32.msk $0xffff, v41  }
0x1d3: {  	[tilespmem:s6+$0x18420] =	vst.add.f32.msk $0xffff, v42  }
0x1d4: {  	[tilespmem:s6+$0x18430] =	vst.add.f32.msk $0xffff, v43  }
0x1d5: {  	[tilespmem:s6+$0x18440] =	vst.add.f32.msk $0xffff, v44  }
0x1d6: {  	[tilespmem:s6+$0x18450] =	vst.add.f32.msk $0xffff, v45  }
0x1d7: {  	[tilespmem:s6+$0x18460] =	vst.add.f32.msk $0xffff, v46  }
0x1d8: {  	[tilespmem:s6+$0x18470] =	vst.add.f32.msk $0xffff, v47  }
0x1d9: {  	[tilespmem:s6+$0x18800] =	vst.add.f32.msk $0xffff, v48  }
0x1da: {  	[tilespmem:s6+$0x18810] =	vst.add.f32.msk $0xffff, v49  }
0x1db: {  	[tilespmem:s6+$0x18820] =	vst.add.f32.msk $0xffff, v50  }
0x1dc: {  	[tilespmem:s6+$0x18830] =	vst.add.f32.msk $0xffff, v51  }
0x1dd: {  	[tilespmem:s6+$0x18840] =	vst.add.f32.msk $0xffff, v52  }
0x1de: {  	[tilespmem:s6+$0x18850] =	vst.add.f32.msk $0xffff, v53  }
0x1df: {  	[tilespmem:s6+$0x18860] =	vst.add.f32.msk $0xffff, v54  }
0x1e0: {  	[tilespmem:s6+$0x18870] =	vst.add.f32.msk $0xffff, v55  }
0x1e1: {  	[tilespmem:s6+$0x18C00] =	vst.add.f32.msk $0xffff, v56  }
0x1e2: {  	[tilespmem:s6+$0x18C10] =	vst.add.f32.msk $0xffff, v57  }
0x1e3: {  	p1 =	por p0, p0;
	[tilespmem:s6+$0x18C20] =	vst.add.f32.msk $0xffff, v58  }
.Ltmp8:
0x1e4: {  	[tilespmem:s6+$0x18C30] =	vst.add.f32.msk $0xffff, v59;
	(pc) =	sbr.rel @p1 .LBB2_19-.Ltmp8, $4  }
0x1e5: {  	[tilespmem:s6+$0x18C40] =	vst.add.f32.msk $0xffff, v60  }
0x1e6: {  	[tilespmem:s6+$0x18C50] =	vst.add.f32.msk $0xffff, v61  }
0x1e7: {  	[tilespmem:s6+$0x18C60] =	vst.add.f32.msk $0xffff, v62  }
0x1e8: {  	p0 =	por $0x0, $0x0;
	[tilespmem:s6+$0x18C70] =	vst.add.f32.msk $0xffff, v63;
	s6 =	simm.s32 $0x1000  }
0x1e9: {  	s4 =	sadd.s32 $0x1, s4  }
0x1ea: {  	p0 =	sne.s32 s4, $0x10  }
.Ltmp9:
0x1eb: {  	_ = 	snop;
	(pc) =	sbr.rel @p0 .LBB2_18-.Ltmp9, $1  }
0x1ec: {  	_ =	sdelay $0x3  }
0x1ed: {  	s4 =	simm.s32 $0x0;
	s5 =	rddreg [dreg:$0x10]  }
0x1ee: {  	[hbm4b:s5+s4] =	stream.linear.scatter [tilespmem:s22], [sflag:$0xC], $0x4000, $0x38;
	[tilespmem:$0x1C000] =	vst v63  }
0x1ef: {  	_ =	swait.ge [sflag:s0], $0x4000  }
0x1f0: {  	[sflag:s0] =	ssyncset.done $0x0  }
0x1f1: {  	s7 =	rddreg [dreg:$0x11];
	[sflag:s0] =	ssyncadd.s32 $0xFFFFC000  }
0x1f2: {  	[tilespmem:s20], [sflag:$0x6] =	stream.linear.gather [hbm4b:s7+s4], $0x4000, $0x38;
	[tilespmem:$0x1C000] =	vst v63  }
0x1f3: {  	_ =	swait.ge [sflag:s21], $0x4000  }
0x1f4: {  	[sflag:s21] =	ssyncset.done $0x0  }
0x1f5: {  	[sflag:s21] =	ssyncadd.s32 $0xFFFFC000  }
.LBB2_22:
0x1f6: {  	s5 =	sshll.u32 s4, $0xA;
	s6 =	sshll.u32 s4, $0x7  }
0x1f7: {  	s5 =	sand.u32 $0x2000, s5;
	s6 =	sand.u32 $0x380, s6  }
0x1f8: {  	p0 =	por $0x1, $0x1;
	s5 =	sor.u32 s5, s6;
	s6 =	simm.s32 $0x0  }
.LBB2_23:
0x1f9: {  	s6 =	sor.u32 s6, s5  }
0x1fa: {  	v0 =	vld [tilespmem:s6+$0x4000]  }
0x1fb: {  	v1 =	vld [tilespmem:s6+$0x4010]  }
0x1fc: {  	v37 =	vld [tilespmem:s6+$0x4020]  }
0x1fd: {  	v38 =	vld [tilespmem:s6+$0x4030]  }
0x1fe: {  	v2 =	vld [tilespmem:s6+$0x4040]  }
0x1ff: {  	v3 =	vld [tilespmem:s6+$0x4050]  }
0x200: {  	v4 =	vld [tilespmem:s6+$0x4060]  }
0x201: {  	v39 =	vld [tilespmem:s6+$0x4070]  }
0x202: {  	v40 =	vld [tilespmem:s6+$0x4400]  }
0x203: {  	v41 =	vld [tilespmem:s6+$0x4410]  }
0x204: {  	v42 =	vld [tilespmem:s6+$0x4420]  }
0x205: {  	v43 =	vld [tilespmem:s6+$0x4430]  }
0x206: {  	v44 =	vld [tilespmem:s6+$0x4440]  }
0x207: {  	v45 =	vld [tilespmem:s6+$0x4450]  }
0x208: {  	v46 =	vld [tilespmem:s6+$0x4460]  }
0x209: {  	v47 =	vld [tilespmem:s6+$0x4470]  }
0x20a: {  	v48 =	vld [tilespmem:s6+$0x4800]  }
0x20b: {  	v49 =	vld [tilespmem:s6+$0x4810]  }
0x20c: {  	v50 =	vld [tilespmem:s6+$0x4820]  }
0x20d: {  	v51 =	vld [tilespmem:s6+$0x4830]  }
0x20e: {  	v52 =	vld [tilespmem:s6+$0x4840]  }
0x20f: {  	v53 =	vld [tilespmem:s6+$0x4850]  }
0x210: {  	v54 =	vld [tilespmem:s6+$0x4860]  }
0x211: {  	v55 =	vld [tilespmem:s6+$0x4870]  }
0x212: {  	v56 =	vld [tilespmem:s6+$0x4C00]  }
0x213: {  	v57 =	vld [tilespmem:s6+$0x4C10]  }
0x214: {  	v58 =	vld [tilespmem:s6+$0x4C20]  }
0x215: {  	v59 =	vld [tilespmem:s6+$0x4C30]  }
0x216: {  	v60 =	vld [tilespmem:s6+$0x4C40]  }
0x217: {  	v61 =	vld [tilespmem:s6+$0x4C50]  }
0x218: {  	v62 =	vld [tilespmem:s6+$0x4C60]  }
0x219: {  	v63 =	vld [tilespmem:s6+$0x4C70]  }
0x21a: {  	[tilespmem:s6+$0x8000] =	vst.add.f32.msk $0xffff, v0  }
0x21b: {  	[tilespmem:s6+$0x8010] =	vst.add.f32.msk $0xffff, v1  }
0x21c: {  	[tilespmem:s6+$0x8020] =	vst.add.f32.msk $0xffff, v37  }
0x21d: {  	[tilespmem:s6+$0x8030] =	vst.add.f32.msk $0xffff, v38  }
0x21e: {  	[tilespmem:s6+$0x8040] =	vst.add.f32.msk $0xffff, v2  }
0x21f: {  	[tilespmem:s6+$0x8050] =	vst.add.f32.msk $0xffff, v3  }
0x220: {  	[tilespmem:s6+$0x8060] =	vst.add.f32.msk $0xffff, v4  }
0x221: {  	[tilespmem:s6+$0x8070] =	vst.add.f32.msk $0xffff, v39  }
0x222: {  	[tilespmem:s6+$0x8400] =	vst.add.f32.msk $0xffff, v40  }
0x223: {  	[tilespmem:s6+$0x8410] =	vst.add.f32.msk $0xffff, v41  }
0x224: {  	[tilespmem:s6+$0x8420] =	vst.add.f32.msk $0xffff, v42  }
0x225: {  	[tilespmem:s6+$0x8430] =	vst.add.f32.msk $0xffff, v43  }
0x226: {  	[tilespmem:s6+$0x8440] =	vst.add.f32.msk $0xffff, v44  }
0x227: {  	[tilespmem:s6+$0x8450] =	vst.add.f32.msk $0xffff, v45  }
0x228: {  	[tilespmem:s6+$0x8460] =	vst.add.f32.msk $0xffff, v46  }
0x229: {  	[tilespmem:s6+$0x8470] =	vst.add.f32.msk $0xffff, v47  }
0x22a: {  	[tilespmem:s6+$0x8800] =	vst.add.f32.msk $0xffff, v48  }
0x22b: {  	[tilespmem:s6+$0x8810] =	vst.add.f32.msk $0xffff, v49  }
0x22c: {  	[tilespmem:s6+$0x8820] =	vst.add.f32.msk $0xffff, v50  }
0x22d: {  	[tilespmem:s6+$0x8830] =	vst.add.f32.msk $0xffff, v51  }
0x22e: {  	[tilespmem:s6+$0x8840] =	vst.add.f32.msk $0xffff, v52  }
0x22f: {  	[tilespmem:s6+$0x8850] =	vst.add.f32.msk $0xffff, v53  }
0x230: {  	[tilespmem:s6+$0x8860] =	vst.add.f32.msk $0xffff, v54  }
0x231: {  	[tilespmem:s6+$0x8870] =	vst.add.f32.msk $0xffff, v55  }
0x232: {  	[tilespmem:s6+$0x8C00] =	vst.add.f32.msk $0xffff, v56  }
0x233: {  	[tilespmem:s6+$0x8C10] =	vst.add.f32.msk $0xffff, v57  }
0x234: {  	p1 =	por p0, p0;
	[tilespmem:s6+$0x8C20] =	vst.add.f32.msk $0xffff, v58  }
.Ltmp10:
0x235: {  	[tilespmem:s6+$0x8C30] =	vst.add.f32.msk $0xffff, v59;
	(pc) =	sbr.rel @p1 .LBB2_23-.Ltmp10, $4  }
0x236: {  	[tilespmem:s6+$0x8C40] =	vst.add.f32.msk $0xffff, v60  }
0x237: {  	[tilespmem:s6+$0x8C50] =	vst.add.f32.msk $0xffff, v61  }
0x238: {  	[tilespmem:s6+$0x8C60] =	vst.add.f32.msk $0xffff, v62  }
0x239: {  	p0 =	por $0x0, $0x0;
	[tilespmem:s6+$0x8C70] =	vst.add.f32.msk $0xffff, v63;
	s6 =	simm.s32 $0x1000  }
0x23a: {  	s4 =	sadd.s32 $0x1, s4  }
0x23b: {  	p0 =	sne.s32 s4, $0x10  }
.Ltmp11:
0x23c: {  	_ = 	snop;
	(pc) =	sbr.rel @p0 .LBB2_22-.Ltmp11, $1  }
0x23d: {  	_ =	sdelay $0x3  }
0x23e: {  	s4 =	simm.s32 $0x0;
	s5 =	rddreg [dreg:$0x12]  }
0x23f: {  	[hbm4b:s5+s4] =	stream.linear.scatter [tilespmem:s16], [sflag:$0x8], $0x4000, $0x38;
	[tilespmem:$0x1C000] =	vst v63  }
0x240: {  	_ =	swait.ge [sflag:s2], $0x4000  }
0x241: {  	[sflag:s2] =	ssyncset.done $0x0  }
0x242: {  	s7 =	rddreg [dreg:$0x16];
	[sflag:s2] =	ssyncadd.s32 $0xFFFFC000  }
0x243: {  	[tilespmem:s22], [sflag:$0x7] =	stream.linear.gather [hbm4b:s7+s4], $0x4000, $0x38;
	[tilespmem:$0x1C000] =	vst v63  }
0x244: {  	_ =	swait.ge [sflag:s23], $0x4000  }
0x245: {  	[sflag:s23] =	ssyncset.done $0x0  }
0x246: {  	[sflag:s23] =	ssyncadd.s32 $0xFFFFC000  }
.LBB2_26:
0x247: {  	s5 =	sshll.u32 s4, $0xA;
	s6 =	sshll.u32 s4, $0x7  }
0x248: {  	s5 =	sand.u32 $0x2000, s5;
	s6 =	sand.u32 $0x380, s6  }
0x249: {  	p0 =	por $0x1, $0x1;
	s5 =	sor.u32 s5, s6;
	s6 =	simm.s32 $0x0  }
.LBB2_27:
0x24a: {  	s6 =	sor.u32 s6, s5  }
0x24b: {  	v0 =	vld [tilespmem:s6+$0x4000]  }
0x24c: {  	v1 =	vld [tilespmem:s6+$0x4010]  }
0x24d: {  	v37 =	vld [tilespmem:s6+$0x4020]  }
0x24e: {  	v38 =	vld [tilespmem:s6+$0x4030]  }
0x24f: {  	v2 =	vld [tilespmem:s6+$0x4040]  }
0x250: {  	v3 =	vld [tilespmem:s6+$0x4050]  }
0x251: {  	v4 =	vld [tilespmem:s6+$0x4060]  }
0x252: {  	v39 =	vld [tilespmem:s6+$0x4070]  }
0x253: {  	v40 =	vld [tilespmem:s6+$0x4400]  }
0x254: {  	v41 =	vld [tilespmem:s6+$0x4410]  }
0x255: {  	v42 =	vld [tilespmem:s6+$0x4420]  }
0x256: {  	v43 =	vld [tilespmem:s6+$0x4430]  }
0x257: {  	v44 =	vld [tilespmem:s6+$0x4440]  }
0x258: {  	v45 =	vld [tilespmem:s6+$0x4450]  }
0x259: {  	v46 =	vld [tilespmem:s6+$0x4460]  }
0x25a: {  	v47 =	vld [tilespmem:s6+$0x4470]  }
0x25b: {  	v48 =	vld [tilespmem:s6+$0x4800]  }
0x25c: {  	v49 =	vld [tilespmem:s6+$0x4810]  }
0x25d: {  	v50 =	vld [tilespmem:s6+$0x4820]  }
0x25e: {  	v51 =	vld [tilespmem:s6+$0x4830]  }
0x25f: {  	v52 =	vld [tilespmem:s6+$0x4840]  }
0x260: {  	v53 =	vld [tilespmem:s6+$0x4850]  }
0x261: {  	v54 =	vld [tilespmem:s6+$0x4860]  }
0x262: {  	v55 =	vld [tilespmem:s6+$0x4870]  }
0x263: {  	v56 =	vld [tilespmem:s6+$0x4C00]  }
0x264: {  	v57 =	vld [tilespmem:s6+$0x4C10]  }
0x265: {  	v58 =	vld [tilespmem:s6+$0x4C20]  }
0x266: {  	v59 =	vld [tilespmem:s6+$0x4C30]  }
0x267: {  	v60 =	vld [tilespmem:s6+$0x4C40]  }
0x268: {  	v61 =	vld [tilespmem:s6+$0x4C50]  }
0x269: {  	v62 =	vld [tilespmem:s6+$0x4C60]  }
0x26a: {  	v63 =	vld [tilespmem:s6+$0x4C70]  }
0x26b: {  	[tilespmem:s6+$0xC000] =	vst.add.f32.msk $0xffff, v0  }
0x26c: {  	[tilespmem:s6+$0xC010] =	vst.add.f32.msk $0xffff, v1  }
0x26d: {  	[tilespmem:s6+$0xC020] =	vst.add.f32.msk $0xffff, v37  }
0x26e: {  	[tilespmem:s6+$0xC030] =	vst.add.f32.msk $0xffff, v38  }
0x26f: {  	[tilespmem:s6+$0xC040] =	vst.add.f32.msk $0xffff, v2  }
0x270: {  	[tilespmem:s6+$0xC050] =	vst.add.f32.msk $0xffff, v3  }
0x271: {  	[tilespmem:s6+$0xC060] =	vst.add.f32.msk $0xffff, v4  }
0x272: {  	[tilespmem:s6+$0xC070] =	vst.add.f32.msk $0xffff, v39  }
0x273: {  	[tilespmem:s6+$0xC400] =	vst.add.f32.msk $0xffff, v40  }
0x274: {  	[tilespmem:s6+$0xC410] =	vst.add.f32.msk $0xffff, v41  }
0x275: {  	[tilespmem:s6+$0xC420] =	vst.add.f32.msk $0xffff, v42  }
0x276: {  	[tilespmem:s6+$0xC430] =	vst.add.f32.msk $0xffff, v43  }
0x277: {  	[tilespmem:s6+$0xC440] =	vst.add.f32.msk $0xffff, v44  }
0x278: {  	[tilespmem:s6+$0xC450] =	vst.add.f32.msk $0xffff, v45  }
0x279: {  	[tilespmem:s6+$0xC460] =	vst.add.f32.msk $0xffff, v46  }
0x27a: {  	[tilespmem:s6+$0xC470] =	vst.add.f32.msk $0xffff, v47  }
0x27b: {  	[tilespmem:s6+$0xC800] =	vst.add.f32.msk $0xffff, v48  }
0x27c: {  	[tilespmem:s6+$0xC810] =	vst.add.f32.msk $0xffff, v49  }
0x27d: {  	[tilespmem:s6+$0xC820] =	vst.add.f32.msk $0xffff, v50  }
0x27e: {  	[tilespmem:s6+$0xC830] =	vst.add.f32.msk $0xffff, v51  }
0x27f: {  	[tilespmem:s6+$0xC840] =	vst.add.f32.msk $0xffff, v52  }
0x280: {  	[tilespmem:s6+$0xC850] =	vst.add.f32.msk $0xffff, v53  }
0x281: {  	[tilespmem:s6+$0xC860] =	vst.add.f32.msk $0xffff, v54  }
0x282: {  	[tilespmem:s6+$0xC870] =	vst.add.f32.msk $0xffff, v55  }
0x283: {  	[tilespmem:s6+$0xCC00] =	vst.add.f32.msk $0xffff, v56  }
0x284: {  	[tilespmem:s6+$0xCC10] =	vst.add.f32.msk $0xffff, v57  }
0x285: {  	p1 =	por p0, p0;
	[tilespmem:s6+$0xCC20] =	vst.add.f32.msk $0xffff, v58  }
.Ltmp12:
0x286: {  	[tilespmem:s6+$0xCC30] =	vst.add.f32.msk $0xffff, v59;
	(pc) =	sbr.rel @p1 .LBB2_27-.Ltmp12, $4  }
0x287: {  	[tilespmem:s6+$0xCC40] =	vst.add.f32.msk $0xffff, v60  }
0x288: {  	[tilespmem:s6+$0xCC50] =	vst.add.f32.msk $0xffff, v61  }
0x289: {  	[tilespmem:s6+$0xCC60] =	vst.add.f32.msk $0xffff, v62  }
0x28a: {  	p0 =	por $0x0, $0x0;
	[tilespmem:s6+$0xCC70] =	vst.add.f32.msk $0xffff, v63;
	s6 =	simm.s32 $0x1000  }
0x28b: {  	s4 =	sadd.s32 $0x1, s4  }
0x28c: {  	p0 =	sne.s32 s4, $0x10  }
.Ltmp13:
0x28d: {  	_ = 	snop;
	(pc) =	sbr.rel @p0 .LBB2_26-.Ltmp13, $1  }
0x28e: {  	_ =	sdelay $0x3  }
0x28f: {  	s4 =	simm.s32 $0x0;
	s5 =	rddreg [dreg:$0x13]  }
0x290: {  	[hbm4b:s5+s4] =	stream.linear.scatter [tilespmem:s17], [sflag:$0x9], $0x4000, $0x38;
	[tilespmem:$0x1C000] =	vst v63  }
0x291: {  	_ =	swait.ge [sflag:s24], $0x4000  }
0x292: {  	[sflag:s24] =	ssyncset.done $0x0  }
0x293: {  	s7 =	rddreg [dreg:$0x18];
	[sflag:s24] =	ssyncadd.s32 $0xFFFFC000  }
0x294: {  	[tilespmem:s16], [sflag:$0x3] =	stream.linear.gather [hbm4b:s7+s4], $0x4000, $0x38;
	[tilespmem:$0x1C000] =	vst v63  }
0x295: {  	_ =	swait.ge [sflag:s25], $0x4000  }
0x296: {  	[sflag:s25] =	ssyncset.done $0x0  }
0x297: {  	[sflag:s25] =	ssyncadd.s32 $0xFFFFC000  }
.LBB2_30:
0x298: {  	s5 =	sshll.u32 s4, $0xA;
	s6 =	sshll.u32 s4, $0x7  }
0x299: {  	s5 =	sand.u32 $0x2000, s5;
	s6 =	sand.u32 $0x380, s6  }
0x29a: {  	p0 =	por $0x1, $0x1;
	s5 =	sor.u32 s5, s6;
	s6 =	simm.s32 $0x0  }
.LBB2_31:
0x29b: {  	s6 =	sor.u32 s6, s5  }
0x29c: {  	v0 =	vld [tilespmem:s6+$0x4000]  }
0x29d: {  	v1 =	vld [tilespmem:s6+$0x4010]  }
0x29e: {  	v37 =	vld [tilespmem:s6+$0x4020]  }
0x29f: {  	v38 =	vld [tilespmem:s6+$0x4030]  }
0x2a0: {  	v2 =	vld [tilespmem:s6+$0x4040]  }
0x2a1: {  	v3 =	vld [tilespmem:s6+$0x4050]  }
0x2a2: {  	v4 =	vld [tilespmem:s6+$0x4060]  }
0x2a3: {  	v39 =	vld [tilespmem:s6+$0x4070]  }
0x2a4: {  	v40 =	vld [tilespmem:s6+$0x4400]  }
0x2a5: {  	v41 =	vld [tilespmem:s6+$0x4410]  }
0x2a6: {  	v42 =	vld [tilespmem:s6+$0x4420]  }
0x2a7: {  	v43 =	vld [tilespmem:s6+$0x4430]  }
0x2a8: {  	v44 =	vld [tilespmem:s6+$0x4440]  }
0x2a9: {  	v45 =	vld [tilespmem:s6+$0x4450]  }
0x2aa: {  	v46 =	vld [tilespmem:s6+$0x4460]  }
0x2ab: {  	v47 =	vld [tilespmem:s6+$0x4470]  }
0x2ac: {  	v48 =	vld [tilespmem:s6+$0x4800]  }
0x2ad: {  	v49 =	vld [tilespmem:s6+$0x4810]  }
0x2ae: {  	v50 =	vld [tilespmem:s6+$0x4820]  }
0x2af: {  	v51 =	vld [tilespmem:s6+$0x4830]  }
0x2b0: {  	v52 =	vld [tilespmem:s6+$0x4840]  }
0x2b1: {  	v53 =	vld [tilespmem:s6+$0x4850]  }
0x2b2: {  	v54 =	vld [tilespmem:s6+$0x4860]  }
0x2b3: {  	v55 =	vld [tilespmem:s6+$0x4870]  }
0x2b4: {  	v56 =	vld [tilespmem:s6+$0x4C00]  }
0x2b5: {  	v57 =	vld [tilespmem:s6+$0x4C10]  }
0x2b6: {  	v58 =	vld [tilespmem:s6+$0x4C20]  }
0x2b7: {  	v59 =	vld [tilespmem:s6+$0x4C30]  }
0x2b8: {  	v60 =	vld [tilespmem:s6+$0x4C40]  }
0x2b9: {  	v61 =	vld [tilespmem:s6+$0x4C50]  }
0x2ba: {  	v62 =	vld [tilespmem:s6+$0x4C60]  }
0x2bb: {  	v63 =	vld [tilespmem:s6+$0x4C70]  }
0x2bc: {  	[tilespmem:s6+$0x10000] =	vst.add.f32.msk $0xffff, v0  }
0x2bd: {  	[tilespmem:s6+$0x10010] =	vst.add.f32.msk $0xffff, v1  }
0x2be: {  	[tilespmem:s6+$0x10020] =	vst.add.f32.msk $0xffff, v37  }
0x2bf: {  	[tilespmem:s6+$0x10030] =	vst.add.f32.msk $0xffff, v38  }
0x2c0: {  	[tilespmem:s6+$0x10040] =	vst.add.f32.msk $0xffff, v2  }
0x2c1: {  	[tilespmem:s6+$0x10050] =	vst.add.f32.msk $0xffff, v3  }
0x2c2: {  	[tilespmem:s6+$0x10060] =	vst.add.f32.msk $0xffff, v4  }
0x2c3: {  	[tilespmem:s6+$0x10070] =	vst.add.f32.msk $0xffff, v39  }
0x2c4: {  	[tilespmem:s6+$0x10400] =	vst.add.f32.msk $0xffff, v40  }
0x2c5: {  	[tilespmem:s6+$0x10410] =	vst.add.f32.msk $0xffff, v41  }
0x2c6: {  	[tilespmem:s6+$0x10420] =	vst.add.f32.msk $0xffff, v42  }
0x2c7: {  	[tilespmem:s6+$0x10430] =	vst.add.f32.msk $0xffff, v43  }
0x2c8: {  	[tilespmem:s6+$0x10440] =	vst.add.f32.msk $0xffff, v44  }
0x2c9: {  	[tilespmem:s6+$0x10450] =	vst.add.f32.msk $0xffff, v45  }
0x2ca: {  	[tilespmem:s6+$0x10460] =	vst.add.f32.msk $0xffff, v46  }
0x2cb: {  	[tilespmem:s6+$0x10470] =	vst.add.f32.msk $0xffff, v47  }
0x2cc: {  	[tilespmem:s6+$0x10800] =	vst.add.f32.msk $0xffff, v48  }
0x2cd: {  	[tilespmem:s6+$0x10810] =	vst.add.f32.msk $0xffff, v49  }
0x2ce: {  	[tilespmem:s6+$0x10820] =	vst.add.f32.msk $0xffff, v50  }
0x2cf: {  	[tilespmem:s6+$0x10830] =	vst.add.f32.msk $0xffff, v51  }
0x2d0: {  	[tilespmem:s6+$0x10840] =	vst.add.f32.msk $0xffff, v52  }
0x2d1: {  	[tilespmem:s6+$0x10850] =	vst.add.f32.msk $0xffff, v53  }
0x2d2: {  	[tilespmem:s6+$0x10860] =	vst.add.f32.msk $0xffff, v54  }
0x2d3: {  	[tilespmem:s6+$0x10870] =	vst.add.f32.msk $0xffff, v55  }
0x2d4: {  	[tilespmem:s6+$0x10C00] =	vst.add.f32.msk $0xffff, v56  }
0x2d5: {  	[tilespmem:s6+$0x10C10] =	vst.add.f32.msk $0xffff, v57  }
0x2d6: {  	p1 =	por p0, p0;
	[tilespmem:s6+$0x10C20] =	vst.add.f32.msk $0xffff, v58  }
.Ltmp14:
0x2d7: {  	[tilespmem:s6+$0x10C30] =	vst.add.f32.msk $0xffff, v59;
	(pc) =	sbr.rel @p1 .LBB2_31-.Ltmp14, $4  }
0x2d8: {  	[tilespmem:s6+$0x10C40] =	vst.add.f32.msk $0xffff, v60  }
0x2d9: {  	[tilespmem:s6+$0x10C50] =	vst.add.f32.msk $0xffff, v61  }
0x2da: {  	[tilespmem:s6+$0x10C60] =	vst.add.f32.msk $0xffff, v62  }
0x2db: {  	p0 =	por $0x0, $0x0;
	[tilespmem:s6+$0x10C70] =	vst.add.f32.msk $0xffff, v63;
	s6 =	simm.s32 $0x1000  }
0x2dc: {  	s4 =	sadd.s32 $0x1, s4  }
0x2dd: {  	p0 =	sne.s32 s4, $0x10  }
.Ltmp15:
0x2de: {  	_ = 	snop;
	(pc) =	sbr.rel @p0 .LBB2_30-.Ltmp15, $1  }
0x2df: {  	_ =	sdelay $0x3  }
0x2e0: {  	s4 =	simm.s32 $0x0;
	s5 =	rddreg [dreg:$0x14]  }
0x2e1: {  	[hbm4b:s5+s4] =	stream.linear.scatter [tilespmem:s18], [sflag:$0xA], $0x4000, $0x38;
	[tilespmem:$0x1C000] =	vst v63  }
0x2e2: {  	s6 =	rddreg [dreg:$0x1c]  }
0x2e3: {  	[tilespmem:s15], [sflag:$0x2] =	stream.linear.gather [hbm4b:s6+s4], $0x4000, $0x38;
	[tilespmem:$0x1C000] =	vst v63  }
0x2e4: {  	_ =	swait.ge [sflag:s19], $0x4000  }
0x2e5: {  	[sflag:s19] =	ssyncset.done $0x0  }
0x2e6: {  	[sflag:s19] =	ssyncadd.s32 $0xFFFFC000  }
0x2e7: {  	_ =	swait.ge [sflag:s26], $0x4000  }
0x2e8: {  	[sflag:s26] =	ssyncset.done $0x0  }
0x2e9: {  	s7 =	rddreg [dreg:$0x1a];
	[sflag:s26] =	ssyncadd.s32 $0xFFFFC000  }
0x2ea: {  	[tilespmem:s17], [sflag:$0x4] =	stream.linear.gather [hbm4b:s7+s4], $0x4000, $0x38;
	[tilespmem:$0x1C000] =	vst v63  }
0x2eb: {  	_ =	swait.ge [sflag:s28], $0x4000  }
0x2ec: {  	[sflag:s28] =	ssyncset.done $0x0  }
0x2ed: {  	[sflag:s28] =	ssyncadd.s32 $0xFFFFC000  }
.LBB2_34:
0x2ee: {  	s5 =	sshll.u32 s4, $0xA;
	s6 =	sshll.u32 s4, $0x7  }
0x2ef: {  	s5 =	sand.u32 $0x2000, s5;
	s6 =	sand.u32 $0x380, s6  }
0x2f0: {  	p0 =	por $0x1, $0x1;
	s5 =	sor.u32 s5, s6;
	s6 =	simm.s32 $0x0  }
.LBB2_35:
0x2f1: {  	s6 =	sor.u32 s6, s5  }
0x2f2: {  	v0 =	vld [tilespmem:s6+$0x0];
	s7 =	sor.u32 $0x10, s6  }
0x2f3: {  	v1 =	vld [tilespmem:s7+$0x0];
	s7 =	sor.u32 $0x20, s6  }
0x2f4: {  	v37 =	vld [tilespmem:s7+$0x0];
	s7 =	sor.u32 $0x30, s6  }
0x2f5: {  	v38 =	vld [tilespmem:s7+$0x0];
	s7 =	sor.u32 $0x40, s6  }
0x2f6: {  	v2 =	vld [tilespmem:s7+$0x0]  }
0x2f7: {  	s7 =	sor.u32 $0x50, s6;
	[tilespmem:s6+$0x14000] =	vst.add.f32.msk $0xffff, v0  }
0x2f8: {  	v3 =	vld [tilespmem:s7+$0x0]  }
0x2f9: {  	s7 =	sor.u32 $0x60, s6;
	[tilespmem:s6+$0x14010] =	vst.add.f32.msk $0xffff, v1  }
0x2fa: {  	v4 =	vld [tilespmem:s7+$0x0]  }
0x2fb: {  	s7 =	sor.u32 $0x70, s6;
	[tilespmem:s6+$0x14020] =	vst.add.f32.msk $0xffff, v37  }
0x2fc: {  	v39 =	vld [tilespmem:s7+$0x0]  }
0x2fd: {  	s7 =	sor.u32 $0x400, s6;
	[tilespmem:s6+$0x14030] =	vst.add.f32.msk $0xffff, v38  }
0x2fe: {  	v40 =	vld [tilespmem:s7+$0x0]  }
0x2ff: {  	s7 =	sor.u32 $0x410, s6;
	[tilespmem:s6+$0x14040] =	vst.add.f32.msk $0xffff, v2  }
0x300: {  	v41 =	vld [tilespmem:s7+$0x0]  }
0x301: {  	s7 =	sor.u32 $0x420, s6;
	[tilespmem:s6+$0x14050] =	vst.add.f32.msk $0xffff, v3  }
0x302: {  	v42 =	vld [tilespmem:s7+$0x0]  }
0x303: {  	s7 =	sor.u32 $0x430, s6;
	[tilespmem:s6+$0x14060] =	vst.add.f32.msk $0xffff, v4  }
0x304: {  	v43 =	vld [tilespmem:s7+$0x0]  }
0x305: {  	s7 =	sor.u32 $0x440, s6;
	[tilespmem:s6+$0x14070] =	vst.add.f32.msk $0xffff, v39  }
0x306: {  	v44 =	vld [tilespmem:s7+$0x0]  }
0x307: {  	s7 =	sor.u32 $0x450, s6;
	[tilespmem:s6+$0x14400] =	vst.add.f32.msk $0xffff, v40  }
0x308: {  	v45 =	vld [tilespmem:s7+$0x0]  }
0x309: {  	s7 =	sor.u32 $0x460, s6;
	[tilespmem:s6+$0x14410] =	vst.add.f32.msk $0xffff, v41  }
0x30a: {  	v46 =	vld [tilespmem:s7+$0x0]  }
0x30b: {  	s7 =	sor.u32 $0x470, s6;
	[tilespmem:s6+$0x14420] =	vst.add.f32.msk $0xffff, v42  }
0x30c: {  	v47 =	vld [tilespmem:s7+$0x0]  }
0x30d: {  	s7 =	sor.u32 $0x800, s6;
	[tilespmem:s6+$0x14430] =	vst.add.f32.msk $0xffff, v43  }
0x30e: {  	v48 =	vld [tilespmem:s7+$0x0]  }
0x30f: {  	s7 =	sor.u32 $0x810, s6;
	[tilespmem:s6+$0x14440] =	vst.add.f32.msk $0xffff, v44  }
0x310: {  	v49 =	vld [tilespmem:s7+$0x0]  }
0x311: {  	s7 =	sor.u32 $0x820, s6;
	[tilespmem:s6+$0x14450] =	vst.add.f32.msk $0xffff, v45  }
0x312: {  	v50 =	vld [tilespmem:s7+$0x0]  }
0x313: {  	s7 =	sor.u32 $0x830, s6;
	[tilespmem:s6+$0x14460] =	vst.add.f32.msk $0xffff, v46  }
0x314: {  	v51 =	vld [tilespmem:s7+$0x0]  }
0x315: {  	s7 =	sor.u32 $0x840, s6;
	[tilespmem:s6+$0x14470] =	vst.add.f32.msk $0xffff, v47  }
0x316: {  	v52 =	vld [tilespmem:s7+$0x0]  }
0x317: {  	s7 =	sor.u32 $0x850, s6;
	[tilespmem:s6+$0x14800] =	vst.add.f32.msk $0xffff, v48  }
0x318: {  	v53 =	vld [tilespmem:s7+$0x0]  }
0x319: {  	s7 =	sor.u32 $0x860, s6;
	[tilespmem:s6+$0x14810] =	vst.add.f32.msk $0xffff, v49  }
0x31a: {  	v54 =	vld [tilespmem:s7+$0x0]  }
0x31b: {  	s7 =	sor.u32 $0x870, s6;
	[tilespmem:s6+$0x14820] =	vst.add.f32.msk $0xffff, v50  }
0x31c: {  	v55 =	vld [tilespmem:s7+$0x0]  }
0x31d: {  	s7 =	sor.u32 $0xC00, s6;
	[tilespmem:s6+$0x14830] =	vst.add.f32.msk $0xffff, v51  }
0x31e: {  	v56 =	vld [tilespmem:s7+$0x0]  }
0x31f: {  	s7 =	sor.u32 $0xC10, s6;
	[tilespmem:s6+$0x14840] =	vst.add.f32.msk $0xffff, v52  }
0x320: {  	v57 =	vld [tilespmem:s7+$0x0]  }
0x321: {  	s7 =	sor.u32 $0xC20, s6;
	[tilespmem:s6+$0x14850] =	vst.add.f32.msk $0xffff, v53  }
0x322: {  	v58 =	vld [tilespmem:s7+$0x0]  }
0x323: {  	s7 =	sor.u32 $0xC30, s6;
	[tilespmem:s6+$0x14860] =	vst.add.f32.msk $0xffff, v54  }
0x324: {  	v59 =	vld [tilespmem:s7+$0x0]  }
0x325: {  	s7 =	sor.u32 $0xC40, s6;
	[tilespmem:s6+$0x14870] =	vst.add.f32.msk $0xffff, v55  }
0x326: {  	v60 =	vld [tilespmem:s7+$0x0]  }
0x327: {  	s7 =	sor.u32 $0xC50, s6;
	[tilespmem:s6+$0x14C00] =	vst.add.f32.msk $0xffff, v56  }
0x328: {  	v61 =	vld [tilespmem:s7+$0x0]  }
0x329: {  	s7 =	sor.u32 $0xC60, s6;
	[tilespmem:s6+$0x14C10] =	vst.add.f32.msk $0xffff, v57  }
0x32a: {  	v62 =	vld [tilespmem:s7+$0x0]  }
0x32b: {  	s7 =	sor.u32 $0xC70, s6;
	[tilespmem:s6+$0x14C20] =	vst.add.f32.msk $0xffff, v58  }
0x32c: {  	p1 =	por p0, p0;
	v63 =	vld [tilespmem:s7+$0x0]  }
.Ltmp16:
0x32d: {  	[tilespmem:s6+$0x14C30] =	vst.add.f32.msk $0xffff, v59;
	(pc) =	sbr.rel @p1 .LBB2_35-.Ltmp16, $4  }
0x32e: {  	[tilespmem:s6+$0x14C40] =	vst.add.f32.msk $0xffff, v60  }
0x32f: {  	[tilespmem:s6+$0x14C50] =	vst.add.f32.msk $0xffff, v61  }
0x330: {  	[tilespmem:s6+$0x14C60] =	vst.add.f32.msk $0xffff, v62  }
0x331: {  	p0 =	por $0x0, $0x0;
	[tilespmem:s6+$0x14C70] =	vst.add.f32.msk $0xffff, v63;
	s6 =	simm.s32 $0x1000  }
0x332: {  	s4 =	sadd.s32 $0x1, s4  }
0x333: {  	p0 =	sne.s32 s4, $0x10  }
.Ltmp17:
0x334: {  	_ = 	snop;
	(pc) =	sbr.rel @p0 .LBB2_34-.Ltmp17, $1  }
0x335: {  	_ =	sdelay $0x3  }
0x336: {  	s4 =	simm.s32 $0x0;
	s5 =	rddreg [dreg:$0x15]  }
0x337: {  	[hbm4b:s5+s4] =	stream.linear.scatter [tilespmem:s20], [sflag:$0xB], $0x4000, $0x38;
	[tilespmem:$0x1C000] =	vst v63  }
0x338: {  	_ =	swait.ge [sflag:s30], $0x4000  }
0x339: {  	[sflag:s30] =	ssyncset.done $0x0  }
0x33a: {  	s7 =	rddreg [dreg:$0x1d];
	[sflag:s30] =	ssyncadd.s32 $0xFFFFC000  }
0x33b: {  	[tilespmem:s18], [sflag:$0x5] =	stream.linear.gather [hbm4b:s7+s4], $0x4000, $0x38;
	[tilespmem:$0x1C000] =	vst v63  }
0x33c: {  	_ =	swait.ge [sflag:s31], $0x4000  }
0x33d: {  	[sflag:s31] =	ssyncset.done $0x0  }
0x33e: {  	[sflag:s31] =	ssyncadd.s32 $0xFFFFC000  }
.LBB2_38:
0x33f: {  	s5 =	sshll.u32 s4, $0xA;
	s6 =	sshll.u32 s4, $0x7  }
0x340: {  	s5 =	sand.u32 $0x2000, s5;
	s6 =	sand.u32 $0x380, s6  }
0x341: {  	p0 =	por $0x1, $0x1;
	s5 =	sor.u32 s5, s6;
	s6 =	simm.s32 $0x0  }
.LBB2_39:
0x342: {  	s6 =	sor.u32 s6, s5  }
0x343: {  	v0 =	vld [tilespmem:s6+$0x0];
	s7 =	sor.u32 $0x10, s6  }
0x344: {  	v1 =	vld [tilespmem:s7+$0x0];
	s7 =	sor.u32 $0x20, s6  }
0x345: {  	v37 =	vld [tilespmem:s7+$0x0];
	s7 =	sor.u32 $0x30, s6  }
0x346: {  	v38 =	vld [tilespmem:s7+$0x0];
	s7 =	sor.u32 $0x40, s6  }
0x347: {  	v2 =	vld [tilespmem:s7+$0x0]  }
0x348: {  	s7 =	sor.u32 $0x50, s6;
	[tilespmem:s6+$0x18000] =	vst.add.f32.msk $0xffff, v0  }
0x349: {  	v3 =	vld [tilespmem:s7+$0x0]  }
0x34a: {  	s7 =	sor.u32 $0x60, s6;
	[tilespmem:s6+$0x18010] =	vst.add.f32.msk $0xffff, v1  }
0x34b: {  	v4 =	vld [tilespmem:s7+$0x0]  }
0x34c: {  	s7 =	sor.u32 $0x70, s6;
	[tilespmem:s6+$0x18020] =	vst.add.f32.msk $0xffff, v37  }
0x34d: {  	v39 =	vld [tilespmem:s7+$0x0]  }
0x34e: {  	s7 =	sor.u32 $0x400, s6;
	[tilespmem:s6+$0x18030] =	vst.add.f32.msk $0xffff, v38  }
0x34f: {  	v40 =	vld [tilespmem:s7+$0x0]  }
0x350: {  	s7 =	sor.u32 $0x410, s6;
	[tilespmem:s6+$0x18040] =	vst.add.f32.msk $0xffff, v2  }
0x351: {  	v41 =	vld [tilespmem:s7+$0x0]  }
0x352: {  	s7 =	sor.u32 $0x420, s6;
	[tilespmem:s6+$0x18050] =	vst.add.f32.msk $0xffff, v3  }
0x353: {  	v42 =	vld [tilespmem:s7+$0x0]  }
0x354: {  	s7 =	sor.u32 $0x430, s6;
	[tilespmem:s6+$0x18060] =	vst.add.f32.msk $0xffff, v4  }
0x355: {  	v43 =	vld [tilespmem:s7+$0x0]  }
0x356: {  	s7 =	sor.u32 $0x440, s6;
	[tilespmem:s6+$0x18070] =	vst.add.f32.msk $0xffff, v39  }
0x357: {  	v44 =	vld [tilespmem:s7+$0x0]  }
0x358: {  	s7 =	sor.u32 $0x450, s6;
	[tilespmem:s6+$0x18400] =	vst.add.f32.msk $0xffff, v40  }
0x359: {  	v45 =	vld [tilespmem:s7+$0x0]  }
0x35a: {  	s7 =	sor.u32 $0x460, s6;
	[tilespmem:s6+$0x18410] =	vst.add.f32.msk $0xffff, v41  }
0x35b: {  	v46 =	vld [tilespmem:s7+$0x0]  }
0x35c: {  	s7 =	sor.u32 $0x470, s6;
	[tilespmem:s6+$0x18420] =	vst.add.f32.msk $0xffff, v42  }
0x35d: {  	v47 =	vld [tilespmem:s7+$0x0]  }
0x35e: {  	s7 =	sor.u32 $0x800, s6;
	[tilespmem:s6+$0x18430] =	vst.add.f32.msk $0xffff, v43  }
0x35f: {  	v48 =	vld [tilespmem:s7+$0x0]  }
0x360: {  	s7 =	sor.u32 $0x810, s6;
	[tilespmem:s6+$0x18440] =	vst.add.f32.msk $0xffff, v44  }
0x361: {  	v49 =	vld [tilespmem:s7+$0x0]  }
0x362: {  	s7 =	sor.u32 $0x820, s6;
	[tilespmem:s6+$0x18450] =	vst.add.f32.msk $0xffff, v45  }
0x363: {  	v50 =	vld [tilespmem:s7+$0x0]  }
0x364: {  	s7 =	sor.u32 $0x830, s6;
	[tilespmem:s6+$0x18460] =	vst.add.f32.msk $0xffff, v46  }
0x365: {  	v51 =	vld [tilespmem:s7+$0x0]  }
0x366: {  	s7 =	sor.u32 $0x840, s6;
	[tilespmem:s6+$0x18470] =	vst.add.f32.msk $0xffff, v47  }
0x367: {  	v52 =	vld [tilespmem:s7+$0x0]  }
0x368: {  	s7 =	sor.u32 $0x850, s6;
	[tilespmem:s6+$0x18800] =	vst.add.f32.msk $0xffff, v48  }
0x369: {  	v53 =	vld [tilespmem:s7+$0x0]  }
0x36a: {  	s7 =	sor.u32 $0x860, s6;
	[tilespmem:s6+$0x18810] =	vst.add.f32.msk $0xffff, v49  }
0x36b: {  	v54 =	vld [tilespmem:s7+$0x0]  }
0x36c: {  	s7 =	sor.u32 $0x870, s6;
	[tilespmem:s6+$0x18820] =	vst.add.f32.msk $0xffff, v50  }
0x36d: {  	v55 =	vld [tilespmem:s7+$0x0]  }
0x36e: {  	s7 =	sor.u32 $0xC00, s6;
	[tilespmem:s6+$0x18830] =	vst.add.f32.msk $0xffff, v51  }
0x36f: {  	v56 =	vld [tilespmem:s7+$0x0]  }
0x370: {  	s7 =	sor.u32 $0xC10, s6;
	[tilespmem:s6+$0x18840] =	vst.add.f32.msk $0xffff, v52  }
0x371: {  	v57 =	vld [tilespmem:s7+$0x0]  }
0x372: {  	s7 =	sor.u32 $0xC20, s6;
	[tilespmem:s6+$0x18850] =	vst.add.f32.msk $0xffff, v53  }
0x373: {  	v58 =	vld [tilespmem:s7+$0x0]  }
0x374: {  	s7 =	sor.u32 $0xC30, s6;
	[tilespmem:s6+$0x18860] =	vst.add.f32.msk $0xffff, v54  }
0x375: {  	v59 =	vld [tilespmem:s7+$0x0]  }
0x376: {  	s7 =	sor.u32 $0xC40, s6;
	[tilespmem:s6+$0x18870] =	vst.add.f32.msk $0xffff, v55  }
0x377: {  	v60 =	vld [tilespmem:s7+$0x0]  }
0x378: {  	s7 =	sor.u32 $0xC50, s6;
	[tilespmem:s6+$0x18C00] =	vst.add.f32.msk $0xffff, v56  }
0x379: {  	v61 =	vld [tilespmem:s7+$0x0]  }
0x37a: {  	s7 =	sor.u32 $0xC60, s6;
	[tilespmem:s6+$0x18C10] =	vst.add.f32.msk $0xffff, v57  }
0x37b: {  	v62 =	vld [tilespmem:s7+$0x0]  }
0x37c: {  	s7 =	sor.u32 $0xC70, s6;
	[tilespmem:s6+$0x18C20] =	vst.add.f32.msk $0xffff, v58  }
0x37d: {  	p1 =	por p0, p0;
	v63 =	vld [tilespmem:s7+$0x0]  }
.Ltmp18:
0x37e: {  	[tilespmem:s6+$0x18C30] =	vst.add.f32.msk $0xffff, v59;
	(pc) =	sbr.rel @p1 .LBB2_39-.Ltmp18, $4  }
0x37f: {  	[tilespmem:s6+$0x18C40] =	vst.add.f32.msk $0xffff, v60  }
0x380: {  	[tilespmem:s6+$0x18C50] =	vst.add.f32.msk $0xffff, v61  }
0x381: {  	[tilespmem:s6+$0x18C60] =	vst.add.f32.msk $0xffff, v62  }
0x382: {  	p0 =	por $0x0, $0x0;
	[tilespmem:s6+$0x18C70] =	vst.add.f32.msk $0xffff, v63;
	s6 =	simm.s32 $0x1000  }
0x383: {  	s4 =	sadd.s32 $0x1, s4  }
0x384: {  	p0 =	sne.s32 s4, $0x10  }
.Ltmp19:
0x385: {  	_ = 	snop;
	(pc) =	sbr.rel @p0 .LBB2_38-.Ltmp19, $1  }
0x386: {  	_ =	sdelay $0x3  }
0x387: {  	s4 =	simm.s32 $0x0;
	s5 =	rddreg [dreg:$0x17]  }
0x388: {  	[hbm4b:s5+s4] =	stream.linear.scatter [tilespmem:s22], [sflag:$0xC], $0x4000, $0x38;
	[tilespmem:$0x1C000] =	vst v63  }
0x389: {  	_ =	swait.ge [sflag:s0], $0x4000  }
0x38a: {  	[sflag:s0] =	ssyncset.done $0x0  }
0x38b: {  	s7 =	rddreg [dreg:$0x1f];
	[sflag:s0] =	ssyncadd.s32 $0xFFFFC000  }
0x38c: {  	[tilespmem:s20], [sflag:$0x6] =	stream.linear.gather [hbm4b:s7+s4], $0x4000, $0x38;
	[tilespmem:$0x1C000] =	vst v63  }
0x38d: {  	_ =	swait.ge [sflag:s21], $0x4000  }
0x38e: {  	[sflag:s21] =	ssyncset.done $0x0  }
0x38f: {  	[sflag:s21] =	ssyncadd.s32 $0xFFFFC000  }
.LBB2_42:
0x390: {  	s5 =	sshll.u32 s4, $0xA;
	s6 =	sshll.u32 s4, $0x7  }
0x391: {  	s5 =	sand.u32 $0x2000, s5;
	s6 =	sand.u32 $0x380, s6  }
0x392: {  	p0 =	por $0x1, $0x1;
	s5 =	sor.u32 s5, s6;
	s6 =	simm.s32 $0x0  }
.LBB2_43:
0x393: {  	s6 =	sor.u32 s6, s5  }
0x394: {  	v0 =	vld [tilespmem:s6+$0x0];
	s7 =	sor.u32 $0x10, s6  }
0x395: {  	v1 =	vld [tilespmem:s7+$0x0];
	s7 =	sor.u32 $0x20, s6  }
0x396: {  	v37 =	vld [tilespmem:s7+$0x0];
	s7 =	sor.u32 $0x30, s6  }
0x397: {  	v38 =	vld [tilespmem:s7+$0x0];
	s7 =	sor.u32 $0x40, s6  }
0x398: {  	v2 =	vld [tilespmem:s7+$0x0]  }
0x399: {  	s7 =	sor.u32 $0x50, s6;
	[tilespmem:s6+$0x8000] =	vst.add.f32.msk $0xffff, v0  }
0x39a: {  	v3 =	vld [tilespmem:s7+$0x0]  }
0x39b: {  	s7 =	sor.u32 $0x60, s6;
	[tilespmem:s6+$0x8010] =	vst.add.f32.msk $0xffff, v1  }
0x39c: {  	v4 =	vld [tilespmem:s7+$0x0]  }
0x39d: {  	s7 =	sor.u32 $0x70, s6;
	[tilespmem:s6+$0x8020] =	vst.add.f32.msk $0xffff, v37  }
0x39e: {  	v39 =	vld [tilespmem:s7+$0x0]  }
0x39f: {  	s7 =	sor.u32 $0x400, s6;
	[tilespmem:s6+$0x8030] =	vst.add.f32.msk $0xffff, v38  }
0x3a0: {  	v40 =	vld [tilespmem:s7+$0x0]  }
0x3a1: {  	s7 =	sor.u32 $0x410, s6;
	[tilespmem:s6+$0x8040] =	vst.add.f32.msk $0xffff, v2  }
0x3a2: {  	v41 =	vld [tilespmem:s7+$0x0]  }
0x3a3: {  	s7 =	sor.u32 $0x420, s6;
	[tilespmem:s6+$0x8050] =	vst.add.f32.msk $0xffff, v3  }
0x3a4: {  	v42 =	vld [tilespmem:s7+$0x0]  }
0x3a5: {  	s7 =	sor.u32 $0x430, s6;
	[tilespmem:s6+$0x8060] =	vst.add.f32.msk $0xffff, v4  }
0x3a6: {  	v43 =	vld [tilespmem:s7+$0x0]  }
0x3a7: {  	s7 =	sor.u32 $0x440, s6;
	[tilespmem:s6+$0x8070] =	vst.add.f32.msk $0xffff, v39  }
0x3a8: {  	v44 =	vld [tilespmem:s7+$0x0]  }
0x3a9: {  	s7 =	sor.u32 $0x450, s6;
	[tilespmem:s6+$0x8400] =	vst.add.f32.msk $0xffff, v40  }
0x3aa: {  	v45 =	vld [tilespmem:s7+$0x0]  }
0x3ab: {  	s7 =	sor.u32 $0x460, s6;
	[tilespmem:s6+$0x8410] =	vst.add.f32.msk $0xffff, v41  }
0x3ac: {  	v46 =	vld [tilespmem:s7+$0x0]  }
0x3ad: {  	s7 =	sor.u32 $0x470, s6;
	[tilespmem:s6+$0x8420] =	vst.add.f32.msk $0xffff, v42  }
0x3ae: {  	v47 =	vld [tilespmem:s7+$0x0]  }
0x3af: {  	s7 =	sor.u32 $0x800, s6;
	[tilespmem:s6+$0x8430] =	vst.add.f32.msk $0xffff, v43  }
0x3b0: {  	v48 =	vld [tilespmem:s7+$0x0]  }
0x3b1: {  	s7 =	sor.u32 $0x810, s6;
	[tilespmem:s6+$0x8440] =	vst.add.f32.msk $0xffff, v44  }
0x3b2: {  	v49 =	vld [tilespmem:s7+$0x0]  }
0x3b3: {  	s7 =	sor.u32 $0x820, s6;
	[tilespmem:s6+$0x8450] =	vst.add.f32.msk $0xffff, v45  }
0x3b4: {  	v50 =	vld [tilespmem:s7+$0x0]  }
0x3b5: {  	s7 =	sor.u32 $0x830, s6;
	[tilespmem:s6+$0x8460] =	vst.add.f32.msk $0xffff, v46  }
0x3b6: {  	v51 =	vld [tilespmem:s7+$0x0]  }
0x3b7: {  	s7 =	sor.u32 $0x840, s6;
	[tilespmem:s6+$0x8470] =	vst.add.f32.msk $0xffff, v47  }
0x3b8: {  	v52 =	vld [tilespmem:s7+$0x0]  }
0x3b9: {  	s7 =	sor.u32 $0x850, s6;
	[tilespmem:s6+$0x8800] =	vst.add.f32.msk $0xffff, v48  }
0x3ba: {  	v53 =	vld [tilespmem:s7+$0x0]  }
0x3bb: {  	s7 =	sor.u32 $0x860, s6;
	[tilespmem:s6+$0x8810] =	vst.add.f32.msk $0xffff, v49  }
0x3bc: {  	v54 =	vld [tilespmem:s7+$0x0]  }
0x3bd: {  	s7 =	sor.u32 $0x870, s6;
	[tilespmem:s6+$0x8820] =	vst.add.f32.msk $0xffff, v50  }
0x3be: {  	v55 =	vld [tilespmem:s7+$0x0]  }
0x3bf: {  	s7 =	sor.u32 $0xC00, s6;
	[tilespmem:s6+$0x8830] =	vst.add.f32.msk $0xffff, v51  }
0x3c0: {  	v56 =	vld [tilespmem:s7+$0x0]  }
0x3c1: {  	s7 =	sor.u32 $0xC10, s6;
	[tilespmem:s6+$0x8840] =	vst.add.f32.msk $0xffff, v52  }
0x3c2: {  	v57 =	vld [tilespmem:s7+$0x0]  }
0x3c3: {  	s7 =	sor.u32 $0xC20, s6;
	[tilespmem:s6+$0x8850] =	vst.add.f32.msk $0xffff, v53  }
0x3c4: {  	v58 =	vld [tilespmem:s7+$0x0]  }
0x3c5: {  	s7 =	sor.u32 $0xC30, s6;
	[tilespmem:s6+$0x8860] =	vst.add.f32.msk $0xffff, v54  }
0x3c6: {  	v59 =	vld [tilespmem:s7+$0x0]  }
0x3c7: {  	s7 =	sor.u32 $0xC40, s6;
	[tilespmem:s6+$0x8870] =	vst.add.f32.msk $0xffff, v55  }
0x3c8: {  	v60 =	vld [tilespmem:s7+$0x0]  }
0x3c9: {  	s7 =	sor.u32 $0xC50, s6;
	[tilespmem:s6+$0x8C00] =	vst.add.f32.msk $0xffff, v56  }
0x3ca: {  	v61 =	vld [tilespmem:s7+$0x0]  }
0x3cb: {  	s7 =	sor.u32 $0xC60, s6;
	[tilespmem:s6+$0x8C10] =	vst.add.f32.msk $0xffff, v57  }
0x3cc: {  	v62 =	vld [tilespmem:s7+$0x0]  }
0x3cd: {  	s7 =	sor.u32 $0xC70, s6;
	[tilespmem:s6+$0x8C20] =	vst.add.f32.msk $0xffff, v58  }
0x3ce: {  	p1 =	por p0, p0;
	v63 =	vld [tilespmem:s7+$0x0]  }
.Ltmp20:
0x3cf: {  	[tilespmem:s6+$0x8C30] =	vst.add.f32.msk $0xffff, v59;
	(pc) =	sbr.rel @p1 .LBB2_43-.Ltmp20, $4  }
0x3d0: {  	[tilespmem:s6+$0x8C40] =	vst.add.f32.msk $0xffff, v60  }
0x3d1: {  	[tilespmem:s6+$0x8C50] =	vst.add.f32.msk $0xffff, v61  }
0x3d2: {  	[tilespmem:s6+$0x8C60] =	vst.add.f32.msk $0xffff, v62  }
0x3d3: {  	p0 =	por $0x0, $0x0;
	[tilespmem:s6+$0x8C70] =	vst.add.f32.msk $0xffff, v63;
	s6 =	simm.s32 $0x1000  }
0x3d4: {  	s4 =	sadd.s32 $0x1, s4  }
0x3d5: {  	p0 =	sne.s32 s4, $0x10  }
.Ltmp21:
0x3d6: {  	_ = 	snop;
	(pc) =	sbr.rel @p0 .LBB2_42-.Ltmp21, $1  }
0x3d7: {  	_ =	sdelay $0x3  }
0x3d8: {  	s4 =	simm.s32 $0x0;
	s5 =	rddreg [dreg:$0x19]  }
0x3d9: {  	[hbm4b:s5+s4] =	stream.linear.scatter [tilespmem:s16], [sflag:$0x8], $0x4000, $0x38;
	[tilespmem:$0x1C000] =	vst v63  }
0x3da: {  	_ =	swait.ge [sflag:s2], $0x4000  }
0x3db: {  	s7 =	sld [smem:$0x7D9]  }
0x3dc: {  	[sflag:s2] =	ssyncset.done $0x0  }
0x3dd: {  	[sflag:s2] =	ssyncadd.s32 $0xFFFFC000  }
0x3de: {  	[tilespmem:s22], [sflag:$0x7] =	stream.linear.gather [hbm4b:s7+s4], $0x4000, $0x38;
	[tilespmem:$0x1C000] =	vst v63  }
0x3df: {  	_ =	swait.ge [sflag:s23], $0x4000  }
0x3e0: {  	[sflag:s23] =	ssyncset.done $0x0  }
0x3e1: {  	[sflag:s23] =	ssyncadd.s32 $0xFFFFC000  }
.LBB2_46:
0x3e2: {  	s5 =	sshll.u32 s4, $0xA;
	s6 =	sshll.u32 s4, $0x7  }
0x3e3: {  	s5 =	sand.u32 $0x2000, s5;
	s6 =	sand.u32 $0x380, s6  }
0x3e4: {  	p0 =	por $0x1, $0x1;
	s5 =	sor.u32 s5, s6;
	s6 =	simm.s32 $0x0  }
.LBB2_47:
0x3e5: {  	s6 =	sor.u32 s6, s5  }
0x3e6: {  	v0 =	vld [tilespmem:s6+$0x0];
	s7 =	sor.u32 $0x10, s6  }
0x3e7: {  	v1 =	vld [tilespmem:s7+$0x0];
	s7 =	sor.u32 $0x20, s6  }
0x3e8: {  	v37 =	vld [tilespmem:s7+$0x0];
	s7 =	sor.u32 $0x30, s6  }
0x3e9: {  	v38 =	vld [tilespmem:s7+$0x0];
	s7 =	sor.u32 $0x40, s6  }
0x3ea: {  	v2 =	vld [tilespmem:s7+$0x0]  }
0x3eb: {  	s7 =	sor.u32 $0x50, s6;
	[tilespmem:s6+$0xC000] =	vst.add.f32.msk $0xffff, v0  }
0x3ec: {  	v3 =	vld [tilespmem:s7+$0x0]  }
0x3ed: {  	s7 =	sor.u32 $0x60, s6;
	[tilespmem:s6+$0xC010] =	vst.add.f32.msk $0xffff, v1  }
0x3ee: {  	v4 =	vld [tilespmem:s7+$0x0]  }
0x3ef: {  	s7 =	sor.u32 $0x70, s6;
	[tilespmem:s6+$0xC020] =	vst.add.f32.msk $0xffff, v37  }
0x3f0: {  	v39 =	vld [tilespmem:s7+$0x0]  }
0x3f1: {  	s7 =	sor.u32 $0x400, s6;
	[tilespmem:s6+$0xC030] =	vst.add.f32.msk $0xffff, v38  }
0x3f2: {  	v40 =	vld [tilespmem:s7+$0x0]  }
0x3f3: {  	s7 =	sor.u32 $0x410, s6;
	[tilespmem:s6+$0xC040] =	vst.add.f32.msk $0xffff, v2  }
0x3f4: {  	v41 =	vld [tilespmem:s7+$0x0]  }
0x3f5: {  	s7 =	sor.u32 $0x420, s6;
	[tilespmem:s6+$0xC050] =	vst.add.f32.msk $0xffff, v3  }
0x3f6: {  	v42 =	vld [tilespmem:s7+$0x0]  }
0x3f7: {  	s7 =	sor.u32 $0x430, s6;
	[tilespmem:s6+$0xC060] =	vst.add.f32.msk $0xffff, v4  }
0x3f8: {  	v43 =	vld [tilespmem:s7+$0x0]  }
0x3f9: {  	s7 =	sor.u32 $0x440, s6;
	[tilespmem:s6+$0xC070] =	vst.add.f32.msk $0xffff, v39  }
0x3fa: {  	v44 =	vld [tilespmem:s7+$0x0]  }
0x3fb: {  	s7 =	sor.u32 $0x450, s6;
	[tilespmem:s6+$0xC400] =	vst.add.f32.msk $0xffff, v40  }
0x3fc: {  	v45 =	vld [tilespmem:s7+$0x0]  }
0x3fd: {  	s7 =	sor.u32 $0x460, s6;
	[tilespmem:s6+$0xC410] =	vst.add.f32.msk $0xffff, v41  }
0x3fe: {  	v46 =	vld [tilespmem:s7+$0x0]  }
0x3ff: {  	s7 =	sor.u32 $0x470, s6;
	[tilespmem:s6+$0xC420] =	vst.add.f32.msk $0xffff, v42  }
0x400: {  	v47 =	vld [tilespmem:s7+$0x0]  }
0x401: {  	s7 =	sor.u32 $0x800, s6;
	[tilespmem:s6+$0xC430] =	vst.add.f32.msk $0xffff, v43  }
0x402: {  	v48 =	vld [tilespmem:s7+$0x0]  }
0x403: {  	s7 =	sor.u32 $0x810, s6;
	[tilespmem:s6+$0xC440] =	vst.add.f32.msk $0xffff, v44  }
0x404: {  	v49 =	vld [tilespmem:s7+$0x0]  }
0x405: {  	s7 =	sor.u32 $0x820, s6;
	[tilespmem:s6+$0xC450] =	vst.add.f32.msk $0xffff, v45  }
0x406: {  	v50 =	vld [tilespmem:s7+$0x0]  }
0x407: {  	s7 =	sor.u32 $0x830, s6;
	[tilespmem:s6+$0xC460] =	vst.add.f32.msk $0xffff, v46  }
0x408: {  	v51 =	vld [tilespmem:s7+$0x0]  }
0x409: {  	s7 =	sor.u32 $0x840, s6;
	[tilespmem:s6+$0xC470] =	vst.add.f32.msk $0xffff, v47  }
0x40a: {  	v52 =	vld [tilespmem:s7+$0x0]  }
0x40b: {  	s7 =	sor.u32 $0x850, s6;
	[tilespmem:s6+$0xC800] =	vst.add.f32.msk $0xffff, v48  }
0x40c: {  	v53 =	vld [tilespmem:s7+$0x0]  }
0x40d: {  	s7 =	sor.u32 $0x860, s6;
	[tilespmem:s6+$0xC810] =	vst.add.f32.msk $0xffff, v49  }
0x40e: {  	v54 =	vld [tilespmem:s7+$0x0]  }
0x40f: {  	s7 =	sor.u32 $0x870, s6;
	[tilespmem:s6+$0xC820] =	vst.add.f32.msk $0xffff, v50  }
0x410: {  	v55 =	vld [tilespmem:s7+$0x0]  }
0x411: {  	s7 =	sor.u32 $0xC00, s6;
	[tilespmem:s6+$0xC830] =	vst.add.f32.msk $0xffff, v51  }
0x412: {  	v56 =	vld [tilespmem:s7+$0x0]  }
0x413: {  	s7 =	sor.u32 $0xC10, s6;
	[tilespmem:s6+$0xC840] =	vst.add.f32.msk $0xffff, v52  }
0x414: {  	v57 =	vld [tilespmem:s7+$0x0]  }
0x415: {  	s7 =	sor.u32 $0xC20, s6;
	[tilespmem:s6+$0xC850] =	vst.add.f32.msk $0xffff, v53  }
0x416: {  	v58 =	vld [tilespmem:s7+$0x0]  }
0x417: {  	s7 =	sor.u32 $0xC30, s6;
	[tilespmem:s6+$0xC860] =	vst.add.f32.msk $0xffff, v54  }
0x418: {  	v59 =	vld [tilespmem:s7+$0x0]  }
0x419: {  	s7 =	sor.u32 $0xC40, s6;
	[tilespmem:s6+$0xC870] =	vst.add.f32.msk $0xffff, v55  }
0x41a: {  	v60 =	vld [tilespmem:s7+$0x0]  }
0x41b: {  	s7 =	sor.u32 $0xC50, s6;
	[tilespmem:s6+$0xCC00] =	vst.add.f32.msk $0xffff, v56  }
0x41c: {  	v61 =	vld [tilespmem:s7+$0x0]  }
0x41d: {  	s7 =	sor.u32 $0xC60, s6;
	[tilespmem:s6+$0xCC10] =	vst.add.f32.msk $0xffff, v57  }
0x41e: {  	v62 =	vld [tilespmem:s7+$0x0]  }
0x41f: {  	s7 =	sor.u32 $0xC70, s6;
	[tilespmem:s6+$0xCC20] =	vst.add.f32.msk $0xffff, v58  }
0x420: {  	p1 =	por p0, p0;
	v63 =	vld [tilespmem:s7+$0x0]  }
.Ltmp22:
0x421: {  	[tilespmem:s6+$0xCC30] =	vst.add.f32.msk $0xffff, v59;
	(pc) =	sbr.rel @p1 .LBB2_47-.Ltmp22, $4  }
0x422: {  	[tilespmem:s6+$0xCC40] =	vst.add.f32.msk $0xffff, v60  }
0x423: {  	[tilespmem:s6+$0xCC50] =	vst.add.f32.msk $0xffff, v61  }
0x424: {  	[tilespmem:s6+$0xCC60] =	vst.add.f32.msk $0xffff, v62  }
0x425: {  	p0 =	por $0x0, $0x0;
	[tilespmem:s6+$0xCC70] =	vst.add.f32.msk $0xffff, v63;
	s6 =	simm.s32 $0x1000  }
0x426: {  	s4 =	sadd.s32 $0x1, s4  }
0x427: {  	p0 =	sne.s32 s4, $0x10  }
.Ltmp23:
0x428: {  	_ = 	snop;
	(pc) =	sbr.rel @p0 .LBB2_46-.Ltmp23, $1  }
0x429: {  	_ =	sdelay $0x3  }
0x42a: {  	s5 =	rddreg [dreg:$0x1b]  }
0x42b: {  	s4 =	simm.s32 $0x0;
	s6 =	sld [smem:$0x7DD]  }
0x42c: {  	[hbm4b:s5+s4] =	stream.linear.scatter [tilespmem:s17], [sflag:$0x9], $0x4000, $0x38;
	[tilespmem:$0x1C000] =	vst v63  }
0x42d: {  	_ = 	snop  }
0x42e: {  	[tilespmem:s4], [sflag:$0x1] =	stream.linear.gather [hbm4b:s6+s4], $0x4000, $0x38;
	[tilespmem:$0x1C000] =	vst v63  }
0x42f: {  	_ =	swait.ge [sflag:s29], $0x4000  }
0x430: {  	[sflag:s29] =	ssyncset.done $0x0  }
0x431: {  	[sflag:s29] =	ssyncadd.s32 $0xFFFFC000  }
0x432: {  	_ =	swait.ge [sflag:s24], $0x4000  }
0x433: {  	s7 =	sld [smem:$0x7DB]  }
0x434: {  	[sflag:s24] =	ssyncset.done $0x0  }
0x435: {  	[sflag:s24] =	ssyncadd.s32 $0xFFFFC000  }
0x436: {  	[tilespmem:s16], [sflag:$0x3] =	stream.linear.gather [hbm4b:s7+s4], $0x4000, $0x38;
	[tilespmem:$0x1C000] =	vst v63  }
0x437: {  	_ =	swait.ge [sflag:s25], $0x4000  }
0x438: {  	[sflag:s25] =	ssyncset.done $0x0  }
0x439: {  	[sflag:s25] =	ssyncadd.s32 $0xFFFFC000  }
.LBB2_50:
0x43a: {  	s5 =	sshll.u32 s4, $0xA;
	s6 =	sshll.u32 s4, $0x7  }
0x43b: {  	s5 =	sand.u32 $0x2000, s5;
	s6 =	sand.u32 $0x380, s6  }
0x43c: {  	p0 =	por $0x1, $0x1;
	s5 =	sor.u32 s5, s6;
	s6 =	simm.s32 $0x0  }
.LBB2_51:
0x43d: {  	s6 =	sor.u32 s6, s5  }
0x43e: {  	v0 =	vld [tilespmem:s6+$0x4000]  }
0x43f: {  	v1 =	vld [tilespmem:s6+$0x4010]  }
0x440: {  	v37 =	vld [tilespmem:s6+$0x4020]  }
0x441: {  	v38 =	vld [tilespmem:s6+$0x4030]  }
0x442: {  	v2 =	vld [tilespmem:s6+$0x4040]  }
0x443: {  	v3 =	vld [tilespmem:s6+$0x4050]  }
0x444: {  	v4 =	vld [tilespmem:s6+$0x4060]  }
0x445: {  	v39 =	vld [tilespmem:s6+$0x4070]  }
0x446: {  	v40 =	vld [tilespmem:s6+$0x4400]  }
0x447: {  	v41 =	vld [tilespmem:s6+$0x4410]  }
0x448: {  	v42 =	vld [tilespmem:s6+$0x4420]  }
0x449: {  	v43 =	vld [tilespmem:s6+$0x4430]  }
0x44a: {  	v44 =	vld [tilespmem:s6+$0x4440]  }
0x44b: {  	v45 =	vld [tilespmem:s6+$0x4450]  }
0x44c: {  	v46 =	vld [tilespmem:s6+$0x4460]  }
0x44d: {  	v47 =	vld [tilespmem:s6+$0x4470]  }
0x44e: {  	v48 =	vld [tilespmem:s6+$0x4800]  }
0x44f: {  	v49 =	vld [tilespmem:s6+$0x4810]  }
0x450: {  	v50 =	vld [tilespmem:s6+$0x4820]  }
0x451: {  	v51 =	vld [tilespmem:s6+$0x4830]  }
0x452: {  	v52 =	vld [tilespmem:s6+$0x4840]  }
0x453: {  	v53 =	vld [tilespmem:s6+$0x4850]  }
0x454: {  	v54 =	vld [tilespmem:s6+$0x4860]  }
0x455: {  	v55 =	vld [tilespmem:s6+$0x4870]  }
0x456: {  	v56 =	vld [tilespmem:s6+$0x4C00]  }
0x457: {  	v57 =	vld [tilespmem:s6+$0x4C10]  }
0x458: {  	v58 =	vld [tilespmem:s6+$0x4C20]  }
0x459: {  	v59 =	vld [tilespmem:s6+$0x4C30]  }
0x45a: {  	v60 =	vld [tilespmem:s6+$0x4C40]  }
0x45b: {  	v61 =	vld [tilespmem:s6+$0x4C50]  }
0x45c: {  	v62 =	vld [tilespmem:s6+$0x4C60]  }
0x45d: {  	v63 =	vld [tilespmem:s6+$0x4C70]  }
0x45e: {  	[tilespmem:s6+$0x10000] =	vst.add.f32.msk $0xffff, v0  }
0x45f: {  	[tilespmem:s6+$0x10010] =	vst.add.f32.msk $0xffff, v1  }
0x460: {  	[tilespmem:s6+$0x10020] =	vst.add.f32.msk $0xffff, v37  }
0x461: {  	[tilespmem:s6+$0x10030] =	vst.add.f32.msk $0xffff, v38  }
0x462: {  	[tilespmem:s6+$0x10040] =	vst.add.f32.msk $0xffff, v2  }
0x463: {  	[tilespmem:s6+$0x10050] =	vst.add.f32.msk $0xffff, v3  }
0x464: {  	[tilespmem:s6+$0x10060] =	vst.add.f32.msk $0xffff, v4  }
0x465: {  	[tilespmem:s6+$0x10070] =	vst.add.f32.msk $0xffff, v39  }
0x466: {  	[tilespmem:s6+$0x10400] =	vst.add.f32.msk $0xffff, v40  }
0x467: {  	[tilespmem:s6+$0x10410] =	vst.add.f32.msk $0xffff, v41  }
0x468: {  	[tilespmem:s6+$0x10420] =	vst.add.f32.msk $0xffff, v42  }
0x469: {  	[tilespmem:s6+$0x10430] =	vst.add.f32.msk $0xffff, v43  }
0x46a: {  	[tilespmem:s6+$0x10440] =	vst.add.f32.msk $0xffff, v44  }
0x46b: {  	[tilespmem:s6+$0x10450] =	vst.add.f32.msk $0xffff, v45  }
0x46c: {  	[tilespmem:s6+$0x10460] =	vst.add.f32.msk $0xffff, v46  }
0x46d: {  	[tilespmem:s6+$0x10470] =	vst.add.f32.msk $0xffff, v47  }
0x46e: {  	[tilespmem:s6+$0x10800] =	vst.add.f32.msk $0xffff, v48  }
0x46f: {  	[tilespmem:s6+$0x10810] =	vst.add.f32.msk $0xffff, v49  }
0x470: {  	[tilespmem:s6+$0x10820] =	vst.add.f32.msk $0xffff, v50  }
0x471: {  	[tilespmem:s6+$0x10830] =	vst.add.f32.msk $0xffff, v51  }
0x472: {  	[tilespmem:s6+$0x10840] =	vst.add.f32.msk $0xffff, v52  }
0x473: {  	[tilespmem:s6+$0x10850] =	vst.add.f32.msk $0xffff, v53  }
0x474: {  	[tilespmem:s6+$0x10860] =	vst.add.f32.msk $0xffff, v54  }
0x475: {  	[tilespmem:s6+$0x10870] =	vst.add.f32.msk $0xffff, v55  }
0x476: {  	[tilespmem:s6+$0x10C00] =	vst.add.f32.msk $0xffff, v56  }
0x477: {  	[tilespmem:s6+$0x10C10] =	vst.add.f32.msk $0xffff, v57  }
0x478: {  	p1 =	por p0, p0;
	[tilespmem:s6+$0x10C20] =	vst.add.f32.msk $0xffff, v58  }
.Ltmp24:
0x479: {  	[tilespmem:s6+$0x10C30] =	vst.add.f32.msk $0xffff, v59;
	(pc) =	sbr.rel @p1 .LBB2_51-.Ltmp24, $4  }
0x47a: {  	[tilespmem:s6+$0x10C40] =	vst.add.f32.msk $0xffff, v60  }
0x47b: {  	[tilespmem:s6+$0x10C50] =	vst.add.f32.msk $0xffff, v61  }
0x47c: {  	[tilespmem:s6+$0x10C60] =	vst.add.f32.msk $0xffff, v62  }
0x47d: {  	p0 =	por $0x0, $0x0;
	[tilespmem:s6+$0x10C70] =	vst.add.f32.msk $0xffff, v63;
	s6 =	simm.s32 $0x1000  }
0x47e: {  	s4 =	sadd.s32 $0x1, s4  }
0x47f: {  	p0 =	sne.s32 s4, $0x10  }
.Ltmp25:
0x480: {  	_ = 	snop;
	(pc) =	sbr.rel @p0 .LBB2_50-.Ltmp25, $1  }
0x481: {  	_ =	sdelay $0x3  }
0x482: {  	s4 =	simm.s32 $0x0;
	s5 =	rddreg [dreg:$0x1e]  }
0x483: {  	[hbm4b:s5+s4] =	stream.linear.scatter [tilespmem:s18], [sflag:$0xA], $0x4000, $0x38;
	[tilespmem:$0x1C000] =	vst v63  }
0x484: {  	_ =	swait.ge [sflag:s26], $0x4000  }
0x485: {  	s7 =	sld [smem:$0x7DE]  }
0x486: {  	[sflag:s26] =	ssyncset.done $0x0  }
0x487: {  	[sflag:s26] =	ssyncadd.s32 $0xFFFFC000  }
0x488: {  	[tilespmem:s17], [sflag:$0x4] =	stream.linear.gather [hbm4b:s7+s4], $0x4000, $0x38;
	[tilespmem:$0x1C000] =	vst v63  }
0x489: {  	_ =	swait.ge [sflag:s28], $0x4000  }
0x48a: {  	[sflag:s28] =	ssyncset.done $0x0  }
0x48b: {  	[sflag:s28] =	ssyncadd.s32 $0xFFFFC000  }
.LBB2_54:
0x48c: {  	s5 =	sshll.u32 s4, $0xA;
	s6 =	sshll.u32 s4, $0x7  }
0x48d: {  	s5 =	sand.u32 $0x2000, s5;
	s6 =	sand.u32 $0x380, s6  }
0x48e: {  	p0 =	por $0x1, $0x1;
	s5 =	sor.u32 s5, s6;
	s6 =	simm.s32 $0x0  }
.LBB2_55:
0x48f: {  	s6 =	sor.u32 s6, s5  }
0x490: {  	v0 =	vld [tilespmem:s6+$0x4000]  }
0x491: {  	v1 =	vld [tilespmem:s6+$0x4010]  }
0x492: {  	v37 =	vld [tilespmem:s6+$0x4020]  }
0x493: {  	v38 =	vld [tilespmem:s6+$0x4030]  }
0x494: {  	v2 =	vld [tilespmem:s6+$0x4040]  }
0x495: {  	v3 =	vld [tilespmem:s6+$0x4050]  }
0x496: {  	v4 =	vld [tilespmem:s6+$0x4060]  }
0x497: {  	v39 =	vld [tilespmem:s6+$0x4070]  }
0x498: {  	v40 =	vld [tilespmem:s6+$0x4400]  }
0x499: {  	v41 =	vld [tilespmem:s6+$0x4410]  }
0x49a: {  	v42 =	vld [tilespmem:s6+$0x4420]  }
0x49b: {  	v43 =	vld [tilespmem:s6+$0x4430]  }
0x49c: {  	v44 =	vld [tilespmem:s6+$0x4440]  }
0x49d: {  	v45 =	vld [tilespmem:s6+$0x4450]  }
0x49e: {  	v46 =	vld [tilespmem:s6+$0x4460]  }
0x49f: {  	v47 =	vld [tilespmem:s6+$0x4470]  }
0x4a0: {  	v48 =	vld [tilespmem:s6+$0x4800]  }
0x4a1: {  	v49 =	vld [tilespmem:s6+$0x4810]  }
0x4a2: {  	v50 =	vld [tilespmem:s6+$0x4820]  }
0x4a3: {  	v51 =	vld [tilespmem:s6+$0x4830]  }
0x4a4: {  	v52 =	vld [tilespmem:s6+$0x4840]  }
0x4a5: {  	v53 =	vld [tilespmem:s6+$0x4850]  }
0x4a6: {  	v54 =	vld [tilespmem:s6+$0x4860]  }
0x4a7: {  	v55 =	vld [tilespmem:s6+$0x4870]  }
0x4a8: {  	v56 =	vld [tilespmem:s6+$0x4C00]  }
0x4a9: {  	v57 =	vld [tilespmem:s6+$0x4C10]  }
0x4aa: {  	v58 =	vld [tilespmem:s6+$0x4C20]  }
0x4ab: {  	v59 =	vld [tilespmem:s6+$0x4C30]  }
0x4ac: {  	v60 =	vld [tilespmem:s6+$0x4C40]  }
0x4ad: {  	v61 =	vld [tilespmem:s6+$0x4C50]  }
0x4ae: {  	v62 =	vld [tilespmem:s6+$0x4C60]  }
0x4af: {  	v63 =	vld [tilespmem:s6+$0x4C70]  }
0x4b0: {  	[tilespmem:s6+$0x14000] =	vst.add.f32.msk $0xffff, v0  }
0x4b1: {  	[tilespmem:s6+$0x14010] =	vst.add.f32.msk $0xffff, v1  }
0x4b2: {  	[tilespmem:s6+$0x14020] =	vst.add.f32.msk $0xffff, v37  }
0x4b3: {  	[tilespmem:s6+$0x14030] =	vst.add.f32.msk $0xffff, v38  }
0x4b4: {  	[tilespmem:s6+$0x14040] =	vst.add.f32.msk $0xffff, v2  }
0x4b5: {  	[tilespmem:s6+$0x14050] =	vst.add.f32.msk $0xffff, v3  }
0x4b6: {  	[tilespmem:s6+$0x14060] =	vst.add.f32.msk $0xffff, v4  }
0x4b7: {  	[tilespmem:s6+$0x14070] =	vst.add.f32.msk $0xffff, v39  }
0x4b8: {  	[tilespmem:s6+$0x14400] =	vst.add.f32.msk $0xffff, v40  }
0x4b9: {  	[tilespmem:s6+$0x14410] =	vst.add.f32.msk $0xffff, v41  }
0x4ba: {  	[tilespmem:s6+$0x14420] =	vst.add.f32.msk $0xffff, v42  }
0x4bb: {  	[tilespmem:s6+$0x14430] =	vst.add.f32.msk $0xffff, v43  }
0x4bc: {  	[tilespmem:s6+$0x14440] =	vst.add.f32.msk $0xffff, v44  }
0x4bd: {  	[tilespmem:s6+$0x14450] =	vst.add.f32.msk $0xffff, v45  }
0x4be: {  	[tilespmem:s6+$0x14460] =	vst.add.f32.msk $0xffff, v46  }
0x4bf: {  	[tilespmem:s6+$0x14470] =	vst.add.f32.msk $0xffff, v47  }
0x4c0: {  	[tilespmem:s6+$0x14800] =	vst.add.f32.msk $0xffff, v48  }
0x4c1: {  	[tilespmem:s6+$0x14810] =	vst.add.f32.msk $0xffff, v49  }
0x4c2: {  	[tilespmem:s6+$0x14820] =	vst.add.f32.msk $0xffff, v50  }
0x4c3: {  	[tilespmem:s6+$0x14830] =	vst.add.f32.msk $0xffff, v51  }
0x4c4: {  	[tilespmem:s6+$0x14840] =	vst.add.f32.msk $0xffff, v52  }
0x4c5: {  	[tilespmem:s6+$0x14850] =	vst.add.f32.msk $0xffff, v53  }
0x4c6: {  	[tilespmem:s6+$0x14860] =	vst.add.f32.msk $0xffff, v54  }
0x4c7: {  	[tilespmem:s6+$0x14870] =	vst.add.f32.msk $0xffff, v55  }
0x4c8: {  	[tilespmem:s6+$0x14C00] =	vst.add.f32.msk $0xffff, v56  }
0x4c9: {  	[tilespmem:s6+$0x14C10] =	vst.add.f32.msk $0xffff, v57  }
0x4ca: {  	p1 =	por p0, p0;
	[tilespmem:s6+$0x14C20] =	vst.add.f32.msk $0xffff, v58  }
.Ltmp26:
0x4cb: {  	[tilespmem:s6+$0x14C30] =	vst.add.f32.msk $0xffff, v59;
	(pc) =	sbr.rel @p1 .LBB2_55-.Ltmp26, $4  }
0x4cc: {  	[tilespmem:s6+$0x14C40] =	vst.add.f32.msk $0xffff, v60  }
0x4cd: {  	[tilespmem:s6+$0x14C50] =	vst.add.f32.msk $0xffff, v61  }
0x4ce: {  	[tilespmem:s6+$0x14C60] =	vst.add.f32.msk $0xffff, v62  }
0x4cf: {  	p0 =	por $0x0, $0x0;
	[tilespmem:s6+$0x14C70] =	vst.add.f32.msk $0xffff, v63;
	s6 =	simm.s32 $0x1000  }
0x4d0: {  	s4 =	sadd.s32 $0x1, s4  }
0x4d1: {  	p0 =	sne.s32 s4, $0x10  }
.Ltmp27:
0x4d2: {  	_ = 	snop;
	(pc) =	sbr.rel @p0 .LBB2_54-.Ltmp27, $1  }
0x4d3: {  	_ =	sdelay $0x3  }
0x4d4: {  	s5 =	sld [smem:$0x7D8];
	_ =	sdelay $0x1  }
0x4d5: {  	s4 =	simm.s32 $0x0  }
0x4d6: {  	[hbm4b:s5+s4] =	stream.linear.scatter [tilespmem:s20], [sflag:$0xB], $0x4000, $0x38;
	[tilespmem:$0x1C000] =	vst v63  }
0x4d7: {  	_ =	swait.ge [sflag:s30], $0x4000  }
0x4d8: {  	s7 =	sld [smem:$0x7E0]  }
0x4d9: {  	[sflag:s30] =	ssyncset.done $0x0  }
0x4da: {  	[sflag:s30] =	ssyncadd.s32 $0xFFFFC000  }
0x4db: {  	[tilespmem:s18], [sflag:$0x5] =	stream.linear.gather [hbm4b:s7+s4], $0x4000, $0x38;
	[tilespmem:$0x1C000] =	vst v63  }
0x4dc: {  	_ =	swait.ge [sflag:s31], $0x4000  }
0x4dd: {  	[sflag:s31] =	ssyncset.done $0x0  }
0x4de: {  	[sflag:s31] =	ssyncadd.s32 $0xFFFFC000  }
.LBB2_58:
0x4df: {  	s5 =	sshll.u32 s4, $0xA;
	s6 =	sshll.u32 s4, $0x7  }
0x4e0: {  	s5 =	sand.u32 $0x2000, s5;
	s6 =	sand.u32 $0x380, s6  }
0x4e1: {  	p0 =	por $0x1, $0x1;
	s5 =	sor.u32 s5, s6;
	s6 =	simm.s32 $0x0  }
.LBB2_59:
0x4e2: {  	s6 =	sor.u32 s6, s5  }
0x4e3: {  	v0 =	vld [tilespmem:s6+$0x4000]  }
0x4e4: {  	v1 =	vld [tilespmem:s6+$0x4010]  }
0x4e5: {  	v37 =	vld [tilespmem:s6+$0x4020]  }
0x4e6: {  	v38 =	vld [tilespmem:s6+$0x4030]  }
0x4e7: {  	v2 =	vld [tilespmem:s6+$0x4040]  }
0x4e8: {  	v3 =	vld [tilespmem:s6+$0x4050]  }
0x4e9: {  	v4 =	vld [tilespmem:s6+$0x4060]  }
0x4ea: {  	v39 =	vld [tilespmem:s6+$0x4070]  }
0x4eb: {  	v40 =	vld [tilespmem:s6+$0x4400]  }
0x4ec: {  	v41 =	vld [tilespmem:s6+$0x4410]  }
0x4ed: {  	v42 =	vld [tilespmem:s6+$0x4420]  }
0x4ee: {  	v43 =	vld [tilespmem:s6+$0x4430]  }
0x4ef: {  	v44 =	vld [tilespmem:s6+$0x4440]  }
0x4f0: {  	v45 =	vld [tilespmem:s6+$0x4450]  }
0x4f1: {  	v46 =	vld [tilespmem:s6+$0x4460]  }
0x4f2: {  	v47 =	vld [tilespmem:s6+$0x4470]  }
0x4f3: {  	v48 =	vld [tilespmem:s6+$0x4800]  }
0x4f4: {  	v49 =	vld [tilespmem:s6+$0x4810]  }
0x4f5: {  	v50 =	vld [tilespmem:s6+$0x4820]  }
0x4f6: {  	v51 =	vld [tilespmem:s6+$0x4830]  }
0x4f7: {  	v52 =	vld [tilespmem:s6+$0x4840]  }
0x4f8: {  	v53 =	vld [tilespmem:s6+$0x4850]  }
0x4f9: {  	v54 =	vld [tilespmem:s6+$0x4860]  }
0x4fa: {  	v55 =	vld [tilespmem:s6+$0x4870]  }
0x4fb: {  	v56 =	vld [tilespmem:s6+$0x4C00]  }
0x4fc: {  	v57 =	vld [tilespmem:s6+$0x4C10]  }
0x4fd: {  	v58 =	vld [tilespmem:s6+$0x4C20]  }
0x4fe: {  	v59 =	vld [tilespmem:s6+$0x4C30]  }
0x4ff: {  	v60 =	vld [tilespmem:s6+$0x4C40]  }
0x500: {  	v61 =	vld [tilespmem:s6+$0x4C50]  }
0x501: {  	v62 =	vld [tilespmem:s6+$0x4C60]  }
0x502: {  	v63 =	vld [tilespmem:s6+$0x4C70]  }
0x503: {  	[tilespmem:s6+$0x18000] =	vst.add.f32.msk $0xffff, v0  }
0x504: {  	[tilespmem:s6+$0x18010] =	vst.add.f32.msk $0xffff, v1  }
0x505: {  	[tilespmem:s6+$0x18020] =	vst.add.f32.msk $0xffff, v37  }
0x506: {  	[tilespmem:s6+$0x18030] =	vst.add.f32.msk $0xffff, v38  }
0x507: {  	[tilespmem:s6+$0x18040] =	vst.add.f32.msk $0xffff, v2  }
0x508: {  	[tilespmem:s6+$0x18050] =	vst.add.f32.msk $0xffff, v3  }
0x509: {  	[tilespmem:s6+$0x18060] =	vst.add.f32.msk $0xffff, v4  }
0x50a: {  	[tilespmem:s6+$0x18070] =	vst.add.f32.msk $0xffff, v39  }
0x50b: {  	[tilespmem:s6+$0x18400] =	vst.add.f32.msk $0xffff, v40  }
0x50c: {  	[tilespmem:s6+$0x18410] =	vst.add.f32.msk $0xffff, v41  }
0x50d: {  	[tilespmem:s6+$0x18420] =	vst.add.f32.msk $0xffff, v42  }
0x50e: {  	[tilespmem:s6+$0x18430] =	vst.add.f32.msk $0xffff, v43  }
0x50f: {  	[tilespmem:s6+$0x18440] =	vst.add.f32.msk $0xffff, v44  }
0x510: {  	[tilespmem:s6+$0x18450] =	vst.add.f32.msk $0xffff, v45  }
0x511: {  	[tilespmem:s6+$0x18460] =	vst.add.f32.msk $0xffff, v46  }
0x512: {  	[tilespmem:s6+$0x18470] =	vst.add.f32.msk $0xffff, v47  }
0x513: {  	[tilespmem:s6+$0x18800] =	vst.add.f32.msk $0xffff, v48  }
0x514: {  	[tilespmem:s6+$0x18810] =	vst.add.f32.msk $0xffff, v49  }
0x515: {  	[tilespmem:s6+$0x18820] =	vst.add.f32.msk $0xffff, v50  }
0x516: {  	[tilespmem:s6+$0x18830] =	vst.add.f32.msk $0xffff, v51  }
0x517: {  	[tilespmem:s6+$0x18840] =	vst.add.f32.msk $0xffff, v52  }
0x518: {  	[tilespmem:s6+$0x18850] =	vst.add.f32.msk $0xffff, v53  }
0x519: {  	[tilespmem:s6+$0x18860] =	vst.add.f32.msk $0xffff, v54  }
0x51a: {  	[tilespmem:s6+$0x18870] =	vst.add.f32.msk $0xffff, v55  }
0x51b: {  	[tilespmem:s6+$0x18C00] =	vst.add.f32.msk $0xffff, v56  }
0x51c: {  	[tilespmem:s6+$0x18C10] =	vst.add.f32.msk $0xffff, v57  }
0x51d: {  	p1 =	por p0, p0;
	[tilespmem:s6+$0x18C20] =	vst.add.f32.msk $0xffff, v58  }
.Ltmp28:
0x51e: {  	[tilespmem:s6+$0x18C30] =	vst.add.f32.msk $0xffff, v59;
	(pc) =	sbr.rel @p1 .LBB2_59-.Ltmp28, $4  }
0x51f: {  	[tilespmem:s6+$0x18C40] =	vst.add.f32.msk $0xffff, v60  }
0x520: {  	[tilespmem:s6+$0x18C50] =	vst.add.f32.msk $0xffff, v61  }
0x521: {  	[tilespmem:s6+$0x18C60] =	vst.add.f32.msk $0xffff, v62  }
0x522: {  	p0 =	por $0x0, $0x0;
	[tilespmem:s6+$0x18C70] =	vst.add.f32.msk $0xffff, v63;
	s6 =	simm.s32 $0x1000  }
0x523: {  	s4 =	sadd.s32 $0x1, s4  }
0x524: {  	p0 =	sne.s32 s4, $0x10  }
.Ltmp29:
0x525: {  	_ = 	snop;
	(pc) =	sbr.rel @p0 .LBB2_58-.Ltmp29, $1  }
0x526: {  	_ =	sdelay $0x3  }
0x527: {  	s5 =	sld [smem:$0x7DA];
	_ =	sdelay $0x1  }
0x528: {  	s4 =	simm.s32 $0x0  }
0x529: {  	[hbm4b:s5+s4] =	stream.linear.scatter [tilespmem:s22], [sflag:$0xC], $0x4000, $0x38;
	[tilespmem:$0x1C000] =	vst v63  }
0x52a: {  	_ =	swait.ge [sflag:s0], $0x4000  }
0x52b: {  	s7 =	sld [smem:$0x7E2]  }
0x52c: {  	[sflag:s0] =	ssyncset.done $0x0  }
0x52d: {  	[sflag:s0] =	ssyncadd.s32 $0xFFFFC000  }
0x52e: {  	[tilespmem:s20], [sflag:$0x6] =	stream.linear.gather [hbm4b:s7+s4], $0x4000, $0x38;
	[tilespmem:$0x1C000] =	vst v63  }
0x52f: {  	_ =	swait.ge [sflag:s21], $0x4000  }
0x530: {  	[sflag:s21] =	ssyncset.done $0x0  }
0x531: {  	[sflag:s21] =	ssyncadd.s32 $0xFFFFC000  }
.LBB2_62:
0x532: {  	s5 =	sshll.u32 s4, $0xA;
	s6 =	sshll.u32 s4, $0x7  }
0x533: {  	s5 =	sand.u32 $0x2000, s5;
	s6 =	sand.u32 $0x380, s6  }
0x534: {  	p0 =	por $0x1, $0x1;
	s5 =	sor.u32 s5, s6;
	s6 =	simm.s32 $0x0  }
.LBB2_63:
0x535: {  	s6 =	sor.u32 s6, s5  }
0x536: {  	v0 =	vld [tilespmem:s6+$0x4000]  }
0x537: {  	v1 =	vld [tilespmem:s6+$0x4010]  }
0x538: {  	v37 =	vld [tilespmem:s6+$0x4020]  }
0x539: {  	v38 =	vld [tilespmem:s6+$0x4030]  }
0x53a: {  	v2 =	vld [tilespmem:s6+$0x4040]  }
0x53b: {  	v3 =	vld [tilespmem:s6+$0x4050]  }
0x53c: {  	v4 =	vld [tilespmem:s6+$0x4060]  }
0x53d: {  	v39 =	vld [tilespmem:s6+$0x4070]  }
0x53e: {  	v40 =	vld [tilespmem:s6+$0x4400]  }
0x53f: {  	v41 =	vld [tilespmem:s6+$0x4410]  }
0x540: {  	v42 =	vld [tilespmem:s6+$0x4420]  }
0x541: {  	v43 =	vld [tilespmem:s6+$0x4430]  }
0x542: {  	v44 =	vld [tilespmem:s6+$0x4440]  }
0x543: {  	v45 =	vld [tilespmem:s6+$0x4450]  }
0x544: {  	v46 =	vld [tilespmem:s6+$0x4460]  }
0x545: {  	v47 =	vld [tilespmem:s6+$0x4470]  }
0x546: {  	v48 =	vld [tilespmem:s6+$0x4800]  }
0x547: {  	v49 =	vld [tilespmem:s6+$0x4810]  }
0x548: {  	v50 =	vld [tilespmem:s6+$0x4820]  }
0x549: {  	v51 =	vld [tilespmem:s6+$0x4830]  }
0x54a: {  	v52 =	vld [tilespmem:s6+$0x4840]  }
0x54b: {  	v53 =	vld [tilespmem:s6+$0x4850]  }
0x54c: {  	v54 =	vld [tilespmem:s6+$0x4860]  }
0x54d: {  	v55 =	vld [tilespmem:s6+$0x4870]  }
0x54e: {  	v56 =	vld [tilespmem:s6+$0x4C00]  }
0x54f: {  	v57 =	vld [tilespmem:s6+$0x4C10]  }
0x550: {  	v58 =	vld [tilespmem:s6+$0x4C20]  }
0x551: {  	v59 =	vld [tilespmem:s6+$0x4C30]  }
0x552: {  	v60 =	vld [tilespmem:s6+$0x4C40]  }
0x553: {  	v61 =	vld [tilespmem:s6+$0x4C50]  }
0x554: {  	v62 =	vld [tilespmem:s6+$0x4C60]  }
0x555: {  	v63 =	vld [tilespmem:s6+$0x4C70]  }
0x556: {  	[tilespmem:s6+$0x8000] =	vst.add.f32.msk $0xffff, v0  }
0x557: {  	[tilespmem:s6+$0x8010] =	vst.add.f32.msk $0xffff, v1  }
0x558: {  	[tilespmem:s6+$0x8020] =	vst.add.f32.msk $0xffff, v37  }
0x559: {  	[tilespmem:s6+$0x8030] =	vst.add.f32.msk $0xffff, v38  }
0x55a: {  	[tilespmem:s6+$0x8040] =	vst.add.f32.msk $0xffff, v2  }
0x55b: {  	[tilespmem:s6+$0x8050] =	vst.add.f32.msk $0xffff, v3  }
0x55c: {  	[tilespmem:s6+$0x8060] =	vst.add.f32.msk $0xffff, v4  }
0x55d: {  	[tilespmem:s6+$0x8070] =	vst.add.f32.msk $0xffff, v39  }
0x55e: {  	[tilespmem:s6+$0x8400] =	vst.add.f32.msk $0xffff, v40  }
0x55f: {  	[tilespmem:s6+$0x8410] =	vst.add.f32.msk $0xffff, v41  }
0x560: {  	[tilespmem:s6+$0x8420] =	vst.add.f32.msk $0xffff, v42  }
0x561: {  	[tilespmem:s6+$0x8430] =	vst.add.f32.msk $0xffff, v43  }
0x562: {  	[tilespmem:s6+$0x8440] =	vst.add.f32.msk $0xffff, v44  }
0x563: {  	[tilespmem:s6+$0x8450] =	vst.add.f32.msk $0xffff, v45  }
0x564: {  	[tilespmem:s6+$0x8460] =	vst.add.f32.msk $0xffff, v46  }
0x565: {  	[tilespmem:s6+$0x8470] =	vst.add.f32.msk $0xffff, v47  }
0x566: {  	[tilespmem:s6+$0x8800] =	vst.add.f32.msk $0xffff, v48  }
0x567: {  	[tilespmem:s6+$0x8810] =	vst.add.f32.msk $0xffff, v49  }
0x568: {  	[tilespmem:s6+$0x8820] =	vst.add.f32.msk $0xffff, v50  }
0x569: {  	[tilespmem:s6+$0x8830] =	vst.add.f32.msk $0xffff, v51  }
0x56a: {  	[tilespmem:s6+$0x8840] =	vst.add.f32.msk $0xffff, v52  }
0x56b: {  	[tilespmem:s6+$0x8850] =	vst.add.f32.msk $0xffff, v53  }
0x56c: {  	[tilespmem:s6+$0x8860] =	vst.add.f32.msk $0xffff, v54  }
0x56d: {  	[tilespmem:s6+$0x8870] =	vst.add.f32.msk $0xffff, v55  }
0x56e: {  	[tilespmem:s6+$0x8C00] =	vst.add.f32.msk $0xffff, v56  }
0x56f: {  	[tilespmem:s6+$0x8C10] =	vst.add.f32.msk $0xffff, v57  }
0x570: {  	p1 =	por p0, p0;
	[tilespmem:s6+$0x8C20] =	vst.add.f32.msk $0xffff, v58  }
.Ltmp30:
0x571: {  	[tilespmem:s6+$0x8C30] =	vst.add.f32.msk $0xffff, v59;
	(pc) =	sbr.rel @p1 .LBB2_63-.Ltmp30, $4  }
0x572: {  	[tilespmem:s6+$0x8C40] =	vst.add.f32.msk $0xffff, v60  }
0x573: {  	[tilespmem:s6+$0x8C50] =	vst.add.f32.msk $0xffff, v61  }
0x574: {  	[tilespmem:s6+$0x8C60] =	vst.add.f32.msk $0xffff, v62  }
0x575: {  	p0 =	por $0x0, $0x0;
	[tilespmem:s6+$0x8C70] =	vst.add.f32.msk $0xffff, v63;
	s6 =	simm.s32 $0x1000  }
0x576: {  	s4 =	sadd.s32 $0x1, s4  }
0x577: {  	p0 =	sne.s32 s4, $0x10  }
.Ltmp31:
0x578: {  	_ = 	snop;
	(pc) =	sbr.rel @p0 .LBB2_62-.Ltmp31, $1  }
0x579: {  	_ =	sdelay $0x3  }
0x57a: {  	s5 =	sld [smem:$0x7DC];
	_ =	sdelay $0x1  }
0x57b: {  	s4 =	simm.s32 $0x0;
	s6 =	sld [smem:$0x7E6]  }
0x57c: {  	[hbm4b:s5+s4] =	stream.linear.scatter [tilespmem:s16], [sflag:$0x8], $0x4000, $0x38;
	[tilespmem:$0x1C000] =	vst v63  }
0x57d: {  	_ = 	snop  }
0x57e: {  	[tilespmem:s15], [sflag:$0x2] =	stream.linear.gather [hbm4b:s6+s4], $0x4000, $0x38;
	[tilespmem:$0x1C000] =	vst v63  }
0x57f: {  	_ =	swait.ge [sflag:s19], $0x4000  }
0x580: {  	[sflag:s19] =	ssyncset.done $0x0  }
0x581: {  	[sflag:s19] =	ssyncadd.s32 $0xFFFFC000  }
0x582: {  	_ =	swait.ge [sflag:s2], $0x4000  }
0x583: {  	s7 =	sld [smem:$0x7E4]  }
0x584: {  	[sflag:s2] =	ssyncset.done $0x0  }
0x585: {  	[sflag:s2] =	ssyncadd.s32 $0xFFFFC000  }
0x586: {  	[tilespmem:s22], [sflag:$0x7] =	stream.linear.gather [hbm4b:s7+s4], $0x4000, $0x38;
	[tilespmem:$0x1C000] =	vst v63  }
0x587: {  	_ =	swait.ge [sflag:s23], $0x4000  }
0x588: {  	[sflag:s23] =	ssyncset.done $0x0  }
0x589: {  	[sflag:s23] =	ssyncadd.s32 $0xFFFFC000  }
.LBB2_66:
0x58a: {  	s5 =	sshll.u32 s4, $0xA;
	s6 =	sshll.u32 s4, $0x7  }
0x58b: {  	s5 =	sand.u32 $0x2000, s5;
	s6 =	sand.u32 $0x380, s6  }
0x58c: {  	p0 =	por $0x1, $0x1;
	s5 =	sor.u32 s5, s6;
	s6 =	simm.s32 $0x0  }
.LBB2_67:
0x58d: {  	s6 =	sor.u32 s6, s5  }
0x58e: {  	v0 =	vld [tilespmem:s6+$0x0];
	s7 =	sor.u32 $0x10, s6  }
0x58f: {  	v1 =	vld [tilespmem:s7+$0x0];
	s7 =	sor.u32 $0x20, s6  }
0x590: {  	v37 =	vld [tilespmem:s7+$0x0];
	s7 =	sor.u32 $0x30, s6  }
0x591: {  	v38 =	vld [tilespmem:s7+$0x0];
	s7 =	sor.u32 $0x40, s6  }
0x592: {  	v2 =	vld [tilespmem:s7+$0x0]  }
0x593: {  	s7 =	sor.u32 $0x50, s6;
	[tilespmem:s6+$0xC000] =	vst.add.f32.msk $0xffff, v0  }
0x594: {  	v3 =	vld [tilespmem:s7+$0x0]  }
0x595: {  	s7 =	sor.u32 $0x60, s6;
	[tilespmem:s6+$0xC010] =	vst.add.f32.msk $0xffff, v1  }
0x596: {  	v4 =	vld [tilespmem:s7+$0x0]  }
0x597: {  	s7 =	sor.u32 $0x70, s6;
	[tilespmem:s6+$0xC020] =	vst.add.f32.msk $0xffff, v37  }
0x598: {  	v39 =	vld [tilespmem:s7+$0x0]  }
0x599: {  	s7 =	sor.u32 $0x400, s6;
	[tilespmem:s6+$0xC030] =	vst.add.f32.msk $0xffff, v38  }
0x59a: {  	v40 =	vld [tilespmem:s7+$0x0]  }
0x59b: {  	s7 =	sor.u32 $0x410, s6;
	[tilespmem:s6+$0xC040] =	vst.add.f32.msk $0xffff, v2  }
0x59c: {  	v41 =	vld [tilespmem:s7+$0x0]  }
0x59d: {  	s7 =	sor.u32 $0x420, s6;
	[tilespmem:s6+$0xC050] =	vst.add.f32.msk $0xffff, v3  }
0x59e: {  	v42 =	vld [tilespmem:s7+$0x0]  }
0x59f: {  	s7 =	sor.u32 $0x430, s6;
	[tilespmem:s6+$0xC060] =	vst.add.f32.msk $0xffff, v4  }
0x5a0: {  	v43 =	vld [tilespmem:s7+$0x0]  }
0x5a1: {  	s7 =	sor.u32 $0x440, s6;
	[tilespmem:s6+$0xC070] =	vst.add.f32.msk $0xffff, v39  }
0x5a2: {  	v44 =	vld [tilespmem:s7+$0x0]  }
0x5a3: {  	s7 =	sor.u32 $0x450, s6;
	[tilespmem:s6+$0xC400] =	vst.add.f32.msk $0xffff, v40  }
0x5a4: {  	v45 =	vld [tilespmem:s7+$0x0]  }
0x5a5: {  	s7 =	sor.u32 $0x460, s6;
	[tilespmem:s6+$0xC410] =	vst.add.f32.msk $0xffff, v41  }
0x5a6: {  	v46 =	vld [tilespmem:s7+$0x0]  }
0x5a7: {  	s7 =	sor.u32 $0x470, s6;
	[tilespmem:s6+$0xC420] =	vst.add.f32.msk $0xffff, v42  }
0x5a8: {  	v47 =	vld [tilespmem:s7+$0x0]  }
0x5a9: {  	s7 =	sor.u32 $0x800, s6;
	[tilespmem:s6+$0xC430] =	vst.add.f32.msk $0xffff, v43  }
0x5aa: {  	v48 =	vld [tilespmem:s7+$0x0]  }
0x5ab: {  	s7 =	sor.u32 $0x810, s6;
	[tilespmem:s6+$0xC440] =	vst.add.f32.msk $0xffff, v44  }
0x5ac: {  	v49 =	vld [tilespmem:s7+$0x0]  }
0x5ad: {  	s7 =	sor.u32 $0x820, s6;
	[tilespmem:s6+$0xC450] =	vst.add.f32.msk $0xffff, v45  }
0x5ae: {  	v50 =	vld [tilespmem:s7+$0x0]  }
0x5af: {  	s7 =	sor.u32 $0x830, s6;
	[tilespmem:s6+$0xC460] =	vst.add.f32.msk $0xffff, v46  }
0x5b0: {  	v51 =	vld [tilespmem:s7+$0x0]  }
0x5b1: {  	s7 =	sor.u32 $0x840, s6;
	[tilespmem:s6+$0xC470] =	vst.add.f32.msk $0xffff, v47  }
0x5b2: {  	v52 =	vld [tilespmem:s7+$0x0]  }
0x5b3: {  	s7 =	sor.u32 $0x850, s6;
	[tilespmem:s6+$0xC800] =	vst.add.f32.msk $0xffff, v48  }
0x5b4: {  	v53 =	vld [tilespmem:s7+$0x0]  }
0x5b5: {  	s7 =	sor.u32 $0x860, s6;
	[tilespmem:s6+$0xC810] =	vst.add.f32.msk $0xffff, v49  }
0x5b6: {  	v54 =	vld [tilespmem:s7+$0x0]  }
0x5b7: {  	s7 =	sor.u32 $0x870, s6;
	[tilespmem:s6+$0xC820] =	vst.add.f32.msk $0xffff, v50  }
0x5b8: {  	v55 =	vld [tilespmem:s7+$0x0]  }
0x5b9: {  	s7 =	sor.u32 $0xC00, s6;
	[tilespmem:s6+$0xC830] =	vst.add.f32.msk $0xffff, v51  }
0x5ba: {  	v56 =	vld [tilespmem:s7+$0x0]  }
0x5bb: {  	s7 =	sor.u32 $0xC10, s6;
	[tilespmem:s6+$0xC840] =	vst.add.f32.msk $0xffff, v52  }
0x5bc: {  	v57 =	vld [tilespmem:s7+$0x0]  }
0x5bd: {  	s7 =	sor.u32 $0xC20, s6;
	[tilespmem:s6+$0xC850] =	vst.add.f32.msk $0xffff, v53  }
0x5be: {  	v58 =	vld [tilespmem:s7+$0x0]  }
0x5bf: {  	s7 =	sor.u32 $0xC30, s6;
	[tilespmem:s6+$0xC860] =	vst.add.f32.msk $0xffff, v54  }
0x5c0: {  	v59 =	vld [tilespmem:s7+$0x0]  }
0x5c1: {  	s7 =	sor.u32 $0xC40, s6;
	[tilespmem:s6+$0xC870] =	vst.add.f32.msk $0xffff, v55  }
0x5c2: {  	v60 =	vld [tilespmem:s7+$0x0]  }
0x5c3: {  	s7 =	sor.u32 $0xC50, s6;
	[tilespmem:s6+$0xCC00] =	vst.add.f32.msk $0xffff, v56  }
0x5c4: {  	v61 =	vld [tilespmem:s7+$0x0]  }
0x5c5: {  	s7 =	sor.u32 $0xC60, s6;
	[tilespmem:s6+$0xCC10] =	vst.add.f32.msk $0xffff, v57  }
0x5c6: {  	v62 =	vld [tilespmem:s7+$0x0]  }
0x5c7: {  	s7 =	sor.u32 $0xC70, s6;
	[tilespmem:s6+$0xCC20] =	vst.add.f32.msk $0xffff, v58  }
0x5c8: {  	p1 =	por p0, p0;
	v63 =	vld [tilespmem:s7+$0x0]  }
.Ltmp32:
0x5c9: {  	[tilespmem:s6+$0xCC30] =	vst.add.f32.msk $0xffff, v59;
	(pc) =	sbr.rel @p1 .LBB2_67-.Ltmp32, $4  }
0x5ca: {  	[tilespmem:s6+$0xCC40] =	vst.add.f32.msk $0xffff, v60  }
0x5cb: {  	[tilespmem:s6+$0xCC50] =	vst.add.f32.msk $0xffff, v61  }
0x5cc: {  	[tilespmem:s6+$0xCC60] =	vst.add.f32.msk $0xffff, v62  }
0x5cd: {  	p0 =	por $0x0, $0x0;
	[tilespmem:s6+$0xCC70] =	vst.add.f32.msk $0xffff, v63;
	s6 =	simm.s32 $0x1000  }
0x5ce: {  	s4 =	sadd.s32 $0x1, s4  }
0x5cf: {  	p0 =	sne.s32 s4, $0x10  }
.Ltmp33:
0x5d0: {  	_ = 	snop;
	(pc) =	sbr.rel @p0 .LBB2_66-.Ltmp33, $1  }
0x5d1: {  	_ =	sdelay $0x3  }
0x5d2: {  	s5 =	sld [smem:$0x7DF];
	_ =	sdelay $0x1  }
0x5d3: {  	s4 =	simm.s32 $0x0  }
0x5d4: {  	[hbm4b:s5+s4] =	stream.linear.scatter [tilespmem:s17], [sflag:$0x9], $0x4000, $0x38;
	[tilespmem:$0x1C000] =	vst v63  }
0x5d5: {  	_ =	swait.ge [sflag:s24], $0x4000  }
0x5d6: {  	s7 =	sld [smem:$0x7E7]  }
0x5d7: {  	[sflag:s24] =	ssyncset.done $0x0  }
0x5d8: {  	[sflag:s24] =	ssyncadd.s32 $0xFFFFC000  }
0x5d9: {  	[tilespmem:s16], [sflag:$0x3] =	stream.linear.gather [hbm4b:s7+s4], $0x4000, $0x38;
	[tilespmem:$0x1C000] =	vst v63  }
0x5da: {  	_ =	swait.ge [sflag:s25], $0x4000  }
0x5db: {  	[sflag:s25] =	ssyncset.done $0x0  }
0x5dc: {  	[sflag:s25] =	ssyncadd.s32 $0xFFFFC000  }
.LBB2_70:
0x5dd: {  	s5 =	sshll.u32 s4, $0xA;
	s6 =	sshll.u32 s4, $0x7  }
0x5de: {  	s5 =	sand.u32 $0x2000, s5;
	s6 =	sand.u32 $0x380, s6  }
0x5df: {  	p0 =	por $0x1, $0x1;
	s5 =	sor.u32 s5, s6;
	s6 =	simm.s32 $0x0  }
.LBB2_71:
0x5e0: {  	s6 =	sor.u32 s6, s5  }
0x5e1: {  	v0 =	vld [tilespmem:s6+$0x0];
	s7 =	sor.u32 $0x10, s6  }
0x5e2: {  	v1 =	vld [tilespmem:s7+$0x0];
	s7 =	sor.u32 $0x20, s6  }
0x5e3: {  	v37 =	vld [tilespmem:s7+$0x0];
	s7 =	sor.u32 $0x30, s6  }
0x5e4: {  	v38 =	vld [tilespmem:s7+$0x0];
	s7 =	sor.u32 $0x40, s6  }
0x5e5: {  	v2 =	vld [tilespmem:s7+$0x0]  }
0x5e6: {  	s7 =	sor.u32 $0x50, s6;
	[tilespmem:s6+$0x10000] =	vst.add.f32.msk $0xffff, v0  }
0x5e7: {  	v3 =	vld [tilespmem:s7+$0x0]  }
0x5e8: {  	s7 =	sor.u32 $0x60, s6;
	[tilespmem:s6+$0x10010] =	vst.add.f32.msk $0xffff, v1  }
0x5e9: {  	v4 =	vld [tilespmem:s7+$0x0]  }
0x5ea: {  	s7 =	sor.u32 $0x70, s6;
	[tilespmem:s6+$0x10020] =	vst.add.f32.msk $0xffff, v37  }
0x5eb: {  	v39 =	vld [tilespmem:s7+$0x0]  }
0x5ec: {  	s7 =	sor.u32 $0x400, s6;
	[tilespmem:s6+$0x10030] =	vst.add.f32.msk $0xffff, v38  }
0x5ed: {  	v40 =	vld [tilespmem:s7+$0x0]  }
0x5ee: {  	s7 =	sor.u32 $0x410, s6;
	[tilespmem:s6+$0x10040] =	vst.add.f32.msk $0xffff, v2  }
0x5ef: {  	v41 =	vld [tilespmem:s7+$0x0]  }
0x5f0: {  	s7 =	sor.u32 $0x420, s6;
	[tilespmem:s6+$0x10050] =	vst.add.f32.msk $0xffff, v3  }
0x5f1: {  	v42 =	vld [tilespmem:s7+$0x0]  }
0x5f2: {  	s7 =	sor.u32 $0x430, s6;
	[tilespmem:s6+$0x10060] =	vst.add.f32.msk $0xffff, v4  }
0x5f3: {  	v43 =	vld [tilespmem:s7+$0x0]  }
0x5f4: {  	s7 =	sor.u32 $0x440, s6;
	[tilespmem:s6+$0x10070] =	vst.add.f32.msk $0xffff, v39  }
0x5f5: {  	v44 =	vld [tilespmem:s7+$0x0]  }
0x5f6: {  	s7 =	sor.u32 $0x450, s6;
	[tilespmem:s6+$0x10400] =	vst.add.f32.msk $0xffff, v40  }
0x5f7: {  	v45 =	vld [tilespmem:s7+$0x0]  }
0x5f8: {  	s7 =	sor.u32 $0x460, s6;
	[tilespmem:s6+$0x10410] =	vst.add.f32.msk $0xffff, v41  }
0x5f9: {  	v46 =	vld [tilespmem:s7+$0x0]  }
0x5fa: {  	s7 =	sor.u32 $0x470, s6;
	[tilespmem:s6+$0x10420] =	vst.add.f32.msk $0xffff, v42  }
0x5fb: {  	v47 =	vld [tilespmem:s7+$0x0]  }
0x5fc: {  	s7 =	sor.u32 $0x800, s6;
	[tilespmem:s6+$0x10430] =	vst.add.f32.msk $0xffff, v43  }
0x5fd: {  	v48 =	vld [tilespmem:s7+$0x0]  }
0x5fe: {  	s7 =	sor.u32 $0x810, s6;
	[tilespmem:s6+$0x10440] =	vst.add.f32.msk $0xffff, v44  }
0x5ff: {  	v49 =	vld [tilespmem:s7+$0x0]  }
0x600: {  	s7 =	sor.u32 $0x820, s6;
	[tilespmem:s6+$0x10450] =	vst.add.f32.msk $0xffff, v45  }
0x601: {  	v50 =	vld [tilespmem:s7+$0x0]  }
0x602: {  	s7 =	sor.u32 $0x830, s6;
	[tilespmem:s6+$0x10460] =	vst.add.f32.msk $0xffff, v46  }
0x603: {  	v51 =	vld [tilespmem:s7+$0x0]  }
0x604: {  	s7 =	sor.u32 $0x840, s6;
	[tilespmem:s6+$0x10470] =	vst.add.f32.msk $0xffff, v47  }
0x605: {  	v52 =	vld [tilespmem:s7+$0x0]  }
0x606: {  	s7 =	sor.u32 $0x850, s6;
	[tilespmem:s6+$0x10800] =	vst.add.f32.msk $0xffff, v48  }
0x607: {  	v53 =	vld [tilespmem:s7+$0x0]  }
0x608: {  	s7 =	sor.u32 $0x860, s6;
	[tilespmem:s6+$0x10810] =	vst.add.f32.msk $0xffff, v49  }
0x609: {  	v54 =	vld [tilespmem:s7+$0x0]  }
0x60a: {  	s7 =	sor.u32 $0x870, s6;
	[tilespmem:s6+$0x10820] =	vst.add.f32.msk $0xffff, v50  }
0x60b: {  	v55 =	vld [tilespmem:s7+$0x0]  }
0x60c: {  	s7 =	sor.u32 $0xC00, s6;
	[tilespmem:s6+$0x10830] =	vst.add.f32.msk $0xffff, v51  }
0x60d: {  	v56 =	vld [tilespmem:s7+$0x0]  }
0x60e: {  	s7 =	sor.u32 $0xC10, s6;
	[tilespmem:s6+$0x10840] =	vst.add.f32.msk $0xffff, v52  }
0x60f: {  	v57 =	vld [tilespmem:s7+$0x0]  }
0x610: {  	s7 =	sor.u32 $0xC20, s6;
	[tilespmem:s6+$0x10850] =	vst.add.f32.msk $0xffff, v53  }
0x611: {  	v58 =	vld [tilespmem:s7+$0x0]  }
0x612: {  	s7 =	sor.u32 $0xC30, s6;
	[tilespmem:s6+$0x10860] =	vst.add.f32.msk $0xffff, v54  }
0x613: {  	v59 =	vld [tilespmem:s7+$0x0]  }
0x614: {  	s7 =	sor.u32 $0xC40, s6;
	[tilespmem:s6+$0x10870] =	vst.add.f32.msk $0xffff, v55  }
0x615: {  	v60 =	vld [tilespmem:s7+$0x0]  }
0x616: {  	s7 =	sor.u32 $0xC50, s6;
	[tilespmem:s6+$0x10C00] =	vst.add.f32.msk $0xffff, v56  }
0x617: {  	v61 =	vld [tilespmem:s7+$0x0]  }
0x618: {  	s7 =	sor.u32 $0xC60, s6;
	[tilespmem:s6+$0x10C10] =	vst.add.f32.msk $0xffff, v57  }
0x619: {  	v62 =	vld [tilespmem:s7+$0x0]  }
0x61a: {  	s7 =	sor.u32 $0xC70, s6;
	[tilespmem:s6+$0x10C20] =	vst.add.f32.msk $0xffff, v58  }
0x61b: {  	p1 =	por p0, p0;
	v63 =	vld [tilespmem:s7+$0x0]  }
.Ltmp34:
0x61c: {  	[tilespmem:s6+$0x10C30] =	vst.add.f32.msk $0xffff, v59;
	(pc) =	sbr.rel @p1 .LBB2_71-.Ltmp34, $4  }
0x61d: {  	[tilespmem:s6+$0x10C40] =	vst.add.f32.msk $0xffff, v60  }
0x61e: {  	[tilespmem:s6+$0x10C50] =	vst.add.f32.msk $0xffff, v61  }
0x61f: {  	[tilespmem:s6+$0x10C60] =	vst.add.f32.msk $0xffff, v62  }
0x620: {  	p0 =	por $0x0, $0x0;
	[tilespmem:s6+$0x10C70] =	vst.add.f32.msk $0xffff, v63;
	s6 =	simm.s32 $0x1000  }
0x621: {  	s4 =	sadd.s32 $0x1, s4  }
0x622: {  	p0 =	sne.s32 s4, $0x10  }
.Ltmp35:
0x623: {  	_ = 	snop;
	(pc) =	sbr.rel @p0 .LBB2_70-.Ltmp35, $1  }
0x624: {  	_ =	sdelay $0x3  }
0x625: {  	s5 =	sld [smem:$0x7E1];
	_ =	sdelay $0x1  }
0x626: {  	s4 =	simm.s32 $0x0  }
0x627: {  	[hbm4b:s5+s4] =	stream.linear.scatter [tilespmem:s18], [sflag:$0xA], $0x4000, $0x38;
	[tilespmem:$0x1C000] =	vst v63  }
0x628: {  	_ =	swait.ge [sflag:s26], $0x4000  }
0x629: {  	s7 =	sld [smem:$0x7E9]  }
0x62a: {  	[sflag:s26] =	ssyncset.done $0x0  }
0x62b: {  	[sflag:s26] =	ssyncadd.s32 $0xFFFFC000  }
0x62c: {  	[tilespmem:s17], [sflag:$0x4] =	stream.linear.gather [hbm4b:s7+s4], $0x4000, $0x38;
	[tilespmem:$0x1C000] =	vst v63  }
0x62d: {  	_ =	swait.ge [sflag:s28], $0x4000  }
0x62e: {  	[sflag:s28] =	ssyncset.done $0x0  }
0x62f: {  	[sflag:s28] =	ssyncadd.s32 $0xFFFFC000  }
.LBB2_74:
0x630: {  	s5 =	sshll.u32 s4, $0xA;
	s6 =	sshll.u32 s4, $0x7  }
0x631: {  	s5 =	sand.u32 $0x2000, s5;
	s6 =	sand.u32 $0x380, s6  }
0x632: {  	p0 =	por $0x1, $0x1;
	s5 =	sor.u32 s5, s6;
	s6 =	simm.s32 $0x0  }
.LBB2_75:
0x633: {  	s6 =	sor.u32 s6, s5  }
0x634: {  	v0 =	vld [tilespmem:s6+$0x0];
	s7 =	sor.u32 $0x10, s6  }
0x635: {  	v1 =	vld [tilespmem:s7+$0x0];
	s7 =	sor.u32 $0x20, s6  }
0x636: {  	v37 =	vld [tilespmem:s7+$0x0];
	s7 =	sor.u32 $0x30, s6  }
0x637: {  	v38 =	vld [tilespmem:s7+$0x0];
	s7 =	sor.u32 $0x40, s6  }
0x638: {  	v2 =	vld [tilespmem:s7+$0x0]  }
0x639: {  	s7 =	sor.u32 $0x50, s6;
	[tilespmem:s6+$0x14000] =	vst.add.f32.msk $0xffff, v0  }
0x63a: {  	v3 =	vld [tilespmem:s7+$0x0]  }
0x63b: {  	s7 =	sor.u32 $0x60, s6;
	[tilespmem:s6+$0x14010] =	vst.add.f32.msk $0xffff, v1  }
0x63c: {  	v4 =	vld [tilespmem:s7+$0x0]  }
0x63d: {  	s7 =	sor.u32 $0x70, s6;
	[tilespmem:s6+$0x14020] =	vst.add.f32.msk $0xffff, v37  }
0x63e: {  	v39 =	vld [tilespmem:s7+$0x0]  }
0x63f: {  	s7 =	sor.u32 $0x400, s6;
	[tilespmem:s6+$0x14030] =	vst.add.f32.msk $0xffff, v38  }
0x640: {  	v40 =	vld [tilespmem:s7+$0x0]  }
0x641: {  	s7 =	sor.u32 $0x410, s6;
	[tilespmem:s6+$0x14040] =	vst.add.f32.msk $0xffff, v2  }
0x642: {  	v41 =	vld [tilespmem:s7+$0x0]  }
0x643: {  	s7 =	sor.u32 $0x420, s6;
	[tilespmem:s6+$0x14050] =	vst.add.f32.msk $0xffff, v3  }
0x644: {  	v42 =	vld [tilespmem:s7+$0x0]  }
0x645: {  	s7 =	sor.u32 $0x430, s6;
	[tilespmem:s6+$0x14060] =	vst.add.f32.msk $0xffff, v4  }
0x646: {  	v43 =	vld [tilespmem:s7+$0x0]  }
0x647: {  	s7 =	sor.u32 $0x440, s6;
	[tilespmem:s6+$0x14070] =	vst.add.f32.msk $0xffff, v39  }
0x648: {  	v44 =	vld [tilespmem:s7+$0x0]  }
0x649: {  	s7 =	sor.u32 $0x450, s6;
	[tilespmem:s6+$0x14400] =	vst.add.f32.msk $0xffff, v40  }
0x64a: {  	v45 =	vld [tilespmem:s7+$0x0]  }
0x64b: {  	s7 =	sor.u32 $0x460, s6;
	[tilespmem:s6+$0x14410] =	vst.add.f32.msk $0xffff, v41  }
0x64c: {  	v46 =	vld [tilespmem:s7+$0x0]  }
0x64d: {  	s7 =	sor.u32 $0x470, s6;
	[tilespmem:s6+$0x14420] =	vst.add.f32.msk $0xffff, v42  }
0x64e: {  	v47 =	vld [tilespmem:s7+$0x0]  }
0x64f: {  	s7 =	sor.u32 $0x800, s6;
	[tilespmem:s6+$0x14430] =	vst.add.f32.msk $0xffff, v43  }
0x650: {  	v48 =	vld [tilespmem:s7+$0x0]  }
0x651: {  	s7 =	sor.u32 $0x810, s6;
	[tilespmem:s6+$0x14440] =	vst.add.f32.msk $0xffff, v44  }
0x652: {  	v49 =	vld [tilespmem:s7+$0x0]  }
0x653: {  	s7 =	sor.u32 $0x820, s6;
	[tilespmem:s6+$0x14450] =	vst.add.f32.msk $0xffff, v45  }
0x654: {  	v50 =	vld [tilespmem:s7+$0x0]  }
0x655: {  	s7 =	sor.u32 $0x830, s6;
	[tilespmem:s6+$0x14460] =	vst.add.f32.msk $0xffff, v46  }
0x656: {  	v51 =	vld [tilespmem:s7+$0x0]  }
0x657: {  	s7 =	sor.u32 $0x840, s6;
	[tilespmem:s6+$0x14470] =	vst.add.f32.msk $0xffff, v47  }
0x658: {  	v52 =	vld [tilespmem:s7+$0x0]  }
0x659: {  	s7 =	sor.u32 $0x850, s6;
	[tilespmem:s6+$0x14800] =	vst.add.f32.msk $0xffff, v48  }
0x65a: {  	v53 =	vld [tilespmem:s7+$0x0]  }
0x65b: {  	s7 =	sor.u32 $0x860, s6;
	[tilespmem:s6+$0x14810] =	vst.add.f32.msk $0xffff, v49  }
0x65c: {  	v54 =	vld [tilespmem:s7+$0x0]  }
0x65d: {  	s7 =	sor.u32 $0x870, s6;
	[tilespmem:s6+$0x14820] =	vst.add.f32.msk $0xffff, v50  }
0x65e: {  	v55 =	vld [tilespmem:s7+$0x0]  }
0x65f: {  	s7 =	sor.u32 $0xC00, s6;
	[tilespmem:s6+$0x14830] =	vst.add.f32.msk $0xffff, v51  }
0x660: {  	v56 =	vld [tilespmem:s7+$0x0]  }
0x661: {  	s7 =	sor.u32 $0xC10, s6;
	[tilespmem:s6+$0x14840] =	vst.add.f32.msk $0xffff, v52  }
0x662: {  	v57 =	vld [tilespmem:s7+$0x0]  }
0x663: {  	s7 =	sor.u32 $0xC20, s6;
	[tilespmem:s6+$0x14850] =	vst.add.f32.msk $0xffff, v53  }
0x664: {  	v58 =	vld [tilespmem:s7+$0x0]  }
0x665: {  	s7 =	sor.u32 $0xC30, s6;
	[tilespmem:s6+$0x14860] =	vst.add.f32.msk $0xffff, v54  }
0x666: {  	v59 =	vld [tilespmem:s7+$0x0]  }
0x667: {  	s7 =	sor.u32 $0xC40, s6;
	[tilespmem:s6+$0x14870] =	vst.add.f32.msk $0xffff, v55  }
0x668: {  	v60 =	vld [tilespmem:s7+$0x0]  }
0x669: {  	s7 =	sor.u32 $0xC50, s6;
	[tilespmem:s6+$0x14C00] =	vst.add.f32.msk $0xffff, v56  }
0x66a: {  	v61 =	vld [tilespmem:s7+$0x0]  }
0x66b: {  	s7 =	sor.u32 $0xC60, s6;
	[tilespmem:s6+$0x14C10] =	vst.add.f32.msk $0xffff, v57  }
0x66c: {  	v62 =	vld [tilespmem:s7+$0x0]  }
0x66d: {  	s7 =	sor.u32 $0xC70, s6;
	[tilespmem:s6+$0x14C20] =	vst.add.f32.msk $0xffff, v58  }
0x66e: {  	p1 =	por p0, p0;
	v63 =	vld [tilespmem:s7+$0x0]  }
.Ltmp36:
0x66f: {  	[tilespmem:s6+$0x14C30] =	vst.add.f32.msk $0xffff, v59;
	(pc) =	sbr.rel @p1 .LBB2_75-.Ltmp36, $4  }
0x670: {  	[tilespmem:s6+$0x14C40] =	vst.add.f32.msk $0xffff, v60  }
0x671: {  	[tilespmem:s6+$0x14C50] =	vst.add.f32.msk $0xffff, v61  }
0x672: {  	[tilespmem:s6+$0x14C60] =	vst.add.f32.msk $0xffff, v62  }
0x673: {  	p0 =	por $0x0, $0x0;
	[tilespmem:s6+$0x14C70] =	vst.add.f32.msk $0xffff, v63;
	s6 =	simm.s32 $0x1000  }
0x674: {  	s4 =	sadd.s32 $0x1, s4  }
0x675: {  	p0 =	sne.s32 s4, $0x10  }
.Ltmp37:
0x676: {  	_ = 	snop;
	(pc) =	sbr.rel @p0 .LBB2_74-.Ltmp37, $1  }
0x677: {  	_ =	sdelay $0x3  }
0x678: {  	s5 =	sld [smem:$0x7E3];
	_ =	sdelay $0x1  }
0x679: {  	s4 =	simm.s32 $0x0  }
0x67a: {  	[hbm4b:s5+s4] =	stream.linear.scatter [tilespmem:s20], [sflag:$0xB], $0x4000, $0x38;
	[tilespmem:$0x1C000] =	vst v63  }
0x67b: {  	_ =	swait.ge [sflag:s30], $0x4000  }
0x67c: {  	s7 =	sld [smem:$0x7EB]  }
0x67d: {  	[sflag:s30] =	ssyncset.done $0x0  }
0x67e: {  	[sflag:s30] =	ssyncadd.s32 $0xFFFFC000  }
0x67f: {  	[tilespmem:s18], [sflag:$0x5] =	stream.linear.gather [hbm4b:s7+s4], $0x4000, $0x38;
	[tilespmem:$0x1C000] =	vst v63  }
0x680: {  	_ =	swait.ge [sflag:s31], $0x4000  }
0x681: {  	[sflag:s31] =	ssyncset.done $0x0  }
0x682: {  	[sflag:s31] =	ssyncadd.s32 $0xFFFFC000  }
.LBB2_78:
0x683: {  	s5 =	sshll.u32 s4, $0xA;
	s6 =	sshll.u32 s4, $0x7  }
0x684: {  	s5 =	sand.u32 $0x2000, s5;
	s6 =	sand.u32 $0x380, s6  }
0x685: {  	p0 =	por $0x1, $0x1;
	s5 =	sor.u32 s5, s6;
	s6 =	simm.s32 $0x0  }
.LBB2_79:
0x686: {  	s6 =	sor.u32 s6, s5  }
0x687: {  	v0 =	vld [tilespmem:s6+$0x0];
	s7 =	sor.u32 $0x10, s6  }
0x688: {  	v1 =	vld [tilespmem:s7+$0x0];
	s7 =	sor.u32 $0x20, s6  }
0x689: {  	v37 =	vld [tilespmem:s7+$0x0];
	s7 =	sor.u32 $0x30, s6  }
0x68a: {  	v38 =	vld [tilespmem:s7+$0x0];
	s7 =	sor.u32 $0x40, s6  }
0x68b: {  	v2 =	vld [tilespmem:s7+$0x0]  }
0x68c: {  	s7 =	sor.u32 $0x50, s6;
	[tilespmem:s6+$0x18000] =	vst.add.f32.msk $0xffff, v0  }
0x68d: {  	v3 =	vld [tilespmem:s7+$0x0]  }
0x68e: {  	s7 =	sor.u32 $0x60, s6;
	[tilespmem:s6+$0x18010] =	vst.add.f32.msk $0xffff, v1  }
0x68f: {  	v4 =	vld [tilespmem:s7+$0x0]  }
0x690: {  	s7 =	sor.u32 $0x70, s6;
	[tilespmem:s6+$0x18020] =	vst.add.f32.msk $0xffff, v37  }
0x691: {  	v39 =	vld [tilespmem:s7+$0x0]  }
0x692: {  	s7 =	sor.u32 $0x400, s6;
	[tilespmem:s6+$0x18030] =	vst.add.f32.msk $0xffff, v38  }
0x693: {  	v40 =	vld [tilespmem:s7+$0x0]  }
0x694: {  	s7 =	sor.u32 $0x410, s6;
	[tilespmem:s6+$0x18040] =	vst.add.f32.msk $0xffff, v2  }
0x695: {  	v41 =	vld [tilespmem:s7+$0x0]  }
0x696: {  	s7 =	sor.u32 $0x420, s6;
	[tilespmem:s6+$0x18050] =	vst.add.f32.msk $0xffff, v3  }
0x697: {  	v42 =	vld [tilespmem:s7+$0x0]  }
0x698: {  	s7 =	sor.u32 $0x430, s6;
	[tilespmem:s6+$0x18060] =	vst.add.f32.msk $0xffff, v4  }
0x699: {  	v43 =	vld [tilespmem:s7+$0x0]  }
0x69a: {  	s7 =	sor.u32 $0x440, s6;
	[tilespmem:s6+$0x18070] =	vst.add.f32.msk $0xffff, v39  }
0x69b: {  	v44 =	vld [tilespmem:s7+$0x0]  }
0x69c: {  	s7 =	sor.u32 $0x450, s6;
	[tilespmem:s6+$0x18400] =	vst.add.f32.msk $0xffff, v40  }
0x69d: {  	v45 =	vld [tilespmem:s7+$0x0]  }
0x69e: {  	s7 =	sor.u32 $0x460, s6;
	[tilespmem:s6+$0x18410] =	vst.add.f32.msk $0xffff, v41  }
0x69f: {  	v46 =	vld [tilespmem:s7+$0x0]  }
0x6a0: {  	s7 =	sor.u32 $0x470, s6;
	[tilespmem:s6+$0x18420] =	vst.add.f32.msk $0xffff, v42  }
0x6a1: {  	v47 =	vld [tilespmem:s7+$0x0]  }
0x6a2: {  	s7 =	sor.u32 $0x800, s6;
	[tilespmem:s6+$0x18430] =	vst.add.f32.msk $0xffff, v43  }
0x6a3: {  	v48 =	vld [tilespmem:s7+$0x0]  }
0x6a4: {  	s7 =	sor.u32 $0x810, s6;
	[tilespmem:s6+$0x18440] =	vst.add.f32.msk $0xffff, v44  }
0x6a5: {  	v49 =	vld [tilespmem:s7+$0x0]  }
0x6a6: {  	s7 =	sor.u32 $0x820, s6;
	[tilespmem:s6+$0x18450] =	vst.add.f32.msk $0xffff, v45  }
0x6a7: {  	v50 =	vld [tilespmem:s7+$0x0]  }
0x6a8: {  	s7 =	sor.u32 $0x830, s6;
	[tilespmem:s6+$0x18460] =	vst.add.f32.msk $0xffff, v46  }
0x6a9: {  	v51 =	vld [tilespmem:s7+$0x0]  }
0x6aa: {  	s7 =	sor.u32 $0x840, s6;
	[tilespmem:s6+$0x18470] =	vst.add.f32.msk $0xffff, v47  }
0x6ab: {  	v52 =	vld [tilespmem:s7+$0x0]  }
0x6ac: {  	s7 =	sor.u32 $0x850, s6;
	[tilespmem:s6+$0x18800] =	vst.add.f32.msk $0xffff, v48  }
0x6ad: {  	v53 =	vld [tilespmem:s7+$0x0]  }
0x6ae: {  	s7 =	sor.u32 $0x860, s6;
	[tilespmem:s6+$0x18810] =	vst.add.f32.msk $0xffff, v49  }
0x6af: {  	v54 =	vld [tilespmem:s7+$0x0]  }
0x6b0: {  	s7 =	sor.u32 $0x870, s6;
	[tilespmem:s6+$0x18820] =	vst.add.f32.msk $0xffff, v50  }
0x6b1: {  	v55 =	vld [tilespmem:s7+$0x0]  }
0x6b2: {  	s7 =	sor.u32 $0xC00, s6;
	[tilespmem:s6+$0x18830] =	vst.add.f32.msk $0xffff, v51  }
0x6b3: {  	v56 =	vld [tilespmem:s7+$0x0]  }
0x6b4: {  	s7 =	sor.u32 $0xC10, s6;
	[tilespmem:s6+$0x18840] =	vst.add.f32.msk $0xffff, v52  }
0x6b5: {  	v57 =	vld [tilespmem:s7+$0x0]  }
0x6b6: {  	s7 =	sor.u32 $0xC20, s6;
	[tilespmem:s6+$0x18850] =	vst.add.f32.msk $0xffff, v53  }
0x6b7: {  	v58 =	vld [tilespmem:s7+$0x0]  }
0x6b8: {  	s7 =	sor.u32 $0xC30, s6;
	[tilespmem:s6+$0x18860] =	vst.add.f32.msk $0xffff, v54  }
0x6b9: {  	v59 =	vld [tilespmem:s7+$0x0]  }
0x6ba: {  	s7 =	sor.u32 $0xC40, s6;
	[tilespmem:s6+$0x18870] =	vst.add.f32.msk $0xffff, v55  }
0x6bb: {  	v60 =	vld [tilespmem:s7+$0x0]  }
0x6bc: {  	s7 =	sor.u32 $0xC50, s6;
	[tilespmem:s6+$0x18C00] =	vst.add.f32.msk $0xffff, v56  }
0x6bd: {  	v61 =	vld [tilespmem:s7+$0x0]  }
0x6be: {  	s7 =	sor.u32 $0xC60, s6;
	[tilespmem:s6+$0x18C10] =	vst.add.f32.msk $0xffff, v57  }
0x6bf: {  	v62 =	vld [tilespmem:s7+$0x0]  }
0x6c0: {  	s7 =	sor.u32 $0xC70, s6;
	[tilespmem:s6+$0x18C20] =	vst.add.f32.msk $0xffff, v58  }
0x6c1: {  	p1 =	por p0, p0;
	v63 =	vld [tilespmem:s7+$0x0]  }
.Ltmp38:
0x6c2: {  	[tilespmem:s6+$0x18C30] =	vst.add.f32.msk $0xffff, v59;
	(pc) =	sbr.rel @p1 .LBB2_79-.Ltmp38, $4  }
0x6c3: {  	[tilespmem:s6+$0x18C40] =	vst.add.f32.msk $0xffff, v60  }
0x6c4: {  	[tilespmem:s6+$0x18C50] =	vst.add.f32.msk $0xffff, v61  }
0x6c5: {  	[tilespmem:s6+$0x18C60] =	vst.add.f32.msk $0xffff, v62  }
0x6c6: {  	p0 =	por $0x0, $0x0;
	[tilespmem:s6+$0x18C70] =	vst.add.f32.msk $0xffff, v63;
	s6 =	simm.s32 $0x1000  }
0x6c7: {  	s4 =	sadd.s32 $0x1, s4  }
0x6c8: {  	p0 =	sne.s32 s4, $0x10  }
.Ltmp39:
0x6c9: {  	_ = 	snop;
	(pc) =	sbr.rel @p0 .LBB2_78-.Ltmp39, $1  }
0x6ca: {  	_ =	sdelay $0x3  }
0x6cb: {  	s5 =	sld [smem:$0x7E5];
	_ =	sdelay $0x1  }
0x6cc: {  	s4 =	simm.s32 $0x0;
	s6 =	sld [smem:$0x7F0]  }
0x6cd: {  	[hbm4b:s5+s4] =	stream.linear.scatter [tilespmem:s22], [sflag:$0xC], $0x4000, $0x38;
	[tilespmem:$0x1C000] =	vst v63  }
0x6ce: {  	_ = 	snop  }
0x6cf: {  	[tilespmem:s4], [sflag:$0x1] =	stream.linear.gather [hbm4b:s6+s4], $0x4000, $0x38;
	[tilespmem:$0x1C000] =	vst v63  }
0x6d0: {  	_ =	swait.ge [sflag:s29], $0x4000  }
0x6d1: {  	[sflag:s29] =	ssyncset.done $0x0  }
0x6d2: {  	[sflag:s29] =	ssyncadd.s32 $0xFFFFC000  }
0x6d3: {  	_ =	swait.ge [sflag:s0], $0x4000  }
0x6d4: {  	s7 =	sld [smem:$0x7ED]  }
0x6d5: {  	[sflag:s0] =	ssyncset.done $0x0  }
0x6d6: {  	[sflag:s0] =	ssyncadd.s32 $0xFFFFC000  }
0x6d7: {  	[tilespmem:s20], [sflag:$0x6] =	stream.linear.gather [hbm4b:s7+s4], $0x4000, $0x38;
	[tilespmem:$0x1C000] =	vst v63  }
0x6d8: {  	_ =	swait.ge [sflag:s21], $0x4000  }
0x6d9: {  	[sflag:s21] =	ssyncset.done $0x0  }
0x6da: {  	[sflag:s21] =	ssyncadd.s32 $0xFFFFC000  }
.LBB2_82:
0x6db: {  	s5 =	sshll.u32 s4, $0xA;
	s6 =	sshll.u32 s4, $0x7  }
0x6dc: {  	s5 =	sand.u32 $0x2000, s5;
	s6 =	sand.u32 $0x380, s6  }
0x6dd: {  	p0 =	por $0x1, $0x1;
	s5 =	sor.u32 s5, s6;
	s6 =	simm.s32 $0x0  }
.LBB2_83:
0x6de: {  	s6 =	sor.u32 s6, s5  }
0x6df: {  	v0 =	vld [tilespmem:s6+$0x4000]  }
0x6e0: {  	v1 =	vld [tilespmem:s6+$0x4010]  }
0x6e1: {  	v37 =	vld [tilespmem:s6+$0x4020]  }
0x6e2: {  	v38 =	vld [tilespmem:s6+$0x4030]  }
0x6e3: {  	v2 =	vld [tilespmem:s6+$0x4040]  }
0x6e4: {  	v3 =	vld [tilespmem:s6+$0x4050]  }
0x6e5: {  	v4 =	vld [tilespmem:s6+$0x4060]  }
0x6e6: {  	v39 =	vld [tilespmem:s6+$0x4070]  }
0x6e7: {  	v40 =	vld [tilespmem:s6+$0x4400]  }
0x6e8: {  	v41 =	vld [tilespmem:s6+$0x4410]  }
0x6e9: {  	v42 =	vld [tilespmem:s6+$0x4420]  }
0x6ea: {  	v43 =	vld [tilespmem:s6+$0x4430]  }
0x6eb: {  	v44 =	vld [tilespmem:s6+$0x4440]  }
0x6ec: {  	v45 =	vld [tilespmem:s6+$0x4450]  }
0x6ed: {  	v46 =	vld [tilespmem:s6+$0x4460]  }
0x6ee: {  	v47 =	vld [tilespmem:s6+$0x4470]  }
0x6ef: {  	v48 =	vld [tilespmem:s6+$0x4800]  }
0x6f0: {  	v49 =	vld [tilespmem:s6+$0x4810]  }
0x6f1: {  	v50 =	vld [tilespmem:s6+$0x4820]  }
0x6f2: {  	v51 =	vld [tilespmem:s6+$0x4830]  }
0x6f3: {  	v52 =	vld [tilespmem:s6+$0x4840]  }
0x6f4: {  	v53 =	vld [tilespmem:s6+$0x4850]  }
0x6f5: {  	v54 =	vld [tilespmem:s6+$0x4860]  }
0x6f6: {  	v55 =	vld [tilespmem:s6+$0x4870]  }
0x6f7: {  	v56 =	vld [tilespmem:s6+$0x4C00]  }
0x6f8: {  	v57 =	vld [tilespmem:s6+$0x4C10]  }
0x6f9: {  	v58 =	vld [tilespmem:s6+$0x4C20]  }
0x6fa: {  	v59 =	vld [tilespmem:s6+$0x4C30]  }
0x6fb: {  	v60 =	vld [tilespmem:s6+$0x4C40]  }
0x6fc: {  	v61 =	vld [tilespmem:s6+$0x4C50]  }
0x6fd: {  	v62 =	vld [tilespmem:s6+$0x4C60]  }
0x6fe: {  	v63 =	vld [tilespmem:s6+$0x4C70]  }
0x6ff: {  	[tilespmem:s6+$0x8000] =	vst.add.f32.msk $0xffff, v0  }
0x700: {  	[tilespmem:s6+$0x8010] =	vst.add.f32.msk $0xffff, v1  }
0x701: {  	[tilespmem:s6+$0x8020] =	vst.add.f32.msk $0xffff, v37  }
0x702: {  	[tilespmem:s6+$0x8030] =	vst.add.f32.msk $0xffff, v38  }
0x703: {  	[tilespmem:s6+$0x8040] =	vst.add.f32.msk $0xffff, v2  }
0x704: {  	[tilespmem:s6+$0x8050] =	vst.add.f32.msk $0xffff, v3  }
0x705: {  	[tilespmem:s6+$0x8060] =	vst.add.f32.msk $0xffff, v4  }
0x706: {  	[tilespmem:s6+$0x8070] =	vst.add.f32.msk $0xffff, v39  }
0x707: {  	[tilespmem:s6+$0x8400] =	vst.add.f32.msk $0xffff, v40  }
0x708: {  	[tilespmem:s6+$0x8410] =	vst.add.f32.msk $0xffff, v41  }
0x709: {  	[tilespmem:s6+$0x8420] =	vst.add.f32.msk $0xffff, v42  }
0x70a: {  	[tilespmem:s6+$0x8430] =	vst.add.f32.msk $0xffff, v43  }
0x70b: {  	[tilespmem:s6+$0x8440] =	vst.add.f32.msk $0xffff, v44  }
0x70c: {  	[tilespmem:s6+$0x8450] =	vst.add.f32.msk $0xffff, v45  }
0x70d: {  	[tilespmem:s6+$0x8460] =	vst.add.f32.msk $0xffff, v46  }
0x70e: {  	[tilespmem:s6+$0x8470] =	vst.add.f32.msk $0xffff, v47  }
0x70f: {  	[tilespmem:s6+$0x8800] =	vst.add.f32.msk $0xffff, v48  }
0x710: {  	[tilespmem:s6+$0x8810] =	vst.add.f32.msk $0xffff, v49  }
0x711: {  	[tilespmem:s6+$0x8820] =	vst.add.f32.msk $0xffff, v50  }
0x712: {  	[tilespmem:s6+$0x8830] =	vst.add.f32.msk $0xffff, v51  }
0x713: {  	[tilespmem:s6+$0x8840] =	vst.add.f32.msk $0xffff, v52  }
0x714: {  	[tilespmem:s6+$0x8850] =	vst.add.f32.msk $0xffff, v53  }
0x715: {  	[tilespmem:s6+$0x8860] =	vst.add.f32.msk $0xffff, v54  }
0x716: {  	[tilespmem:s6+$0x8870] =	vst.add.f32.msk $0xffff, v55  }
0x717: {  	[tilespmem:s6+$0x8C00] =	vst.add.f32.msk $0xffff, v56  }
0x718: {  	[tilespmem:s6+$0x8C10] =	vst.add.f32.msk $0xffff, v57  }
0x719: {  	p1 =	por p0, p0;
	[tilespmem:s6+$0x8C20] =	vst.add.f32.msk $0xffff, v58  }
.Ltmp40:
0x71a: {  	[tilespmem:s6+$0x8C30] =	vst.add.f32.msk $0xffff, v59;
	(pc) =	sbr.rel @p1 .LBB2_83-.Ltmp40, $4  }
0x71b: {  	[tilespmem:s6+$0x8C40] =	vst.add.f32.msk $0xffff, v60  }
0x71c: {  	[tilespmem:s6+$0x8C50] =	vst.add.f32.msk $0xffff, v61  }
0x71d: {  	[tilespmem:s6+$0x8C60] =	vst.add.f32.msk $0xffff, v62  }
0x71e: {  	p0 =	por $0x0, $0x0;
	[tilespmem:s6+$0x8C70] =	vst.add.f32.msk $0xffff, v63;
	s6 =	simm.s32 $0x1000  }
0x71f: {  	s4 =	sadd.s32 $0x1, s4  }
0x720: {  	p0 =	sne.s32 s4, $0x10  }
.Ltmp41:
0x721: {  	_ = 	snop;
	(pc) =	sbr.rel @p0 .LBB2_82-.Ltmp41, $1  }
0x722: {  	_ =	sdelay $0x3  }
0x723: {  	s5 =	sld [smem:$0x7E8];
	_ =	sdelay $0x1  }
0x724: {  	s4 =	simm.s32 $0x0  }
0x725: {  	[hbm4b:s5+s4] =	stream.linear.scatter [tilespmem:s16], [sflag:$0x8], $0x4000, $0x38;
	[tilespmem:$0x1C000] =	vst v63  }
0x726: {  	_ =	swait.ge [sflag:s2], $0x4000  }
0x727: {  	s7 =	sld [smem:$0x7F2]  }
0x728: {  	[sflag:s2] =	ssyncset.done $0x0  }
0x729: {  	[sflag:s2] =	ssyncadd.s32 $0xFFFFC000  }
0x72a: {  	[tilespmem:s22], [sflag:$0x7] =	stream.linear.gather [hbm4b:s7+s4], $0x4000, $0x38;
	[tilespmem:$0x1C000] =	vst v63  }
0x72b: {  	_ =	swait.ge [sflag:s23], $0x4000  }
0x72c: {  	[sflag:s23] =	ssyncset.done $0x0  }
0x72d: {  	[sflag:s23] =	ssyncadd.s32 $0xFFFFC000  }
.LBB2_86:
0x72e: {  	s5 =	sshll.u32 s4, $0xA;
	s6 =	sshll.u32 s4, $0x7  }
0x72f: {  	s5 =	sand.u32 $0x2000, s5;
	s6 =	sand.u32 $0x380, s6  }
0x730: {  	p0 =	por $0x1, $0x1;
	s5 =	sor.u32 s5, s6;
	s6 =	simm.s32 $0x0  }
.LBB2_87:
0x731: {  	s6 =	sor.u32 s6, s5  }
0x732: {  	v0 =	vld [tilespmem:s6+$0x4000]  }
0x733: {  	v1 =	vld [tilespmem:s6+$0x4010]  }
0x734: {  	v37 =	vld [tilespmem:s6+$0x4020]  }
0x735: {  	v38 =	vld [tilespmem:s6+$0x4030]  }
0x736: {  	v2 =	vld [tilespmem:s6+$0x4040]  }
0x737: {  	v3 =	vld [tilespmem:s6+$0x4050]  }
0x738: {  	v4 =	vld [tilespmem:s6+$0x4060]  }
0x739: {  	v39 =	vld [tilespmem:s6+$0x4070]  }
0x73a: {  	v40 =	vld [tilespmem:s6+$0x4400]  }
0x73b: {  	v41 =	vld [tilespmem:s6+$0x4410]  }
0x73c: {  	v42 =	vld [tilespmem:s6+$0x4420]  }
0x73d: {  	v43 =	vld [tilespmem:s6+$0x4430]  }
0x73e: {  	v44 =	vld [tilespmem:s6+$0x4440]  }
0x73f: {  	v45 =	vld [tilespmem:s6+$0x4450]  }
0x740: {  	v46 =	vld [tilespmem:s6+$0x4460]  }
0x741: {  	v47 =	vld [tilespmem:s6+$0x4470]  }
0x742: {  	v48 =	vld [tilespmem:s6+$0x4800]  }
0x743: {  	v49 =	vld [tilespmem:s6+$0x4810]  }
0x744: {  	v50 =	vld [tilespmem:s6+$0x4820]  }
0x745: {  	v51 =	vld [tilespmem:s6+$0x4830]  }
0x746: {  	v52 =	vld [tilespmem:s6+$0x4840]  }
0x747: {  	v53 =	vld [tilespmem:s6+$0x4850]  }
0x748: {  	v54 =	vld [tilespmem:s6+$0x4860]  }
0x749: {  	v55 =	vld [tilespmem:s6+$0x4870]  }
0x74a: {  	v56 =	vld [tilespmem:s6+$0x4C00]  }
0x74b: {  	v57 =	vld [tilespmem:s6+$0x4C10]  }
0x74c: {  	v58 =	vld [tilespmem:s6+$0x4C20]  }
0x74d: {  	v59 =	vld [tilespmem:s6+$0x4C30]  }
0x74e: {  	v60 =	vld [tilespmem:s6+$0x4C40]  }
0x74f: {  	v61 =	vld [tilespmem:s6+$0x4C50]  }
0x750: {  	v62 =	vld [tilespmem:s6+$0x4C60]  }
0x751: {  	v63 =	vld [tilespmem:s6+$0x4C70]  }
0x752: {  	[tilespmem:s6+$0xC000] =	vst.add.f32.msk $0xffff, v0  }
0x753: {  	[tilespmem:s6+$0xC010] =	vst.add.f32.msk $0xffff, v1  }
0x754: {  	[tilespmem:s6+$0xC020] =	vst.add.f32.msk $0xffff, v37  }
0x755: {  	[tilespmem:s6+$0xC030] =	vst.add.f32.msk $0xffff, v38  }
0x756: {  	[tilespmem:s6+$0xC040] =	vst.add.f32.msk $0xffff, v2  }
0x757: {  	[tilespmem:s6+$0xC050] =	vst.add.f32.msk $0xffff, v3  }
0x758: {  	[tilespmem:s6+$0xC060] =	vst.add.f32.msk $0xffff, v4  }
0x759: {  	[tilespmem:s6+$0xC070] =	vst.add.f32.msk $0xffff, v39  }
0x75a: {  	[tilespmem:s6+$0xC400] =	vst.add.f32.msk $0xffff, v40  }
0x75b: {  	[tilespmem:s6+$0xC410] =	vst.add.f32.msk $0xffff, v41  }
0x75c: {  	[tilespmem:s6+$0xC420] =	vst.add.f32.msk $0xffff, v42  }
0x75d: {  	[tilespmem:s6+$0xC430] =	vst.add.f32.msk $0xffff, v43  }
0x75e: {  	[tilespmem:s6+$0xC440] =	vst.add.f32.msk $0xffff, v44  }
0x75f: {  	[tilespmem:s6+$0xC450] =	vst.add.f32.msk $0xffff, v45  }
0x760: {  	[tilespmem:s6+$0xC460] =	vst.add.f32.msk $0xffff, v46  }
0x761: {  	[tilespmem:s6+$0xC470] =	vst.add.f32.msk $0xffff, v47  }
0x762: {  	[tilespmem:s6+$0xC800] =	vst.add.f32.msk $0xffff, v48  }
0x763: {  	[tilespmem:s6+$0xC810] =	vst.add.f32.msk $0xffff, v49  }
0x764: {  	[tilespmem:s6+$0xC820] =	vst.add.f32.msk $0xffff, v50  }
0x765: {  	[tilespmem:s6+$0xC830] =	vst.add.f32.msk $0xffff, v51  }
0x766: {  	[tilespmem:s6+$0xC840] =	vst.add.f32.msk $0xffff, v52  }
0x767: {  	[tilespmem:s6+$0xC850] =	vst.add.f32.msk $0xffff, v53  }
0x768: {  	[tilespmem:s6+$0xC860] =	vst.add.f32.msk $0xffff, v54  }
0x769: {  	[tilespmem:s6+$0xC870] =	vst.add.f32.msk $0xffff, v55  }
0x76a: {  	[tilespmem:s6+$0xCC00] =	vst.add.f32.msk $0xffff, v56  }
0x76b: {  	[tilespmem:s6+$0xCC10] =	vst.add.f32.msk $0xffff, v57  }
0x76c: {  	p1 =	por p0, p0;
	[tilespmem:s6+$0xCC20] =	vst.add.f32.msk $0xffff, v58  }
.Ltmp42:
0x76d: {  	[tilespmem:s6+$0xCC30] =	vst.add.f32.msk $0xffff, v59;
	(pc) =	sbr.rel @p1 .LBB2_87-.Ltmp42, $4  }
0x76e: {  	[tilespmem:s6+$0xCC40] =	vst.add.f32.msk $0xffff, v60  }
0x76f: {  	[tilespmem:s6+$0xCC50] =	vst.add.f32.msk $0xffff, v61  }
0x770: {  	[tilespmem:s6+$0xCC60] =	vst.add.f32.msk $0xffff, v62  }
0x771: {  	p0 =	por $0x0, $0x0;
	[tilespmem:s6+$0xCC70] =	vst.add.f32.msk $0xffff, v63;
	s6 =	simm.s32 $0x1000  }
0x772: {  	s4 =	sadd.s32 $0x1, s4  }
0x773: {  	p0 =	sne.s32 s4, $0x10  }
.Ltmp43:
0x774: {  	_ = 	snop;
	(pc) =	sbr.rel @p0 .LBB2_86-.Ltmp43, $1  }
0x775: {  	_ =	sdelay $0x3  }
0x776: {  	s5 =	sld [smem:$0x7EA];
	_ =	sdelay $0x1  }
0x777: {  	s4 =	simm.s32 $0x0  }
0x778: {  	[hbm4b:s5+s4] =	stream.linear.scatter [tilespmem:s17], [sflag:$0x9], $0x4000, $0x38;
	[tilespmem:$0x1C000] =	vst v63  }
0x779: {  	_ =	swait.ge [sflag:s24], $0x4000  }
0x77a: {  	s7 =	sld [smem:$0x7F4]  }
0x77b: {  	[sflag:s24] =	ssyncset.done $0x0  }
0x77c: {  	[sflag:s24] =	ssyncadd.s32 $0xFFFFC000  }
0x77d: {  	[tilespmem:s16], [sflag:$0x3] =	stream.linear.gather [hbm4b:s7+s4], $0x4000, $0x38;
	[tilespmem:$0x1C000] =	vst v63  }
0x77e: {  	_ =	swait.ge [sflag:s25], $0x4000  }
0x77f: {  	[sflag:s25] =	ssyncset.done $0x0  }
0x780: {  	[sflag:s25] =	ssyncadd.s32 $0xFFFFC000  }
.LBB2_90:
0x781: {  	s5 =	sshll.u32 s4, $0xA;
	s6 =	sshll.u32 s4, $0x7  }
0x782: {  	s5 =	sand.u32 $0x2000, s5;
	s6 =	sand.u32 $0x380, s6  }
0x783: {  	p0 =	por $0x1, $0x1;
	s5 =	sor.u32 s5, s6;
	s6 =	simm.s32 $0x0  }
.LBB2_91:
0x784: {  	s6 =	sor.u32 s6, s5  }
0x785: {  	v0 =	vld [tilespmem:s6+$0x4000]  }
0x786: {  	v1 =	vld [tilespmem:s6+$0x4010]  }
0x787: {  	v37 =	vld [tilespmem:s6+$0x4020]  }
0x788: {  	v38 =	vld [tilespmem:s6+$0x4030]  }
0x789: {  	v2 =	vld [tilespmem:s6+$0x4040]  }
0x78a: {  	v3 =	vld [tilespmem:s6+$0x4050]  }
0x78b: {  	v4 =	vld [tilespmem:s6+$0x4060]  }
0x78c: {  	v39 =	vld [tilespmem:s6+$0x4070]  }
0x78d: {  	v40 =	vld [tilespmem:s6+$0x4400]  }
0x78e: {  	v41 =	vld [tilespmem:s6+$0x4410]  }
0x78f: {  	v42 =	vld [tilespmem:s6+$0x4420]  }
0x790: {  	v43 =	vld [tilespmem:s6+$0x4430]  }
0x791: {  	v44 =	vld [tilespmem:s6+$0x4440]  }
0x792: {  	v45 =	vld [tilespmem:s6+$0x4450]  }
0x793: {  	v46 =	vld [tilespmem:s6+$0x4460]  }
0x794: {  	v47 =	vld [tilespmem:s6+$0x4470]  }
0x795: {  	v48 =	vld [tilespmem:s6+$0x4800]  }
0x796: {  	v49 =	vld [tilespmem:s6+$0x4810]  }
0x797: {  	v50 =	vld [tilespmem:s6+$0x4820]  }
0x798: {  	v51 =	vld [tilespmem:s6+$0x4830]  }
0x799: {  	v52 =	vld [tilespmem:s6+$0x4840]  }
0x79a: {  	v53 =	vld [tilespmem:s6+$0x4850]  }
0x79b: {  	v54 =	vld [tilespmem:s6+$0x4860]  }
0x79c: {  	v55 =	vld [tilespmem:s6+$0x4870]  }
0x79d: {  	v56 =	vld [tilespmem:s6+$0x4C00]  }
0x79e: {  	v57 =	vld [tilespmem:s6+$0x4C10]  }
0x79f: {  	v58 =	vld [tilespmem:s6+$0x4C20]  }
0x7a0: {  	v59 =	vld [tilespmem:s6+$0x4C30]  }
0x7a1: {  	v60 =	vld [tilespmem:s6+$0x4C40]  }
0x7a2: {  	v61 =	vld [tilespmem:s6+$0x4C50]  }
0x7a3: {  	v62 =	vld [tilespmem:s6+$0x4C60]  }
0x7a4: {  	v63 =	vld [tilespmem:s6+$0x4C70]  }
0x7a5: {  	[tilespmem:s6+$0x10000] =	vst.add.f32.msk $0xffff, v0  }
0x7a6: {  	[tilespmem:s6+$0x10010] =	vst.add.f32.msk $0xffff, v1  }
0x7a7: {  	[tilespmem:s6+$0x10020] =	vst.add.f32.msk $0xffff, v37  }
0x7a8: {  	[tilespmem:s6+$0x10030] =	vst.add.f32.msk $0xffff, v38  }
0x7a9: {  	[tilespmem:s6+$0x10040] =	vst.add.f32.msk $0xffff, v2  }
0x7aa: {  	[tilespmem:s6+$0x10050] =	vst.add.f32.msk $0xffff, v3  }
0x7ab: {  	[tilespmem:s6+$0x10060] =	vst.add.f32.msk $0xffff, v4  }
0x7ac: {  	[tilespmem:s6+$0x10070] =	vst.add.f32.msk $0xffff, v39  }
0x7ad: {  	[tilespmem:s6+$0x10400] =	vst.add.f32.msk $0xffff, v40  }
0x7ae: {  	[tilespmem:s6+$0x10410] =	vst.add.f32.msk $0xffff, v41  }
0x7af: {  	[tilespmem:s6+$0x10420] =	vst.add.f32.msk $0xffff, v42  }
0x7b0: {  	[tilespmem:s6+$0x10430] =	vst.add.f32.msk $0xffff, v43  }
0x7b1: {  	[tilespmem:s6+$0x10440] =	vst.add.f32.msk $0xffff, v44  }
0x7b2: {  	[tilespmem:s6+$0x10450] =	vst.add.f32.msk $0xffff, v45  }
0x7b3: {  	[tilespmem:s6+$0x10460] =	vst.add.f32.msk $0xffff, v46  }
0x7b4: {  	[tilespmem:s6+$0x10470] =	vst.add.f32.msk $0xffff, v47  }
0x7b5: {  	[tilespmem:s6+$0x10800] =	vst.add.f32.msk $0xffff, v48  }
0x7b6: {  	[tilespmem:s6+$0x10810] =	vst.add.f32.msk $0xffff, v49  }
0x7b7: {  	[tilespmem:s6+$0x10820] =	vst.add.f32.msk $0xffff, v50  }
0x7b8: {  	[tilespmem:s6+$0x10830] =	vst.add.f32.msk $0xffff, v51  }
0x7b9: {  	[tilespmem:s6+$0x10840] =	vst.add.f32.msk $0xffff, v52  }
0x7ba: {  	[tilespmem:s6+$0x10850] =	vst.add.f32.msk $0xffff, v53  }
0x7bb: {  	[tilespmem:s6+$0x10860] =	vst.add.f32.msk $0xffff, v54  }
0x7bc: {  	[tilespmem:s6+$0x10870] =	vst.add.f32.msk $0xffff, v55  }
0x7bd: {  	[tilespmem:s6+$0x10C00] =	vst.add.f32.msk $0xffff, v56  }
0x7be: {  	[tilespmem:s6+$0x10C10] =	vst.add.f32.msk $0xffff, v57  }
0x7bf: {  	p1 =	por p0, p0;
	[tilespmem:s6+$0x10C20] =	vst.add.f32.msk $0xffff, v58  }
.Ltmp44:
0x7c0: {  	[tilespmem:s6+$0x10C30] =	vst.add.f32.msk $0xffff, v59;
	(pc) =	sbr.rel @p1 .LBB2_91-.Ltmp44, $4  }
0x7c1: {  	[tilespmem:s6+$0x10C40] =	vst.add.f32.msk $0xffff, v60  }
0x7c2: {  	[tilespmem:s6+$0x10C50] =	vst.add.f32.msk $0xffff, v61  }
0x7c3: {  	[tilespmem:s6+$0x10C60] =	vst.add.f32.msk $0xffff, v62  }
0x7c4: {  	p0 =	por $0x0, $0x0;
	[tilespmem:s6+$0x10C70] =	vst.add.f32.msk $0xffff, v63;
	s6 =	simm.s32 $0x1000  }
0x7c5: {  	s4 =	sadd.s32 $0x1, s4  }
0x7c6: {  	p0 =	sne.s32 s4, $0x10  }
.Ltmp45:
0x7c7: {  	_ = 	snop;
	(pc) =	sbr.rel @p0 .LBB2_90-.Ltmp45, $1  }
0x7c8: {  	_ =	sdelay $0x3  }
0x7c9: {  	s5 =	sld [smem:$0x7EC];
	_ =	sdelay $0x1  }
0x7ca: {  	s4 =	simm.s32 $0x0  }
0x7cb: {  	[hbm4b:s5+s4] =	stream.linear.scatter [tilespmem:s18], [sflag:$0xA], $0x4000, $0x38;
	[tilespmem:$0x1C000] =	vst v63  }
0x7cc: {  	_ =	swait.ge [sflag:s26], $0x4000  }
0x7cd: {  	s7 =	sld [smem:$0x7F6]  }
0x7ce: {  	[sflag:s26] =	ssyncset.done $0x0  }
0x7cf: {  	[sflag:s26] =	ssyncadd.s32 $0xFFFFC000  }
0x7d0: {  	[tilespmem:s17], [sflag:$0x4] =	stream.linear.gather [hbm4b:s7+s4], $0x4000, $0x38;
	[tilespmem:$0x1C000] =	vst v63  }
0x7d1: {  	_ =	swait.ge [sflag:s28], $0x4000  }
0x7d2: {  	[sflag:s28] =	ssyncset.done $0x0  }
0x7d3: {  	[sflag:s28] =	ssyncadd.s32 $0xFFFFC000  }
.LBB2_94:
0x7d4: {  	s5 =	sshll.u32 s4, $0xA;
	s6 =	sshll.u32 s4, $0x7  }
0x7d5: {  	s5 =	sand.u32 $0x2000, s5;
	s6 =	sand.u32 $0x380, s6  }
0x7d6: {  	p0 =	por $0x1, $0x1;
	s5 =	sor.u32 s5, s6;
	s6 =	simm.s32 $0x0  }
.LBB2_95:
0x7d7: {  	s6 =	sor.u32 s6, s5  }
0x7d8: {  	v0 =	vld [tilespmem:s6+$0x4000]  }
0x7d9: {  	v1 =	vld [tilespmem:s6+$0x4010]  }
0x7da: {  	v37 =	vld [tilespmem:s6+$0x4020]  }
0x7db: {  	v38 =	vld [tilespmem:s6+$0x4030]  }
0x7dc: {  	v2 =	vld [tilespmem:s6+$0x4040]  }
0x7dd: {  	v3 =	vld [tilespmem:s6+$0x4050]  }
0x7de: {  	v4 =	vld [tilespmem:s6+$0x4060]  }
0x7df: {  	v39 =	vld [tilespmem:s6+$0x4070]  }
0x7e0: {  	v40 =	vld [tilespmem:s6+$0x4400]  }
0x7e1: {  	v41 =	vld [tilespmem:s6+$0x4410]  }
0x7e2: {  	v42 =	vld [tilespmem:s6+$0x4420]  }
0x7e3: {  	v43 =	vld [tilespmem:s6+$0x4430]  }
0x7e4: {  	v44 =	vld [tilespmem:s6+$0x4440]  }
0x7e5: {  	v45 =	vld [tilespmem:s6+$0x4450]  }
0x7e6: {  	v46 =	vld [tilespmem:s6+$0x4460]  }
0x7e7: {  	v47 =	vld [tilespmem:s6+$0x4470]  }
0x7e8: {  	v48 =	vld [tilespmem:s6+$0x4800]  }
0x7e9: {  	v49 =	vld [tilespmem:s6+$0x4810]  }
0x7ea: {  	v50 =	vld [tilespmem:s6+$0x4820]  }
0x7eb: {  	v51 =	vld [tilespmem:s6+$0x4830]  }
0x7ec: {  	v52 =	vld [tilespmem:s6+$0x4840]  }
0x7ed: {  	v53 =	vld [tilespmem:s6+$0x4850]  }
0x7ee: {  	v54 =	vld [tilespmem:s6+$0x4860]  }
0x7ef: {  	v55 =	vld [tilespmem:s6+$0x4870]  }
0x7f0: {  	v56 =	vld [tilespmem:s6+$0x4C00]  }
0x7f1: {  	v57 =	vld [tilespmem:s6+$0x4C10]  }
0x7f2: {  	v58 =	vld [tilespmem:s6+$0x4C20]  }
0x7f3: {  	v59 =	vld [tilespmem:s6+$0x4C30]  }
0x7f4: {  	v60 =	vld [tilespmem:s6+$0x4C40]  }
0x7f5: {  	v61 =	vld [tilespmem:s6+$0x4C50]  }
0x7f6: {  	v62 =	vld [tilespmem:s6+$0x4C60]  }
0x7f7: {  	v63 =	vld [tilespmem:s6+$0x4C70]  }
0x7f8: {  	[tilespmem:s6+$0x14000] =	vst.add.f32.msk $0xffff, v0  }
0x7f9: {  	[tilespmem:s6+$0x14010] =	vst.add.f32.msk $0xffff, v1  }
0x7fa: {  	[tilespmem:s6+$0x14020] =	vst.add.f32.msk $0xffff, v37  }
0x7fb: {  	[tilespmem:s6+$0x14030] =	vst.add.f32.msk $0xffff, v38  }
0x7fc: {  	[tilespmem:s6+$0x14040] =	vst.add.f32.msk $0xffff, v2  }
0x7fd: {  	[tilespmem:s6+$0x14050] =	vst.add.f32.msk $0xffff, v3  }
0x7fe: {  	[tilespmem:s6+$0x14060] =	vst.add.f32.msk $0xffff, v4  }
0x7ff: {  	[tilespmem:s6+$0x14070] =	vst.add.f32.msk $0xffff, v39  }
0x800: {  	[tilespmem:s6+$0x14400] =	vst.add.f32.msk $0xffff, v40  }
0x801: {  	[tilespmem:s6+$0x14410] =	vst.add.f32.msk $0xffff, v41  }
0x802: {  	[tilespmem:s6+$0x14420] =	vst.add.f32.msk $0xffff, v42  }
0x803: {  	[tilespmem:s6+$0x14430] =	vst.add.f32.msk $0xffff, v43  }
0x804: {  	[tilespmem:s6+$0x14440] =	vst.add.f32.msk $0xffff, v44  }
0x805: {  	[tilespmem:s6+$0x14450] =	vst.add.f32.msk $0xffff, v45  }
0x806: {  	[tilespmem:s6+$0x14460] =	vst.add.f32.msk $0xffff, v46  }
0x807: {  	[tilespmem:s6+$0x14470] =	vst.add.f32.msk $0xffff, v47  }
0x808: {  	[tilespmem:s6+$0x14800] =	vst.add.f32.msk $0xffff, v48  }
0x809: {  	[tilespmem:s6+$0x14810] =	vst.add.f32.msk $0xffff, v49  }
0x80a: {  	[tilespmem:s6+$0x14820] =	vst.add.f32.msk $0xffff, v50  }
0x80b: {  	[tilespmem:s6+$0x14830] =	vst.add.f32.msk $0xffff, v51  }
0x80c: {  	[tilespmem:s6+$0x14840] =	vst.add.f32.msk $0xffff, v52  }
0x80d: {  	[tilespmem:s6+$0x14850] =	vst.add.f32.msk $0xffff, v53  }
0x80e: {  	[tilespmem:s6+$0x14860] =	vst.add.f32.msk $0xffff, v54  }
0x80f: {  	[tilespmem:s6+$0x14870] =	vst.add.f32.msk $0xffff, v55  }
0x810: {  	[tilespmem:s6+$0x14C00] =	vst.add.f32.msk $0xffff, v56  }
0x811: {  	[tilespmem:s6+$0x14C10] =	vst.add.f32.msk $0xffff, v57  }
0x812: {  	p1 =	por p0, p0;
	[tilespmem:s6+$0x14C20] =	vst.add.f32.msk $0xffff, v58  }
.Ltmp46:
0x813: {  	[tilespmem:s6+$0x14C30] =	vst.add.f32.msk $0xffff, v59;
	(pc) =	sbr.rel @p1 .LBB2_95-.Ltmp46, $4  }
0x814: {  	[tilespmem:s6+$0x14C40] =	vst.add.f32.msk $0xffff, v60  }
0x815: {  	[tilespmem:s6+$0x14C50] =	vst.add.f32.msk $0xffff, v61  }
0x816: {  	[tilespmem:s6+$0x14C60] =	vst.add.f32.msk $0xffff, v62  }
0x817: {  	p0 =	por $0x0, $0x0;
	[tilespmem:s6+$0x14C70] =	vst.add.f32.msk $0xffff, v63;
	s6 =	simm.s32 $0x1000  }
0x818: {  	s4 =	sadd.s32 $0x1, s4  }
0x819: {  	p0 =	sne.s32 s4, $0x10  }
.Ltmp47:
0x81a: {  	_ = 	snop;
	(pc) =	sbr.rel @p0 .LBB2_94-.Ltmp47, $1  }
0x81b: {  	_ =	sdelay $0x3  }
0x81c: {  	s5 =	sld [smem:$0x7EE];
	_ =	sdelay $0x1  }
0x81d: {  	s4 =	simm.s32 $0x0;
	s6 =	sld [smem:$0x7F1]  }
0x81e: {  	[hbm4b:s5+s4] =	stream.linear.scatter [tilespmem:s20], [sflag:$0xB], $0x4000, $0x38;
	[tilespmem:$0x1C000] =	vst v63  }
0x81f: {  	_ = 	snop  }
0x820: {  	[tilespmem:s15], [sflag:$0x2] =	stream.linear.gather [hbm4b:s6+s4], $0x4000, $0x38;
	[tilespmem:$0x1C000] =	vst v63  }
0x821: {  	_ =	swait.ge [sflag:s19], $0x4000  }
0x822: {  	[sflag:s19] =	ssyncset.done $0x0  }
0x823: {  	[sflag:s19] =	ssyncadd.s32 $0xFFFFC000  }
0x824: {  	_ =	swait.ge [sflag:s30], $0x4000  }
0x825: {  	s7 =	sld [smem:$0x7F8]  }
0x826: {  	[sflag:s30] =	ssyncset.done $0x0  }
0x827: {  	[sflag:s30] =	ssyncadd.s32 $0xFFFFC000  }
0x828: {  	[tilespmem:s18], [sflag:$0x5] =	stream.linear.gather [hbm4b:s7+s4], $0x4000, $0x38;
	[tilespmem:$0x1C000] =	vst v63  }
0x829: {  	_ =	swait.ge [sflag:s31], $0x4000  }
0x82a: {  	[sflag:s31] =	ssyncset.done $0x0  }
0x82b: {  	[sflag:s31] =	ssyncadd.s32 $0xFFFFC000  }
.LBB2_98:
0x82c: {  	s5 =	sshll.u32 s4, $0xA;
	s6 =	sshll.u32 s4, $0x7  }
0x82d: {  	s5 =	sand.u32 $0x2000, s5;
	s6 =	sand.u32 $0x380, s6  }
0x82e: {  	p0 =	por $0x1, $0x1;
	s5 =	sor.u32 s5, s6;
	s6 =	simm.s32 $0x0  }
.LBB2_99:
0x82f: {  	s6 =	sor.u32 s6, s5  }
0x830: {  	v0 =	vld [tilespmem:s6+$0x0];
	s7 =	sor.u32 $0x10, s6  }
0x831: {  	v1 =	vld [tilespmem:s7+$0x0];
	s7 =	sor.u32 $0x20, s6  }
0x832: {  	v37 =	vld [tilespmem:s7+$0x0];
	s7 =	sor.u32 $0x30, s6  }
0x833: {  	v38 =	vld [tilespmem:s7+$0x0];
	s7 =	sor.u32 $0x40, s6  }
0x834: {  	v2 =	vld [tilespmem:s7+$0x0]  }
0x835: {  	s7 =	sor.u32 $0x50, s6;
	[tilespmem:s6+$0x18000] =	vst.add.f32.msk $0xffff, v0  }
0x836: {  	v3 =	vld [tilespmem:s7+$0x0]  }
0x837: {  	s7 =	sor.u32 $0x60, s6;
	[tilespmem:s6+$0x18010] =	vst.add.f32.msk $0xffff, v1  }
0x838: {  	v4 =	vld [tilespmem:s7+$0x0]  }
0x839: {  	s7 =	sor.u32 $0x70, s6;
	[tilespmem:s6+$0x18020] =	vst.add.f32.msk $0xffff, v37  }
0x83a: {  	v39 =	vld [tilespmem:s7+$0x0]  }
0x83b: {  	s7 =	sor.u32 $0x400, s6;
	[tilespmem:s6+$0x18030] =	vst.add.f32.msk $0xffff, v38  }
0x83c: {  	v40 =	vld [tilespmem:s7+$0x0]  }
0x83d: {  	s7 =	sor.u32 $0x410, s6;
	[tilespmem:s6+$0x18040] =	vst.add.f32.msk $0xffff, v2  }
0x83e: {  	v41 =	vld [tilespmem:s7+$0x0]  }
0x83f: {  	s7 =	sor.u32 $0x420, s6;
	[tilespmem:s6+$0x18050] =	vst.add.f32.msk $0xffff, v3  }
0x840: {  	v42 =	vld [tilespmem:s7+$0x0]  }
0x841: {  	s7 =	sor.u32 $0x430, s6;
	[tilespmem:s6+$0x18060] =	vst.add.f32.msk $0xffff, v4  }
0x842: {  	v43 =	vld [tilespmem:s7+$0x0]  }
0x843: {  	s7 =	sor.u32 $0x440, s6;
	[tilespmem:s6+$0x18070] =	vst.add.f32.msk $0xffff, v39  }
0x844: {  	v44 =	vld [tilespmem:s7+$0x0]  }
0x845: {  	s7 =	sor.u32 $0x450, s6;
	[tilespmem:s6+$0x18400] =	vst.add.f32.msk $0xffff, v40  }
0x846: {  	v45 =	vld [tilespmem:s7+$0x0]  }
0x847: {  	s7 =	sor.u32 $0x460, s6;
	[tilespmem:s6+$0x18410] =	vst.add.f32.msk $0xffff, v41  }
0x848: {  	v46 =	vld [tilespmem:s7+$0x0]  }
0x849: {  	s7 =	sor.u32 $0x470, s6;
	[tilespmem:s6+$0x18420] =	vst.add.f32.msk $0xffff, v42  }
0x84a: {  	v47 =	vld [tilespmem:s7+$0x0]  }
0x84b: {  	s7 =	sor.u32 $0x800, s6;
	[tilespmem:s6+$0x18430] =	vst.add.f32.msk $0xffff, v43  }
0x84c: {  	v48 =	vld [tilespmem:s7+$0x0]  }
0x84d: {  	s7 =	sor.u32 $0x810, s6;
	[tilespmem:s6+$0x18440] =	vst.add.f32.msk $0xffff, v44  }
0x84e: {  	v49 =	vld [tilespmem:s7+$0x0]  }
0x84f: {  	s7 =	sor.u32 $0x820, s6;
	[tilespmem:s6+$0x18450] =	vst.add.f32.msk $0xffff, v45  }
0x850: {  	v50 =	vld [tilespmem:s7+$0x0]  }
0x851: {  	s7 =	sor.u32 $0x830, s6;
	[tilespmem:s6+$0x18460] =	vst.add.f32.msk $0xffff, v46  }
0x852: {  	v51 =	vld [tilespmem:s7+$0x0]  }
0x853: {  	s7 =	sor.u32 $0x840, s6;
	[tilespmem:s6+$0x18470] =	vst.add.f32.msk $0xffff, v47  }
0x854: {  	v52 =	vld [tilespmem:s7+$0x0]  }
0x855: {  	s7 =	sor.u32 $0x850, s6;
	[tilespmem:s6+$0x18800] =	vst.add.f32.msk $0xffff, v48  }
0x856: {  	v53 =	vld [tilespmem:s7+$0x0]  }
0x857: {  	s7 =	sor.u32 $0x860, s6;
	[tilespmem:s6+$0x18810] =	vst.add.f32.msk $0xffff, v49  }
0x858: {  	v54 =	vld [tilespmem:s7+$0x0]  }
0x859: {  	s7 =	sor.u32 $0x870, s6;
	[tilespmem:s6+$0x18820] =	vst.add.f32.msk $0xffff, v50  }
0x85a: {  	v55 =	vld [tilespmem:s7+$0x0]  }
0x85b: {  	s7 =	sor.u32 $0xC00, s6;
	[tilespmem:s6+$0x18830] =	vst.add.f32.msk $0xffff, v51  }
0x85c: {  	v56 =	vld [tilespmem:s7+$0x0]  }
0x85d: {  	s7 =	sor.u32 $0xC10, s6;
	[tilespmem:s6+$0x18840] =	vst.add.f32.msk $0xffff, v52  }
0x85e: {  	v57 =	vld [tilespmem:s7+$0x0]  }
0x85f: {  	s7 =	sor.u32 $0xC20, s6;
	[tilespmem:s6+$0x18850] =	vst.add.f32.msk $0xffff, v53  }
0x860: {  	v58 =	vld [tilespmem:s7+$0x0]  }
0x861: {  	s7 =	sor.u32 $0xC30, s6;
	[tilespmem:s6+$0x18860] =	vst.add.f32.msk $0xffff, v54  }
0x862: {  	v59 =	vld [tilespmem:s7+$0x0]  }
0x863: {  	s7 =	sor.u32 $0xC40, s6;
	[tilespmem:s6+$0x18870] =	vst.add.f32.msk $0xffff, v55  }
0x864: {  	v60 =	vld [tilespmem:s7+$0x0]  }
0x865: {  	s7 =	sor.u32 $0xC50, s6;
	[tilespmem:s6+$0x18C00] =	vst.add.f32.msk $0xffff, v56  }
0x866: {  	v61 =	vld [tilespmem:s7+$0x0]  }
0x867: {  	s7 =	sor.u32 $0xC60, s6;
	[tilespmem:s6+$0x18C10] =	vst.add.f32.msk $0xffff, v57  }
0x868: {  	v62 =	vld [tilespmem:s7+$0x0]  }
0x869: {  	s7 =	sor.u32 $0xC70, s6;
	[tilespmem:s6+$0x18C20] =	vst.add.f32.msk $0xffff, v58  }
0x86a: {  	p1 =	por p0, p0;
	v63 =	vld [tilespmem:s7+$0x0]  }
.Ltmp48:
0x86b: {  	[tilespmem:s6+$0x18C30] =	vst.add.f32.msk $0xffff, v59;
	(pc) =	sbr.rel @p1 .LBB2_99-.Ltmp48, $4  }
0x86c: {  	[tilespmem:s6+$0x18C40] =	vst.add.f32.msk $0xffff, v60  }
0x86d: {  	[tilespmem:s6+$0x18C50] =	vst.add.f32.msk $0xffff, v61  }
0x86e: {  	[tilespmem:s6+$0x18C60] =	vst.add.f32.msk $0xffff, v62  }
0x86f: {  	p0 =	por $0x0, $0x0;
	[tilespmem:s6+$0x18C70] =	vst.add.f32.msk $0xffff, v63;
	s6 =	simm.s32 $0x1000  }
0x870: {  	s4 =	sadd.s32 $0x1, s4  }
0x871: {  	p0 =	sne.s32 s4, $0x10  }
.Ltmp49:
0x872: {  	_ = 	snop;
	(pc) =	sbr.rel @p0 .LBB2_98-.Ltmp49, $1  }
0x873: {  	_ =	sdelay $0x3  }
0x874: {  	s5 =	sld [smem:$0x7F3];
	_ =	sdelay $0x1  }
0x875: {  	s4 =	simm.s32 $0x0  }
0x876: {  	[hbm4b:s5+s4] =	stream.linear.scatter [tilespmem:s22], [sflag:$0xC], $0x4000, $0x38;
	[tilespmem:$0x1C000] =	vst v63  }
0x877: {  	_ =	swait.ge [sflag:s0], $0x4000  }
0x878: {  	s7 =	sld [smem:$0x7FC]  }
0x879: {  	[sflag:s0] =	ssyncset.done $0x0  }
0x87a: {  	[sflag:s0] =	ssyncadd.s32 $0xFFFFC000  }
0x87b: {  	[tilespmem:s20], [sflag:$0x6] =	stream.linear.gather [hbm4b:s7+s4], $0x4000, $0x38;
	[tilespmem:$0x1C000] =	vst v63  }
0x87c: {  	_ =	swait.ge [sflag:s21], $0x4000  }
0x87d: {  	[sflag:s21] =	ssyncset.done $0x0  }
0x87e: {  	[sflag:s21] =	ssyncadd.s32 $0xFFFFC000  }
.LBB2_102:
0x87f: {  	s5 =	sshll.u32 s4, $0xA;
	s6 =	sshll.u32 s4, $0x7  }
0x880: {  	s5 =	sand.u32 $0x2000, s5;
	s6 =	sand.u32 $0x380, s6  }
0x881: {  	p0 =	por $0x1, $0x1;
	s5 =	sor.u32 s5, s6;
	s6 =	simm.s32 $0x0  }
.LBB2_103:
0x882: {  	s6 =	sor.u32 s6, s5  }
0x883: {  	v0 =	vld [tilespmem:s6+$0x0];
	s7 =	sor.u32 $0x10, s6  }
0x884: {  	v1 =	vld [tilespmem:s7+$0x0];
	s7 =	sor.u32 $0x20, s6  }
0x885: {  	v37 =	vld [tilespmem:s7+$0x0];
	s7 =	sor.u32 $0x30, s6  }
0x886: {  	v38 =	vld [tilespmem:s7+$0x0];
	s7 =	sor.u32 $0x40, s6  }
0x887: {  	v2 =	vld [tilespmem:s7+$0x0]  }
0x888: {  	s7 =	sor.u32 $0x50, s6;
	[tilespmem:s6+$0x8000] =	vst.add.f32.msk $0xffff, v0  }
0x889: {  	v3 =	vld [tilespmem:s7+$0x0]  }
0x88a: {  	s7 =	sor.u32 $0x60, s6;
	[tilespmem:s6+$0x8010] =	vst.add.f32.msk $0xffff, v1  }
0x88b: {  	v4 =	vld [tilespmem:s7+$0x0]  }
0x88c: {  	s7 =	sor.u32 $0x70, s6;
	[tilespmem:s6+$0x8020] =	vst.add.f32.msk $0xffff, v37  }
0x88d: {  	v39 =	vld [tilespmem:s7+$0x0]  }
0x88e: {  	s7 =	sor.u32 $0x400, s6;
	[tilespmem:s6+$0x8030] =	vst.add.f32.msk $0xffff, v38  }
0x88f: {  	v40 =	vld [tilespmem:s7+$0x0]  }
0x890: {  	s7 =	sor.u32 $0x410, s6;
	[tilespmem:s6+$0x8040] =	vst.add.f32.msk $0xffff, v2  }
0x891: {  	v41 =	vld [tilespmem:s7+$0x0]  }
0x892: {  	s7 =	sor.u32 $0x420, s6;
	[tilespmem:s6+$0x8050] =	vst.add.f32.msk $0xffff, v3  }
0x893: {  	v42 =	vld [tilespmem:s7+$0x0]  }
0x894: {  	s7 =	sor.u32 $0x430, s6;
	[tilespmem:s6+$0x8060] =	vst.add.f32.msk $0xffff, v4  }
0x895: {  	v43 =	vld [tilespmem:s7+$0x0]  }
0x896: {  	s7 =	sor.u32 $0x440, s6;
	[tilespmem:s6+$0x8070] =	vst.add.f32.msk $0xffff, v39  }
0x897: {  	v44 =	vld [tilespmem:s7+$0x0]  }
0x898: {  	s7 =	sor.u32 $0x450, s6;
	[tilespmem:s6+$0x8400] =	vst.add.f32.msk $0xffff, v40  }
0x899: {  	v45 =	vld [tilespmem:s7+$0x0]  }
0x89a: {  	s7 =	sor.u32 $0x460, s6;
	[tilespmem:s6+$0x8410] =	vst.add.f32.msk $0xffff, v41  }
0x89b: {  	v46 =	vld [tilespmem:s7+$0x0]  }
0x89c: {  	s7 =	sor.u32 $0x470, s6;
	[tilespmem:s6+$0x8420] =	vst.add.f32.msk $0xffff, v42  }
0x89d: {  	v47 =	vld [tilespmem:s7+$0x0]  }
0x89e: {  	s7 =	sor.u32 $0x800, s6;
	[tilespmem:s6+$0x8430] =	vst.add.f32.msk $0xffff, v43  }
0x89f: {  	v48 =	vld [tilespmem:s7+$0x0]  }
0x8a0: {  	s7 =	sor.u32 $0x810, s6;
	[tilespmem:s6+$0x8440] =	vst.add.f32.msk $0xffff, v44  }
0x8a1: {  	v49 =	vld [tilespmem:s7+$0x0]  }
0x8a2: {  	s7 =	sor.u32 $0x820, s6;
	[tilespmem:s6+$0x8450] =	vst.add.f32.msk $0xffff, v45  }
0x8a3: {  	v50 =	vld [tilespmem:s7+$0x0]  }
0x8a4: {  	s7 =	sor.u32 $0x830, s6;
	[tilespmem:s6+$0x8460] =	vst.add.f32.msk $0xffff, v46  }
0x8a5: {  	v51 =	vld [tilespmem:s7+$0x0]  }
0x8a6: {  	s7 =	sor.u32 $0x840, s6;
	[tilespmem:s6+$0x8470] =	vst.add.f32.msk $0xffff, v47  }
0x8a7: {  	v52 =	vld [tilespmem:s7+$0x0]  }
0x8a8: {  	s7 =	sor.u32 $0x850, s6;
	[tilespmem:s6+$0x8800] =	vst.add.f32.msk $0xffff, v48  }
0x8a9: {  	v53 =	vld [tilespmem:s7+$0x0]  }
0x8aa: {  	s7 =	sor.u32 $0x860, s6;
	[tilespmem:s6+$0x8810] =	vst.add.f32.msk $0xffff, v49  }
0x8ab: {  	v54 =	vld [tilespmem:s7+$0x0]  }
0x8ac: {  	s7 =	sor.u32 $0x870, s6;
	[tilespmem:s6+$0x8820] =	vst.add.f32.msk $0xffff, v50  }
0x8ad: {  	v55 =	vld [tilespmem:s7+$0x0]  }
0x8ae: {  	s7 =	sor.u32 $0xC00, s6;
	[tilespmem:s6+$0x8830] =	vst.add.f32.msk $0xffff, v51  }
0x8af: {  	v56 =	vld [tilespmem:s7+$0x0]  }
0x8b0: {  	s7 =	sor.u32 $0xC10, s6;
	[tilespmem:s6+$0x8840] =	vst.add.f32.msk $0xffff, v52  }
0x8b1: {  	v57 =	vld [tilespmem:s7+$0x0]  }
0x8b2: {  	s7 =	sor.u32 $0xC20, s6;
	[tilespmem:s6+$0x8850] =	vst.add.f32.msk $0xffff, v53  }
0x8b3: {  	v58 =	vld [tilespmem:s7+$0x0]  }
0x8b4: {  	s7 =	sor.u32 $0xC30, s6;
	[tilespmem:s6+$0x8860] =	vst.add.f32.msk $0xffff, v54  }
0x8b5: {  	v59 =	vld [tilespmem:s7+$0x0]  }
0x8b6: {  	s7 =	sor.u32 $0xC40, s6;
	[tilespmem:s6+$0x8870] =	vst.add.f32.msk $0xffff, v55  }
0x8b7: {  	v60 =	vld [tilespmem:s7+$0x0]  }
0x8b8: {  	s7 =	sor.u32 $0xC50, s6;
	[tilespmem:s6+$0x8C00] =	vst.add.f32.msk $0xffff, v56  }
0x8b9: {  	v61 =	vld [tilespmem:s7+$0x0]  }
0x8ba: {  	s7 =	sor.u32 $0xC60, s6;
	[tilespmem:s6+$0x8C10] =	vst.add.f32.msk $0xffff, v57  }
0x8bb: {  	v62 =	vld [tilespmem:s7+$0x0]  }
0x8bc: {  	s7 =	sor.u32 $0xC70, s6;
	[tilespmem:s6+$0x8C20] =	vst.add.f32.msk $0xffff, v58  }
0x8bd: {  	p1 =	por p0, p0;
	v63 =	vld [tilespmem:s7+$0x0]  }
.Ltmp50:
0x8be: {  	[tilespmem:s6+$0x8C30] =	vst.add.f32.msk $0xffff, v59;
	(pc) =	sbr.rel @p1 .LBB2_103-.Ltmp50, $4  }
0x8bf: {  	[tilespmem:s6+$0x8C40] =	vst.add.f32.msk $0xffff, v60  }
0x8c0: {  	[tilespmem:s6+$0x8C50] =	vst.add.f32.msk $0xffff, v61  }
0x8c1: {  	[tilespmem:s6+$0x8C60] =	vst.add.f32.msk $0xffff, v62  }
0x8c2: {  	p0 =	por $0x0, $0x0;
	[tilespmem:s6+$0x8C70] =	vst.add.f32.msk $0xffff, v63;
	s6 =	simm.s32 $0x1000  }
0x8c3: {  	s4 =	sadd.s32 $0x1, s4  }
0x8c4: {  	p0 =	sne.s32 s4, $0x10  }
.Ltmp51:
0x8c5: {  	_ = 	snop;
	(pc) =	sbr.rel @p0 .LBB2_102-.Ltmp51, $1  }
0x8c6: {  	_ =	sdelay $0x3  }
0x8c7: {  	s5 =	sld [smem:$0x7F5];
	_ =	sdelay $0x1  }
0x8c8: {  	s4 =	simm.s32 $0x0  }
0x8c9: {  	[hbm4b:s5+s4] =	stream.linear.scatter [tilespmem:s16], [sflag:$0x8], $0x4000, $0x38;
	[tilespmem:$0x1C000] =	vst v63  }
0x8ca: {  	_ =	swait.ge [sflag:s2], $0x4000  }
0x8cb: {  	s7 =	sld [smem:$0x7FD]  }
0x8cc: {  	[sflag:s2] =	ssyncset.done $0x0  }
0x8cd: {  	[sflag:s2] =	ssyncadd.s32 $0xFFFFC000  }
0x8ce: {  	[tilespmem:s22], [sflag:$0x7] =	stream.linear.gather [hbm4b:s7+s4], $0x4000, $0x38;
	[tilespmem:$0x1C000] =	vst v63  }
0x8cf: {  	_ =	swait.ge [sflag:s23], $0x4000  }
0x8d0: {  	[sflag:s23] =	ssyncset.done $0x0  }
0x8d1: {  	[sflag:s23] =	ssyncadd.s32 $0xFFFFC000  }
.LBB2_106:
0x8d2: {  	s5 =	sshll.u32 s4, $0xA;
	s6 =	sshll.u32 s4, $0x7  }
0x8d3: {  	s5 =	sand.u32 $0x2000, s5;
	s6 =	sand.u32 $0x380, s6  }
0x8d4: {  	p0 =	por $0x1, $0x1;
	s5 =	sor.u32 s5, s6;
	s6 =	simm.s32 $0x0  }
.LBB2_107:
0x8d5: {  	s6 =	sor.u32 s6, s5  }
0x8d6: {  	v0 =	vld [tilespmem:s6+$0x0];
	s7 =	sor.u32 $0x10, s6  }
0x8d7: {  	v1 =	vld [tilespmem:s7+$0x0];
	s7 =	sor.u32 $0x20, s6  }
0x8d8: {  	v37 =	vld [tilespmem:s7+$0x0];
	s7 =	sor.u32 $0x30, s6  }
0x8d9: {  	v38 =	vld [tilespmem:s7+$0x0];
	s7 =	sor.u32 $0x40, s6  }
0x8da: {  	v2 =	vld [tilespmem:s7+$0x0]  }
0x8db: {  	s7 =	sor.u32 $0x50, s6;
	[tilespmem:s6+$0xC000] =	vst.add.f32.msk $0xffff, v0  }
0x8dc: {  	v3 =	vld [tilespmem:s7+$0x0]  }
0x8dd: {  	s7 =	sor.u32 $0x60, s6;
	[tilespmem:s6+$0xC010] =	vst.add.f32.msk $0xffff, v1  }
0x8de: {  	v4 =	vld [tilespmem:s7+$0x0]  }
0x8df: {  	s7 =	sor.u32 $0x70, s6;
	[tilespmem:s6+$0xC020] =	vst.add.f32.msk $0xffff, v37  }
0x8e0: {  	v39 =	vld [tilespmem:s7+$0x0]  }
0x8e1: {  	s7 =	sor.u32 $0x400, s6;
	[tilespmem:s6+$0xC030] =	vst.add.f32.msk $0xffff, v38  }
0x8e2: {  	v40 =	vld [tilespmem:s7+$0x0]  }
0x8e3: {  	s7 =	sor.u32 $0x410, s6;
	[tilespmem:s6+$0xC040] =	vst.add.f32.msk $0xffff, v2  }
0x8e4: {  	v41 =	vld [tilespmem:s7+$0x0]  }
0x8e5: {  	s7 =	sor.u32 $0x420, s6;
	[tilespmem:s6+$0xC050] =	vst.add.f32.msk $0xffff, v3  }
0x8e6: {  	v42 =	vld [tilespmem:s7+$0x0]  }
0x8e7: {  	s7 =	sor.u32 $0x430, s6;
	[tilespmem:s6+$0xC060] =	vst.add.f32.msk $0xffff, v4  }
0x8e8: {  	v43 =	vld [tilespmem:s7+$0x0]  }
0x8e9: {  	s7 =	sor.u32 $0x440, s6;
	[tilespmem:s6+$0xC070] =	vst.add.f32.msk $0xffff, v39  }
0x8ea: {  	v44 =	vld [tilespmem:s7+$0x0]  }
0x8eb: {  	s7 =	sor.u32 $0x450, s6;
	[tilespmem:s6+$0xC400] =	vst.add.f32.msk $0xffff, v40  }
0x8ec: {  	v45 =	vld [tilespmem:s7+$0x0]  }
0x8ed: {  	s7 =	sor.u32 $0x460, s6;
	[tilespmem:s6+$0xC410] =	vst.add.f32.msk $0xffff, v41  }
0x8ee: {  	v46 =	vld [tilespmem:s7+$0x0]  }
0x8ef: {  	s7 =	sor.u32 $0x470, s6;
	[tilespmem:s6+$0xC420] =	vst.add.f32.msk $0xffff, v42  }
0x8f0: {  	v47 =	vld [tilespmem:s7+$0x0]  }
0x8f1: {  	s7 =	sor.u32 $0x800, s6;
	[tilespmem:s6+$0xC430] =	vst.add.f32.msk $0xffff, v43  }
0x8f2: {  	v48 =	vld [tilespmem:s7+$0x0]  }
0x8f3: {  	s7 =	sor.u32 $0x810, s6;
	[tilespmem:s6+$0xC440] =	vst.add.f32.msk $0xffff, v44  }
0x8f4: {  	v49 =	vld [tilespmem:s7+$0x0]  }
0x8f5: {  	s7 =	sor.u32 $0x820, s6;
	[tilespmem:s6+$0xC450] =	vst.add.f32.msk $0xffff, v45  }
0x8f6: {  	v50 =	vld [tilespmem:s7+$0x0]  }
0x8f7: {  	s7 =	sor.u32 $0x830, s6;
	[tilespmem:s6+$0xC460] =	vst.add.f32.msk $0xffff, v46  }
0x8f8: {  	v51 =	vld [tilespmem:s7+$0x0]  }
0x8f9: {  	s7 =	sor.u32 $0x840, s6;
	[tilespmem:s6+$0xC470] =	vst.add.f32.msk $0xffff, v47  }
0x8fa: {  	v52 =	vld [tilespmem:s7+$0x0]  }
0x8fb: {  	s7 =	sor.u32 $0x850, s6;
	[tilespmem:s6+$0xC800] =	vst.add.f32.msk $0xffff, v48  }
0x8fc: {  	v53 =	vld [tilespmem:s7+$0x0]  }
0x8fd: {  	s7 =	sor.u32 $0x860, s6;
	[tilespmem:s6+$0xC810] =	vst.add.f32.msk $0xffff, v49  }
0x8fe: {  	v54 =	vld [tilespmem:s7+$0x0]  }
0x8ff: {  	s7 =	sor.u32 $0x870, s6;
	[tilespmem:s6+$0xC820] =	vst.add.f32.msk $0xffff, v50  }
0x900: {  	v55 =	vld [tilespmem:s7+$0x0]  }
0x901: {  	s7 =	sor.u32 $0xC00, s6;
	[tilespmem:s6+$0xC830] =	vst.add.f32.msk $0xffff, v51  }
0x902: {  	v56 =	vld [tilespmem:s7+$0x0]  }
0x903: {  	s7 =	sor.u32 $0xC10, s6;
	[tilespmem:s6+$0xC840] =	vst.add.f32.msk $0xffff, v52  }
0x904: {  	v57 =	vld [tilespmem:s7+$0x0]  }
0x905: {  	s7 =	sor.u32 $0xC20, s6;
	[tilespmem:s6+$0xC850] =	vst.add.f32.msk $0xffff, v53  }
0x906: {  	v58 =	vld [tilespmem:s7+$0x0]  }
0x907: {  	s7 =	sor.u32 $0xC30, s6;
	[tilespmem:s6+$0xC860] =	vst.add.f32.msk $0xffff, v54  }
0x908: {  	v59 =	vld [tilespmem:s7+$0x0]  }
0x909: {  	s7 =	sor.u32 $0xC40, s6;
	[tilespmem:s6+$0xC870] =	vst.add.f32.msk $0xffff, v55  }
0x90a: {  	v60 =	vld [tilespmem:s7+$0x0]  }
0x90b: {  	s7 =	sor.u32 $0xC50, s6;
	[tilespmem:s6+$0xCC00] =	vst.add.f32.msk $0xffff, v56  }
0x90c: {  	v61 =	vld [tilespmem:s7+$0x0]  }
0x90d: {  	s7 =	sor.u32 $0xC60, s6;
	[tilespmem:s6+$0xCC10] =	vst.add.f32.msk $0xffff, v57  }
0x90e: {  	v62 =	vld [tilespmem:s7+$0x0]  }
0x90f: {  	s7 =	sor.u32 $0xC70, s6;
	[tilespmem:s6+$0xCC20] =	vst.add.f32.msk $0xffff, v58  }
0x910: {  	p1 =	por p0, p0;
	v63 =	vld [tilespmem:s7+$0x0]  }
.Ltmp52:
0x911: {  	[tilespmem:s6+$0xCC30] =	vst.add.f32.msk $0xffff, v59;
	(pc) =	sbr.rel @p1 .LBB2_107-.Ltmp52, $4  }
0x912: {  	[tilespmem:s6+$0xCC40] =	vst.add.f32.msk $0xffff, v60  }
0x913: {  	[tilespmem:s6+$0xCC50] =	vst.add.f32.msk $0xffff, v61  }
0x914: {  	[tilespmem:s6+$0xCC60] =	vst.add.f32.msk $0xffff, v62  }
0x915: {  	p0 =	por $0x0, $0x0;
	[tilespmem:s6+$0xCC70] =	vst.add.f32.msk $0xffff, v63;
	s6 =	simm.s32 $0x1000  }
0x916: {  	s4 =	sadd.s32 $0x1, s4  }
0x917: {  	p0 =	sne.s32 s4, $0x10  }
.Ltmp53:
0x918: {  	_ = 	snop;
	(pc) =	sbr.rel @p0 .LBB2_106-.Ltmp53, $1  }
0x919: {  	_ =	sdelay $0x3  }
0x91a: {  	s5 =	sld [smem:$0x7F7];
	_ =	sdelay $0x1  }
0x91b: {  	s4 =	simm.s32 $0x0  }
0x91c: {  	[hbm4b:s5+s4] =	stream.linear.scatter [tilespmem:s17], [sflag:$0x9], $0x4000, $0x38;
	[tilespmem:$0x1C000] =	vst v63  }
0x91d: {  	_ =	swait.ge [sflag:s24], $0x4000  }
0x91e: {  	[sflag:s24] =	ssyncset.done $0x0  }
0x91f: {  	[sflag:s24] =	ssyncadd.s32 $0xFFFFC000  }
0x920: {  	[tilespmem:s16], [sflag:$0x3] =	stream.linear.gather [hbm4b:s8+s4], $0x4000, $0x38;
	[tilespmem:$0x1C000] =	vst v63  }
0x921: {  	_ =	swait.ge [sflag:s25], $0x4000  }
0x922: {  	[sflag:s25] =	ssyncset.done $0x0  }
0x923: {  	[sflag:s25] =	ssyncadd.s32 $0xFFFFC000  }
.LBB2_110:
0x924: {  	s5 =	sshll.u32 s4, $0xA;
	s6 =	sshll.u32 s4, $0x7  }
0x925: {  	s5 =	sand.u32 $0x2000, s5;
	s6 =	sand.u32 $0x380, s6  }
0x926: {  	p0 =	por $0x1, $0x1;
	s5 =	sor.u32 s5, s6;
	s6 =	simm.s32 $0x0  }
.LBB2_111:
0x927: {  	s6 =	sor.u32 s6, s5  }
0x928: {  	v0 =	vld [tilespmem:s6+$0x0];
	s7 =	sor.u32 $0x10, s6  }
0x929: {  	v1 =	vld [tilespmem:s7+$0x0];
	s7 =	sor.u32 $0x20, s6  }
0x92a: {  	v37 =	vld [tilespmem:s7+$0x0];
	s7 =	sor.u32 $0x30, s6  }
0x92b: {  	v38 =	vld [tilespmem:s7+$0x0];
	s7 =	sor.u32 $0x40, s6  }
0x92c: {  	v2 =	vld [tilespmem:s7+$0x0]  }
0x92d: {  	s7 =	sor.u32 $0x50, s6;
	[tilespmem:s6+$0x10000] =	vst.add.f32.msk $0xffff, v0  }
0x92e: {  	v3 =	vld [tilespmem:s7+$0x0]  }
0x92f: {  	s7 =	sor.u32 $0x60, s6;
	[tilespmem:s6+$0x10010] =	vst.add.f32.msk $0xffff, v1  }
0x930: {  	v4 =	vld [tilespmem:s7+$0x0]  }
0x931: {  	s7 =	sor.u32 $0x70, s6;
	[tilespmem:s6+$0x10020] =	vst.add.f32.msk $0xffff, v37  }
0x932: {  	v39 =	vld [tilespmem:s7+$0x0]  }
0x933: {  	s7 =	sor.u32 $0x400, s6;
	[tilespmem:s6+$0x10030] =	vst.add.f32.msk $0xffff, v38  }
0x934: {  	v40 =	vld [tilespmem:s7+$0x0]  }
0x935: {  	s7 =	sor.u32 $0x410, s6;
	[tilespmem:s6+$0x10040] =	vst.add.f32.msk $0xffff, v2  }
0x936: {  	v41 =	vld [tilespmem:s7+$0x0]  }
0x937: {  	s7 =	sor.u32 $0x420, s6;
	[tilespmem:s6+$0x10050] =	vst.add.f32.msk $0xffff, v3  }
0x938: {  	v42 =	vld [tilespmem:s7+$0x0]  }
0x939: {  	s7 =	sor.u32 $0x430, s6;
	[tilespmem:s6+$0x10060] =	vst.add.f32.msk $0xffff, v4  }
0x93a: {  	v43 =	vld [tilespmem:s7+$0x0]  }
0x93b: {  	s7 =	sor.u32 $0x440, s6;
	[tilespmem:s6+$0x10070] =	vst.add.f32.msk $0xffff, v39  }
0x93c: {  	v44 =	vld [tilespmem:s7+$0x0]  }
0x93d: {  	s7 =	sor.u32 $0x450, s6;
	[tilespmem:s6+$0x10400] =	vst.add.f32.msk $0xffff, v40  }
0x93e: {  	v45 =	vld [tilespmem:s7+$0x0]  }
0x93f: {  	s7 =	sor.u32 $0x460, s6;
	[tilespmem:s6+$0x10410] =	vst.add.f32.msk $0xffff, v41  }
0x940: {  	v46 =	vld [tilespmem:s7+$0x0]  }
0x941: {  	s7 =	sor.u32 $0x470, s6;
	[tilespmem:s6+$0x10420] =	vst.add.f32.msk $0xffff, v42  }
0x942: {  	v47 =	vld [tilespmem:s7+$0x0]  }
0x943: {  	s7 =	sor.u32 $0x800, s6;
	[tilespmem:s6+$0x10430] =	vst.add.f32.msk $0xffff, v43  }
0x944: {  	v48 =	vld [tilespmem:s7+$0x0]  }
0x945: {  	s7 =	sor.u32 $0x810, s6;
	[tilespmem:s6+$0x10440] =	vst.add.f32.msk $0xffff, v44  }
0x946: {  	v49 =	vld [tilespmem:s7+$0x0]  }
0x947: {  	s7 =	sor.u32 $0x820, s6;
	[tilespmem:s6+$0x10450] =	vst.add.f32.msk $0xffff, v45  }
0x948: {  	v50 =	vld [tilespmem:s7+$0x0]  }
0x949: {  	s7 =	sor.u32 $0x830, s6;
	[tilespmem:s6+$0x10460] =	vst.add.f32.msk $0xffff, v46  }
0x94a: {  	v51 =	vld [tilespmem:s7+$0x0]  }
0x94b: {  	s7 =	sor.u32 $0x840, s6;
	[tilespmem:s6+$0x10470] =	vst.add.f32.msk $0xffff, v47  }
0x94c: {  	v52 =	vld [tilespmem:s7+$0x0]  }
0x94d: {  	s7 =	sor.u32 $0x850, s6;
	[tilespmem:s6+$0x10800] =	vst.add.f32.msk $0xffff, v48  }
0x94e: {  	v53 =	vld [tilespmem:s7+$0x0]  }
0x94f: {  	s7 =	sor.u32 $0x860, s6;
	[tilespmem:s6+$0x10810] =	vst.add.f32.msk $0xffff, v49  }
0x950: {  	v54 =	vld [tilespmem:s7+$0x0]  }
0x951: {  	s7 =	sor.u32 $0x870, s6;
	[tilespmem:s6+$0x10820] =	vst.add.f32.msk $0xffff, v50  }
0x952: {  	v55 =	vld [tilespmem:s7+$0x0]  }
0x953: {  	s7 =	sor.u32 $0xC00, s6;
	[tilespmem:s6+$0x10830] =	vst.add.f32.msk $0xffff, v51  }
0x954: {  	v56 =	vld [tilespmem:s7+$0x0]  }
0x955: {  	s7 =	sor.u32 $0xC10, s6;
	[tilespmem:s6+$0x10840] =	vst.add.f32.msk $0xffff, v52  }
0x956: {  	v57 =	vld [tilespmem:s7+$0x0]  }
0x957: {  	s7 =	sor.u32 $0xC20, s6;
	[tilespmem:s6+$0x10850] =	vst.add.f32.msk $0xffff, v53  }
0x958: {  	v58 =	vld [tilespmem:s7+$0x0]  }
0x959: {  	s7 =	sor.u32 $0xC30, s6;
	[tilespmem:s6+$0x10860] =	vst.add.f32.msk $0xffff, v54  }
0x95a: {  	v59 =	vld [tilespmem:s7+$0x0]  }
0x95b: {  	s7 =	sor.u32 $0xC40, s6;
	[tilespmem:s6+$0x10870] =	vst.add.f32.msk $0xffff, v55  }
0x95c: {  	v60 =	vld [tilespmem:s7+$0x0]  }
0x95d: {  	s7 =	sor.u32 $0xC50, s6;
	[tilespmem:s6+$0x10C00] =	vst.add.f32.msk $0xffff, v56  }
0x95e: {  	v61 =	vld [tilespmem:s7+$0x0]  }
0x95f: {  	s7 =	sor.u32 $0xC60, s6;
	[tilespmem:s6+$0x10C10] =	vst.add.f32.msk $0xffff, v57  }
0x960: {  	v62 =	vld [tilespmem:s7+$0x0]  }
0x961: {  	s7 =	sor.u32 $0xC70, s6;
	[tilespmem:s6+$0x10C20] =	vst.add.f32.msk $0xffff, v58  }
0x962: {  	p1 =	por p0, p0;
	v63 =	vld [tilespmem:s7+$0x0]  }
.Ltmp54:
0x963: {  	[tilespmem:s6+$0x10C30] =	vst.add.f32.msk $0xffff, v59;
	(pc) =	sbr.rel @p1 .LBB2_111-.Ltmp54, $4  }
0x964: {  	[tilespmem:s6+$0x10C40] =	vst.add.f32.msk $0xffff, v60  }
0x965: {  	[tilespmem:s6+$0x10C50] =	vst.add.f32.msk $0xffff, v61  }
0x966: {  	[tilespmem:s6+$0x10C60] =	vst.add.f32.msk $0xffff, v62  }
0x967: {  	p0 =	por $0x0, $0x0;
	[tilespmem:s6+$0x10C70] =	vst.add.f32.msk $0xffff, v63;
	s6 =	simm.s32 $0x1000  }
0x968: {  	s4 =	sadd.s32 $0x1, s4  }
0x969: {  	p0 =	sne.s32 s4, $0x10  }
.Ltmp55:
0x96a: {  	_ = 	snop;
	(pc) =	sbr.rel @p0 .LBB2_110-.Ltmp55, $1  }
0x96b: {  	_ =	sdelay $0x3  }
0x96c: {  	s5 =	sld [smem:$0x7F9];
	_ =	sdelay $0x1  }
0x96d: {  	s4 =	simm.s32 $0x0  }
0x96e: {  	[hbm4b:s5+s4] =	stream.linear.scatter [tilespmem:s18], [sflag:$0xA], $0x4000, $0x38;
	[tilespmem:$0x1C000] =	vst v63  }
0x96f: {  	_ =	swait.ge [sflag:s29], $0x4000  }
0x970: {  	[sflag:s29] =	ssyncset.done $0x0  }
0x971: {  	[sflag:s29] =	ssyncadd.s32 $0xFFFFC000  }
0x972: {  	_ =	swait.ge [sflag:s26], $0x4000  }
0x973: {  	[sflag:s26] =	ssyncset.done $0x0  }
0x974: {  	[sflag:s26] =	ssyncadd.s32 $0xFFFFC000  }
0x975: {  	[tilespmem:s17], [sflag:$0x4] =	stream.linear.gather [hbm4b:s9+s4], $0x4000, $0x38;
	[tilespmem:$0x1C000] =	vst v63  }
0x976: {  	_ =	swait.ge [sflag:s28], $0x4000  }
0x977: {  	[sflag:s28] =	ssyncset.done $0x0  }
0x978: {  	[sflag:s28] =	ssyncadd.s32 $0xFFFFC000  }
.LBB2_114:
0x979: {  	s5 =	sshll.u32 s4, $0xA;
	s6 =	sshll.u32 s4, $0x7  }
0x97a: {  	s5 =	sand.u32 $0x2000, s5;
	s6 =	sand.u32 $0x380, s6  }
0x97b: {  	p0 =	por $0x1, $0x1;
	s5 =	sor.u32 s5, s6;
	s6 =	simm.s32 $0x0  }
.LBB2_115:
0x97c: {  	s6 =	sor.u32 s6, s5  }
0x97d: {  	v0 =	vld [tilespmem:s6+$0x4000]  }
0x97e: {  	v1 =	vld [tilespmem:s6+$0x4010]  }
0x97f: {  	v37 =	vld [tilespmem:s6+$0x4020]  }
0x980: {  	v38 =	vld [tilespmem:s6+$0x4030]  }
0x981: {  	v2 =	vld [tilespmem:s6+$0x4040]  }
0x982: {  	v3 =	vld [tilespmem:s6+$0x4050]  }
0x983: {  	v4 =	vld [tilespmem:s6+$0x4060]  }
0x984: {  	v39 =	vld [tilespmem:s6+$0x4070]  }
0x985: {  	v40 =	vld [tilespmem:s6+$0x4400]  }
0x986: {  	v41 =	vld [tilespmem:s6+$0x4410]  }
0x987: {  	v42 =	vld [tilespmem:s6+$0x4420]  }
0x988: {  	v43 =	vld [tilespmem:s6+$0x4430]  }
0x989: {  	v44 =	vld [tilespmem:s6+$0x4440]  }
0x98a: {  	v45 =	vld [tilespmem:s6+$0x4450]  }
0x98b: {  	v46 =	vld [tilespmem:s6+$0x4460]  }
0x98c: {  	v47 =	vld [tilespmem:s6+$0x4470]  }
0x98d: {  	v48 =	vld [tilespmem:s6+$0x4800]  }
0x98e: {  	v49 =	vld [tilespmem:s6+$0x4810]  }
0x98f: {  	v50 =	vld [tilespmem:s6+$0x4820]  }
0x990: {  	v51 =	vld [tilespmem:s6+$0x4830]  }
0x991: {  	v52 =	vld [tilespmem:s6+$0x4840]  }
0x992: {  	v53 =	vld [tilespmem:s6+$0x4850]  }
0x993: {  	v54 =	vld [tilespmem:s6+$0x4860]  }
0x994: {  	v55 =	vld [tilespmem:s6+$0x4870]  }
0x995: {  	v56 =	vld [tilespmem:s6+$0x4C00]  }
0x996: {  	v57 =	vld [tilespmem:s6+$0x4C10]  }
0x997: {  	v58 =	vld [tilespmem:s6+$0x4C20]  }
0x998: {  	v59 =	vld [tilespmem:s6+$0x4C30]  }
0x999: {  	v60 =	vld [tilespmem:s6+$0x4C40]  }
0x99a: {  	v61 =	vld [tilespmem:s6+$0x4C50]  }
0x99b: {  	v62 =	vld [tilespmem:s6+$0x4C60]  }
0x99c: {  	v63 =	vld [tilespmem:s6+$0x4C70]  }
0x99d: {  	[tilespmem:s6+$0x14000] =	vst.add.f32.msk $0xffff, v0  }
0x99e: {  	[tilespmem:s6+$0x14010] =	vst.add.f32.msk $0xffff, v1  }
0x99f: {  	[tilespmem:s6+$0x14020] =	vst.add.f32.msk $0xffff, v37  }
0x9a0: {  	[tilespmem:s6+$0x14030] =	vst.add.f32.msk $0xffff, v38  }
0x9a1: {  	[tilespmem:s6+$0x14040] =	vst.add.f32.msk $0xffff, v2  }
0x9a2: {  	[tilespmem:s6+$0x14050] =	vst.add.f32.msk $0xffff, v3  }
0x9a3: {  	[tilespmem:s6+$0x14060] =	vst.add.f32.msk $0xffff, v4  }
0x9a4: {  	[tilespmem:s6+$0x14070] =	vst.add.f32.msk $0xffff, v39  }
0x9a5: {  	[tilespmem:s6+$0x14400] =	vst.add.f32.msk $0xffff, v40  }
0x9a6: {  	[tilespmem:s6+$0x14410] =	vst.add.f32.msk $0xffff, v41  }
0x9a7: {  	[tilespmem:s6+$0x14420] =	vst.add.f32.msk $0xffff, v42  }
0x9a8: {  	[tilespmem:s6+$0x14430] =	vst.add.f32.msk $0xffff, v43  }
0x9a9: {  	[tilespmem:s6+$0x14440] =	vst.add.f32.msk $0xffff, v44  }
0x9aa: {  	[tilespmem:s6+$0x14450] =	vst.add.f32.msk $0xffff, v45  }
0x9ab: {  	[tilespmem:s6+$0x14460] =	vst.add.f32.msk $0xffff, v46  }
0x9ac: {  	[tilespmem:s6+$0x14470] =	vst.add.f32.msk $0xffff, v47  }
0x9ad: {  	[tilespmem:s6+$0x14800] =	vst.add.f32.msk $0xffff, v48  }
0x9ae: {  	[tilespmem:s6+$0x14810] =	vst.add.f32.msk $0xffff, v49  }
0x9af: {  	[tilespmem:s6+$0x14820] =	vst.add.f32.msk $0xffff, v50  }
0x9b0: {  	[tilespmem:s6+$0x14830] =	vst.add.f32.msk $0xffff, v51  }
0x9b1: {  	[tilespmem:s6+$0x14840] =	vst.add.f32.msk $0xffff, v52  }
0x9b2: {  	[tilespmem:s6+$0x14850] =	vst.add.f32.msk $0xffff, v53  }
0x9b3: {  	[tilespmem:s6+$0x14860] =	vst.add.f32.msk $0xffff, v54  }
0x9b4: {  	[tilespmem:s6+$0x14870] =	vst.add.f32.msk $0xffff, v55  }
0x9b5: {  	[tilespmem:s6+$0x14C00] =	vst.add.f32.msk $0xffff, v56  }
0x9b6: {  	[tilespmem:s6+$0x14C10] =	vst.add.f32.msk $0xffff, v57  }
0x9b7: {  	p1 =	por p0, p0;
	[tilespmem:s6+$0x14C20] =	vst.add.f32.msk $0xffff, v58  }
.Ltmp56:
0x9b8: {  	[tilespmem:s6+$0x14C30] =	vst.add.f32.msk $0xffff, v59;
	(pc) =	sbr.rel @p1 .LBB2_115-.Ltmp56, $4  }
0x9b9: {  	[tilespmem:s6+$0x14C40] =	vst.add.f32.msk $0xffff, v60  }
0x9ba: {  	[tilespmem:s6+$0x14C50] =	vst.add.f32.msk $0xffff, v61  }
0x9bb: {  	[tilespmem:s6+$0x14C60] =	vst.add.f32.msk $0xffff, v62  }
0x9bc: {  	p0 =	por $0x0, $0x0;
	[tilespmem:s6+$0x14C70] =	vst.add.f32.msk $0xffff, v63;
	s6 =	simm.s32 $0x1000  }
0x9bd: {  	s4 =	sadd.s32 $0x1, s4  }
0x9be: {  	p0 =	sne.s32 s4, $0x10  }
.Ltmp57:
0x9bf: {  	_ = 	snop;
	(pc) =	sbr.rel @p0 .LBB2_114-.Ltmp57, $1  }
0x9c0: {  	_ =	sdelay $0x3  }
0x9c1: {  	s4 =	simm.s32 $0x0  }
0x9c2: {  	[hbm4b:s10+s4] =	stream.linear.scatter [tilespmem:s20], [sflag:$0xB], $0x4000, $0x38;
	[tilespmem:$0x1C000] =	vst v63  }
0x9c3: {  	_ =	swait.ge [sflag:s31], $0x4000  }
0x9c4: {  	[sflag:s31] =	ssyncset.done $0x0  }
0x9c5: {  	[sflag:s31] =	ssyncadd.s32 $0xFFFFC000  }
.LBB2_118:
0x9c6: {  	s5 =	sshll.u32 s4, $0xA;
	s6 =	sshll.u32 s4, $0x7  }
0x9c7: {  	s5 =	sand.u32 $0x2000, s5;
	s6 =	sand.u32 $0x380, s6  }
0x9c8: {  	p0 =	por $0x1, $0x1;
	s5 =	sor.u32 s5, s6;
	s6 =	simm.s32 $0x0  }
.LBB2_119:
0x9c9: {  	s6 =	sor.u32 s6, s5  }
0x9ca: {  	v0 =	vld [tilespmem:s6+$0x4000]  }
0x9cb: {  	v1 =	vld [tilespmem:s6+$0x4010]  }
0x9cc: {  	v37 =	vld [tilespmem:s6+$0x4020]  }
0x9cd: {  	v38 =	vld [tilespmem:s6+$0x4030]  }
0x9ce: {  	v2 =	vld [tilespmem:s6+$0x4040]  }
0x9cf: {  	v3 =	vld [tilespmem:s6+$0x4050]  }
0x9d0: {  	v4 =	vld [tilespmem:s6+$0x4060]  }
0x9d1: {  	v39 =	vld [tilespmem:s6+$0x4070]  }
0x9d2: {  	v40 =	vld [tilespmem:s6+$0x4400]  }
0x9d3: {  	v41 =	vld [tilespmem:s6+$0x4410]  }
0x9d4: {  	v42 =	vld [tilespmem:s6+$0x4420]  }
0x9d5: {  	v43 =	vld [tilespmem:s6+$0x4430]  }
0x9d6: {  	v44 =	vld [tilespmem:s6+$0x4440]  }
0x9d7: {  	v45 =	vld [tilespmem:s6+$0x4450]  }
0x9d8: {  	v46 =	vld [tilespmem:s6+$0x4460]  }
0x9d9: {  	v47 =	vld [tilespmem:s6+$0x4470]  }
0x9da: {  	v48 =	vld [tilespmem:s6+$0x4800]  }
0x9db: {  	v49 =	vld [tilespmem:s6+$0x4810]  }
0x9dc: {  	v50 =	vld [tilespmem:s6+$0x4820]  }
0x9dd: {  	v51 =	vld [tilespmem:s6+$0x4830]  }
0x9de: {  	v52 =	vld [tilespmem:s6+$0x4840]  }
0x9df: {  	v53 =	vld [tilespmem:s6+$0x4850]  }
0x9e0: {  	v54 =	vld [tilespmem:s6+$0x4860]  }
0x9e1: {  	v55 =	vld [tilespmem:s6+$0x4870]  }
0x9e2: {  	v56 =	vld [tilespmem:s6+$0x4C00]  }
0x9e3: {  	v57 =	vld [tilespmem:s6+$0x4C10]  }
0x9e4: {  	v58 =	vld [tilespmem:s6+$0x4C20]  }
0x9e5: {  	v59 =	vld [tilespmem:s6+$0x4C30]  }
0x9e6: {  	v60 =	vld [tilespmem:s6+$0x4C40]  }
0x9e7: {  	v61 =	vld [tilespmem:s6+$0x4C50]  }
0x9e8: {  	v62 =	vld [tilespmem:s6+$0x4C60]  }
0x9e9: {  	v63 =	vld [tilespmem:s6+$0x4C70]  }
0x9ea: {  	[tilespmem:s6+$0x18000] =	vst.add.f32.msk $0xffff, v0  }
0x9eb: {  	[tilespmem:s6+$0x18010] =	vst.add.f32.msk $0xffff, v1  }
0x9ec: {  	[tilespmem:s6+$0x18020] =	vst.add.f32.msk $0xffff, v37  }
0x9ed: {  	[tilespmem:s6+$0x18030] =	vst.add.f32.msk $0xffff, v38  }
0x9ee: {  	[tilespmem:s6+$0x18040] =	vst.add.f32.msk $0xffff, v2  }
0x9ef: {  	[tilespmem:s6+$0x18050] =	vst.add.f32.msk $0xffff, v3  }
0x9f0: {  	[tilespmem:s6+$0x18060] =	vst.add.f32.msk $0xffff, v4  }
0x9f1: {  	[tilespmem:s6+$0x18070] =	vst.add.f32.msk $0xffff, v39  }
0x9f2: {  	[tilespmem:s6+$0x18400] =	vst.add.f32.msk $0xffff, v40  }
0x9f3: {  	[tilespmem:s6+$0x18410] =	vst.add.f32.msk $0xffff, v41  }
0x9f4: {  	[tilespmem:s6+$0x18420] =	vst.add.f32.msk $0xffff, v42  }
0x9f5: {  	[tilespmem:s6+$0x18430] =	vst.add.f32.msk $0xffff, v43  }
0x9f6: {  	[tilespmem:s6+$0x18440] =	vst.add.f32.msk $0xffff, v44  }
0x9f7: {  	[tilespmem:s6+$0x18450] =	vst.add.f32.msk $0xffff, v45  }
0x9f8: {  	[tilespmem:s6+$0x18460] =	vst.add.f32.msk $0xffff, v46  }
0x9f9: {  	[tilespmem:s6+$0x18470] =	vst.add.f32.msk $0xffff, v47  }
0x9fa: {  	[tilespmem:s6+$0x18800] =	vst.add.f32.msk $0xffff, v48  }
0x9fb: {  	[tilespmem:s6+$0x18810] =	vst.add.f32.msk $0xffff, v49  }
0x9fc: {  	[tilespmem:s6+$0x18820] =	vst.add.f32.msk $0xffff, v50  }
0x9fd: {  	[tilespmem:s6+$0x18830] =	vst.add.f32.msk $0xffff, v51  }
0x9fe: {  	[tilespmem:s6+$0x18840] =	vst.add.f32.msk $0xffff, v52  }
0x9ff: {  	[tilespmem:s6+$0x18850] =	vst.add.f32.msk $0xffff, v53  }
0xa00: {  	[tilespmem:s6+$0x18860] =	vst.add.f32.msk $0xffff, v54  }
0xa01: {  	[tilespmem:s6+$0x18870] =	vst.add.f32.msk $0xffff, v55  }
0xa02: {  	[tilespmem:s6+$0x18C00] =	vst.add.f32.msk $0xffff, v56  }
0xa03: {  	[tilespmem:s6+$0x18C10] =	vst.add.f32.msk $0xffff, v57  }
0xa04: {  	p1 =	por p0, p0;
	[tilespmem:s6+$0x18C20] =	vst.add.f32.msk $0xffff, v58  }
.Ltmp58:
0xa05: {  	[tilespmem:s6+$0x18C30] =	vst.add.f32.msk $0xffff, v59;
	(pc) =	sbr.rel @p1 .LBB2_119-.Ltmp58, $4  }
0xa06: {  	[tilespmem:s6+$0x18C40] =	vst.add.f32.msk $0xffff, v60  }
0xa07: {  	[tilespmem:s6+$0x18C50] =	vst.add.f32.msk $0xffff, v61  }
0xa08: {  	[tilespmem:s6+$0x18C60] =	vst.add.f32.msk $0xffff, v62  }
0xa09: {  	p0 =	por $0x0, $0x0;
	[tilespmem:s6+$0x18C70] =	vst.add.f32.msk $0xffff, v63;
	s6 =	simm.s32 $0x1000  }
0xa0a: {  	s4 =	sadd.s32 $0x1, s4  }
0xa0b: {  	p0 =	sne.s32 s4, $0x10  }
.Ltmp59:
0xa0c: {  	_ = 	snop;
	(pc) =	sbr.rel @p0 .LBB2_118-.Ltmp59, $1  }
0xa0d: {  	_ =	sdelay $0x3  }
0xa0e: {  	s4 =	simm.s32 $0x0  }
0xa0f: {  	[hbm4b:s11+s4] =	stream.linear.scatter [tilespmem:s22], [sflag:$0xC], $0x4000, $0x38;
	[tilespmem:$0x1C000] =	vst v63  }
0xa10: {  	_ =	swait.ge [sflag:s21], $0x4000  }
0xa11: {  	[sflag:s21] =	ssyncset.done $0x0  }
0xa12: {  	[sflag:s21] =	ssyncadd.s32 $0xFFFFC000  }
.LBB2_122:
0xa13: {  	s5 =	sshll.u32 s4, $0xA;
	s6 =	sshll.u32 s4, $0x7  }
0xa14: {  	s5 =	sand.u32 $0x2000, s5;
	s6 =	sand.u32 $0x380, s6  }
0xa15: {  	p0 =	por $0x1, $0x1;
	s5 =	sor.u32 s5, s6;
	s6 =	simm.s32 $0x0  }
.LBB2_123:
0xa16: {  	s6 =	sor.u32 s6, s5  }
0xa17: {  	v0 =	vld [tilespmem:s6+$0x4000]  }
0xa18: {  	v1 =	vld [tilespmem:s6+$0x4010]  }
0xa19: {  	v37 =	vld [tilespmem:s6+$0x4020]  }
0xa1a: {  	v38 =	vld [tilespmem:s6+$0x4030]  }
0xa1b: {  	v2 =	vld [tilespmem:s6+$0x4040]  }
0xa1c: {  	v3 =	vld [tilespmem:s6+$0x4050]  }
0xa1d: {  	v4 =	vld [tilespmem:s6+$0x4060]  }
0xa1e: {  	v39 =	vld [tilespmem:s6+$0x4070]  }
0xa1f: {  	v40 =	vld [tilespmem:s6+$0x4400]  }
0xa20: {  	v41 =	vld [tilespmem:s6+$0x4410]  }
0xa21: {  	v42 =	vld [tilespmem:s6+$0x4420]  }
0xa22: {  	v43 =	vld [tilespmem:s6+$0x4430]  }
0xa23: {  	v44 =	vld [tilespmem:s6+$0x4440]  }
0xa24: {  	v45 =	vld [tilespmem:s6+$0x4450]  }
0xa25: {  	v46 =	vld [tilespmem:s6+$0x4460]  }
0xa26: {  	v47 =	vld [tilespmem:s6+$0x4470]  }
0xa27: {  	v48 =	vld [tilespmem:s6+$0x4800]  }
0xa28: {  	v49 =	vld [tilespmem:s6+$0x4810]  }
0xa29: {  	v50 =	vld [tilespmem:s6+$0x4820]  }
0xa2a: {  	v51 =	vld [tilespmem:s6+$0x4830]  }
0xa2b: {  	v52 =	vld [tilespmem:s6+$0x4840]  }
0xa2c: {  	v53 =	vld [tilespmem:s6+$0x4850]  }
0xa2d: {  	v54 =	vld [tilespmem:s6+$0x4860]  }
0xa2e: {  	v55 =	vld [tilespmem:s6+$0x4870]  }
0xa2f: {  	v56 =	vld [tilespmem:s6+$0x4C00]  }
0xa30: {  	v57 =	vld [tilespmem:s6+$0x4C10]  }
0xa31: {  	v58 =	vld [tilespmem:s6+$0x4C20]  }
0xa32: {  	v59 =	vld [tilespmem:s6+$0x4C30]  }
0xa33: {  	v60 =	vld [tilespmem:s6+$0x4C40]  }
0xa34: {  	v61 =	vld [tilespmem:s6+$0x4C50]  }
0xa35: {  	v62 =	vld [tilespmem:s6+$0x4C60]  }
0xa36: {  	v63 =	vld [tilespmem:s6+$0x4C70]  }
0xa37: {  	[tilespmem:s6+$0x8000] =	vst.add.f32.msk $0xffff, v0  }
0xa38: {  	[tilespmem:s6+$0x8010] =	vst.add.f32.msk $0xffff, v1  }
0xa39: {  	[tilespmem:s6+$0x8020] =	vst.add.f32.msk $0xffff, v37  }
0xa3a: {  	[tilespmem:s6+$0x8030] =	vst.add.f32.msk $0xffff, v38  }
0xa3b: {  	[tilespmem:s6+$0x8040] =	vst.add.f32.msk $0xffff, v2  }
0xa3c: {  	[tilespmem:s6+$0x8050] =	vst.add.f32.msk $0xffff, v3  }
0xa3d: {  	[tilespmem:s6+$0x8060] =	vst.add.f32.msk $0xffff, v4  }
0xa3e: {  	[tilespmem:s6+$0x8070] =	vst.add.f32.msk $0xffff, v39  }
0xa3f: {  	[tilespmem:s6+$0x8400] =	vst.add.f32.msk $0xffff, v40  }
0xa40: {  	[tilespmem:s6+$0x8410] =	vst.add.f32.msk $0xffff, v41  }
0xa41: {  	[tilespmem:s6+$0x8420] =	vst.add.f32.msk $0xffff, v42  }
0xa42: {  	[tilespmem:s6+$0x8430] =	vst.add.f32.msk $0xffff, v43  }
0xa43: {  	[tilespmem:s6+$0x8440] =	vst.add.f32.msk $0xffff, v44  }
0xa44: {  	[tilespmem:s6+$0x8450] =	vst.add.f32.msk $0xffff, v45  }
0xa45: {  	[tilespmem:s6+$0x8460] =	vst.add.f32.msk $0xffff, v46  }
0xa46: {  	[tilespmem:s6+$0x8470] =	vst.add.f32.msk $0xffff, v47  }
0xa47: {  	[tilespmem:s6+$0x8800] =	vst.add.f32.msk $0xffff, v48  }
0xa48: {  	[tilespmem:s6+$0x8810] =	vst.add.f32.msk $0xffff, v49  }
0xa49: {  	[tilespmem:s6+$0x8820] =	vst.add.f32.msk $0xffff, v50  }
0xa4a: {  	[tilespmem:s6+$0x8830] =	vst.add.f32.msk $0xffff, v51  }
0xa4b: {  	[tilespmem:s6+$0x8840] =	vst.add.f32.msk $0xffff, v52  }
0xa4c: {  	[tilespmem:s6+$0x8850] =	vst.add.f32.msk $0xffff, v53  }
0xa4d: {  	[tilespmem:s6+$0x8860] =	vst.add.f32.msk $0xffff, v54  }
0xa4e: {  	[tilespmem:s6+$0x8870] =	vst.add.f32.msk $0xffff, v55  }
0xa4f: {  	[tilespmem:s6+$0x8C00] =	vst.add.f32.msk $0xffff, v56  }
0xa50: {  	[tilespmem:s6+$0x8C10] =	vst.add.f32.msk $0xffff, v57  }
0xa51: {  	p1 =	por p0, p0;
	[tilespmem:s6+$0x8C20] =	vst.add.f32.msk $0xffff, v58  }
.Ltmp60:
0xa52: {  	[tilespmem:s6+$0x8C30] =	vst.add.f32.msk $0xffff, v59;
	(pc) =	sbr.rel @p1 .LBB2_123-.Ltmp60, $4  }
0xa53: {  	[tilespmem:s6+$0x8C40] =	vst.add.f32.msk $0xffff, v60  }
0xa54: {  	[tilespmem:s6+$0x8C50] =	vst.add.f32.msk $0xffff, v61  }
0xa55: {  	[tilespmem:s6+$0x8C60] =	vst.add.f32.msk $0xffff, v62  }
0xa56: {  	p0 =	por $0x0, $0x0;
	[tilespmem:s6+$0x8C70] =	vst.add.f32.msk $0xffff, v63;
	s6 =	simm.s32 $0x1000  }
0xa57: {  	s4 =	sadd.s32 $0x1, s4  }
0xa58: {  	p0 =	sne.s32 s4, $0x10  }
.Ltmp61:
0xa59: {  	_ = 	snop;
	(pc) =	sbr.rel @p0 .LBB2_122-.Ltmp61, $1  }
0xa5a: {  	_ =	sdelay $0x3  }
0xa5b: {  	s4 =	simm.s32 $0x0  }
0xa5c: {  	[hbm4b:s12+s4] =	stream.linear.scatter [tilespmem:s16], [sflag:$0x8], $0x4000, $0x38;
	[tilespmem:$0x1C000] =	vst v63  }
0xa5d: {  	_ =	swait.ge [sflag:s23], $0x4000  }
0xa5e: {  	[sflag:s23] =	ssyncset.done $0x0  }
0xa5f: {  	[sflag:s23] =	ssyncadd.s32 $0xFFFFC000  }
.LBB2_126:
0xa60: {  	s5 =	sshll.u32 s4, $0xA;
	s6 =	sshll.u32 s4, $0x7  }
0xa61: {  	s5 =	sand.u32 $0x2000, s5;
	s6 =	sand.u32 $0x380, s6  }
0xa62: {  	p0 =	por $0x1, $0x1;
	s5 =	sor.u32 s5, s6;
	s6 =	simm.s32 $0x0  }
.LBB2_127:
0xa63: {  	s6 =	sor.u32 s6, s5  }
0xa64: {  	v0 =	vld [tilespmem:s6+$0x4000]  }
0xa65: {  	v1 =	vld [tilespmem:s6+$0x4010]  }
0xa66: {  	v37 =	vld [tilespmem:s6+$0x4020]  }
0xa67: {  	v38 =	vld [tilespmem:s6+$0x4030]  }
0xa68: {  	v2 =	vld [tilespmem:s6+$0x4040]  }
0xa69: {  	v3 =	vld [tilespmem:s6+$0x4050]  }
0xa6a: {  	v4 =	vld [tilespmem:s6+$0x4060]  }
0xa6b: {  	v39 =	vld [tilespmem:s6+$0x4070]  }
0xa6c: {  	v40 =	vld [tilespmem:s6+$0x4400]  }
0xa6d: {  	v41 =	vld [tilespmem:s6+$0x4410]  }
0xa6e: {  	v42 =	vld [tilespmem:s6+$0x4420]  }
0xa6f: {  	v43 =	vld [tilespmem:s6+$0x4430]  }
0xa70: {  	v44 =	vld [tilespmem:s6+$0x4440]  }
0xa71: {  	v45 =	vld [tilespmem:s6+$0x4450]  }
0xa72: {  	v46 =	vld [tilespmem:s6+$0x4460]  }
0xa73: {  	v47 =	vld [tilespmem:s6+$0x4470]  }
0xa74: {  	v48 =	vld [tilespmem:s6+$0x4800]  }
0xa75: {  	v49 =	vld [tilespmem:s6+$0x4810]  }
0xa76: {  	v50 =	vld [tilespmem:s6+$0x4820]  }
0xa77: {  	v51 =	vld [tilespmem:s6+$0x4830]  }
0xa78: {  	v52 =	vld [tilespmem:s6+$0x4840]  }
0xa79: {  	v53 =	vld [tilespmem:s6+$0x4850]  }
0xa7a: {  	v54 =	vld [tilespmem:s6+$0x4860]  }
0xa7b: {  	v55 =	vld [tilespmem:s6+$0x4870]  }
0xa7c: {  	v56 =	vld [tilespmem:s6+$0x4C00]  }
0xa7d: {  	v57 =	vld [tilespmem:s6+$0x4C10]  }
0xa7e: {  	v58 =	vld [tilespmem:s6+$0x4C20]  }
0xa7f: {  	v59 =	vld [tilespmem:s6+$0x4C30]  }
0xa80: {  	v60 =	vld [tilespmem:s6+$0x4C40]  }
0xa81: {  	v61 =	vld [tilespmem:s6+$0x4C50]  }
0xa82: {  	v62 =	vld [tilespmem:s6+$0x4C60]  }
0xa83: {  	v63 =	vld [tilespmem:s6+$0x4C70]  }
0xa84: {  	[tilespmem:s6+$0xC000] =	vst.add.f32.msk $0xffff, v0  }
0xa85: {  	[tilespmem:s6+$0xC010] =	vst.add.f32.msk $0xffff, v1  }
0xa86: {  	[tilespmem:s6+$0xC020] =	vst.add.f32.msk $0xffff, v37  }
0xa87: {  	[tilespmem:s6+$0xC030] =	vst.add.f32.msk $0xffff, v38  }
0xa88: {  	[tilespmem:s6+$0xC040] =	vst.add.f32.msk $0xffff, v2  }
0xa89: {  	[tilespmem:s6+$0xC050] =	vst.add.f32.msk $0xffff, v3  }
0xa8a: {  	[tilespmem:s6+$0xC060] =	vst.add.f32.msk $0xffff, v4  }
0xa8b: {  	[tilespmem:s6+$0xC070] =	vst.add.f32.msk $0xffff, v39  }
0xa8c: {  	[tilespmem:s6+$0xC400] =	vst.add.f32.msk $0xffff, v40  }
0xa8d: {  	[tilespmem:s6+$0xC410] =	vst.add.f32.msk $0xffff, v41  }
0xa8e: {  	[tilespmem:s6+$0xC420] =	vst.add.f32.msk $0xffff, v42  }
0xa8f: {  	[tilespmem:s6+$0xC430] =	vst.add.f32.msk $0xffff, v43  }
0xa90: {  	[tilespmem:s6+$0xC440] =	vst.add.f32.msk $0xffff, v44  }
0xa91: {  	[tilespmem:s6+$0xC450] =	vst.add.f32.msk $0xffff, v45  }
0xa92: {  	[tilespmem:s6+$0xC460] =	vst.add.f32.msk $0xffff, v46  }
0xa93: {  	[tilespmem:s6+$0xC470] =	vst.add.f32.msk $0xffff, v47  }
0xa94: {  	[tilespmem:s6+$0xC800] =	vst.add.f32.msk $0xffff, v48  }
0xa95: {  	[tilespmem:s6+$0xC810] =	vst.add.f32.msk $0xffff, v49  }
0xa96: {  	[tilespmem:s6+$0xC820] =	vst.add.f32.msk $0xffff, v50  }
0xa97: {  	[tilespmem:s6+$0xC830] =	vst.add.f32.msk $0xffff, v51  }
0xa98: {  	[tilespmem:s6+$0xC840] =	vst.add.f32.msk $0xffff, v52  }
0xa99: {  	[tilespmem:s6+$0xC850] =	vst.add.f32.msk $0xffff, v53  }
0xa9a: {  	[tilespmem:s6+$0xC860] =	vst.add.f32.msk $0xffff, v54  }
0xa9b: {  	[tilespmem:s6+$0xC870] =	vst.add.f32.msk $0xffff, v55  }
0xa9c: {  	[tilespmem:s6+$0xCC00] =	vst.add.f32.msk $0xffff, v56  }
0xa9d: {  	[tilespmem:s6+$0xCC10] =	vst.add.f32.msk $0xffff, v57  }
0xa9e: {  	p1 =	por p0, p0;
	[tilespmem:s6+$0xCC20] =	vst.add.f32.msk $0xffff, v58  }
.Ltmp62:
0xa9f: {  	[tilespmem:s6+$0xCC30] =	vst.add.f32.msk $0xffff, v59;
	(pc) =	sbr.rel @p1 .LBB2_127-.Ltmp62, $4  }
0xaa0: {  	[tilespmem:s6+$0xCC40] =	vst.add.f32.msk $0xffff, v60  }
0xaa1: {  	[tilespmem:s6+$0xCC50] =	vst.add.f32.msk $0xffff, v61  }
0xaa2: {  	[tilespmem:s6+$0xCC60] =	vst.add.f32.msk $0xffff, v62  }
0xaa3: {  	p0 =	por $0x0, $0x0;
	[tilespmem:s6+$0xCC70] =	vst.add.f32.msk $0xffff, v63;
	s6 =	simm.s32 $0x1000  }
0xaa4: {  	s4 =	sadd.s32 $0x1, s4  }
0xaa5: {  	p0 =	sne.s32 s4, $0x10  }
.Ltmp63:
0xaa6: {  	_ = 	snop;
	(pc) =	sbr.rel @p0 .LBB2_126-.Ltmp63, $1  }
0xaa7: {  	_ =	sdelay $0x3  }
0xaa8: {  	[hbm4b:s13+s1] =	stream.linear.scatter [tilespmem:s17], [sflag:$0x9], $0x4000, $0x38;
	[tilespmem:$0x1C000] =	vst v63  }
0xaa9: {  	_ =	swait.ge [sflag:s30], $0x4000  }
0xaaa: {  	[sflag:s30] =	ssyncset.done $0x0  }
0xaab: {  	[sflag:s30] =	ssyncadd.s32 $0xFFFFC000  }
0xaac: {  	_ =	swait.ge [sflag:s0], $0x4000  }
0xaad: {  	[sflag:s0] =	ssyncset.done $0x0  }
0xaae: {  	[sflag:s0] =	ssyncadd.s32 $0xFFFFC000  }
0xaaf: {  	_ =	swait.ge [sflag:s2], $0x4000  }
0xab0: {  	[sflag:s2] =	ssyncset.done $0x0  }
0xab1: {  	s3 =	sadd.s32 $0x1, s3;
	[sflag:s2] =	ssyncadd.s32 $0xFFFFC000  }
0xab2: {  	p0 =	sne.s32 s3, s14;
	_ =	swait.ge [sflag:s24], $0x4000  }
.Ltmp64:
0xab3: {  	[sflag:s24] =	ssyncset.done $0x0;
	(pc) =	sbr.rel @p0 .LBB2_1-.Ltmp64, $4  }
0xab4: {  	[sflag:s24] =	ssyncadd.s32 $0xFFFFC000  }
0xab5: {  	_ =	swait.ge [sflag:s26], $0x4000  }
0xab6: {  	[sflag:s26] =	ssyncset.done $0x0  }
0xab7: {  	[sflag:s26] =	ssyncadd.s32 $0xFFFFC000  }
0xab8: {  	_ =	sfence.sel $0x180000  }
0xab9: {  	[bflag:$0x0] =	sbarrier.arrive $0xFFFF  }
0xaba: {  	_ =	strace $0x90000047  }
0xabb: {  	s0 =	stileid.u32;
	[bflag:$0x2] =	sbarrier.arrive $0xFFFF  }
0xabc: {  	p0 =	sne.s32 s0, $0x0;
	s0 =	rddreg [dreg:$0x3]  }
0xabd: {  	s0 =	sadd.s32 @!p0 $0x100000, s0  }
0xabe: {  	[sflag:s0] =	ssyncadd.tile.s32 @!p0 $0x1;
	_ =	shalt  }
.Lfunc_end2:
_tile_overlayer_lowered:
.L_overlay_start_2:
0xabf: {  	(tag) =	ssettag $0x2  }
0xac0: {  	s0 =	rddreg [dreg:$0x0];
	s2 =	stileid.u32  }
0xac1: {  	s1 =	rddreg [dreg:$0x1];
	p0 =	sne.s32 s2, $0x0  }
0xac2: {  	s3 =	rddreg [dreg:$0x2];
	[bflag:$0x3] =	sbarrier.arrive $0xFFFF;
	s2 =	simm.s32 @!p0 $0x1C0D  }
0xac3: {  	[timem:s3], [sflag:s2] =	dma.local @!p0 [hbm:s0], s1  }
0xac4: {  	s0 =	simm.s32 @!p0 $0xD  }
0xac5: {  	_ =	swait.ge @!p0 [sflag:s0], s1  }
0xac6: {  	s1 =	ssub.s32 @!p0 $0x0, s1;
	[sflag:s0] =	ssyncset.done @!p0 $0x0  }
0xac7: {  	[sflag:s0] =	ssyncadd.s32 @!p0 s1  }
0xac8: {  	[bflag:$0x3] =	sbarrier.arrive $0xFFFF  }
0xac9: {  	_ =	shalt  }

</sc_bundles>
